<compile_context>
chip_gen: v7x
topology: tpu7x:2x2x1
jax: 0.10.2.dev20260603
libtpu: 0.0.44.dev20260713+nightly
codegen_flags: <defaults>
</compile_context>

<pallas_src>
import functools

import jax
import jax.numpy as jnp
from jax import lax
from jax.experimental import pallas as pl
from jax.experimental.pallas import tpu as pltpu
from jax.experimental.pallas import tpu_sc as plsc

N = 10000
N_PAD = 10240
D_IN = 128
NC, NS = 2, 16
NW = NC * NS
CHUNK = 128
CPW = 80
E_PAD = NW * CPW * CHUNK
ROWS_PER_TILE = N_PAD // NS

MESH = plsc.VectorSubcoreMesh(core_axis_name="c", subcore_axis_name="s",
                              num_cores=NC, num_subcores=NS)



def _deg_body(dst_hbm, out_hbm, idx_v, hist_v):
    wid = lax.axis_index("s") * NC + lax.axis_index("c")
    epw = CPW * CHUNK
    pltpu.sync_copy(dst_hbm.at[pl.ds(wid * epw, epw)], idx_v)
    zeros16 = jnp.zeros((16,), jnp.float32)
    ones16 = jnp.ones((16,), jnp.float32)

    def zero(i, _):
        hist_v[pl.ds(i * 16, 16)] = zeros16
        return 0
    lax.fori_loop(0, N_PAD // 16, zero, 0)

    def acc(i, _):
        idx = idx_v[pl.ds(i * 16, 16)]
        plsc.addupdate_scatter(hist_v, [idx], ones16)
        return 0
    lax.fori_loop(0, epw // 16, acc, 0)
    pltpu.sync_copy(hist_v, out_hbm.at[wid])


_sc_deg = functools.partial(
    pl.kernel,
    _deg_body,
    out_type=jax.ShapeDtypeStruct((NW, N_PAD), jnp.float32),
    mesh=MESH,
    scratch_types=[
        pltpu.VMEM((CPW * CHUNK,), jnp.int32),
        pltpu.VMEM((N_PAD,), jnp.float32),
    ],
    compiler_params=pltpu.CompilerParams(use_tc_tiling_on_sc=False,
                                         needs_layout_passes=False),
)()


_KSPLIT = {112: (118, 42), 80: (132, 28), 64: (118, 42)}


def _edge_pass_kernel(d):
    k0, k1 = _KSPLIT[d]
    kmax = max(k0, k1)

    def body(h_hbm, src_hbm, dst_hbm, out0_hbm, out1_hbm,
             src_v, dst_v, rows0, rows1, s_sh, sem0, sem1):
        c = lax.axis_index("c")
        s = lax.axis_index("s")
        rpt = ROWS_PER_TILE

        zero16 = jnp.zeros((16,), jnp.float32)

        def zrow(r, _):
            for q in range(d // 16):
                rows0[r, pl.ds(q * 16, 16)] = zero16
            return 0
        lax.fori_loop(0, CHUNK, zrow, 0)
        for b in range(rpt // CHUNK):
            pltpu.sync_copy(rows0, s_sh.at[pl.ds(s * rpt + b * CHUNK, CHUNK)])

        def run(k, base):
            pltpu.sync_copy(src_hbm.at[pl.ds(base, k)], src_v.at[pl.ds(0, k)])
            pltpu.sync_copy(dst_hbm.at[pl.ds(base, k)], dst_v.at[pl.ds(0, k)])
            plsc.subcore_barrier()
            pltpu.async_copy(h_hbm.at[src_v.at[0]], rows0, sem0)

            def chunk2(jj, _):
                j0 = jj * 2
                pltpu.async_copy(h_hbm.at[src_v.at[j0 + 1]], rows1, sem1)
                pltpu.make_async_copy(h_hbm.at[src_v.at[j0]], rows0, sem0).wait()
                pltpu.sync_copy(rows0, s_sh.at[dst_v.at[j0]], add=True)

                @pl.when(j0 + 2 < k)
                def _():
                    pltpu.async_copy(h_hbm.at[src_v.at[j0 + 2]], rows0, sem0)
                pltpu.make_async_copy(h_hbm.at[src_v.at[j0 + 1]], rows1, sem1).wait()
                pltpu.sync_copy(rows1, s_sh.at[dst_v.at[j0 + 1]], add=True)
                return 0
            lax.fori_loop(0, k // 2, chunk2, 0)

        @pl.when(c == 0)
        def _():
            run(k0, s * k0)

        @pl.when(c == 1)
        def _():
            run(k1, NS * k0 + s * k1)
        plsc.subcore_barrier()

        def writeout(out_hbm):
            nblk = rpt // CHUNK
            for b in range(nblk):
                buf, sem = (rows0, sem0) if b % 2 == 0 else (rows1, sem1)
                if b >= 2:
                    pltpu.make_async_copy(
                        buf, out_hbm.at[pl.ds(s * rpt + (b - 2) * CHUNK, CHUNK)],
                        sem).wait()
                pltpu.sync_copy(s_sh.at[pl.ds(s * rpt + b * CHUNK, CHUNK)], buf)
                pltpu.async_copy(
                    buf, out_hbm.at[pl.ds(s * rpt + b * CHUNK, CHUNK)], sem)
            for b in range(max(0, nblk - 2), nblk):
                buf, sem = (rows0, sem0) if b % 2 == 0 else (rows1, sem1)
                pltpu.make_async_copy(
                    buf, out_hbm.at[pl.ds(s * rpt + b * CHUNK, CHUNK)],
                    sem).wait()

        @pl.when(c == 0)
        def _():
            writeout(out0_hbm)

        @pl.when(c == 1)
        def _():
            writeout(out1_hbm)

    return functools.partial(
        pl.kernel,
        body,
        out_type=(jax.ShapeDtypeStruct((N_PAD, d), jnp.float32),
                  jax.ShapeDtypeStruct((N_PAD, d), jnp.float32)),
        mesh=MESH,
        scratch_types=[
            pltpu.VMEM((kmax, CHUNK), jnp.int32),
            pltpu.VMEM((kmax, CHUNK), jnp.int32),
            pltpu.VMEM((CHUNK, d), jnp.float32),
            pltpu.VMEM((CHUNK, d), jnp.float32),
            pltpu.VMEM_SHARED((N_PAD, d), jnp.float32),
            pltpu.SemaphoreType.DMA,
            pltpu.SemaphoreType.DMA,
        ],
        compiler_params=pltpu.CompilerParams(use_tc_tiling_on_sc=False),
    )()



_BLK = 512
_GRID = N_PAD // _BLK


def _dinv_of(deg_blk):
    deg = jnp.sum(deg_blk, axis=0) + 1.0
    return lax.rsqrt(deg)


def _tc_first_body(deg_ref, x_ref, w_ref, o_ref):
    dinv = _dinv_of(deg_ref[...])
    h = jnp.dot(x_ref[...], w_ref[...], preferred_element_type=jnp.float32,
                precision=lax.Precision.HIGHEST)
    o_ref[...] = h * dinv[:, None]


def _tc_mid_body(deg_ref, sa_ref, sb_ref, h_ref, b_ref, w_ref, o_ref):
    dinv = _dinv_of(deg_ref[...])
    agg = sa_ref[...] + sb_ref[...] + h_ref[...]
    t = jax.nn.relu(dinv[:, None] * agg + b_ref[...])
    o_ref[...] = jnp.dot(t, w_ref[...], preferred_element_type=jnp.float32,
                         precision=lax.Precision.HIGHEST) * dinv[:, None]


def _tc_final_body(deg_ref, sa_ref, sb_ref, h_ref, b_ref, o_ref):
    dinv = _dinv_of(deg_ref[...])
    agg = sa_ref[...] + sb_ref[...] + h_ref[...]
    o_ref[...] = dinv[:, None] * agg + b_ref[...]


def _deg_spec():
    return pl.BlockSpec((NW, _BLK), lambda i: (0, i))


def _tc_first(deg_parts, xp, w):
    d = w.shape[1]
    return pl.pallas_call(
        _tc_first_body,
        grid=(_GRID,),
        in_specs=[_deg_spec(),
                  pl.BlockSpec((_BLK, D_IN), lambda i: (i, 0)),
                  pl.BlockSpec((D_IN, d), lambda i: (0, 0))],
        out_specs=pl.BlockSpec((_BLK, d), lambda i: (i, 0)),
        out_shape=jax.ShapeDtypeStruct((N_PAD, d), jnp.float32),
    )(deg_parts, xp, w)


def _tc_mid(deg_parts, s_parts, hprev, b, w):
    din, dout = w.shape
    return pl.pallas_call(
        _tc_mid_body,
        grid=(_GRID,),
        in_specs=[_deg_spec(),
                  pl.BlockSpec((_BLK, din), lambda i: (i, 0)),
                  pl.BlockSpec((_BLK, din), lambda i: (i, 0)),
                  pl.BlockSpec((_BLK, din), lambda i: (i, 0)),
                  pl.BlockSpec((1, din), lambda i: (0, 0)),
                  pl.BlockSpec((din, dout), lambda i: (0, 0))],
        out_specs=pl.BlockSpec((_BLK, dout), lambda i: (i, 0)),
        out_shape=jax.ShapeDtypeStruct((N_PAD, dout), jnp.float32),
    )(deg_parts, s_parts[0], s_parts[1], hprev, b, w)


def _tc_final(deg_parts, s_parts, hprev, b):
    d = hprev.shape[1]
    return pl.pallas_call(
        _tc_final_body,
        grid=(_GRID,),
        in_specs=[_deg_spec(),
                  pl.BlockSpec((_BLK, d), lambda i: (i, 0)),
                  pl.BlockSpec((_BLK, d), lambda i: (i, 0)),
                  pl.BlockSpec((_BLK, d), lambda i: (i, 0)),
                  pl.BlockSpec((1, d), lambda i: (0, 0))],
        out_specs=pl.BlockSpec((_BLK, d), lambda i: (i, 0)),
        out_shape=jax.ShapeDtypeStruct((N_PAD, d), jnp.float32),
    )(deg_parts, s_parts[0], s_parts[1], hprev, b)



_D1, _D2, _D3 = 112, 80, 64


def _pad2(a, r, c):
    return jnp.pad(a, ((0, r - a.shape[0]), (0, c - a.shape[1])))


def kernel(x, edge_index, W1, b1, W2, b2, W3, b3):
    xp = _pad2(x, N_PAD, D_IN)
    w1 = _pad2(W1, D_IN, _D1)
    w2 = _pad2(W2, _D1, _D2)
    w3 = _pad2(W3, _D2, _D3)
    b1p = jnp.pad(b1, (0, _D1 - b1.shape[0]))[None, :]
    b2p = jnp.pad(b2, (0, _D2 - b2.shape[0]))[None, :]
    b3p = jnp.pad(b3, (0, _D3 - b3.shape[0]))[None, :]

    e = edge_index.shape[1]
    src = jnp.pad(edge_index[0], (0, E_PAD - e))
    dst = jnp.pad(edge_index[1], (0, E_PAD - e),
                  constant_values=N)
    src3 = src.reshape(NW * CPW, CHUNK)
    dst3 = dst.reshape(NW * CPW, CHUNK)
    dst_flat = dst.reshape(-1)

    deg_parts = _sc_deg(dst_flat)

    h1 = _tc_first(deg_parts, xp, w1)
    s1 = _edge_pass_kernel(_D1)(h1, src3, dst3)
    h2 = _tc_mid(deg_parts, s1, h1, b1p, w2)
    s2 = _edge_pass_kernel(_D2)(h2, src3, dst3)
    h3 = _tc_mid(deg_parts, s2, h2, b2p, w3)
    s3 = _edge_pass_kernel(_D3)(h3, src3, dst3)
    outp = _tc_final(deg_parts, s3, h3, b3p)
    return outp[:N, :50]

# --- scband reference (transcript-rebuilt; emitter-appended) ---
"""Pipeline reference for scband-deep-gcn-43198781063823 (READ-ONLY COPY).

The authoritative reference and input builder live on the scoring server;
editing this copy changes nothing except your own understanding.
"""

import jax, jax.numpy as jnp
import numpy as np

N = 10000
E = 320000
D_IN = 128


def gcn_conv(x, edge_index, W, b):
    n = x.shape[0]
    loop = jnp.arange(n, dtype=edge_index.dtype)
    src = jnp.concatenate([edge_index[0], loop])
    dst = jnp.concatenate([edge_index[1], loop])
    h = x @ W
    deg = jnp.zeros((n,), dtype=x.dtype).at[dst].add(1.0)
    dinv = jnp.where(deg > 0, jax.lax.rsqrt(jnp.maximum(deg, 1e-12)), 0.0)
    norm = dinv[src] * dinv[dst]
    msgs = h[src] * norm[:, None]
    out = jnp.zeros((n, W.shape[1]), dtype=x.dtype).at[dst].add(msgs)
    return out + b


def glorot(key, shape):
    fan_in, fan_out = shape
    limit = jnp.sqrt(6.0 / (fan_in + fan_out))
    return jax.random.uniform(key, shape, minval=-limit, maxval=limit, dtype=jnp.float32)


def setup_inputs(seed: int = 0):
    key = jax.random.key(seed)
    ks = jax.random.split(key, 8)
    x = jax.random.normal(ks[0], (N, D_IN), dtype=jnp.float32)
    edge_index = jax.random.randint(ks[1], (2, E), 0, N, dtype=jnp.int32)
    W1 = glorot(ks[2], (D_IN, 100))
    b1 = jnp.zeros((100,), dtype=jnp.float32)
    W2 = glorot(ks[3], (100, 75))
    b2 = jnp.zeros((75,), dtype=jnp.float32)
    W3 = glorot(ks[4], (75, 50))
    b3 = jnp.zeros((50,), dtype=jnp.float32)
    return {"x": x, "edge_index": edge_index, "W1": W1, "b1": b1, "W2": W2, "b2": b2, "W3": W3, "b3": b3}


def reference(x, edge_index, W1, b1, W2, b2, W3, b3):
    # GCNConv layers with symmetric normalization and self-loops (PyG semantics).
    # Dropout is identity (eval mode).
    h = gcn_conv(x, edge_index, W1, b1)
    h = jax.nn.relu(h)
    h = gcn_conv(h, edge_index, W2, b2)
    h = jax.nn.relu(h)
    h = gcn_conv(h, edge_index, W3, b3)
    return h

if __name__ == "__main__":
    import jax
    _d = setup_inputs()
    print(jax.jit(kernel)(*tuple(_d.values())))

</pallas_src>

<mosaic_0001>
#map = affine_map<(d0, d1) -> (0)>
#map1 = affine_map<(d0, d1) -> (0, 0)>
module attributes {stable_mosaic.version = 14 : i64} {
  func.func @_deg_body(%arg0: i32, %arg1: i32, %arg2: memref<327680xi32, #tpu.memory_space<hbm>>, %arg3: memref<32x10240xf32, #tpu.memory_space<hbm>>, %arg4: memref<10240xi32, #tpu.memory_space<vmem>>, %arg5: memref<10240xf32, #tpu.memory_space<vmem>>) attributes {dimension_semantics = [#tpu.dimension_semantics<core_parallel>, #tpu.dimension_semantics<subcore_parallel>], iteration_bounds = array<i64: 2, 16>, scalar_prefetch = 0 : i64, scratch_operands = 2 : i64, tpu.core_type = #tpu.core_type<sc_vector_subcore>, window_params = [{transform_indices = #map}, {transform_indices = #map1}]} {
    %mul3A = arith.constant 2 : i32
    %mul3A_0 = arith.muli %arg1, %mul3A : i32
    %add3A = arith.addi %mul3A_0, %arg0 : i32
    %mul3A_1 = arith.constant 10240 : i32
    %mul3A_2 = arith.muli %add3A, %mul3A_1 : i32
    "tpu.region"() ({
      %run_scoped3A = tpu.sem_alloc : memref<!tpu.dma_semaphore, #tpu.memory_space<semaphore_mem>>
      %dma_start3A = tpu.memref_slice %arg2[%mul3A_2] : memref<327680xi32, #tpu.memory_space<hbm>> -> memref<10240xi32, #tpu.memory_space<hbm>>
      %dma_start3A_19 = tpu.memref_slice %arg2[%mul3A_2] : memref<327680xi32, #tpu.memory_space<hbm>> -> memref<10240xi32, #tpu.memory_space<hbm>>
      tpu.enqueue_dma source(%dma_start3A_19 : memref<10240xi32, #tpu.memory_space<hbm>>) target(%arg4 : memref<10240xi32, #tpu.memory_space<vmem>>) target_semaphore(%run_scoped3A : memref<!tpu.dma_semaphore, #tpu.memory_space<semaphore_mem>>)
      %dma_wait3A = tpu.memref_slice %arg2[%mul3A_2] : memref<327680xi32, #tpu.memory_space<hbm>> -> memref<10240xi32, #tpu.memory_space<hbm>>
      %dma_wait3A_20 = tpu.memref_slice %arg2[%mul3A_2] : memref<327680xi32, #tpu.memory_space<hbm>> -> memref<10240xi32, #tpu.memory_space<hbm>>
      tpu.wait_dma2 semaphore(%run_scoped3A : memref<!tpu.dma_semaphore, #tpu.memory_space<semaphore_mem>>) src(%dma_wait3A_20 : memref<10240xi32, #tpu.memory_space<hbm>>) dst(%arg4 : memref<10240xi32, #tpu.memory_space<vmem>>)
      tpu.yield
    }) : () -> ()
    %broadcast_in_dim3A = arith.constant 0.000000e+00 : f32
    %broadcast_in_dim3A_3 = vector.broadcast %broadcast_in_dim3A : f32 to vector<16xf32>
    %broadcast_in_dim3A_4 = arith.constant 1.000000e+00 : f32
    %broadcast_in_dim3A_5 = vector.broadcast %broadcast_in_dim3A_4 : f32 to vector<16xf32>
    %scan3A = arith.constant 0 : i32
    %scan3A_6 = arith.constant 0 : i32
    %scan3A_7 = arith.constant 640 : i32
    %scan3A_8 = arith.addi %scan3A_6, %scan3A_7 : i32
    %scan3A_9 = arith.constant 1 : i32
    %scan3A_10 = scf.for %scan3A_19 = %scan3A_6 to %scan3A_8 step %scan3A_9 iter_args(%scan3A_20 = %scan3A) -> (i32)  : i32 {
      %mul3A_21 = arith.constant 16 : i32
      %mul3A_22 = arith.muli %scan3A_19, %mul3A_21 : i32
      %swap3A = arith.index_cast %mul3A_22 : i32 to index
      %swap3A_23 = tpu.vector_load %arg5[%swap3A] {strides = array<i32>} : memref<10240xf32, #tpu.memory_space<vmem>>, vector<16xf32>,
      tpu.vector_store %arg5[%swap3A], %broadcast_in_dim3A_3 {strides = array<i32>} : memref<10240xf32, #tpu.memory_space<vmem>>, vector<16xf32>,
      %scan3A_24 = arith.constant 0 : i32
      scf.yield %scan3A_24 : i32
    }
    %scan3A_11 = arith.constant 640 : i32
    %scan3A_12 = arith.constant 0 : i32
    %scan3A_13 = arith.constant 0 : i32
    %scan3A_14 = arith.constant 640 : i32
    %scan3A_15 = arith.addi %scan3A_13, %scan3A_14 : i32
    %scan3A_16 = arith.constant 1 : i32
    %scan3A_17 = scf.for %scan3A_19 = %scan3A_13 to %scan3A_15 step %scan3A_16 iter_args(%scan3A_20 = %scan3A_12) -> (i32)  : i32 {
      %mul3A_21 = arith.constant 16 : i32
      %mul3A_22 = arith.muli %scan3A_19, %mul3A_21 : i32
      %get3A = arith.index_cast %mul3A_22 : i32 to index
      %get3A_23 = tpu.vector_load %arg4[%get3A] {strides = array<i32>} : memref<10240xi32, #tpu.memory_space<vmem>>, vector<16xi32>,
      tpu.vector_store_idx %arg5[%get3A_23], %broadcast_in_dim3A_5 {add = true} : memref<10240xf32, #tpu.memory_space<vmem>>[vector<16xi32>], vector<16xf32>,
      %scan3A_24 = arith.constant 0 : i32
      scf.yield %scan3A_24 : i32
    }
    %scan3A_18 = arith.constant 640 : i32
    "tpu.region"() ({
      %run_scoped3A = tpu.sem_alloc : memref<!tpu.dma_semaphore, #tpu.memory_space<semaphore_mem>>
      %dma_start3A = arith.constant 0 : i32
      %dma_start3A_19 = tpu.memref_slice %arg3[%add3A, %dma_start3A] : memref<32x10240xf32, #tpu.memory_space<hbm>> -> memref<1x10240xf32, #tpu.memory_space<hbm>>
      %dma_start3A_20 = tpu.memref_squeeze %dma_start3A_19 : memref<1x10240xf32, #tpu.memory_space<hbm>> -> memref<10240xf32, #tpu.memory_space<hbm>>
      %dma_start3A_21 = arith.constant 0 : i32
      %dma_start3A_22 = tpu.memref_slice %arg3[%add3A, %dma_start3A_21] : memref<32x10240xf32, #tpu.memory_space<hbm>> -> memref<1x10240xf32, #tpu.memory_space<hbm>>
      %dma_start3A_23 = tpu.memref_squeeze %dma_start3A_22 : memref<1x10240xf32, #tpu.memory_space<hbm>> -> memref<10240xf32, #tpu.memory_space<hbm>>
      tpu.enqueue_dma source(%arg5 : memref<10240xf32, #tpu.memory_space<vmem>>) target(%dma_start3A_23 : memref<10240xf32, #tpu.memory_space<hbm>>) target_semaphore(%run_scoped3A : memref<!tpu.dma_semaphore, #tpu.memory_space<semaphore_mem>>)
      %dma_wait3A = arith.constant 0 : i32
      %dma_wait3A_24 = tpu.memref_slice %arg3[%add3A, %dma_wait3A] : memref<32x10240xf32, #tpu.memory_space<hbm>> -> memref<1x10240xf32, #tpu.memory_space<hbm>>
      %dma_wait3A_25 = tpu.memref_squeeze %dma_wait3A_24 : memref<1x10240xf32, #tpu.memory_space<hbm>> -> memref<10240xf32, #tpu.memory_space<hbm>>
      %dma_wait3A_26 = arith.constant 0 : i32
      %dma_wait3A_27 = tpu.memref_slice %arg3[%add3A, %dma_wait3A_26] : memref<32x10240xf32, #tpu.memory_space<hbm>> -> memref<1x10240xf32, #tpu.memory_space<hbm>>
      %dma_wait3A_28 = tpu.memref_squeeze %dma_wait3A_27 : memref<1x10240xf32, #tpu.memory_space<hbm>> -> memref<10240xf32, #tpu.memory_space<hbm>>
      tpu.wait_dma2 semaphore(%run_scoped3A : memref<!tpu.dma_semaphore, #tpu.memory_space<semaphore_mem>>) src(%arg5 : memref<10240xf32, #tpu.memory_space<vmem>>) dst(%dma_wait3A_28 : memref<10240xf32, #tpu.memory_space<hbm>>)
      tpu.yield
    }) : () -> ()
    return
  }
}

#map = affine_map<(d0, d1) -> (0, 0)>
module attributes {stable_mosaic.version = 14 : i64} {
  func.func @body(%arg0: i32, %arg1: i32, %arg2: memref<10240x80xf32, #tpu.memory_space<hbm>>, %arg3: memref<2560x128xi32, #tpu.memory_space<hbm>>, %arg4: memref<2560x128xi32, #tpu.memory_space<hbm>>, %arg5: memref<10240x80xf32, #tpu.memory_space<hbm>>, %arg6: memref<10240x80xf32, #tpu.memory_space<hbm>>, %arg7: memref<132x128xi32, #tpu.memory_space<vmem>>, %arg8: memref<132x128xi32, #tpu.memory_space<vmem>>, %arg9: memref<128x80xf32, #tpu.memory_space<vmem>>, %arg10: memref<128x80xf32, #tpu.memory_space<vmem>>, %arg11: memref<10240x80xf32, #tpu.memory_space<vmem_shared>>, %arg12: memref<!tpu.dma_semaphore, #tpu.memory_space<semaphore_mem>>, %arg13: memref<!tpu.dma_semaphore, #tpu.memory_space<semaphore_mem>>) attributes {dimension_semantics = [#tpu.dimension_semantics<core_parallel>, #tpu.dimension_semantics<subcore_parallel>], iteration_bounds = array<i64: 2, 16>, scalar_prefetch = 0 : i64, scratch_operands = 7 : i64, tpu.core_type = #tpu.core_type<sc_vector_subcore>, window_params = [{transform_indices = #map}, {transform_indices = #map}, {transform_indices = #map}, {transform_indices = #map}, {transform_indices = #map}]} {
    %broadcast_in_dim3A = arith.constant 0.000000e+00 : f32
    %broadcast_in_dim3A_0 = vector.broadcast %broadcast_in_dim3A : f32 to vector<16xf32>
    %scan3A = arith.constant 0 : i32
    %scan3A_1 = arith.constant 0 : i32
    %scan3A_2 = arith.constant 128 : i32
    %scan3A_3 = arith.addi %scan3A_1, %scan3A_2 : i32
    %scan3A_4 = arith.constant 1 : i32
    %scan3A_5 = scf.for %scan3A_42 = %scan3A_1 to %scan3A_3 step %scan3A_4 iter_args(%scan3A_43 = %scan3A) -> (i32)  : i32 {
      %swap3A = arith.index_cast %scan3A_42 : i32 to index
      %swap3A_44 = arith.constant 0 : index
      %swap3A_45 = tpu.vector_load %arg9[%swap3A, %swap3A_44] {strides = array<i32>} : memref<128x80xf32, #tpu.memory_space<vmem>>, vector<1x16xf32>,
      %swap3A_46 = vector.shape_cast %swap3A_45 : vector<1x16xf32> to vector<16xf32>
      %swap3A_47 = vector.shape_cast %broadcast_in_dim3A_0 : vector<16xf32> to vector<1x16xf32>
      tpu.vector_store %arg9[%swap3A, %swap3A_44], %swap3A_47 {strides = array<i32>} : memref<128x80xf32, #tpu.memory_space<vmem>>, vector<1x16xf32>,
      %swap3A_48 = arith.index_cast %scan3A_42 : i32 to index
      %swap3A_49 = arith.constant 16 : index
      %swap3A_50 = tpu.vector_load %arg9[%swap3A_48, %swap3A_49] {strides = array<i32>} : memref<128x80xf32, #tpu.memory_space<vmem>>, vector<1x16xf32>,
      %swap3A_51 = vector.shape_cast %swap3A_50 : vector<1x16xf32> to vector<16xf32>
      %swap3A_52 = vector.shape_cast %broadcast_in_dim3A_0 : vector<16xf32> to vector<1x16xf32>
      tpu.vector_store %arg9[%swap3A_48, %swap3A_49], %swap3A_52 {strides = array<i32>} : memref<128x80xf32, #tpu.memory_space<vmem>>, vector<1x16xf32>,
      %swap3A_53 = arith.index_cast %scan3A_42 : i32 to index
      %swap3A_54 = arith.constant 32 : index
      %swap3A_55 = tpu.vector_load %arg9[%swap3A_53, %swap3A_54] {strides = array<i32>} : memref<128x80xf32, #tpu.memory_space<vmem>>, vector<1x16xf32>,
      %swap3A_56 = vector.shape_cast %swap3A_55 : vector<1x16xf32> to vector<16xf32>
      %swap3A_57 = vector.shape_cast %broadcast_in_dim3A_0 : vector<16xf32> to vector<1x16xf32>
      tpu.vector_store %arg9[%swap3A_53, %swap3A_54], %swap3A_57 {strides = array<i32>} : memref<128x80xf32, #tpu.memory_space<vmem>>, vector<1x16xf32>,
      %swap3A_58 = arith.index_cast %scan3A_42 : i32 to index
      %swap3A_59 = arith.constant 48 : index
      %swap3A_60 = tpu.vector_load %arg9[%swap3A_58, %swap3A_59] {strides = array<i32>} : memref<128x80xf32, #tpu.memory_space<vmem>>, vector<1x16xf32>,
      %swap3A_61 = vector.shape_cast %swap3A_60 : vector<1x16xf32> to vector<16xf32>
      %swap3A_62 = vector.shape_cast %broadcast_in_dim3A_0 : vector<16xf32> to vector<1x16xf32>
      tpu.vector_store %arg9[%swap3A_58, %swap3A_59], %swap3A_62 {strides = array<i32>} : memref<128x80xf32, #tpu.memory_space<vmem>>, vector<1x16xf32>,
      %swap3A_63 = arith.index_cast %scan3A_42 : i32 to index
      %swap3A_64 = arith.constant 64 : index
      %swap3A_65 = tpu.vector_load %arg9[%swap3A_63, %swap3A_64] {strides = array<i32>} : memref<128x80xf32, #tpu.memory_space<vmem>>, vector<1x16xf32>,
      %swap3A_66 = vector.shape_cast %swap3A_65 : vector<1x16xf32> to vector<16xf32>
      %swap3A_67 = vector.shape_cast %broadcast_in_dim3A_0 : vector<16xf32> to vector<1x16xf32>
      tpu.vector_store %arg9[%swap3A_63, %swap3A_64], %swap3A_67 {strides = array<i32>} : memref<128x80xf32, #tpu.memory_space<vmem>>, vector<1x16xf32>,
      %scan3A_68 = arith.constant 0 : i32
      scf.yield %scan3A_68 : i32
    }
    %scan3A_6 = arith.constant 128 : i32
    %mul3A = arith.constant 640 : i32
    %mul3A_7 = arith.muli %arg1, %mul3A : i32
    %add3A = arith.constant 0 : i32
    %add3A_8 = arith.addi %mul3A_7, %add3A : i32
    "tpu.region"() ({
      %run_scoped3A = tpu.sem_alloc : memref<!tpu.dma_semaphore, #tpu.memory_space<semaphore_mem>>
      %dma_start3A = arith.constant 0 : i32
      %dma_start3A_42 = tpu.memref_slice %arg11[%add3A_8, %dma_start3A] : memref<10240x80xf32, #tpu.memory_space<vmem_shared>> -> memref<128x80xf32, #tpu.memory_space<vmem_shared>>
      %dma_start3A_43 = arith.constant 0 : i32
      %dma_start3A_44 = tpu.memref_slice %arg11[%add3A_8, %dma_start3A_43] : memref<10240x80xf32, #tpu.memory_space<vmem_shared>> -> memref<128x80xf32, #tpu.memory_space<vmem_shared>>
      tpu.enqueue_dma source(%arg9 : memref<128x80xf32, #tpu.memory_space<vmem>>) target(%dma_start3A_44 : memref<128x80xf32, #tpu.memory_space<vmem_shared>>) target_semaphore(%run_scoped3A : memref<!tpu.dma_semaphore, #tpu.memory_space<semaphore_mem>>)
      %dma_wait3A = arith.constant 0 : i32
      %dma_wait3A_45 = tpu.memref_slice %arg11[%add3A_8, %dma_wait3A] : memref<10240x80xf32, #tpu.memory_space<vmem_shared>> -> memref<128x80xf32, #tpu.memory_space<vmem_shared>>
      %dma_wait3A_46 = arith.constant 0 : i32
      %dma_wait3A_47 = tpu.memref_slice %arg11[%add3A_8, %dma_wait3A_46] : memref<10240x80xf32, #tpu.memory_space<vmem_shared>> -> memref<128x80xf32, #tpu.memory_space<vmem_shared>>
      tpu.wait_dma2 semaphore(%run_scoped3A : memref<!tpu.dma_semaphore, #tpu.memory_space<semaphore_mem>>) src(%arg9 : memref<128x80xf32, #tpu.memory_space<vmem>>) dst(%dma_wait3A_47 : memref<128x80xf32, #tpu.memory_space<vmem_shared>>)
      tpu.yield
    }) : () -> ()
    %mul3A_9 = arith.constant 640 : i32
    %mul3A_10 = arith.muli %arg1, %mul3A_9 : i32
    %add3A_11 = arith.constant 128 : i32
    %add3A_12 = arith.addi %mul3A_10, %add3A_11 : i32
    "tpu.region"() ({
      %run_scoped3A = tpu.sem_alloc : memref<!tpu.dma_semaphore, #tpu.memory_space<semaphore_mem>>
      %dma_start3A = arith.constant 0 : i32
      %dma_start3A_42 = tpu.memref_slice %arg11[%add3A_12, %dma_start3A] : memref<10240x80xf32, #tpu.memory_space<vmem_shared>> -> memref<128x80xf32, #tpu.memory_space<vmem_shared>>
      %dma_start3A_43 = arith.constant 0 : i32
      %dma_start3A_44 = tpu.memref_slice %arg11[%add3A_12, %dma_start3A_43] : memref<10240x80xf32, #tpu.memory_space<vmem_shared>> -> memref<128x80xf32, #tpu.memory_space<vmem_shared>>
      tpu.enqueue_dma source(%arg9 : memref<128x80xf32, #tpu.memory_space<vmem>>) target(%dma_start3A_44 : memref<128x80xf32, #tpu.memory_space<vmem_shared>>) target_semaphore(%run_scoped3A : memref<!tpu.dma_semaphore, #tpu.memory_space<semaphore_mem>>)
      %dma_wait3A = arith.constant 0 : i32
      %dma_wait3A_45 = tpu.memref_slice %arg11[%add3A_12, %dma_wait3A] : memref<10240x80xf32, #tpu.memory_space<vmem_shared>> -> memref<128x80xf32, #tpu.memory_space<vmem_shared>>
      %dma_wait3A_46 = arith.constant 0 : i32
      %dma_wait3A_47 = tpu.memref_slice %arg11[%add3A_12, %dma_wait3A_46] : memref<10240x80xf32, #tpu.memory_space<vmem_shared>> -> memref<128x80xf32, #tpu.memory_space<vmem_shared>>
      tpu.wait_dma2 semaphore(%run_scoped3A : memref<!tpu.dma_semaphore, #tpu.memory_space<semaphore_mem>>) src(%arg9 : memref<128x80xf32, #tpu.memory_space<vmem>>) dst(%dma_wait3A_47 : memref<128x80xf32, #tpu.memory_space<vmem_shared>>)
      tpu.yield
    }) : () -> ()
    %mul3A_13 = arith.constant 640 : i32
    %mul3A_14 = arith.muli %arg1, %mul3A_13 : i32
    %add3A_15 = arith.constant 256 : i32
    %add3A_16 = arith.addi %mul3A_14, %add3A_15 : i32
    "tpu.region"() ({
      %run_scoped3A = tpu.sem_alloc : memref<!tpu.dma_semaphore, #tpu.memory_space<semaphore_mem>>
      %dma_start3A = arith.constant 0 : i32
      %dma_start3A_42 = tpu.memref_slice %arg11[%add3A_16, %dma_start3A] : memref<10240x80xf32, #tpu.memory_space<vmem_shared>> -> memref<128x80xf32, #tpu.memory_space<vmem_shared>>
      %dma_start3A_43 = arith.constant 0 : i32
      %dma_start3A_44 = tpu.memref_slice %arg11[%add3A_16, %dma_start3A_43] : memref<10240x80xf32, #tpu.memory_space<vmem_shared>> -> memref<128x80xf32, #tpu.memory_space<vmem_shared>>
      tpu.enqueue_dma source(%arg9 : memref<128x80xf32, #tpu.memory_space<vmem>>) target(%dma_start3A_44 : memref<128x80xf32, #tpu.memory_space<vmem_shared>>) target_semaphore(%run_scoped3A : memref<!tpu.dma_semaphore, #tpu.memory_space<semaphore_mem>>)
      %dma_wait3A = arith.constant 0 : i32
      %dma_wait3A_45 = tpu.memref_slice %arg11[%add3A_16, %dma_wait3A] : memref<10240x80xf32, #tpu.memory_space<vmem_shared>> -> memref<128x80xf32, #tpu.memory_space<vmem_shared>>
      %dma_wait3A_46 = arith.constant 0 : i32
      %dma_wait3A_47 = tpu.memref_slice %arg11[%add3A_16, %dma_wait3A_46] : memref<10240x80xf32, #tpu.memory_space<vmem_shared>> -> memref<128x80xf32, #tpu.memory_space<vmem_shared>>
      tpu.wait_dma2 semaphore(%run_scoped3A : memref<!tpu.dma_semaphore, #tpu.memory_space<semaphore_mem>>) src(%arg9 : memref<128x80xf32, #tpu.memory_space<vmem>>) dst(%dma_wait3A_47 : memref<128x80xf32, #tpu.memory_space<vmem_shared>>)
      tpu.yield
    }) : () -> ()
    %mul3A_17 = arith.constant 640 : i32
    %mul3A_18 = arith.muli %arg1, %mul3A_17 : i32
    %add3A_19 = arith.constant 384 : i32
    %add3A_20 = arith.addi %mul3A_18, %add3A_19 : i32
    "tpu.region"() ({
      %run_scoped3A = tpu.sem_alloc : memref<!tpu.dma_semaphore, #tpu.memory_space<semaphore_mem>>
      %dma_start3A = arith.constant 0 : i32
      %dma_start3A_42 = tpu.memref_slice %arg11[%add3A_20, %dma_start3A] : memref<10240x80xf32, #tpu.memory_space<vmem_shared>> -> memref<128x80xf32, #tpu.memory_space<vmem_shared>>
      %dma_start3A_43 = arith.constant 0 : i32
      %dma_start3A_44 = tpu.memref_slice %arg11[%add3A_20, %dma_start3A_43] : memref<10240x80xf32, #tpu.memory_space<vmem_shared>> -> memref<128x80xf32, #tpu.memory_space<vmem_shared>>
      tpu.enqueue_dma source(%arg9 : memref<128x80xf32, #tpu.memory_space<vmem>>) target(%dma_start3A_44 : memref<128x80xf32, #tpu.memory_space<vmem_shared>>) target_semaphore(%run_scoped3A : memref<!tpu.dma_semaphore, #tpu.memory_space<semaphore_mem>>)
      %dma_wait3A = arith.constant 0 : i32
      %dma_wait3A_45 = tpu.memref_slice %arg11[%add3A_20, %dma_wait3A] : memref<10240x80xf32, #tpu.memory_space<vmem_shared>> -> memref<128x80xf32, #tpu.memory_space<vmem_shared>>
      %dma_wait3A_46 = arith.constant 0 : i32
      %dma_wait3A_47 = tpu.memref_slice %arg11[%add3A_20, %dma_wait3A_46] : memref<10240x80xf32, #tpu.memory_space<vmem_shared>> -> memref<128x80xf32, #tpu.memory_space<vmem_shared>>
      tpu.wait_dma2 semaphore(%run_scoped3A : memref<!tpu.dma_semaphore, #tpu.memory_space<semaphore_mem>>) src(%arg9 : memref<128x80xf32, #tpu.memory_space<vmem>>) dst(%dma_wait3A_47 : memref<128x80xf32, #tpu.memory_space<vmem_shared>>)
      tpu.yield
    }) : () -> ()
    %mul3A_21 = arith.constant 640 : i32
    %mul3A_22 = arith.muli %arg1, %mul3A_21 : i32
    %add3A_23 = arith.constant 512 : i32
    %add3A_24 = arith.addi %mul3A_22, %add3A_23 : i32
    "tpu.region"() ({
      %run_scoped3A = tpu.sem_alloc : memref<!tpu.dma_semaphore, #tpu.memory_space<semaphore_mem>>
      %dma_start3A = arith.constant 0 : i32
      %dma_start3A_42 = tpu.memref_slice %arg11[%add3A_24, %dma_start3A] : memref<10240x80xf32, #tpu.memory_space<vmem_shared>> -> memref<128x80xf32, #tpu.memory_space<vmem_shared>>
      %dma_start3A_43 = arith.constant 0 : i32
      %dma_start3A_44 = tpu.memref_slice %arg11[%add3A_24, %dma_start3A_43] : memref<10240x80xf32, #tpu.memory_space<vmem_shared>> -> memref<128x80xf32, #tpu.memory_space<vmem_shared>>
      tpu.enqueue_dma source(%arg9 : memref<128x80xf32, #tpu.memory_space<vmem>>) target(%dma_start3A_44 : memref<128x80xf32, #tpu.memory_space<vmem_shared>>) target_semaphore(%run_scoped3A : memref<!tpu.dma_semaphore, #tpu.memory_space<semaphore_mem>>)
      %dma_wait3A = arith.constant 0 : i32
      %dma_wait3A_45 = tpu.memref_slice %arg11[%add3A_24, %dma_wait3A] : memref<10240x80xf32, #tpu.memory_space<vmem_shared>> -> memref<128x80xf32, #tpu.memory_space<vmem_shared>>
      %dma_wait3A_46 = arith.constant 0 : i32
      %dma_wait3A_47 = tpu.memref_slice %arg11[%add3A_24, %dma_wait3A_46] : memref<10240x80xf32, #tpu.memory_space<vmem_shared>> -> memref<128x80xf32, #tpu.memory_space<vmem_shared>>
      tpu.wait_dma2 semaphore(%run_scoped3A : memref<!tpu.dma_semaphore, #tpu.memory_space<semaphore_mem>>) src(%arg9 : memref<128x80xf32, #tpu.memory_space<vmem>>) dst(%dma_wait3A_47 : memref<128x80xf32, #tpu.memory_space<vmem_shared>>)
      tpu.yield
    }) : () -> ()
    %eq3A = arith.constant 0 : i32
    %eq3A_25 = arith.cmpi eq, %arg0, %eq3A : i32
    %convert_element_type3A = arith.extui %eq3A_25 : i1 to i32
    %cond3A = arith.constant 0 : i32
    %cond3A_26 = arith.cmpi ne, %convert_element_type3A, %cond3A : i32
    scf.if %cond3A_26 {
      %mul3A_42 = arith.constant 132 : i32
      %mul3A_43 = arith.muli %arg1, %mul3A_42 : i32
      "tpu.region"() ({
        %run_scoped3A = tpu.sem_alloc : memref<!tpu.dma_semaphore, #tpu.memory_space<semaphore_mem>>
        %dma_start3A_58 = arith.constant 0 : i32
        %dma_start3A_59 = arith.constant 0 : i32
        %dma_start3A_60 = tpu.memref_slice %arg7[%dma_start3A_58, %dma_start3A_59] : memref<132x128xi32, #tpu.memory_space<vmem>> -> memref<132x128xi32, #tpu.memory_space<vmem>>
        %dma_start3A_61 = arith.constant 0 : i32
        %dma_start3A_62 = tpu.memref_slice %arg3[%mul3A_43, %dma_start3A_61] : memref<2560x128xi32, #tpu.memory_space<hbm>> -> memref<132x128xi32, #tpu.memory_space<hbm>>
        %dma_start3A_63 = arith.constant 0 : i32
        %dma_start3A_64 = arith.constant 0 : i32
        %dma_start3A_65 = tpu.memref_slice %arg7[%dma_start3A_63, %dma_start3A_64] : memref<132x128xi32, #tpu.memory_space<vmem>> -> memref<132x128xi32, #tpu.memory_space<vmem>>
        %dma_start3A_66 = arith.constant 0 : i32
        %dma_start3A_67 = tpu.memref_slice %arg3[%mul3A_43, %dma_start3A_66] : memref<2560x128xi32, #tpu.memory_space<hbm>> -> memref<132x128xi32, #tpu.memory_space<hbm>>
        tpu.enqueue_dma source(%dma_start3A_67 : memref<132x128xi32, #tpu.memory_space<hbm>>) target(%dma_start3A_65 : memref<132x128xi32, #tpu.memory_space<vmem>>) target_semaphore(%run_scoped3A : memref<!tpu.dma_semaphore, #tpu.memory_space<semaphore_mem>>)
        %dma_wait3A = arith.constant 0 : i32
        %dma_wait3A_68 = arith.constant 0 : i32
        %dma_wait3A_69 = tpu.memref_slice %arg7[%dma_wait3A, %dma_wait3A_68] : memref<132x128xi32, #tpu.memory_space<vmem>> -> memref<132x128xi32, #tpu.memory_space<vmem>>
        %dma_wait3A_70 = arith.constant 0 : i32
        %dma_wait3A_71 = tpu.memref_slice %arg3[%mul3A_43, %dma_wait3A_70] : memref<2560x128xi32, #tpu.memory_space<hbm>> -> memref<132x128xi32, #tpu.memory_space<hbm>>
        %dma_wait3A_72 = arith.constant 0 : i32
        %dma_wait3A_73 = arith.constant 0 : i32
        %dma_wait3A_74 = tpu.memref_slice %arg7[%dma_wait3A_72, %dma_wait3A_73] : memref<132x128xi32, #tpu.memory_space<vmem>> -> memref<132x128xi32, #tpu.memory_space<vmem>>
        %dma_wait3A_75 = arith.constant 0 : i32
        %dma_wait3A_76 = tpu.memref_slice %arg3[%mul3A_43, %dma_wait3A_75] : memref<2560x128xi32, #tpu.memory_space<hbm>> -> memref<132x128xi32, #tpu.memory_space<hbm>>
        tpu.wait_dma2 semaphore(%run_scoped3A : memref<!tpu.dma_semaphore, #tpu.memory_space<semaphore_mem>>) src(%dma_wait3A_76 : memref<132x128xi32, #tpu.memory_space<hbm>>) dst(%dma_wait3A_74 : memref<132x128xi32, #tpu.memory_space<vmem>>)
        tpu.yield
      }) : () -> ()
      "tpu.region"() ({
        %run_scoped3A = tpu.sem_alloc : memref<!tpu.dma_semaphore, #tpu.memory_space<semaphore_mem>>
        %dma_start3A_58 = arith.constant 0 : i32
        %dma_start3A_59 = arith.constant 0 : i32
        %dma_start3A_60 = tpu.memref_slice %arg8[%dma_start3A_58, %dma_start3A_59] : memref<132x128xi32, #tpu.memory_space<vmem>> -> memref<132x128xi32, #tpu.memory_space<vmem>>
        %dma_start3A_61 = arith.constant 0 : i32
        %dma_start3A_62 = tpu.memref_slice %arg4[%mul3A_43, %dma_start3A_61] : memref<2560x128xi32, #tpu.memory_space<hbm>> -> memref<132x128xi32, #tpu.memory_space<hbm>>
        %dma_start3A_63 = arith.constant 0 : i32
        %dma_start3A_64 = arith.constant 0 : i32
        %dma_start3A_65 = tpu.memref_slice %arg8[%dma_start3A_63, %dma_start3A_64] : memref<132x128xi32, #tpu.memory_space<vmem>> -> memref<132x128xi32, #tpu.memory_space<vmem>>
        %dma_start3A_66 = arith.constant 0 : i32
        %dma_start3A_67 = tpu.memref_slice %arg4[%mul3A_43, %dma_start3A_66] : memref<2560x128xi32, #tpu.memory_space<hbm>> -> memref<132x128xi32, #tpu.memory_space<hbm>>
        tpu.enqueue_dma source(%dma_start3A_67 : memref<132x128xi32, #tpu.memory_space<hbm>>) target(%dma_start3A_65 : memref<132x128xi32, #tpu.memory_space<vmem>>) target_semaphore(%run_scoped3A : memref<!tpu.dma_semaphore, #tpu.memory_space<semaphore_mem>>)
        %dma_wait3A = arith.constant 0 : i32
        %dma_wait3A_68 = arith.constant 0 : i32
        %dma_wait3A_69 = tpu.memref_slice %arg8[%dma_wait3A, %dma_wait3A_68] : memref<132x128xi32, #tpu.memory_space<vmem>> -> memref<132x128xi32, #tpu.memory_space<vmem>>
        %dma_wait3A_70 = arith.constant 0 : i32
        %dma_wait3A_71 = tpu.memref_slice %arg4[%mul3A_43, %dma_wait3A_70] : memref<2560x128xi32, #tpu.memory_space<hbm>> -> memref<132x128xi32, #tpu.memory_space<hbm>>
        %dma_wait3A_72 = arith.constant 0 : i32
        %dma_wait3A_73 = arith.constant 0 : i32
        %dma_wait3A_74 = tpu.memref_slice %arg8[%dma_wait3A_72, %dma_wait3A_73] : memref<132x128xi32, #tpu.memory_space<vmem>> -> memref<132x128xi32, #tpu.memory_space<vmem>>
        %dma_wait3A_75 = arith.constant 0 : i32
        %dma_wait3A_76 = tpu.memref_slice %arg4[%mul3A_43, %dma_wait3A_75] : memref<2560x128xi32, #tpu.memory_space<hbm>> -> memref<132x128xi32, #tpu.memory_space<hbm>>
        tpu.wait_dma2 semaphore(%run_scoped3A : memref<!tpu.dma_semaphore, #tpu.memory_space<semaphore_mem>>) src(%dma_wait3A_76 : memref<132x128xi32, #tpu.memory_space<hbm>>) dst(%dma_wait3A_74 : memref<132x128xi32, #tpu.memory_space<vmem>>)
        tpu.yield
      }) : () -> ()
      %barrier3A_44 = arith.constant 0 : index
      tpu.barrier barrier_id(%barrier3A_44)
      %dma_start3A = arith.constant 0 : i32
      %dma_start3A_45 = arith.constant 0 : i32
      %dma_start3A_46 = tpu.memref_slice %arg7[%dma_start3A, %dma_start3A_45] : memref<132x128xi32, #tpu.memory_space<vmem>> -> memref<1x128xi32, #tpu.memory_space<vmem>>
      %dma_start3A_47 = tpu.memref_squeeze %dma_start3A_46 : memref<1x128xi32, #tpu.memory_space<vmem>> -> memref<128xi32, #tpu.memory_space<vmem>>
      %dma_start3A_48 = arith.constant 0 : i32
      %dma_start3A_49 = arith.constant 0 : i32
      %dma_start3A_50 = tpu.memref_slice %arg2[%dma_start3A_48, %dma_start3A_49] : memref<10240x80xf32, #tpu.memory_space<hbm>> -> memref<10240x80xf32, #tpu.memory_space<hbm>>
      tpu.enqueue_indirect_dma source(%dma_start3A_50 : memref<10240x80xf32, #tpu.memory_space<hbm>>) target(%arg9 : memref<128x80xf32, #tpu.memory_space<vmem>>) offsets(%dma_start3A_47 : memref<128xi32, #tpu.memory_space<vmem>>) semaphore(%arg12 : memref<!tpu.dma_semaphore, #tpu.memory_space<semaphore_mem>>)
      %scan3A_51 = arith.constant 0 : i32
      %scan3A_52 = arith.constant 0 : i32
      %scan3A_53 = arith.constant 66 : i32
      %scan3A_54 = arith.addi %scan3A_52, %scan3A_53 : i32
      %scan3A_55 = arith.constant 1 : i32
      %scan3A_56 = scf.for %scan3A_58 = %scan3A_52 to %scan3A_54 step %scan3A_55 iter_args(%scan3A_59 = %scan3A_51) -> (i32)  : i32 {
        %mul3A_60 = arith.constant 2 : i32
        %mul3A_61 = arith.muli %scan3A_58, %mul3A_60 : i32
        %add3A_62 = arith.constant 1 : i32
        %add3A_63 = arith.addi %mul3A_61, %add3A_62 : i32
        %dma_start3A_64 = arith.constant 0 : i32
        %dma_start3A_65 = tpu.memref_slice %arg7[%add3A_63, %dma_start3A_64] : memref<132x128xi32, #tpu.memory_space<vmem>> -> memref<1x128xi32, #tpu.memory_space<vmem>>
        %dma_start3A_66 = tpu.memref_squeeze %dma_start3A_65 : memref<1x128xi32, #tpu.memory_space<vmem>> -> memref<128xi32, #tpu.memory_space<vmem>>
        %dma_start3A_67 = arith.constant 0 : i32
        %dma_start3A_68 = arith.constant 0 : i32
        %dma_start3A_69 = tpu.memref_slice %arg2[%dma_start3A_67, %dma_start3A_68] : memref<10240x80xf32, #tpu.memory_space<hbm>> -> memref<10240x80xf32, #tpu.memory_space<hbm>>
        tpu.enqueue_indirect_dma source(%dma_start3A_69 : memref<10240x80xf32, #tpu.memory_space<hbm>>) target(%arg10 : memref<128x80xf32, #tpu.memory_space<vmem>>) offsets(%dma_start3A_66 : memref<128xi32, #tpu.memory_space<vmem>>) semaphore(%arg13 : memref<!tpu.dma_semaphore, #tpu.memory_space<semaphore_mem>>)
        %dma_wait3A = arith.constant 0 : i32
        %dma_wait3A_70 = tpu.memref_slice %arg7[%mul3A_61, %dma_wait3A] : memref<132x128xi32, #tpu.memory_space<vmem>> -> memref<1x128xi32, #tpu.memory_space<vmem>>
        %dma_wait3A_71 = tpu.memref_squeeze %dma_wait3A_70 : memref<1x128xi32, #tpu.memory_space<vmem>> -> memref<128xi32, #tpu.memory_space<vmem>>
        %dma_wait3A_72 = arith.constant 0 : i32
        %dma_wait3A_73 = arith.constant 0 : i32
        %dma_wait3A_74 = tpu.memref_slice %arg2[%dma_wait3A_72, %dma_wait3A_73] : memref<10240x80xf32, #tpu.memory_space<hbm>> -> memref<10240x80xf32, #tpu.memory_space<hbm>>
        tpu.wait_indirect_dma semaphore(%arg12 : memref<!tpu.dma_semaphore, #tpu.memory_space<semaphore_mem>>) src(%dma_wait3A_74 : memref<10240x80xf32, #tpu.memory_space<hbm>>) dst(%arg9 : memref<128x80xf32, #tpu.memory_space<vmem>>)
        "tpu.region"() ({
          %run_scoped3A = tpu.sem_alloc : memref<!tpu.dma_semaphore, #tpu.memory_space<semaphore_mem>>
          %dma_start3A_92 = arith.constant 0 : i32
          %dma_start3A_93 = tpu.memref_slice %arg8[%mul3A_61, %dma_start3A_92] : memref<132x128xi32, #tpu.memory_space<vmem>> -> memref<1x128xi32, #tpu.memory_space<vmem>>
          %dma_start3A_94 = tpu.memref_squeeze %dma_start3A_93 : memref<1x128xi32, #tpu.memory_space<vmem>> -> memref<128xi32, #tpu.memory_space<vmem>>
          %dma_start3A_95 = arith.constant 0 : i32
          %dma_start3A_96 = arith.constant 0 : i32
          %dma_start3A_97 = tpu.memref_slice %arg11[%dma_start3A_95, %dma_start3A_96] : memref<10240x80xf32, #tpu.memory_space<vmem_shared>> -> memref<10240x80xf32, #tpu.memory_space<vmem_shared>>
          tpu.enqueue_indirect_dma source(%arg9 : memref<128x80xf32, #tpu.memory_space<vmem>>) target(%dma_start3A_97 : memref<10240x80xf32, #tpu.memory_space<vmem_shared>>) offsets(%dma_start3A_94 : memref<128xi32, #tpu.memory_space<vmem>>) semaphore(%run_scoped3A : memref<!tpu.dma_semaphore, #tpu.memory_space<semaphore_mem>>) {add = true}
          %dma_wait3A_98 = arith.constant 0 : i32
          %dma_wait3A_99 = tpu.memref_slice %arg8[%mul3A_61, %dma_wait3A_98] : memref<132x128xi32, #tpu.memory_space<vmem>> -> memref<1x128xi32, #tpu.memory_space<vmem>>
          %dma_wait3A_100 = tpu.memref_squeeze %dma_wait3A_99 : memref<1x128xi32, #tpu.memory_space<vmem>> -> memref<128xi32, #tpu.memory_space<vmem>>
          %dma_wait3A_101 = arith.constant 0 : i32
          %dma_wait3A_102 = arith.constant 0 : i32
          %dma_wait3A_103 = tpu.memref_slice %arg11[%dma_wait3A_101, %dma_wait3A_102] : memref<10240x80xf32, #tpu.memory_space<vmem_shared>> -> memref<10240x80xf32, #tpu.memory_space<vmem_shared>>
          tpu.wait_indirect_dma semaphore(%run_scoped3A : memref<!tpu.dma_semaphore, #tpu.memory_space<semaphore_mem>>) src(%arg9 : memref<128x80xf32, #tpu.memory_space<vmem>>) dst(%dma_wait3A_103 : memref<10240x80xf32, #tpu.memory_space<vmem_shared>>)
          tpu.yield
        }) : () -> ()
        %add3A_75 = arith.constant 2 : i32
        %add3A_76 = arith.addi %mul3A_61, %add3A_75 : i32
        %lt3A = arith.constant 132 : i32
        %lt3A_77 = arith.cmpi slt, %add3A_76, %lt3A : i32
        %convert_element_type3A_78 = arith.extui %lt3A_77 : i1 to i32
        %cond3A_79 = arith.constant 0 : i32
        %cond3A_80 = arith.cmpi ne, %convert_element_type3A_78, %cond3A_79 : i32
        scf.if %cond3A_80 {
          %add3A_92 = arith.constant 2 : i32
          %add3A_93 = arith.addi %mul3A_61, %add3A_92 : i32
          %dma_start3A_94 = arith.constant 0 : i32
          %dma_start3A_95 = tpu.memref_slice %arg7[%add3A_93, %dma_start3A_94] : memref<132x128xi32, #tpu.memory_space<vmem>> -> memref<1x128xi32, #tpu.memory_space<vmem>>
          %dma_start3A_96 = tpu.memref_squeeze %dma_start3A_95 : memref<1x128xi32, #tpu.memory_space<vmem>> -> memref<128xi32, #tpu.memory_space<vmem>>
          %dma_start3A_97 = arith.constant 0 : i32
          %dma_start3A_98 = arith.constant 0 : i32
          %dma_start3A_99 = tpu.memref_slice %arg2[%dma_start3A_97, %dma_start3A_98] : memref<10240x80xf32, #tpu.memory_space<hbm>> -> memref<10240x80xf32, #tpu.memory_space<hbm>>
          tpu.enqueue_indirect_dma source(%dma_start3A_99 : memref<10240x80xf32, #tpu.memory_space<hbm>>) target(%arg9 : memref<128x80xf32, #tpu.memory_space<vmem>>) offsets(%dma_start3A_96 : memref<128xi32, #tpu.memory_space<vmem>>) semaphore(%arg12 : memref<!tpu.dma_semaphore, #tpu.memory_space<semaphore_mem>>)
        } else {
        }
        %add3A_81 = arith.constant 1 : i32
        %add3A_82 = arith.addi %mul3A_61, %add3A_81 : i32
        %dma_wait3A_83 = arith.constant 0 : i32
        %dma_wait3A_84 = tpu.memref_slice %arg7[%add3A_82, %dma_wait3A_83] : memref<132x128xi32, #tpu.memory_space<vmem>> -> memref<1x128xi32, #tpu.memory_space<vmem>>
        %dma_wait3A_85 = tpu.memref_squeeze %dma_wait3A_84 : memref<1x128xi32, #tpu.memory_space<vmem>> -> memref<128xi32, #tpu.memory_space<vmem>>
        %dma_wait3A_86 = arith.constant 0 : i32
        %dma_wait3A_87 = arith.constant 0 : i32
        %dma_wait3A_88 = tpu.memref_slice %arg2[%dma_wait3A_86, %dma_wait3A_87] : memref<10240x80xf32, #tpu.memory_space<hbm>> -> memref<10240x80xf32, #tpu.memory_space<hbm>>
        tpu.wait_indirect_dma semaphore(%arg13 : memref<!tpu.dma_semaphore, #tpu.memory_space<semaphore_mem>>) src(%dma_wait3A_88 : memref<10240x80xf32, #tpu.memory_space<hbm>>) dst(%arg10 : memref<128x80xf32, #tpu.memory_space<vmem>>)
        %add3A_89 = arith.constant 1 : i32
        %add3A_90 = arith.addi %mul3A_61, %add3A_89 : i32
        "tpu.region"() ({
          %run_scoped3A = tpu.sem_alloc : memref<!tpu.dma_semaphore, #tpu.memory_space<semaphore_mem>>
          %dma_start3A_92 = arith.constant 0 : i32
          %dma_start3A_93 = tpu.memref_slice %arg8[%add3A_90, %dma_start3A_92] : memref<132x128xi32, #tpu.memory_space<vmem>> -> memref<1x128xi32, #tpu.memory_space<vmem>>
          %dma_start3A_94 = tpu.memref_squeeze %dma_start3A_93 : memref<1x128xi32, #tpu.memory_space<vmem>> -> memref<128xi32, #tpu.memory_space<vmem>>
          %dma_start3A_95 = arith.constant 0 : i32
          %dma_start3A_96 = arith.constant 0 : i32
          %dma_start3A_97 = tpu.memref_slice %arg11[%dma_start3A_95, %dma_start3A_96] : memref<10240x80xf32, #tpu.memory_space<vmem_shared>> -> memref<10240x80xf32, #tpu.memory_space<vmem_shared>>
          tpu.enqueue_indirect_dma source(%arg10 : memref<128x80xf32, #tpu.memory_space<vmem>>) target(%dma_start3A_97 : memref<10240x80xf32, #tpu.memory_space<vmem_shared>>) offsets(%dma_start3A_94 : memref<128xi32, #tpu.memory_space<vmem>>) semaphore(%run_scoped3A : memref<!tpu.dma_semaphore, #tpu.memory_space<semaphore_mem>>) {add = true}
          %dma_wait3A_98 = arith.constant 0 : i32
          %dma_wait3A_99 = tpu.memref_slice %arg8[%add3A_90, %dma_wait3A_98] : memref<132x128xi32, #tpu.memory_space<vmem>> -> memref<1x128xi32, #tpu.memory_space<vmem>>
          %dma_wait3A_100 = tpu.memref_squeeze %dma_wait3A_99 : memref<1x128xi32, #tpu.memory_space<vmem>> -> memref<128xi32, #tpu.memory_space<vmem>>
          %dma_wait3A_101 = arith.constant 0 : i32
          %dma_wait3A_102 = arith.constant 0 : i32
          %dma_wait3A_103 = tpu.memref_slice %arg11[%dma_wait3A_101, %dma_wait3A_102] : memref<10240x80xf32, #tpu.memory_space<vmem_shared>> -> memref<10240x80xf32, #tpu.memory_space<vmem_shared>>
          tpu.wait_indirect_dma semaphore(%run_scoped3A : memref<!tpu.dma_semaphore, #tpu.memory_space<semaphore_mem>>) src(%arg10 : memref<128x80xf32, #tpu.memory_space<vmem>>) dst(%dma_wait3A_103 : memref<10240x80xf32, #tpu.memory_space<vmem_shared>>)
          tpu.yield
        }) : () -> ()
        %scan3A_91 = arith.constant 0 : i32
        scf.yield %scan3A_91 : i32
      }
      %scan3A_57 = arith.constant 66 : i32
    } else {
    }
    %eq3A_27 = arith.constant 1 : i32
    %eq3A_28 = arith.cmpi eq, %arg0, %eq3A_27 : i32
    %convert_element_type3A_29 = arith.extui %eq3A_28 : i1 to i32
    %cond3A_30 = arith.constant 0 : i32
    %cond3A_31 = arith.cmpi ne, %convert_element_type3A_29, %cond3A_30 : i32
    scf.if %cond3A_31 {
      %mul3A_42 = arith.constant 28 : i32
      %mul3A_43 = arith.muli %arg1, %mul3A_42 : i32
      %add3A_44 = arith.constant 2112 : i32
      %add3A_45 = arith.addi %add3A_44, %mul3A_43 : i32
      "tpu.region"() ({
        %run_scoped3A = tpu.sem_alloc : memref<!tpu.dma_semaphore, #tpu.memory_space<semaphore_mem>>
        %dma_start3A_60 = arith.constant 0 : i32
        %dma_start3A_61 = arith.constant 0 : i32
        %dma_start3A_62 = tpu.memref_slice %arg7[%dma_start3A_60, %dma_start3A_61] : memref<132x128xi32, #tpu.memory_space<vmem>> -> memref<28x128xi32, #tpu.memory_space<vmem>>
        %dma_start3A_63 = arith.constant 0 : i32
        %dma_start3A_64 = tpu.memref_slice %arg3[%add3A_45, %dma_start3A_63] : memref<2560x128xi32, #tpu.memory_space<hbm>> -> memref<28x128xi32, #tpu.memory_space<hbm>>
        %dma_start3A_65 = arith.constant 0 : i32
        %dma_start3A_66 = arith.constant 0 : i32
        %dma_start3A_67 = tpu.memref_slice %arg7[%dma_start3A_65, %dma_start3A_66] : memref<132x128xi32, #tpu.memory_space<vmem>> -> memref<28x128xi32, #tpu.memory_space<vmem>>
        %dma_start3A_68 = arith.constant 0 : i32
        %dma_start3A_69 = tpu.memref_slice %arg3[%add3A_45, %dma_start3A_68] : memref<2560x128xi32, #tpu.memory_space<hbm>> -> memref<28x128xi32, #tpu.memory_space<hbm>>
        tpu.enqueue_dma source(%dma_start3A_69 : memref<28x128xi32, #tpu.memory_space<hbm>>) target(%dma_start3A_67 : memref<28x128xi32, #tpu.memory_space<vmem>>) target_semaphore(%run_scoped3A : memref<!tpu.dma_semaphore, #tpu.memory_space<semaphore_mem>>)
        %dma_wait3A = arith.constant 0 : i32
        %dma_wait3A_70 = arith.constant 0 : i32
        %dma_wait3A_71 = tpu.memref_slice %arg7[%dma_wait3A, %dma_wait3A_70] : memref<132x128xi32, #tpu.memory_space<vmem>> -> memref<28x128xi32, #tpu.memory_space<vmem>>
        %dma_wait3A_72 = arith.constant 0 : i32
        %dma_wait3A_73 = tpu.memref_slice %arg3[%add3A_45, %dma_wait3A_72] : memref<2560x128xi32, #tpu.memory_space<hbm>> -> memref<28x128xi32, #tpu.memory_space<hbm>>
        %dma_wait3A_74 = arith.constant 0 : i32
        %dma_wait3A_75 = arith.constant 0 : i32
        %dma_wait3A_76 = tpu.memref_slice %arg7[%dma_wait3A_74, %dma_wait3A_75] : memref<132x128xi32, #tpu.memory_space<vmem>> -> memref<28x128xi32, #tpu.memory_space<vmem>>
        %dma_wait3A_77 = arith.constant 0 : i32
        %dma_wait3A_78 = tpu.memref_slice %arg3[%add3A_45, %dma_wait3A_77] : memref<2560x128xi32, #tpu.memory_space<hbm>> -> memref<28x128xi32, #tpu.memory_space<hbm>>
        tpu.wait_dma2 semaphore(%run_scoped3A : memref<!tpu.dma_semaphore, #tpu.memory_space<semaphore_mem>>) src(%dma_wait3A_78 : memref<28x128xi32, #tpu.memory_space<hbm>>) dst(%dma_wait3A_76 : memref<28x128xi32, #tpu.memory_space<vmem>>)
        tpu.yield
      }) : () -> ()
      "tpu.region"() ({
        %run_scoped3A = tpu.sem_alloc : memref<!tpu.dma_semaphore, #tpu.memory_space<semaphore_mem>>
        %dma_start3A_60 = arith.constant 0 : i32
        %dma_start3A_61 = arith.constant 0 : i32
        %dma_start3A_62 = tpu.memref_slice %arg8[%dma_start3A_60, %dma_start3A_61] : memref<132x128xi32, #tpu.memory_space<vmem>> -> memref<28x128xi32, #tpu.memory_space<vmem>>
        %dma_start3A_63 = arith.constant 0 : i32
        %dma_start3A_64 = tpu.memref_slice %arg4[%add3A_45, %dma_start3A_63] : memref<2560x128xi32, #tpu.memory_space<hbm>> -> memref<28x128xi32, #tpu.memory_space<hbm>>
        %dma_start3A_65 = arith.constant 0 : i32
        %dma_start3A_66 = arith.constant 0 : i32
        %dma_start3A_67 = tpu.memref_slice %arg8[%dma_start3A_65, %dma_start3A_66] : memref<132x128xi32, #tpu.memory_space<vmem>> -> memref<28x128xi32, #tpu.memory_space<vmem>>
        %dma_start3A_68 = arith.constant 0 : i32
        %dma_start3A_69 = tpu.memref_slice %arg4[%add3A_45, %dma_start3A_68] : memref<2560x128xi32, #tpu.memory_space<hbm>> -> memref<28x128xi32, #tpu.memory_space<hbm>>
        tpu.enqueue_dma source(%dma_start3A_69 : memref<28x128xi32, #tpu.memory_space<hbm>>) target(%dma_start3A_67 : memref<28x128xi32, #tpu.memory_space<vmem>>) target_semaphore(%run_scoped3A : memref<!tpu.dma_semaphore, #tpu.memory_space<semaphore_mem>>)
        %dma_wait3A = arith.constant 0 : i32
        %dma_wait3A_70 = arith.constant 0 : i32
        %dma_wait3A_71 = tpu.memref_slice %arg8[%dma_wait3A, %dma_wait3A_70] : memref<132x128xi32, #tpu.memory_space<vmem>> -> memref<28x128xi32, #tpu.memory_space<vmem>>
        %dma_wait3A_72 = arith.constant 0 : i32
        %dma_wait3A_73 = tpu.memref_slice %arg4[%add3A_45, %dma_wait3A_72] : memref<2560x128xi32, #tpu.memory_space<hbm>> -> memref<28x128xi32, #tpu.memory_space<hbm>>
        %dma_wait3A_74 = arith.constant 0 : i32
        %dma_wait3A_75 = arith.constant 0 : i32
        %dma_wait3A_76 = tpu.memref_slice %arg8[%dma_wait3A_74, %dma_wait3A_75] : memref<132x128xi32, #tpu.memory_space<vmem>> -> memref<28x128xi32, #tpu.memory_space<vmem>>
        %dma_wait3A_77 = arith.constant 0 : i32
        %dma_wait3A_78 = tpu.memref_slice %arg4[%add3A_45, %dma_wait3A_77] : memref<2560x128xi32, #tpu.memory_space<hbm>> -> memref<28x128xi32, #tpu.memory_space<hbm>>
        tpu.wait_dma2 semaphore(%run_scoped3A : memref<!tpu.dma_semaphore, #tpu.memory_space<semaphore_mem>>) src(%dma_wait3A_78 : memref<28x128xi32, #tpu.memory_space<hbm>>) dst(%dma_wait3A_76 : memref<28x128xi32, #tpu.memory_space<vmem>>)
        tpu.yield
      }) : () -> ()
      %barrier3A_46 = arith.constant 0 : index
      tpu.barrier barrier_id(%barrier3A_46)
      %dma_start3A = arith.constant 0 : i32
      %dma_start3A_47 = arith.constant 0 : i32
      %dma_start3A_48 = tpu.memref_slice %arg7[%dma_start3A, %dma_start3A_47] : memref<132x128xi32, #tpu.memory_space<vmem>> -> memref<1x128xi32, #tpu.memory_space<vmem>>
      %dma_start3A_49 = tpu.memref_squeeze %dma_start3A_48 : memref<1x128xi32, #tpu.memory_space<vmem>> -> memref<128xi32, #tpu.memory_space<vmem>>
      %dma_start3A_50 = arith.constant 0 : i32
      %dma_start3A_51 = arith.constant 0 : i32
      %dma_start3A_52 = tpu.memref_slice %arg2[%dma_start3A_50, %dma_start3A_51] : memref<10240x80xf32, #tpu.memory_space<hbm>> -> memref<10240x80xf32, #tpu.memory_space<hbm>>
      tpu.enqueue_indirect_dma source(%dma_start3A_52 : memref<10240x80xf32, #tpu.memory_space<hbm>>) target(%arg9 : memref<128x80xf32, #tpu.memory_space<vmem>>) offsets(%dma_start3A_49 : memref<128xi32, #tpu.memory_space<vmem>>) semaphore(%arg12 : memref<!tpu.dma_semaphore, #tpu.memory_space<semaphore_mem>>)
      %scan3A_53 = arith.constant 0 : i32
      %scan3A_54 = arith.constant 0 : i32
      %scan3A_55 = arith.constant 14 : i32
      %scan3A_56 = arith.addi %scan3A_54, %scan3A_55 : i32
      %scan3A_57 = arith.constant 1 : i32
      %scan3A_58 = scf.for %scan3A_60 = %scan3A_54 to %scan3A_56 step %scan3A_57 iter_args(%scan3A_61 = %scan3A_53) -> (i32)  : i32 {
        %mul3A_62 = arith.constant 2 : i32
        %mul3A_63 = arith.muli %scan3A_60, %mul3A_62 : i32
        %add3A_64 = arith.constant 1 : i32
        %add3A_65 = arith.addi %mul3A_63, %add3A_64 : i32
        %dma_start3A_66 = arith.constant 0 : i32
        %dma_start3A_67 = tpu.memref_slice %arg7[%add3A_65, %dma_start3A_66] : memref<132x128xi32, #tpu.memory_space<vmem>> -> memref<1x128xi32, #tpu.memory_space<vmem>>
        %dma_start3A_68 = tpu.memref_squeeze %dma_start3A_67 : memref<1x128xi32, #tpu.memory_space<vmem>> -> memref<128xi32, #tpu.memory_space<vmem>>
        %dma_start3A_69 = arith.constant 0 : i32
        %dma_start3A_70 = arith.constant 0 : i32
        %dma_start3A_71 = tpu.memref_slice %arg2[%dma_start3A_69, %dma_start3A_70] : memref<10240x80xf32, #tpu.memory_space<hbm>> -> memref<10240x80xf32, #tpu.memory_space<hbm>>
        tpu.enqueue_indirect_dma source(%dma_start3A_71 : memref<10240x80xf32, #tpu.memory_space<hbm>>) target(%arg10 : memref<128x80xf32, #tpu.memory_space<vmem>>) offsets(%dma_start3A_68 : memref<128xi32, #tpu.memory_space<vmem>>) semaphore(%arg13 : memref<!tpu.dma_semaphore, #tpu.memory_space<semaphore_mem>>)
        %dma_wait3A = arith.constant 0 : i32
        %dma_wait3A_72 = tpu.memref_slice %arg7[%mul3A_63, %dma_wait3A] : memref<132x128xi32, #tpu.memory_space<vmem>> -> memref<1x128xi32, #tpu.memory_space<vmem>>
        %dma_wait3A_73 = tpu.memref_squeeze %dma_wait3A_72 : memref<1x128xi32, #tpu.memory_space<vmem>> -> memref<128xi32, #tpu.memory_space<vmem>>
        %dma_wait3A_74 = arith.constant 0 : i32
        %dma_wait3A_75 = arith.constant 0 : i32
        %dma_wait3A_76 = tpu.memref_slice %arg2[%dma_wait3A_74, %dma_wait3A_75] : memref<10240x80xf32, #tpu.memory_space<hbm>> -> memref<10240x80xf32, #tpu.memory_space<hbm>>
        tpu.wait_indirect_dma semaphore(%arg12 : memref<!tpu.dma_semaphore, #tpu.memory_space<semaphore_mem>>) src(%dma_wait3A_76 : memref<10240x80xf32, #tpu.memory_space<hbm>>) dst(%arg9 : memref<128x80xf32, #tpu.memory_space<vmem>>)
        "tpu.region"() ({
          %run_scoped3A = tpu.sem_alloc : memref<!tpu.dma_semaphore, #tpu.memory_space<semaphore_mem>>
          %dma_start3A_94 = arith.constant 0 : i32
          %dma_start3A_95 = tpu.memref_slice %arg8[%mul3A_63, %dma_start3A_94] : memref<132x128xi32, #tpu.memory_space<vmem>> -> memref<1x128xi32, #tpu.memory_space<vmem>>
          %dma_start3A_96 = tpu.memref_squeeze %dma_start3A_95 : memref<1x128xi32, #tpu.memory_space<vmem>> -> memref<128xi32, #tpu.memory_space<vmem>>
          %dma_start3A_97 = arith.constant 0 : i32
          %dma_start3A_98 = arith.constant 0 : i32
          %dma_start3A_99 = tpu.memref_slice %arg11[%dma_start3A_97, %dma_start3A_98] : memref<10240x80xf32, #tpu.memory_space<vmem_shared>> -> memref<10240x80xf32, #tpu.memory_space<vmem_shared>>
          tpu.enqueue_indirect_dma source(%arg9 : memref<128x80xf32, #tpu.memory_space<vmem>>) target(%dma_start3A_99 : memref<10240x80xf32, #tpu.memory_space<vmem_shared>>) offsets(%dma_start3A_96 : memref<128xi32, #tpu.memory_space<vmem>>) semaphore(%run_scoped3A : memref<!tpu.dma_semaphore, #tpu.memory_space<semaphore_mem>>) {add = true}
          %dma_wait3A_100 = arith.constant 0 : i32
          %dma_wait3A_101 = tpu.memref_slice %arg8[%mul3A_63, %dma_wait3A_100] : memref<132x128xi32, #tpu.memory_space<vmem>> -> memref<1x128xi32, #tpu.memory_space<vmem>>
          %dma_wait3A_102 = tpu.memref_squeeze %dma_wait3A_101 : memref<1x128xi32, #tpu.memory_space<vmem>> -> memref<128xi32, #tpu.memory_space<vmem>>
          %dma_wait3A_103 = arith.constant 0 : i32
          %dma_wait3A_104 = arith.constant 0 : i32
          %dma_wait3A_105 = tpu.memref_slice %arg11[%dma_wait3A_103, %dma_wait3A_104] : memref<10240x80xf32, #tpu.memory_space<vmem_shared>> -> memref<10240x80xf32, #tpu.memory_space<vmem_shared>>
          tpu.wait_indirect_dma semaphore(%run_scoped3A : memref<!tpu.dma_semaphore, #tpu.memory_space<semaphore_mem>>) src(%arg9 : memref<128x80xf32, #tpu.memory_space<vmem>>) dst(%dma_wait3A_105 : memref<10240x80xf32, #tpu.memory_space<vmem_shared>>)
          tpu.yield
        }) : () -> ()
        %add3A_77 = arith.constant 2 : i32
        %add3A_78 = arith.addi %mul3A_63, %add3A_77 : i32
        %lt3A = arith.constant 28 : i32
        %lt3A_79 = arith.cmpi slt, %add3A_78, %lt3A : i32
        %convert_element_type3A_80 = arith.extui %lt3A_79 : i1 to i32
        %cond3A_81 = arith.constant 0 : i32
        %cond3A_82 = arith.cmpi ne, %convert_element_type3A_80, %cond3A_81 : i32
        scf.if %cond3A_82 {
          %add3A_94 = arith.constant 2 : i32
          %add3A_95 = arith.addi %mul3A_63, %add3A_94 : i32
          %dma_start3A_96 = arith.constant 0 : i32
          %dma_start3A_97 = tpu.memref_slice %arg7[%add3A_95, %dma_start3A_96] : memref<132x128xi32, #tpu.memory_space<vmem>> -> memref<1x128xi32, #tpu.memory_space<vmem>>
          %dma_start3A_98 = tpu.memref_squeeze %dma_start3A_97 : memref<1x128xi32, #tpu.memory_space<vmem>> -> memref<128xi32, #tpu.memory_space<vmem>>
          %dma_start3A_99 = arith.constant 0 : i32
          %dma_start3A_100 = arith.constant 0 : i32
          %dma_start3A_101 = tpu.memref_slice %arg2[%dma_start3A_99, %dma_start3A_100] : memref<10240x80xf32, #tpu.memory_space<hbm>> -> memref<10240x80xf32, #tpu.memory_space<hbm>>
          tpu.enqueue_indirect_dma source(%dma_start3A_101 : memref<10240x80xf32, #tpu.memory_space<hbm>>) target(%arg9 : memref<128x80xf32, #tpu.memory_space<vmem>>) offsets(%dma_start3A_98 : memref<128xi32, #tpu.memory_space<vmem>>) semaphore(%arg12 : memref<!tpu.dma_semaphore, #tpu.memory_space<semaphore_mem>>)
        } else {
        }
        %add3A_83 = arith.constant 1 : i32
        %add3A_84 = arith.addi %mul3A_63, %add3A_83 : i32
        %dma_wait3A_85 = arith.constant 0 : i32
        %dma_wait3A_86 = tpu.memref_slice %arg7[%add3A_84, %dma_wait3A_85] : memref<132x128xi32, #tpu.memory_space<vmem>> -> memref<1x128xi32, #tpu.memory_space<vmem>>
        %dma_wait3A_87 = tpu.memref_squeeze %dma_wait3A_86 : memref<1x128xi32, #tpu.memory_space<vmem>> -> memref<128xi32, #tpu.memory_space<vmem>>
        %dma_wait3A_88 = arith.constant 0 : i32
        %dma_wait3A_89 = arith.constant 0 : i32
        %dma_wait3A_90 = tpu.memref_slice %arg2[%dma_wait3A_88, %dma_wait3A_89] : memref<10240x80xf32, #tpu.memory_space<hbm>> -> memref<10240x80xf32, #tpu.memory_space<hbm>>
        tpu.wait_indirect_dma semaphore(%arg13 : memref<!tpu.dma_semaphore, #tpu.memory_space<semaphore_mem>>) src(%dma_wait3A_90 : memref<10240x80xf32, #tpu.memory_space<hbm>>) dst(%arg10 : memref<128x80xf32, #tpu.memory_space<vmem>>)
        %add3A_91 = arith.constant 1 : i32
        %add3A_92 = arith.addi %mul3A_63, %add3A_91 : i32
        "tpu.region"() ({
          %run_scoped3A = tpu.sem_alloc : memref<!tpu.dma_semaphore, #tpu.memory_space<semaphore_mem>>
          %dma_start3A_94 = arith.constant 0 : i32
          %dma_start3A_95 = tpu.memref_slice %arg8[%add3A_92, %dma_start3A_94] : memref<132x128xi32, #tpu.memory_space<vmem>> -> memref<1x128xi32, #tpu.memory_space<vmem>>
          %dma_start3A_96 = tpu.memref_squeeze %dma_start3A_95 : memref<1x128xi32, #tpu.memory_space<vmem>> -> memref<128xi32, #tpu.memory_space<vmem>>
          %dma_start3A_97 = arith.constant 0 : i32
          %dma_start3A_98 = arith.constant 0 : i32
          %dma_start3A_99 = tpu.memref_slice %arg11[%dma_start3A_97, %dma_start3A_98] : memref<10240x80xf32, #tpu.memory_space<vmem_shared>> -> memref<10240x80xf32, #tpu.memory_space<vmem_shared>>
          tpu.enqueue_indirect_dma source(%arg10 : memref<128x80xf32, #tpu.memory_space<vmem>>) target(%dma_start3A_99 : memref<10240x80xf32, #tpu.memory_space<vmem_shared>>) offsets(%dma_start3A_96 : memref<128xi32, #tpu.memory_space<vmem>>) semaphore(%run_scoped3A : memref<!tpu.dma_semaphore, #tpu.memory_space<semaphore_mem>>) {add = true}
          %dma_wait3A_100 = arith.constant 0 : i32
          %dma_wait3A_101 = tpu.memref_slice %arg8[%add3A_92, %dma_wait3A_100] : memref<132x128xi32, #tpu.memory_space<vmem>> -> memref<1x128xi32, #tpu.memory_space<vmem>>
          %dma_wait3A_102 = tpu.memref_squeeze %dma_wait3A_101 : memref<1x128xi32, #tpu.memory_space<vmem>> -> memref<128xi32, #tpu.memory_space<vmem>>
          %dma_wait3A_103 = arith.constant 0 : i32
          %dma_wait3A_104 = arith.constant 0 : i32
          %dma_wait3A_105 = tpu.memref_slice %arg11[%dma_wait3A_103, %dma_wait3A_104] : memref<10240x80xf32, #tpu.memory_space<vmem_shared>> -> memref<10240x80xf32, #tpu.memory_space<vmem_shared>>
          tpu.wait_indirect_dma semaphore(%run_scoped3A : memref<!tpu.dma_semaphore, #tpu.memory_space<semaphore_mem>>) src(%arg10 : memref<128x80xf32, #tpu.memory_space<vmem>>) dst(%dma_wait3A_105 : memref<10240x80xf32, #tpu.memory_space<vmem_shared>>)
          tpu.yield
        }) : () -> ()
        %scan3A_93 = arith.constant 0 : i32
        scf.yield %scan3A_93 : i32
      }
      %scan3A_59 = arith.constant 14 : i32
    } else {
    }
    %barrier3A = arith.constant 0 : index
    tpu.barrier barrier_id(%barrier3A)
    %eq3A_32 = arith.constant 0 : i32
    %eq3A_33 = arith.cmpi eq, %arg0, %eq3A_32 : i32
    %convert_element_type3A_34 = arith.extui %eq3A_33 : i1 to i32
    %cond3A_35 = arith.constant 0 : i32
    %cond3A_36 = arith.cmpi ne, %convert_element_type3A_34, %cond3A_35 : i32
    scf.if %cond3A_36 {
      %mul3A_42 = arith.constant 640 : i32
      %mul3A_43 = arith.muli %arg1, %mul3A_42 : i32
      %add3A_44 = arith.constant 0 : i32
      %add3A_45 = arith.addi %mul3A_43, %add3A_44 : i32
      "tpu.region"() ({
        %run_scoped3A = tpu.sem_alloc : memref<!tpu.dma_semaphore, #tpu.memory_space<semaphore_mem>>
        %dma_start3A_140 = arith.constant 0 : i32
        %dma_start3A_141 = tpu.memref_slice %arg11[%add3A_45, %dma_start3A_140] : memref<10240x80xf32, #tpu.memory_space<vmem_shared>> -> memref<128x80xf32, #tpu.memory_space<vmem_shared>>
        %dma_start3A_142 = arith.constant 0 : i32
        %dma_start3A_143 = tpu.memref_slice %arg11[%add3A_45, %dma_start3A_142] : memref<10240x80xf32, #tpu.memory_space<vmem_shared>> -> memref<128x80xf32, #tpu.memory_space<vmem_shared>>
        tpu.enqueue_dma source(%dma_start3A_143 : memref<128x80xf32, #tpu.memory_space<vmem_shared>>) target(%arg9 : memref<128x80xf32, #tpu.memory_space<vmem>>) target_semaphore(%run_scoped3A : memref<!tpu.dma_semaphore, #tpu.memory_space<semaphore_mem>>)
        %dma_wait3A_144 = arith.constant 0 : i32
        %dma_wait3A_145 = tpu.memref_slice %arg11[%add3A_45, %dma_wait3A_144] : memref<10240x80xf32, #tpu.memory_space<vmem_shared>> -> memref<128x80xf32, #tpu.memory_space<vmem_shared>>
        %dma_wait3A_146 = arith.constant 0 : i32
        %dma_wait3A_147 = tpu.memref_slice %arg11[%add3A_45, %dma_wait3A_146] : memref<10240x80xf32, #tpu.memory_space<vmem_shared>> -> memref<128x80xf32, #tpu.memory_space<vmem_shared>>
        tpu.wait_dma2 semaphore(%run_scoped3A : memref<!tpu.dma_semaphore, #tpu.memory_space<semaphore_mem>>) src(%dma_wait3A_147 : memref<128x80xf32, #tpu.memory_space<vmem_shared>>) dst(%arg9 : memref<128x80xf32, #tpu.memory_space<vmem>>)
        tpu.yield
      }) : () -> ()
      %mul3A_46 = arith.constant 640 : i32
      %mul3A_47 = arith.muli %arg1, %mul3A_46 : i32
      %add3A_48 = arith.constant 0 : i32
      %add3A_49 = arith.addi %mul3A_47, %add3A_48 : i32
      %dma_start3A = arith.constant 0 : i32
      %dma_start3A_50 = tpu.memref_slice %arg5[%add3A_49, %dma_start3A] : memref<10240x80xf32, #tpu.memory_space<hbm>> -> memref<128x80xf32, #tpu.memory_space<hbm>>
      %dma_start3A_51 = arith.constant 0 : i32
      %dma_start3A_52 = tpu.memref_slice %arg5[%add3A_49, %dma_start3A_51] : memref<10240x80xf32, #tpu.memory_space<hbm>> -> memref<128x80xf32, #tpu.memory_space<hbm>>
      tpu.enqueue_dma source(%arg9 : memref<128x80xf32, #tpu.memory_space<vmem>>) target(%dma_start3A_52 : memref<128x80xf32, #tpu.memory_space<hbm>>) target_semaphore(%arg12 : memref<!tpu.dma_semaphore, #tpu.memory_space<semaphore_mem>>)
      %mul3A_53 = arith.constant 640 : i32
      %mul3A_54 = arith.muli %arg1, %mul3A_53 : i32
      %add3A_55 = arith.constant 128 : i32
      %add3A_56 = arith.addi %mul3A_54, %add3A_55 : i32
      "tpu.region"() ({
        %run_scoped3A = tpu.sem_alloc : memref<!tpu.dma_semaphore, #tpu.memory_space<semaphore_mem>>
        %dma_start3A_140 = arith.constant 0 : i32
        %dma_start3A_141 = tpu.memref_slice %arg11[%add3A_56, %dma_start3A_140] : memref<10240x80xf32, #tpu.memory_space<vmem_shared>> -> memref<128x80xf32, #tpu.memory_space<vmem_shared>>
        %dma_start3A_142 = arith.constant 0 : i32
        %dma_start3A_143 = tpu.memref_slice %arg11[%add3A_56, %dma_start3A_142] : memref<10240x80xf32, #tpu.memory_space<vmem_shared>> -> memref<128x80xf32, #tpu.memory_space<vmem_shared>>
        tpu.enqueue_dma source(%dma_start3A_143 : memref<128x80xf32, #tpu.memory_space<vmem_shared>>) target(%arg10 : memref<128x80xf32, #tpu.memory_space<vmem>>) target_semaphore(%run_scoped3A : memref<!tpu.dma_semaphore, #tpu.memory_space<semaphore_mem>>)
        %dma_wait3A_144 = arith.constant 0 : i32
        %dma_wait3A_145 = tpu.memref_slice %arg11[%add3A_56, %dma_wait3A_144] : memref<10240x80xf32, #tpu.memory_space<vmem_shared>> -> memref<128x80xf32, #tpu.memory_space<vmem_shared>>
        %dma_wait3A_146 = arith.constant 0 : i32
        %dma_wait3A_147 = tpu.memref_slice %arg11[%add3A_56, %dma_wait3A_146] : memref<10240x80xf32, #tpu.memory_space<vmem_shared>> -> memref<128x80xf32, #tpu.memory_space<vmem_shared>>
        tpu.wait_dma2 semaphore(%run_scoped3A : memref<!tpu.dma_semaphore, #tpu.memory_space<semaphore_mem>>) src(%dma_wait3A_147 : memref<128x80xf32, #tpu.memory_space<vmem_shared>>) dst(%arg10 : memref<128x80xf32, #tpu.memory_space<vmem>>)
        tpu.yield
      }) : () -> ()
      %mul3A_57 = arith.constant 640 : i32
      %mul3A_58 = arith.muli %arg1, %mul3A_57 : i32
      %add3A_59 = arith.constant 128 : i32
      %add3A_60 = arith.addi %mul3A_58, %add3A_59 : i32
      %dma_start3A_61 = arith.constant 0 : i32
      %dma_start3A_62 = tpu.memref_slice %arg5[%add3A_60, %dma_start3A_61] : memref<10240x80xf32, #tpu.memory_space<hbm>> -> memref<128x80xf32, #tpu.memory_space<hbm>>
      %dma_start3A_63 = arith.constant 0 : i32
      %dma_start3A_64 = tpu.memref_slice %arg5[%add3A_60, %dma_start3A_63] : memref<10240x80xf32, #tpu.memory_space<hbm>> -> memref<128x80xf32, #tpu.memory_space<hbm>>
      tpu.enqueue_dma source(%arg10 : memref<128x80xf32, #tpu.memory_space<vmem>>) target(%dma_start3A_64 : memref<128x80xf32, #tpu.memory_space<hbm>>) target_semaphore(%arg13 : memref<!tpu.dma_semaphore, #tpu.memory_space<semaphore_mem>>)
      %mul3A_65 = arith.constant 640 : i32
      %mul3A_66 = arith.muli %arg1, %mul3A_65 : i32
      %add3A_67 = arith.constant 0 : i32
      %add3A_68 = arith.addi %mul3A_66, %add3A_67 : i32
      %dma_wait3A = arith.constant 0 : i32
      %dma_wait3A_69 = tpu.memref_slice %arg5[%add3A_68, %dma_wait3A] : memref<10240x80xf32, #tpu.memory_space<hbm>> -> memref<128x80xf32, #tpu.memory_space<hbm>>
      %dma_wait3A_70 = arith.constant 0 : i32
      %dma_wait3A_71 = tpu.memref_slice %arg5[%add3A_68, %dma_wait3A_70] : memref<10240x80xf32, #tpu.memory_space<hbm>> -> memref<128x80xf32, #tpu.memory_space<hbm>>
      tpu.wait_dma2 semaphore(%arg12 : memref<!tpu.dma_semaphore, #tpu.memory_space<semaphore_mem>>) src(%arg9 : memref<128x80xf32, #tpu.memory_space<vmem>>) dst(%dma_wait3A_71 : memref<128x80xf32, #tpu.memory_space<hbm>>)
      %mul3A_72 = arith.constant 640 : i32
      %mul3A_73 = arith.muli %arg1, %mul3A_72 : i32
      %add3A_74 = arith.constant 256 : i32
      %add3A_75 = arith.addi %mul3A_73, %add3A_74 : i32
      "tpu.region"() ({
        %run_scoped3A = tpu.sem_alloc : memref<!tpu.dma_semaphore, #tpu.memory_space<semaphore_mem>>
        %dma_start3A_140 = arith.constant 0 : i32
        %dma_start3A_141 = tpu.memref_slice %arg11[%add3A_75, %dma_start3A_140] : memref<10240x80xf32, #tpu.memory_space<vmem_shared>> -> memref<128x80xf32, #tpu.memory_space<vmem_shared>>
        %dma_start3A_142 = arith.constant 0 : i32
        %dma_start3A_143 = tpu.memref_slice %arg11[%add3A_75, %dma_start3A_142] : memref<10240x80xf32, #tpu.memory_space<vmem_shared>> -> memref<128x80xf32, #tpu.memory_space<vmem_shared>>
        tpu.enqueue_dma source(%dma_start3A_143 : memref<128x80xf32, #tpu.memory_space<vmem_shared>>) target(%arg9 : memref<128x80xf32, #tpu.memory_space<vmem>>) target_semaphore(%run_scoped3A : memref<!tpu.dma_semaphore, #tpu.memory_space<semaphore_mem>>)
        %dma_wait3A_144 = arith.constant 0 : i32
        %dma_wait3A_145 = tpu.memref_slice %arg11[%add3A_75, %dma_wait3A_144] : memref<10240x80xf32, #tpu.memory_space<vmem_shared>> -> memref<128x80xf32, #tpu.memory_space<vmem_shared>>
        %dma_wait3A_146 = arith.constant 0 : i32
        %dma_wait3A_147 = tpu.memref_slice %arg11[%add3A_75, %dma_wait3A_146] : memref<10240x80xf32, #tpu.memory_space<vmem_shared>> -> memref<128x80xf32, #tpu.memory_space<vmem_shared>>
        tpu.wait_dma2 semaphore(%run_scoped3A : memref<!tpu.dma_semaphore, #tpu.memory_space<semaphore_mem>>) src(%dma_wait3A_147 : memref<128x80xf32, #tpu.memory_space<vmem_shared>>) dst(%arg9 : memref<128x80xf32, #tpu.memory_space<vmem>>)
        tpu.yield
      }) : () -> ()
      %mul3A_76 = arith.constant 640 : i32
      %mul3A_77 = arith.muli %arg1, %mul3A_76 : i32
      %add3A_78 = arith.constant 256 : i32
      %add3A_79 = arith.addi %mul3A_77, %add3A_78 : i32
      %dma_start3A_80 = arith.constant 0 : i32
      %dma_start3A_81 = tpu.memref_slice %arg5[%add3A_79, %dma_start3A_80] : memref<10240x80xf32, #tpu.memory_space<hbm>> -> memref<128x80xf32, #tpu.memory_space<hbm>>
      %dma_start3A_82 = arith.constant 0 : i32
      %dma_start3A_83 = tpu.memref_slice %arg5[%add3A_79, %dma_start3A_82] : memref<10240x80xf32, #tpu.memory_space<hbm>> -> memref<128x80xf32, #tpu.memory_space<hbm>>
      tpu.enqueue_dma source(%arg9 : memref<128x80xf32, #tpu.memory_space<vmem>>) target(%dma_start3A_83 : memref<128x80xf32, #tpu.memory_space<hbm>>) target_semaphore(%arg12 : memref<!tpu.dma_semaphore, #tpu.memory_space<semaphore_mem>>)
      %mul3A_84 = arith.constant 640 : i32
      %mul3A_85 = arith.muli %arg1, %mul3A_84 : i32
      %add3A_86 = arith.constant 128 : i32
      %add3A_87 = arith.addi %mul3A_85, %add3A_86 : i32
      %dma_wait3A_88 = arith.constant 0 : i32
      %dma_wait3A_89 = tpu.memref_slice %arg5[%add3A_87, %dma_wait3A_88] : memref<10240x80xf32, #tpu.memory_space<hbm>> -> memref<128x80xf32, #tpu.memory_space<hbm>>
      %dma_wait3A_90 = arith.constant 0 : i32
      %dma_wait3A_91 = tpu.memref_slice %arg5[%add3A_87, %dma_wait3A_90] : memref<10240x80xf32, #tpu.memory_space<hbm>> -> memref<128x80xf32, #tpu.memory_space<hbm>>
      tpu.wait_dma2 semaphore(%arg13 : memref<!tpu.dma_semaphore, #tpu.memory_space<semaphore_mem>>) src(%arg10 : memref<128x80xf32, #tpu.memory_space<vmem>>) dst(%dma_wait3A_91 : memref<128x80xf32, #tpu.memory_space<hbm>>)
      %mul3A_92 = arith.constant 640 : i32
      %mul3A_93 = arith.muli %arg1, %mul3A_92 : i32
      %add3A_94 = arith.constant 384 : i32
      %add3A_95 = arith.addi %mul3A_93, %add3A_94 : i32
      "tpu.region"() ({
        %run_scoped3A = tpu.sem_alloc : memref<!tpu.dma_semaphore, #tpu.memory_space<semaphore_mem>>
        %dma_start3A_140 = arith.constant 0 : i32
        %dma_start3A_141 = tpu.memref_slice %arg11[%add3A_95, %dma_start3A_140] : memref<10240x80xf32, #tpu.memory_space<vmem_shared>> -> memref<128x80xf32, #tpu.memory_space<vmem_shared>>
        %dma_start3A_142 = arith.constant 0 : i32
        %dma_start3A_143 = tpu.memref_slice %arg11[%add3A_95, %dma_start3A_142] : memref<10240x80xf32, #tpu.memory_space<vmem_shared>> -> memref<128x80xf32, #tpu.memory_space<vmem_shared>>
        tpu.enqueue_dma source(%dma_start3A_143 : memref<128x80xf32, #tpu.memory_space<vmem_shared>>) target(%arg10 : memref<128x80xf32, #tpu.memory_space<vmem>>) target_semaphore(%run_scoped3A : memref<!tpu.dma_semaphore, #tpu.memory_space<semaphore_mem>>)
        %dma_wait3A_144 = arith.constant 0 : i32
        %dma_wait3A_145 = tpu.memref_slice %arg11[%add3A_95, %dma_wait3A_144] : memref<10240x80xf32, #tpu.memory_space<vmem_shared>> -> memref<128x80xf32, #tpu.memory_space<vmem_shared>>
        %dma_wait3A_146 = arith.constant 0 : i32
        %dma_wait3A_147 = tpu.memref_slice %arg11[%add3A_95, %dma_wait3A_146] : memref<10240x80xf32, #tpu.memory_space<vmem_shared>> -> memref<128x80xf32, #tpu.memory_space<vmem_shared>>
        tpu.wait_dma2 semaphore(%run_scoped3A : memref<!tpu.dma_semaphore, #tpu.memory_space<semaphore_mem>>) src(%dma_wait3A_147 : memref<128x80xf32, #tpu.memory_space<vmem_shared>>) dst(%arg10 : memref<128x80xf32, #tpu.memory_space<vmem>>)
        tpu.yield
      }) : () -> ()
      %mul3A_96 = arith.constant 640 : i32
      %mul3A_97 = arith.muli %arg1, %mul3A_96 : i32
      %add3A_98 = arith.constant 384 : i32
      %add3A_99 = arith.addi %mul3A_97, %add3A_98 : i32
      %dma_start3A_100 = arith.constant 0 : i32
      %dma_start3A_101 = tpu.memref_slice %arg5[%add3A_99, %dma_start3A_100] : memref<10240x80xf32, #tpu.memory_space<hbm>> -> memref<128x80xf32, #tpu.memory_space<hbm>>
      %dma_start3A_102 = arith.constant 0 : i32
      %dma_start3A_103 = tpu.memref_slice %arg5[%add3A_99, %dma_start3A_102] : memref<10240x80xf32, #tpu.memory_space<hbm>> -> memref<128x80xf32, #tpu.memory_space<hbm>>
      tpu.enqueue_dma source(%arg10 : memref<128x80xf32, #tpu.memory_space<vmem>>) target(%dma_start3A_103 : memref<128x80xf32, #tpu.memory_space<hbm>>) target_semaphore(%arg13 : memref<!tpu.dma_semaphore, #tpu.memory_space<semaphore_mem>>)
      %mul3A_104 = arith.constant 640 : i32
      %mul3A_105 = arith.muli %arg1, %mul3A_104 : i32
      %add3A_106 = arith.constant 256 : i32
      %add3A_107 = arith.addi %mul3A_105, %add3A_106 : i32
      %dma_wait3A_108 = arith.constant 0 : i32
      %dma_wait3A_109 = tpu.memref_slice %arg5[%add3A_107, %dma_wait3A_108] : memref<10240x80xf32, #tpu.memory_space<hbm>> -> memref<128x80xf32, #tpu.memory_space<hbm>>
      %dma_wait3A_110 = arith.constant 0 : i32
      %dma_wait3A_111 = tpu.memref_slice %arg5[%add3A_107, %dma_wait3A_110] : memref<10240x80xf32, #tpu.memory_space<hbm>> -> memref<128x80xf32, #tpu.memory_space<hbm>>
      tpu.wait_dma2 semaphore(%arg12 : memref<!tpu.dma_semaphore, #tpu.memory_space<semaphore_mem>>) src(%arg9 : memref<128x80xf32, #tpu.memory_space<vmem>>) dst(%dma_wait3A_111 : memref<128x80xf32, #tpu.memory_space<hbm>>)
      %mul3A_112 = arith.constant 640 : i32
      %mul3A_113 = arith.muli %arg1, %mul3A_112 : i32
      %add3A_114 = arith.constant 512 : i32
      %add3A_115 = arith.addi %mul3A_113, %add3A_114 : i32
      "tpu.region"() ({
        %run_scoped3A = tpu.sem_alloc : memref<!tpu.dma_semaphore, #tpu.memory_space<semaphore_mem>>
        %dma_start3A_140 = arith.constant 0 : i32
        %dma_start3A_141 = tpu.memref_slice %arg11[%add3A_115, %dma_start3A_140] : memref<10240x80xf32, #tpu.memory_space<vmem_shared>> -> memref<128x80xf32, #tpu.memory_space<vmem_shared>>
        %dma_start3A_142 = arith.constant 0 : i32
        %dma_start3A_143 = tpu.memref_slice %arg11[%add3A_115, %dma_start3A_142] : memref<10240x80xf32, #tpu.memory_space<vmem_shared>> -> memref<128x80xf32, #tpu.memory_space<vmem_shared>>
        tpu.enqueue_dma source(%dma_start3A_143 : memref<128x80xf32, #tpu.memory_space<vmem_shared>>) target(%arg9 : memref<128x80xf32, #tpu.memory_space<vmem>>) target_semaphore(%run_scoped3A : memref<!tpu.dma_semaphore, #tpu.memory_space<semaphore_mem>>)
        %dma_wait3A_144 = arith.constant 0 : i32
        %dma_wait3A_145 = tpu.memref_slice %arg11[%add3A_115, %dma_wait3A_144] : memref<10240x80xf32, #tpu.memory_space<vmem_shared>> -> memref<128x80xf32, #tpu.memory_space<vmem_shared>>
        %dma_wait3A_146 = arith.constant 0 : i32
        %dma_wait3A_147 = tpu.memref_slice %arg11[%add3A_115, %dma_wait3A_146] : memref<10240x80xf32, #tpu.memory_space<vmem_shared>> -> memref<128x80xf32, #tpu.memory_space<vmem_shared>>
        tpu.wait_dma2 semaphore(%run_scoped3A : memref<!tpu.dma_semaphore, #tpu.memory_space<semaphore_mem>>) src(%dma_wait3A_147 : memref<128x80xf32, #tpu.memory_space<vmem_shared>>) dst(%arg9 : memref<128x80xf32, #tpu.memory_space<vmem>>)
        tpu.yield
      }) : () -> ()
      %mul3A_116 = arith.constant 640 : i32
      %mul3A_117 = arith.muli %arg1, %mul3A_116 : i32
      %add3A_118 = arith.constant 512 : i32
      %add3A_119 = arith.addi %mul3A_117, %add3A_118 : i32
      %dma_start3A_120 = arith.constant 0 : i32
      %dma_start3A_121 = tpu.memref_slice %arg5[%add3A_119, %dma_start3A_120] : memref<10240x80xf32, #tpu.memory_space<hbm>> -> memref<128x80xf32, #tpu.memory_space<hbm>>
      %dma_start3A_122 = arith.constant 0 : i32
      %dma_start3A_123 = tpu.memref_slice %arg5[%add3A_119, %dma_start3A_122] : memref<10240x80xf32, #tpu.memory_space<hbm>> -> memref<128x80xf32, #tpu.memory_space<hbm>>
      tpu.enqueue_dma source(%arg9 : memref<128x80xf32, #tpu.memory_space<vmem>>) target(%dma_start3A_123 : memref<128x80xf32, #tpu.memory_space<hbm>>) target_semaphore(%arg12 : memref<!tpu.dma_semaphore, #tpu.memory_space<semaphore_mem>>)
      %mul3A_124 = arith.constant 640 : i32
      %mul3A_125 = arith.muli %arg1, %mul3A_124 : i32
      %add3A_126 = arith.constant 384 : i32
      %add3A_127 = arith.addi %mul3A_125, %add3A_126 : i32
      %dma_wait3A_128 = arith.constant 0 : i32
      %dma_wait3A_129 = tpu.memref_slice %arg5[%add3A_127, %dma_wait3A_128] : memref<10240x80xf32, #tpu.memory_space<hbm>> -> memref<128x80xf32, #tpu.memory_space<hbm>>
      %dma_wait3A_130 = arith.constant 0 : i32
      %dma_wait3A_131 = tpu.memref_slice %arg5[%add3A_127, %dma_wait3A_130] : memref<10240x80xf32, #tpu.memory_space<hbm>> -> memref<128x80xf32, #tpu.memory_space<hbm>>
      tpu.wait_dma2 semaphore(%arg13 : memref<!tpu.dma_semaphore, #tpu.memory_space<semaphore_mem>>) src(%arg10 : memref<128x80xf32, #tpu.memory_space<vmem>>) dst(%dma_wait3A_131 : memref<128x80xf32, #tpu.memory_space<hbm>>)
      %mul3A_132 = arith.constant 640 : i32
      %mul3A_133 = arith.muli %arg1, %mul3A_132 : i32
      %add3A_134 = arith.constant 512 : i32
      %add3A_135 = arith.addi %mul3A_133, %add3A_134 : i32
      %dma_wait3A_136 = arith.constant 0 : i32
      %dma_wait3A_137 = tpu.memref_slice %arg5[%add3A_135, %dma_wait3A_136] : memref<10240x80xf32, #tpu.memory_space<hbm>> -> memref<128x80xf32, #tpu.memory_space<hbm>>
      %dma_wait3A_138 = arith.constant 0 : i32
      %dma_wait3A_139 = tpu.memref_slice %arg5[%add3A_135, %dma_wait3A_138] : memref<10240x80xf32, #tpu.memory_space<hbm>> -> memref<128x80xf32, #tpu.memory_space<hbm>>
      tpu.wait_dma2 semaphore(%arg12 : memref<!tpu.dma_semaphore, #tpu.memory_space<semaphore_mem>>) src(%arg9 : memref<128x80xf32, #tpu.memory_space<vmem>>) dst(%dma_wait3A_139 : memref<128x80xf32, #tpu.memory_space<hbm>>)
    } else {
    }
    %eq3A_37 = arith.constant 1 : i32
    %eq3A_38 = arith.cmpi eq, %arg0, %eq3A_37 : i32
    %convert_element_type3A_39 = arith.extui %eq3A_38 : i1 to i32
    %cond3A_40 = arith.constant 0 : i32
    %cond3A_41 = arith.cmpi ne, %convert_element_type3A_39, %cond3A_40 : i32
    scf.if %cond3A_41 {
      %mul3A_42 = arith.constant 640 : i32
      %mul3A_43 = arith.muli %arg1, %mul3A_42 : i32
      %add3A_44 = arith.constant 0 : i32
      %add3A_45 = arith.addi %mul3A_43, %add3A_44 : i32
      "tpu.region"() ({
        %run_scoped3A = tpu.sem_alloc : memref<!tpu.dma_semaphore, #tpu.memory_space<semaphore_mem>>
        %dma_start3A_140 = arith.constant 0 : i32
        %dma_start3A_141 = tpu.memref_slice %arg11[%add3A_45, %dma_start3A_140] : memref<10240x80xf32, #tpu.memory_space<vmem_shared>> -> memref<128x80xf32, #tpu.memory_space<vmem_shared>>
        %dma_start3A_142 = arith.constant 0 : i32
        %dma_start3A_143 = tpu.memref_slice %arg11[%add3A_45, %dma_start3A_142] : memref<10240x80xf32, #tpu.memory_space<vmem_shared>> -> memref<128x80xf32, #tpu.memory_space<vmem_shared>>
        tpu.enqueue_dma source(%dma_start3A_143 : memref<128x80xf32, #tpu.memory_space<vmem_shared>>) target(%arg9 : memref<128x80xf32, #tpu.memory_space<vmem>>) target_semaphore(%run_scoped3A : memref<!tpu.dma_semaphore, #tpu.memory_space<semaphore_mem>>)
        %dma_wait3A_144 = arith.constant 0 : i32
        %dma_wait3A_145 = tpu.memref_slice %arg11[%add3A_45, %dma_wait3A_144] : memref<10240x80xf32, #tpu.memory_space<vmem_shared>> -> memref<128x80xf32, #tpu.memory_space<vmem_shared>>
        %dma_wait3A_146 = arith.constant 0 : i32
        %dma_wait3A_147 = tpu.memref_slice %arg11[%add3A_45, %dma_wait3A_146] : memref<10240x80xf32, #tpu.memory_space<vmem_shared>> -> memref<128x80xf32, #tpu.memory_space<vmem_shared>>
        tpu.wait_dma2 semaphore(%run_scoped3A : memref<!tpu.dma_semaphore, #tpu.memory_space<semaphore_mem>>) src(%dma_wait3A_147 : memref<128x80xf32, #tpu.memory_space<vmem_shared>>) dst(%arg9 : memref<128x80xf32, #tpu.memory_space<vmem>>)
        tpu.yield
      }) : () -> ()
      %mul3A_46 = arith.constant 640 : i32
      %mul3A_47 = arith.muli %arg1, %mul3A_46 : i32
      %add3A_48 = arith.constant 0 : i32
      %add3A_49 = arith.addi %mul3A_47, %add3A_48 : i32
      %dma_start3A = arith.constant 0 : i32
      %dma_start3A_50 = tpu.memref_slice %arg6[%add3A_49, %dma_start3A] : memref<10240x80xf32, #tpu.memory_space<hbm>> -> memref<128x80xf32, #tpu.memory_space<hbm>>
      %dma_start3A_51 = arith.constant 0 : i32
      %dma_start3A_52 = tpu.memref_slice %arg6[%add3A_49, %dma_start3A_51] : memref<10240x80xf32, #tpu.memory_space<hbm>> -> memref<128x80xf32, #tpu.memory_space<hbm>>
      tpu.enqueue_dma source(%arg9 : memref<128x80xf32, #tpu.memory_space<vmem>>) target(%dma_start3A_52 : memref<128x80xf32, #tpu.memory_space<hbm>>) target_semaphore(%arg12 : memref<!tpu.dma_semaphore, #tpu.memory_space<semaphore_mem>>)
      %mul3A_53 = arith.constant 640 : i32
      %mul3A_54 = arith.muli %arg1, %mul3A_53 : i32
      %add3A_55 = arith.constant 128 : i32
      %add3A_56 = arith.addi %mul3A_54, %add3A_55 : i32
      "tpu.region"() ({
        %run_scoped3A = tpu.sem_alloc : memref<!tpu.dma_semaphore, #tpu.memory_space<semaphore_mem>>
        %dma_start3A_140 = arith.constant 0 : i32
        %dma_start3A_141 = tpu.memref_slice %arg11[%add3A_56, %dma_start3A_140] : memref<10240x80xf32, #tpu.memory_space<vmem_shared>> -> memref<128x80xf32, #tpu.memory_space<vmem_shared>>
        %dma_start3A_142 = arith.constant 0 : i32
        %dma_start3A_143 = tpu.memref_slice %arg11[%add3A_56, %dma_start3A_142] : memref<10240x80xf32, #tpu.memory_space<vmem_shared>> -> memref<128x80xf32, #tpu.memory_space<vmem_shared>>
        tpu.enqueue_dma source(%dma_start3A_143 : memref<128x80xf32, #tpu.memory_space<vmem_shared>>) target(%arg10 : memref<128x80xf32, #tpu.memory_space<vmem>>) target_semaphore(%run_scoped3A : memref<!tpu.dma_semaphore, #tpu.memory_space<semaphore_mem>>)
        %dma_wait3A_144 = arith.constant 0 : i32
        %dma_wait3A_145 = tpu.memref_slice %arg11[%add3A_56, %dma_wait3A_144] : memref<10240x80xf32, #tpu.memory_space<vmem_shared>> -> memref<128x80xf32, #tpu.memory_space<vmem_shared>>
        %dma_wait3A_146 = arith.constant 0 : i32
        %dma_wait3A_147 = tpu.memref_slice %arg11[%add3A_56, %dma_wait3A_146] : memref<10240x80xf32, #tpu.memory_space<vmem_shared>> -> memref<128x80xf32, #tpu.memory_space<vmem_shared>>
        tpu.wait_dma2 semaphore(%run_scoped3A : memref<!tpu.dma_semaphore, #tpu.memory_space<semaphore_mem>>) src(%dma_wait3A_147 : memref<128x80xf32, #tpu.memory_space<vmem_shared>>) dst(%arg10 : memref<128x80xf32, #tpu.memory_space<vmem>>)
        tpu.yield
      }) : () -> ()
      %mul3A_57 = arith.constant 640 : i32
      %mul3A_58 = arith.muli %arg1, %mul3A_57 : i32
      %add3A_59 = arith.constant 128 : i32
      %add3A_60 = arith.addi %mul3A_58, %add3A_59 : i32
      %dma_start3A_61 = arith.constant 0 : i32
      %dma_start3A_62 = tpu.memref_slice %arg6[%add3A_60, %dma_start3A_61] : memref<10240x80xf32, #tpu.memory_space<hbm>> -> memref<128x80xf32, #tpu.memory_space<hbm>>
      %dma_start3A_63 = arith.constant 0 : i32
      %dma_start3A_64 = tpu.memref_slice %arg6[%add3A_60, %dma_start3A_63] : memref<10240x80xf32, #tpu.memory_space<hbm>> -> memref<128x80xf32, #tpu.memory_space<hbm>>
      tpu.enqueue_dma source(%arg10 : memref<128x80xf32, #tpu.memory_space<vmem>>) target(%dma_start3A_64 : memref<128x80xf32, #tpu.memory_space<hbm>>) target_semaphore(%arg13 : memref<!tpu.dma_semaphore, #tpu.memory_space<semaphore_mem>>)
      %mul3A_65 = arith.constant 640 : i32
      %mul3A_66 = arith.muli %arg1, %mul3A_65 : i32
      %add3A_67 = arith.constant 0 : i32
      %add3A_68 = arith.addi %mul3A_66, %add3A_67 : i32
      %dma_wait3A = arith.constant 0 : i32
      %dma_wait3A_69 = tpu.memref_slice %arg6[%add3A_68, %dma_wait3A] : memref<10240x80xf32, #tpu.memory_space<hbm>> -> memref<128x80xf32, #tpu.memory_space<hbm>>
      %dma_wait3A_70 = arith.constant 0 : i32
      %dma_wait3A_71 = tpu.memref_slice %arg6[%add3A_68, %dma_wait3A_70] : memref<10240x80xf32, #tpu.memory_space<hbm>> -> memref<128x80xf32, #tpu.memory_space<hbm>>
      tpu.wait_dma2 semaphore(%arg12 : memref<!tpu.dma_semaphore, #tpu.memory_space<semaphore_mem>>) src(%arg9 : memref<128x80xf32, #tpu.memory_space<vmem>>) dst(%dma_wait3A_71 : memref<128x80xf32, #tpu.memory_space<hbm>>)
      %mul3A_72 = arith.constant 640 : i32
      %mul3A_73 = arith.muli %arg1, %mul3A_72 : i32
      %add3A_74 = arith.constant 256 : i32
      %add3A_75 = arith.addi %mul3A_73, %add3A_74 : i32
      "tpu.region"() ({
        %run_scoped3A = tpu.sem_alloc : memref<!tpu.dma_semaphore, #tpu.memory_space<semaphore_mem>>
        %dma_start3A_140 = arith.constant 0 : i32
        %dma_start3A_141 = tpu.memref_slice %arg11[%add3A_75, %dma_start3A_140] : memref<10240x80xf32, #tpu.memory_space<vmem_shared>> -> memref<128x80xf32, #tpu.memory_space<vmem_shared>>
        %dma_start3A_142 = arith.constant 0 : i32
        %dma_start3A_143 = tpu.memref_slice %arg11[%add3A_75, %dma_start3A_142] : memref<10240x80xf32, #tpu.memory_space<vmem_shared>> -> memref<128x80xf32, #tpu.memory_space<vmem_shared>>
        tpu.enqueue_dma source(%dma_start3A_143 : memref<128x80xf32, #tpu.memory_space<vmem_shared>>) target(%arg9 : memref<128x80xf32, #tpu.memory_space<vmem>>) target_semaphore(%run_scoped3A : memref<!tpu.dma_semaphore, #tpu.memory_space<semaphore_mem>>)
        %dma_wait3A_144 = arith.constant 0 : i32
        %dma_wait3A_145 = tpu.memref_slice %arg11[%add3A_75, %dma_wait3A_144] : memref<10240x80xf32, #tpu.memory_space<vmem_shared>> -> memref<128x80xf32, #tpu.memory_space<vmem_shared>>
        %dma_wait3A_146 = arith.constant 0 : i32
        %dma_wait3A_147 = tpu.memref_slice %arg11[%add3A_75, %dma_wait3A_146] : memref<10240x80xf32, #tpu.memory_space<vmem_shared>> -> memref<128x80xf32, #tpu.memory_space<vmem_shared>>
        tpu.wait_dma2 semaphore(%run_scoped3A : memref<!tpu.dma_semaphore, #tpu.memory_space<semaphore_mem>>) src(%dma_wait3A_147 : memref<128x80xf32, #tpu.memory_space<vmem_shared>>) dst(%arg9 : memref<128x80xf32, #tpu.memory_space<vmem>>)
        tpu.yield
      }) : () -> ()
      %mul3A_76 = arith.constant 640 : i32
      %mul3A_77 = arith.muli %arg1, %mul3A_76 : i32
      %add3A_78 = arith.constant 256 : i32
      %add3A_79 = arith.addi %mul3A_77, %add3A_78 : i32
      %dma_start3A_80 = arith.constant 0 : i32
      %dma_start3A_81 = tpu.memref_slice %arg6[%add3A_79, %dma_start3A_80] : memref<10240x80xf32, #tpu.memory_space<hbm>> -> memref<128x80xf32, #tpu.memory_space<hbm>>
      %dma_start3A_82 = arith.constant 0 : i32
      %dma_start3A_83 = tpu.memref_slice %arg6[%add3A_79, %dma_start3A_82] : memref<10240x80xf32, #tpu.memory_space<hbm>> -> memref<128x80xf32, #tpu.memory_space<hbm>>
      tpu.enqueue_dma source(%arg9 : memref<128x80xf32, #tpu.memory_space<vmem>>) target(%dma_start3A_83 : memref<128x80xf32, #tpu.memory_space<hbm>>) target_semaphore(%arg12 : memref<!tpu.dma_semaphore, #tpu.memory_space<semaphore_mem>>)
      %mul3A_84 = arith.constant 640 : i32
      %mul3A_85 = arith.muli %arg1, %mul3A_84 : i32
      %add3A_86 = arith.constant 128 : i32
      %add3A_87 = arith.addi %mul3A_85, %add3A_86 : i32
      %dma_wait3A_88 = arith.constant 0 : i32
      %dma_wait3A_89 = tpu.memref_slice %arg6[%add3A_87, %dma_wait3A_88] : memref<10240x80xf32, #tpu.memory_space<hbm>> -> memref<128x80xf32, #tpu.memory_space<hbm>>
      %dma_wait3A_90 = arith.constant 0 : i32
      %dma_wait3A_91 = tpu.memref_slice %arg6[%add3A_87, %dma_wait3A_90] : memref<10240x80xf32, #tpu.memory_space<hbm>> -> memref<128x80xf32, #tpu.memory_space<hbm>>
      tpu.wait_dma2 semaphore(%arg13 : memref<!tpu.dma_semaphore, #tpu.memory_space<semaphore_mem>>) src(%arg10 : memref<128x80xf32, #tpu.memory_space<vmem>>) dst(%dma_wait3A_91 : memref<128x80xf32, #tpu.memory_space<hbm>>)
      %mul3A_92 = arith.constant 640 : i32
      %mul3A_93 = arith.muli %arg1, %mul3A_92 : i32
      %add3A_94 = arith.constant 384 : i32
      %add3A_95 = arith.addi %mul3A_93, %add3A_94 : i32
      "tpu.region"() ({
        %run_scoped3A = tpu.sem_alloc : memref<!tpu.dma_semaphore, #tpu.memory_space<semaphore_mem>>
        %dma_start3A_140 = arith.constant 0 : i32
        %dma_start3A_141 = tpu.memref_slice %arg11[%add3A_95, %dma_start3A_140] : memref<10240x80xf32, #tpu.memory_space<vmem_shared>> -> memref<128x80xf32, #tpu.memory_space<vmem_shared>>
        %dma_start3A_142 = arith.constant 0 : i32
        %dma_start3A_143 = tpu.memref_slice %arg11[%add3A_95, %dma_start3A_142] : memref<10240x80xf32, #tpu.memory_space<vmem_shared>> -> memref<128x80xf32, #tpu.memory_space<vmem_shared>>
        tpu.enqueue_dma source(%dma_start3A_143 : memref<128x80xf32, #tpu.memory_space<vmem_shared>>) target(%arg10 : memref<128x80xf32, #tpu.memory_space<vmem>>) target_semaphore(%run_scoped3A : memref<!tpu.dma_semaphore, #tpu.memory_space<semaphore_mem>>)
        %dma_wait3A_144 = arith.constant 0 : i32
        %dma_wait3A_145 = tpu.memref_slice %arg11[%add3A_95, %dma_wait3A_144] : memref<10240x80xf32, #tpu.memory_space<vmem_shared>> -> memref<128x80xf32, #tpu.memory_space<vmem_shared>>
        %dma_wait3A_146 = arith.constant 0 : i32
        %dma_wait3A_147 = tpu.memref_slice %arg11[%add3A_95, %dma_wait3A_146] : memref<10240x80xf32, #tpu.memory_space<vmem_shared>> -> memref<128x80xf32, #tpu.memory_space<vmem_shared>>
        tpu.wait_dma2 semaphore(%run_scoped3A : memref<!tpu.dma_semaphore, #tpu.memory_space<semaphore_mem>>) src(%dma_wait3A_147 : memref<128x80xf32, #tpu.memory_space<vmem_shared>>) dst(%arg10 : memref<128x80xf32, #tpu.memory_space<vmem>>)
        tpu.yield
      }) : () -> ()
      %mul3A_96 = arith.constant 640 : i32
      %mul3A_97 = arith.muli %arg1, %mul3A_96 : i32
      %add3A_98 = arith.constant 384 : i32
      %add3A_99 = arith.addi %mul3A_97, %add3A_98 : i32
      %dma_start3A_100 = arith.constant 0 : i32
      %dma_start3A_101 = tpu.memref_slice %arg6[%add3A_99, %dma_start3A_100] : memref<10240x80xf32, #tpu.memory_space<hbm>> -> memref<128x80xf32, #tpu.memory_space<hbm>>
      %dma_start3A_102 = arith.constant 0 : i32
      %dma_start3A_103 = tpu.memref_slice %arg6[%add3A_99, %dma_start3A_102] : memref<10240x80xf32, #tpu.memory_space<hbm>> -> memref<128x80xf32, #tpu.memory_space<hbm>>
      tpu.enqueue_dma source(%arg10 : memref<128x80xf32, #tpu.memory_space<vmem>>) target(%dma_start3A_103 : memref<128x80xf32, #tpu.memory_space<hbm>>) target_semaphore(%arg13 : memref<!tpu.dma_semaphore, #tpu.memory_space<semaphore_mem>>)
      %mul3A_104 = arith.constant 640 : i32
      %mul3A_105 = arith.muli %arg1, %mul3A_104 : i32
      %add3A_106 = arith.constant 256 : i32
      %add3A_107 = arith.addi %mul3A_105, %add3A_106 : i32
      %dma_wait3A_108 = arith.constant 0 : i32
      %dma_wait3A_109 = tpu.memref_slice %arg6[%add3A_107, %dma_wait3A_108] : memref<10240x80xf32, #tpu.memory_space<hbm>> -> memref<128x80xf32, #tpu.memory_space<hbm>>
      %dma_wait3A_110 = arith.constant 0 : i32
      %dma_wait3A_111 = tpu.memref_slice %arg6[%add3A_107, %dma_wait3A_110] : memref<10240x80xf32, #tpu.memory_space<hbm>> -> memref<128x80xf32, #tpu.memory_space<hbm>>
      tpu.wait_dma2 semaphore(%arg12 : memref<!tpu.dma_semaphore, #tpu.memory_space<semaphore_mem>>) src(%arg9 : memref<128x80xf32, #tpu.memory_space<vmem>>) dst(%dma_wait3A_111 : memref<128x80xf32, #tpu.memory_space<hbm>>)
      %mul3A_112 = arith.constant 640 : i32
      %mul3A_113 = arith.muli %arg1, %mul3A_112 : i32
      %add3A_114 = arith.constant 512 : i32
      %add3A_115 = arith.addi %mul3A_113, %add3A_114 : i32
      "tpu.region"() ({
        %run_scoped3A = tpu.sem_alloc : memref<!tpu.dma_semaphore, #tpu.memory_space<semaphore_mem>>
        %dma_start3A_140 = arith.constant 0 : i32
        %dma_start3A_141 = tpu.memref_slice %arg11[%add3A_115, %dma_start3A_140] : memref<10240x80xf32, #tpu.memory_space<vmem_shared>> -> memref<128x80xf32, #tpu.memory_space<vmem_shared>>
        %dma_start3A_142 = arith.constant 0 : i32
        %dma_start3A_143 = tpu.memref_slice %arg11[%add3A_115, %dma_start3A_142] : memref<10240x80xf32, #tpu.memory_space<vmem_shared>> -> memref<128x80xf32, #tpu.memory_space<vmem_shared>>
        tpu.enqueue_dma source(%dma_start3A_143 : memref<128x80xf32, #tpu.memory_space<vmem_shared>>) target(%arg9 : memref<128x80xf32, #tpu.memory_space<vmem>>) target_semaphore(%run_scoped3A : memref<!tpu.dma_semaphore, #tpu.memory_space<semaphore_mem>>)
        %dma_wait3A_144 = arith.constant 0 : i32
        %dma_wait3A_145 = tpu.memref_slice %arg11[%add3A_115, %dma_wait3A_144] : memref<10240x80xf32, #tpu.memory_space<vmem_shared>> -> memref<128x80xf32, #tpu.memory_space<vmem_shared>>
        %dma_wait3A_146 = arith.constant 0 : i32
        %dma_wait3A_147 = tpu.memref_slice %arg11[%add3A_115, %dma_wait3A_146] : memref<10240x80xf32, #tpu.memory_space<vmem_shared>> -> memref<128x80xf32, #tpu.memory_space<vmem_shared>>
        tpu.wait_dma2 semaphore(%run_scoped3A : memref<!tpu.dma_semaphore, #tpu.memory_space<semaphore_mem>>) src(%dma_wait3A_147 : memref<128x80xf32, #tpu.memory_space<vmem_shared>>) dst(%arg9 : memref<128x80xf32, #tpu.memory_space<vmem>>)
        tpu.yield
      }) : () -> ()
      %mul3A_116 = arith.constant 640 : i32
      %mul3A_117 = arith.muli %arg1, %mul3A_116 : i32
      %add3A_118 = arith.constant 512 : i32
      %add3A_119 = arith.addi %mul3A_117, %add3A_118 : i32
      %dma_start3A_120 = arith.constant 0 : i32
      %dma_start3A_121 = tpu.memref_slice %arg6[%add3A_119, %dma_start3A_120] : memref<10240x80xf32, #tpu.memory_space<hbm>> -> memref<128x80xf32, #tpu.memory_space<hbm>>
      %dma_start3A_122 = arith.constant 0 : i32
      %dma_start3A_123 = tpu.memref_slice %arg6[%add3A_119, %dma_start3A_122] : memref<10240x80xf32, #tpu.memory_space<hbm>> -> memref<128x80xf32, #tpu.memory_space<hbm>>
      tpu.enqueue_dma source(%arg9 : memref<128x80xf32, #tpu.memory_space<vmem>>) target(%dma_start3A_123 : memref<128x80xf32, #tpu.memory_space<hbm>>) target_semaphore(%arg12 : memref<!tpu.dma_semaphore, #tpu.memory_space<semaphore_mem>>)
      %mul3A_124 = arith.constant 640 : i32
      %mul3A_125 = arith.muli %arg1, %mul3A_124 : i32
      %add3A_126 = arith.constant 384 : i32
      %add3A_127 = arith.addi %mul3A_125, %add3A_126 : i32
      %dma_wait3A_128 = arith.constant 0 : i32
      %dma_wait3A_129 = tpu.memref_slice %arg6[%add3A_127, %dma_wait3A_128] : memref<10240x80xf32, #tpu.memory_space<hbm>> -> memref<128x80xf32, #tpu.memory_space<hbm>>
      %dma_wait3A_130 = arith.constant 0 : i32
      %dma_wait3A_131 = tpu.memref_slice %arg6[%add3A_127, %dma_wait3A_130] : memref<10240x80xf32, #tpu.memory_space<hbm>> -> memref<128x80xf32, #tpu.memory_space<hbm>>
      tpu.wait_dma2 semaphore(%arg13 : memref<!tpu.dma_semaphore, #tpu.memory_space<semaphore_mem>>) src(%arg10 : memref<128x80xf32, #tpu.memory_space<vmem>>) dst(%dma_wait3A_131 : memref<128x80xf32, #tpu.memory_space<hbm>>)
      %mul3A_132 = arith.constant 640 : i32
      %mul3A_133 = arith.muli %arg1, %mul3A_132 : i32
      %add3A_134 = arith.constant 512 : i32
      %add3A_135 = arith.addi %mul3A_133, %add3A_134 : i32
      %dma_wait3A_136 = arith.constant 0 : i32
      %dma_wait3A_137 = tpu.memref_slice %arg6[%add3A_135, %dma_wait3A_136] : memref<10240x80xf32, #tpu.memory_space<hbm>> -> memref<128x80xf32, #tpu.memory_space<hbm>>
      %dma_wait3A_138 = arith.constant 0 : i32
      %dma_wait3A_139 = tpu.memref_slice %arg6[%add3A_135, %dma_wait3A_138] : memref<10240x80xf32, #tpu.memory_space<hbm>> -> memref<128x80xf32, #tpu.memory_space<hbm>>
      tpu.wait_dma2 semaphore(%arg12 : memref<!tpu.dma_semaphore, #tpu.memory_space<semaphore_mem>>) src(%arg9 : memref<128x80xf32, #tpu.memory_space<vmem>>) dst(%dma_wait3A_139 : memref<128x80xf32, #tpu.memory_space<hbm>>)
    } else {
    }
    return
  }
}

#map = affine_map<(d0, d1) -> (0, 0)>
module attributes {stable_mosaic.version = 14 : i64} {
  func.func @body(%arg0: i32, %arg1: i32, %arg2: memref<10240x64xf32, #tpu.memory_space<hbm>>, %arg3: memref<2560x128xi32, #tpu.memory_space<hbm>>, %arg4: memref<2560x128xi32, #tpu.memory_space<hbm>>, %arg5: memref<10240x64xf32, #tpu.memory_space<hbm>>, %arg6: memref<10240x64xf32, #tpu.memory_space<hbm>>, %arg7: memref<118x128xi32, #tpu.memory_space<vmem>>, %arg8: memref<118x128xi32, #tpu.memory_space<vmem>>, %arg9: memref<128x64xf32, #tpu.memory_space<vmem>>, %arg10: memref<128x64xf32, #tpu.memory_space<vmem>>, %arg11: memref<10240x64xf32, #tpu.memory_space<vmem_shared>>, %arg12: memref<!tpu.dma_semaphore, #tpu.memory_space<semaphore_mem>>, %arg13: memref<!tpu.dma_semaphore, #tpu.memory_space<semaphore_mem>>) attributes {dimension_semantics = [#tpu.dimension_semantics<core_parallel>, #tpu.dimension_semantics<subcore_parallel>], iteration_bounds = array<i64: 2, 16>, scalar_prefetch = 0 : i64, scratch_operands = 7 : i64, tpu.core_type = #tpu.core_type<sc_vector_subcore>, window_params = [{transform_indices = #map}, {transform_indices = #map}, {transform_indices = #map}, {transform_indices = #map}, {transform_indices = #map}]} {
    %broadcast_in_dim3A = arith.constant 0.000000e+00 : f32
    %broadcast_in_dim3A_0 = vector.broadcast %broadcast_in_dim3A : f32 to vector<16xf32>
    %scan3A = arith.constant 0 : i32
    %scan3A_1 = arith.constant 0 : i32
    %scan3A_2 = arith.constant 128 : i32
    %scan3A_3 = arith.addi %scan3A_1, %scan3A_2 : i32
    %scan3A_4 = arith.constant 1 : i32
    %scan3A_5 = scf.for %scan3A_42 = %scan3A_1 to %scan3A_3 step %scan3A_4 iter_args(%scan3A_43 = %scan3A) -> (i32)  : i32 {
      %swap3A = arith.index_cast %scan3A_42 : i32 to index
      %swap3A_44 = arith.constant 0 : index
      %swap3A_45 = tpu.vector_load %arg9[%swap3A, %swap3A_44] {strides = array<i32>} : memref<128x64xf32, #tpu.memory_space<vmem>>, vector<1x16xf32>,
      %swap3A_46 = vector.shape_cast %swap3A_45 : vector<1x16xf32> to vector<16xf32>
      %swap3A_47 = vector.shape_cast %broadcast_in_dim3A_0 : vector<16xf32> to vector<1x16xf32>
      tpu.vector_store %arg9[%swap3A, %swap3A_44], %swap3A_47 {strides = array<i32>} : memref<128x64xf32, #tpu.memory_space<vmem>>, vector<1x16xf32>,
      %swap3A_48 = arith.index_cast %scan3A_42 : i32 to index
      %swap3A_49 = arith.constant 16 : index
      %swap3A_50 = tpu.vector_load %arg9[%swap3A_48, %swap3A_49] {strides = array<i32>} : memref<128x64xf32, #tpu.memory_space<vmem>>, vector<1x16xf32>,
      %swap3A_51 = vector.shape_cast %swap3A_50 : vector<1x16xf32> to vector<16xf32>
      %swap3A_52 = vector.shape_cast %broadcast_in_dim3A_0 : vector<16xf32> to vector<1x16xf32>
      tpu.vector_store %arg9[%swap3A_48, %swap3A_49], %swap3A_52 {strides = array<i32>} : memref<128x64xf32, #tpu.memory_space<vmem>>, vector<1x16xf32>,
      %swap3A_53 = arith.index_cast %scan3A_42 : i32 to index
      %swap3A_54 = arith.constant 32 : index
      %swap3A_55 = tpu.vector_load %arg9[%swap3A_53, %swap3A_54] {strides = array<i32>} : memref<128x64xf32, #tpu.memory_space<vmem>>, vector<1x16xf32>,
      %swap3A_56 = vector.shape_cast %swap3A_55 : vector<1x16xf32> to vector<16xf32>
      %swap3A_57 = vector.shape_cast %broadcast_in_dim3A_0 : vector<16xf32> to vector<1x16xf32>
      tpu.vector_store %arg9[%swap3A_53, %swap3A_54], %swap3A_57 {strides = array<i32>} : memref<128x64xf32, #tpu.memory_space<vmem>>, vector<1x16xf32>,
      %swap3A_58 = arith.index_cast %scan3A_42 : i32 to index
      %swap3A_59 = arith.constant 48 : index
      %swap3A_60 = tpu.vector_load %arg9[%swap3A_58, %swap3A_59] {strides = array<i32>} : memref<128x64xf32, #tpu.memory_space<vmem>>, vector<1x16xf32>,
      %swap3A_61 = vector.shape_cast %swap3A_60 : vector<1x16xf32> to vector<16xf32>
      %swap3A_62 = vector.shape_cast %broadcast_in_dim3A_0 : vector<16xf32> to vector<1x16xf32>
      tpu.vector_store %arg9[%swap3A_58, %swap3A_59], %swap3A_62 {strides = array<i32>} : memref<128x64xf32, #tpu.memory_space<vmem>>, vector<1x16xf32>,
      %scan3A_63 = arith.constant 0 : i32
      scf.yield %scan3A_63 : i32
    }
    %scan3A_6 = arith.constant 128 : i32
    %mul3A = arith.constant 640 : i32
    %mul3A_7 = arith.muli %arg1, %mul3A : i32
    %add3A = arith.constant 0 : i32
    %add3A_8 = arith.addi %mul3A_7, %add3A : i32
    "tpu.region"() ({
      %run_scoped3A = tpu.sem_alloc : memref<!tpu.dma_semaphore, #tpu.memory_space<semaphore_mem>>
      %dma_start3A = arith.constant 0 : i32
      %dma_start3A_42 = tpu.memref_slice %arg11[%add3A_8, %dma_start3A] : memref<10240x64xf32, #tpu.memory_space<vmem_shared>> -> memref<128x64xf32, #tpu.memory_space<vmem_shared>>
      %dma_start3A_43 = arith.constant 0 : i32
      %dma_start3A_44 = tpu.memref_slice %arg11[%add3A_8, %dma_start3A_43] : memref<10240x64xf32, #tpu.memory_space<vmem_shared>> -> memref<128x64xf32, #tpu.memory_space<vmem_shared>>
      tpu.enqueue_dma source(%arg9 : memref<128x64xf32, #tpu.memory_space<vmem>>) target(%dma_start3A_44 : memref<128x64xf32, #tpu.memory_space<vmem_shared>>) target_semaphore(%run_scoped3A : memref<!tpu.dma_semaphore, #tpu.memory_space<semaphore_mem>>)
      %dma_wait3A = arith.constant 0 : i32
      %dma_wait3A_45 = tpu.memref_slice %arg11[%add3A_8, %dma_wait3A] : memref<10240x64xf32, #tpu.memory_space<vmem_shared>> -> memref<128x64xf32, #tpu.memory_space<vmem_shared>>
      %dma_wait3A_46 = arith.constant 0 : i32
      %dma_wait3A_47 = tpu.memref_slice %arg11[%add3A_8, %dma_wait3A_46] : memref<10240x64xf32, #tpu.memory_space<vmem_shared>> -> memref<128x64xf32, #tpu.memory_space<vmem_shared>>
      tpu.wait_dma2 semaphore(%run_scoped3A : memref<!tpu.dma_semaphore, #tpu.memory_space<semaphore_mem>>) src(%arg9 : memref<128x64xf32, #tpu.memory_space<vmem>>) dst(%dma_wait3A_47 : memref<128x64xf32, #tpu.memory_space<vmem_shared>>)
      tpu.yield
    }) : () -> ()
    %mul3A_9 = arith.constant 640 : i32
    %mul3A_10 = arith.muli %arg1, %mul3A_9 : i32
    %add3A_11 = arith.constant 128 : i32
    %add3A_12 = arith.addi %mul3A_10, %add3A_11 : i32
    "tpu.region"() ({
      %run_scoped3A = tpu.sem_alloc : memref<!tpu.dma_semaphore, #tpu.memory_space<semaphore_mem>>
      %dma_start3A = arith.constant 0 : i32
      %dma_start3A_42 = tpu.memref_slice %arg11[%add3A_12, %dma_start3A] : memref<10240x64xf32, #tpu.memory_space<vmem_shared>> -> memref<128x64xf32, #tpu.memory_space<vmem_shared>>
      %dma_start3A_43 = arith.constant 0 : i32
      %dma_start3A_44 = tpu.memref_slice %arg11[%add3A_12, %dma_start3A_43] : memref<10240x64xf32, #tpu.memory_space<vmem_shared>> -> memref<128x64xf32, #tpu.memory_space<vmem_shared>>
      tpu.enqueue_dma source(%arg9 : memref<128x64xf32, #tpu.memory_space<vmem>>) target(%dma_start3A_44 : memref<128x64xf32, #tpu.memory_space<vmem_shared>>) target_semaphore(%run_scoped3A : memref<!tpu.dma_semaphore, #tpu.memory_space<semaphore_mem>>)
      %dma_wait3A = arith.constant 0 : i32
      %dma_wait3A_45 = tpu.memref_slice %arg11[%add3A_12, %dma_wait3A] : memref<10240x64xf32, #tpu.memory_space<vmem_shared>> -> memref<128x64xf32, #tpu.memory_space<vmem_shared>>
      %dma_wait3A_46 = arith.constant 0 : i32
      %dma_wait3A_47 = tpu.memref_slice %arg11[%add3A_12, %dma_wait3A_46] : memref<10240x64xf32, #tpu.memory_space<vmem_shared>> -> memref<128x64xf32, #tpu.memory_space<vmem_shared>>
      tpu.wait_dma2 semaphore(%run_scoped3A : memref<!tpu.dma_semaphore, #tpu.memory_space<semaphore_mem>>) src(%arg9 : memref<128x64xf32, #tpu.memory_space<vmem>>) dst(%dma_wait3A_47 : memref<128x64xf32, #tpu.memory_space<vmem_shared>>)
      tpu.yield
    }) : () -> ()
    %mul3A_13 = arith.constant 640 : i32
    %mul3A_14 = arith.muli %arg1, %mul3A_13 : i32
    %add3A_15 = arith.constant 256 : i32
    %add3A_16 = arith.addi %mul3A_14, %add3A_15 : i32
    "tpu.region"() ({
      %run_scoped3A = tpu.sem_alloc : memref<!tpu.dma_semaphore, #tpu.memory_space<semaphore_mem>>
      %dma_start3A = arith.constant 0 : i32
      %dma_start3A_42 = tpu.memref_slice %arg11[%add3A_16, %dma_start3A] : memref<10240x64xf32, #tpu.memory_space<vmem_shared>> -> memref<128x64xf32, #tpu.memory_space<vmem_shared>>
      %dma_start3A_43 = arith.constant 0 : i32
      %dma_start3A_44 = tpu.memref_slice %arg11[%add3A_16, %dma_start3A_43] : memref<10240x64xf32, #tpu.memory_space<vmem_shared>> -> memref<128x64xf32, #tpu.memory_space<vmem_shared>>
      tpu.enqueue_dma source(%arg9 : memref<128x64xf32, #tpu.memory_space<vmem>>) target(%dma_start3A_44 : memref<128x64xf32, #tpu.memory_space<vmem_shared>>) target_semaphore(%run_scoped3A : memref<!tpu.dma_semaphore, #tpu.memory_space<semaphore_mem>>)
      %dma_wait3A = arith.constant 0 : i32
      %dma_wait3A_45 = tpu.memref_slice %arg11[%add3A_16, %dma_wait3A] : memref<10240x64xf32, #tpu.memory_space<vmem_shared>> -> memref<128x64xf32, #tpu.memory_space<vmem_shared>>
      %dma_wait3A_46 = arith.constant 0 : i32
      %dma_wait3A_47 = tpu.memref_slice %arg11[%add3A_16, %dma_wait3A_46] : memref<10240x64xf32, #tpu.memory_space<vmem_shared>> -> memref<128x64xf32, #tpu.memory_space<vmem_shared>>
      tpu.wait_dma2 semaphore(%run_scoped3A : memref<!tpu.dma_semaphore, #tpu.memory_space<semaphore_mem>>) src(%arg9 : memref<128x64xf32, #tpu.memory_space<vmem>>) dst(%dma_wait3A_47 : memref<128x64xf32, #tpu.memory_space<vmem_shared>>)
      tpu.yield
    }) : () -> ()
    %mul3A_17 = arith.constant 640 : i32
    %mul3A_18 = arith.muli %arg1, %mul3A_17 : i32
    %add3A_19 = arith.constant 384 : i32
    %add3A_20 = arith.addi %mul3A_18, %add3A_19 : i32
    "tpu.region"() ({
      %run_scoped3A = tpu.sem_alloc : memref<!tpu.dma_semaphore, #tpu.memory_space<semaphore_mem>>
      %dma_start3A = arith.constant 0 : i32
      %dma_start3A_42 = tpu.memref_slice %arg11[%add3A_20, %dma_start3A] : memref<10240x64xf32, #tpu.memory_space<vmem_shared>> -> memref<128x64xf32, #tpu.memory_space<vmem_shared>>
      %dma_start3A_43 = arith.constant 0 : i32
      %dma_start3A_44 = tpu.memref_slice %arg11[%add3A_20, %dma_start3A_43] : memref<10240x64xf32, #tpu.memory_space<vmem_shared>> -> memref<128x64xf32, #tpu.memory_space<vmem_shared>>
      tpu.enqueue_dma source(%arg9 : memref<128x64xf32, #tpu.memory_space<vmem>>) target(%dma_start3A_44 : memref<128x64xf32, #tpu.memory_space<vmem_shared>>) target_semaphore(%run_scoped3A : memref<!tpu.dma_semaphore, #tpu.memory_space<semaphore_mem>>)
      %dma_wait3A = arith.constant 0 : i32
      %dma_wait3A_45 = tpu.memref_slice %arg11[%add3A_20, %dma_wait3A] : memref<10240x64xf32, #tpu.memory_space<vmem_shared>> -> memref<128x64xf32, #tpu.memory_space<vmem_shared>>
      %dma_wait3A_46 = arith.constant 0 : i32
      %dma_wait3A_47 = tpu.memref_slice %arg11[%add3A_20, %dma_wait3A_46] : memref<10240x64xf32, #tpu.memory_space<vmem_shared>> -> memref<128x64xf32, #tpu.memory_space<vmem_shared>>
      tpu.wait_dma2 semaphore(%run_scoped3A : memref<!tpu.dma_semaphore, #tpu.memory_space<semaphore_mem>>) src(%arg9 : memref<128x64xf32, #tpu.memory_space<vmem>>) dst(%dma_wait3A_47 : memref<128x64xf32, #tpu.memory_space<vmem_shared>>)
      tpu.yield
    }) : () -> ()
    %mul3A_21 = arith.constant 640 : i32
    %mul3A_22 = arith.muli %arg1, %mul3A_21 : i32
    %add3A_23 = arith.constant 512 : i32
    %add3A_24 = arith.addi %mul3A_22, %add3A_23 : i32
    "tpu.region"() ({
      %run_scoped3A = tpu.sem_alloc : memref<!tpu.dma_semaphore, #tpu.memory_space<semaphore_mem>>
      %dma_start3A = arith.constant 0 : i32
      %dma_start3A_42 = tpu.memref_slice %arg11[%add3A_24, %dma_start3A] : memref<10240x64xf32, #tpu.memory_space<vmem_shared>> -> memref<128x64xf32, #tpu.memory_space<vmem_shared>>
      %dma_start3A_43 = arith.constant 0 : i32
      %dma_start3A_44 = tpu.memref_slice %arg11[%add3A_24, %dma_start3A_43] : memref<10240x64xf32, #tpu.memory_space<vmem_shared>> -> memref<128x64xf32, #tpu.memory_space<vmem_shared>>
      tpu.enqueue_dma source(%arg9 : memref<128x64xf32, #tpu.memory_space<vmem>>) target(%dma_start3A_44 : memref<128x64xf32, #tpu.memory_space<vmem_shared>>) target_semaphore(%run_scoped3A : memref<!tpu.dma_semaphore, #tpu.memory_space<semaphore_mem>>)
      %dma_wait3A = arith.constant 0 : i32
      %dma_wait3A_45 = tpu.memref_slice %arg11[%add3A_24, %dma_wait3A] : memref<10240x64xf32, #tpu.memory_space<vmem_shared>> -> memref<128x64xf32, #tpu.memory_space<vmem_shared>>
      %dma_wait3A_46 = arith.constant 0 : i32
      %dma_wait3A_47 = tpu.memref_slice %arg11[%add3A_24, %dma_wait3A_46] : memref<10240x64xf32, #tpu.memory_space<vmem_shared>> -> memref<128x64xf32, #tpu.memory_space<vmem_shared>>
      tpu.wait_dma2 semaphore(%run_scoped3A : memref<!tpu.dma_semaphore, #tpu.memory_space<semaphore_mem>>) src(%arg9 : memref<128x64xf32, #tpu.memory_space<vmem>>) dst(%dma_wait3A_47 : memref<128x64xf32, #tpu.memory_space<vmem_shared>>)
      tpu.yield
    }) : () -> ()
    %eq3A = arith.constant 0 : i32
    %eq3A_25 = arith.cmpi eq, %arg0, %eq3A : i32
    %convert_element_type3A = arith.extui %eq3A_25 : i1 to i32
    %cond3A = arith.constant 0 : i32
    %cond3A_26 = arith.cmpi ne, %convert_element_type3A, %cond3A : i32
    scf.if %cond3A_26 {
      %mul3A_42 = arith.constant 118 : i32
      %mul3A_43 = arith.muli %arg1, %mul3A_42 : i32
      "tpu.region"() ({
        %run_scoped3A = tpu.sem_alloc : memref<!tpu.dma_semaphore, #tpu.memory_space<semaphore_mem>>
        %dma_start3A_58 = arith.constant 0 : i32
        %dma_start3A_59 = arith.constant 0 : i32
        %dma_start3A_60 = tpu.memref_slice %arg7[%dma_start3A_58, %dma_start3A_59] : memref<118x128xi32, #tpu.memory_space<vmem>> -> memref<118x128xi32, #tpu.memory_space<vmem>>
        %dma_start3A_61 = arith.constant 0 : i32
        %dma_start3A_62 = tpu.memref_slice %arg3[%mul3A_43, %dma_start3A_61] : memref<2560x128xi32, #tpu.memory_space<hbm>> -> memref<118x128xi32, #tpu.memory_space<hbm>>
        %dma_start3A_63 = arith.constant 0 : i32
        %dma_start3A_64 = arith.constant 0 : i32
        %dma_start3A_65 = tpu.memref_slice %arg7[%dma_start3A_63, %dma_start3A_64] : memref<118x128xi32, #tpu.memory_space<vmem>> -> memref<118x128xi32, #tpu.memory_space<vmem>>
        %dma_start3A_66 = arith.constant 0 : i32
        %dma_start3A_67 = tpu.memref_slice %arg3[%mul3A_43, %dma_start3A_66] : memref<2560x128xi32, #tpu.memory_space<hbm>> -> memref<118x128xi32, #tpu.memory_space<hbm>>
        tpu.enqueue_dma source(%dma_start3A_67 : memref<118x128xi32, #tpu.memory_space<hbm>>) target(%dma_start3A_65 : memref<118x128xi32, #tpu.memory_space<vmem>>) target_semaphore(%run_scoped3A : memref<!tpu.dma_semaphore, #tpu.memory_space<semaphore_mem>>)
        %dma_wait3A = arith.constant 0 : i32
        %dma_wait3A_68 = arith.constant 0 : i32
        %dma_wait3A_69 = tpu.memref_slice %arg7[%dma_wait3A, %dma_wait3A_68] : memref<118x128xi32, #tpu.memory_space<vmem>> -> memref<118x128xi32, #tpu.memory_space<vmem>>
        %dma_wait3A_70 = arith.constant 0 : i32
        %dma_wait3A_71 = tpu.memref_slice %arg3[%mul3A_43, %dma_wait3A_70] : memref<2560x128xi32, #tpu.memory_space<hbm>> -> memref<118x128xi32, #tpu.memory_space<hbm>>
        %dma_wait3A_72 = arith.constant 0 : i32
        %dma_wait3A_73 = arith.constant 0 : i32
        %dma_wait3A_74 = tpu.memref_slice %arg7[%dma_wait3A_72, %dma_wait3A_73] : memref<118x128xi32, #tpu.memory_space<vmem>> -> memref<118x128xi32, #tpu.memory_space<vmem>>
        %dma_wait3A_75 = arith.constant 0 : i32
        %dma_wait3A_76 = tpu.memref_slice %arg3[%mul3A_43, %dma_wait3A_75] : memref<2560x128xi32, #tpu.memory_space<hbm>> -> memref<118x128xi32, #tpu.memory_space<hbm>>
        tpu.wait_dma2 semaphore(%run_scoped3A : memref<!tpu.dma_semaphore, #tpu.memory_space<semaphore_mem>>) src(%dma_wait3A_76 : memref<118x128xi32, #tpu.memory_space<hbm>>) dst(%dma_wait3A_74 : memref<118x128xi32, #tpu.memory_space<vmem>>)
        tpu.yield
      }) : () -> ()
      "tpu.region"() ({
        %run_scoped3A = tpu.sem_alloc : memref<!tpu.dma_semaphore, #tpu.memory_space<semaphore_mem>>
        %dma_start3A_58 = arith.constant 0 : i32
        %dma_start3A_59 = arith.constant 0 : i32
        %dma_start3A_60 = tpu.memref_slice %arg8[%dma_start3A_58, %dma_start3A_59] : memref<118x128xi32, #tpu.memory_space<vmem>> -> memref<118x128xi32, #tpu.memory_space<vmem>>
        %dma_start3A_61 = arith.constant 0 : i32
        %dma_start3A_62 = tpu.memref_slice %arg4[%mul3A_43, %dma_start3A_61] : memref<2560x128xi32, #tpu.memory_space<hbm>> -> memref<118x128xi32, #tpu.memory_space<hbm>>
        %dma_start3A_63 = arith.constant 0 : i32
        %dma_start3A_64 = arith.constant 0 : i32
        %dma_start3A_65 = tpu.memref_slice %arg8[%dma_start3A_63, %dma_start3A_64] : memref<118x128xi32, #tpu.memory_space<vmem>> -> memref<118x128xi32, #tpu.memory_space<vmem>>
        %dma_start3A_66 = arith.constant 0 : i32
        %dma_start3A_67 = tpu.memref_slice %arg4[%mul3A_43, %dma_start3A_66] : memref<2560x128xi32, #tpu.memory_space<hbm>> -> memref<118x128xi32, #tpu.memory_space<hbm>>
        tpu.enqueue_dma source(%dma_start3A_67 : memref<118x128xi32, #tpu.memory_space<hbm>>) target(%dma_start3A_65 : memref<118x128xi32, #tpu.memory_space<vmem>>) target_semaphore(%run_scoped3A : memref<!tpu.dma_semaphore, #tpu.memory_space<semaphore_mem>>)
        %dma_wait3A = arith.constant 0 : i32
        %dma_wait3A_68 = arith.constant 0 : i32
        %dma_wait3A_69 = tpu.memref_slice %arg8[%dma_wait3A, %dma_wait3A_68] : memref<118x128xi32, #tpu.memory_space<vmem>> -> memref<118x128xi32, #tpu.memory_space<vmem>>
        %dma_wait3A_70 = arith.constant 0 : i32
        %dma_wait3A_71 = tpu.memref_slice %arg4[%mul3A_43, %dma_wait3A_70] : memref<2560x128xi32, #tpu.memory_space<hbm>> -> memref<118x128xi32, #tpu.memory_space<hbm>>
        %dma_wait3A_72 = arith.constant 0 : i32
        %dma_wait3A_73 = arith.constant 0 : i32
        %dma_wait3A_74 = tpu.memref_slice %arg8[%dma_wait3A_72, %dma_wait3A_73] : memref<118x128xi32, #tpu.memory_space<vmem>> -> memref<118x128xi32, #tpu.memory_space<vmem>>
        %dma_wait3A_75 = arith.constant 0 : i32
        %dma_wait3A_76 = tpu.memref_slice %arg4[%mul3A_43, %dma_wait3A_75] : memref<2560x128xi32, #tpu.memory_space<hbm>> -> memref<118x128xi32, #tpu.memory_space<hbm>>
        tpu.wait_dma2 semaphore(%run_scoped3A : memref<!tpu.dma_semaphore, #tpu.memory_space<semaphore_mem>>) src(%dma_wait3A_76 : memref<118x128xi32, #tpu.memory_space<hbm>>) dst(%dma_wait3A_74 : memref<118x128xi32, #tpu.memory_space<vmem>>)
        tpu.yield
      }) : () -> ()
      %barrier3A_44 = arith.constant 0 : index
      tpu.barrier barrier_id(%barrier3A_44)
      %dma_start3A = arith.constant 0 : i32
      %dma_start3A_45 = arith.constant 0 : i32
      %dma_start3A_46 = tpu.memref_slice %arg7[%dma_start3A, %dma_start3A_45] : memref<118x128xi32, #tpu.memory_space<vmem>> -> memref<1x128xi32, #tpu.memory_space<vmem>>
      %dma_start3A_47 = tpu.memref_squeeze %dma_start3A_46 : memref<1x128xi32, #tpu.memory_space<vmem>> -> memref<128xi32, #tpu.memory_space<vmem>>
      %dma_start3A_48 = arith.constant 0 : i32
      %dma_start3A_49 = arith.constant 0 : i32
      %dma_start3A_50 = tpu.memref_slice %arg2[%dma_start3A_48, %dma_start3A_49] : memref<10240x64xf32, #tpu.memory_space<hbm>> -> memref<10240x64xf32, #tpu.memory_space<hbm>>
      tpu.enqueue_indirect_dma source(%dma_start3A_50 : memref<10240x64xf32, #tpu.memory_space<hbm>>) target(%arg9 : memref<128x64xf32, #tpu.memory_space<vmem>>) offsets(%dma_start3A_47 : memref<128xi32, #tpu.memory_space<vmem>>) semaphore(%arg12 : memref<!tpu.dma_semaphore, #tpu.memory_space<semaphore_mem>>)
      %scan3A_51 = arith.constant 0 : i32
      %scan3A_52 = arith.constant 0 : i32
      %scan3A_53 = arith.constant 59 : i32
      %scan3A_54 = arith.addi %scan3A_52, %scan3A_53 : i32
      %scan3A_55 = arith.constant 1 : i32
      %scan3A_56 = scf.for %scan3A_58 = %scan3A_52 to %scan3A_54 step %scan3A_55 iter_args(%scan3A_59 = %scan3A_51) -> (i32)  : i32 {
        %mul3A_60 = arith.constant 2 : i32
        %mul3A_61 = arith.muli %scan3A_58, %mul3A_60 : i32
        %add3A_62 = arith.constant 1 : i32
        %add3A_63 = arith.addi %mul3A_61, %add3A_62 : i32
        %dma_start3A_64 = arith.constant 0 : i32
        %dma_start3A_65 = tpu.memref_slice %arg7[%add3A_63, %dma_start3A_64] : memref<118x128xi32, #tpu.memory_space<vmem>> -> memref<1x128xi32, #tpu.memory_space<vmem>>
        %dma_start3A_66 = tpu.memref_squeeze %dma_start3A_65 : memref<1x128xi32, #tpu.memory_space<vmem>> -> memref<128xi32, #tpu.memory_space<vmem>>
        %dma_start3A_67 = arith.constant 0 : i32
        %dma_start3A_68 = arith.constant 0 : i32
        %dma_start3A_69 = tpu.memref_slice %arg2[%dma_start3A_67, %dma_start3A_68] : memref<10240x64xf32, #tpu.memory_space<hbm>> -> memref<10240x64xf32, #tpu.memory_space<hbm>>
        tpu.enqueue_indirect_dma source(%dma_start3A_69 : memref<10240x64xf32, #tpu.memory_space<hbm>>) target(%arg10 : memref<128x64xf32, #tpu.memory_space<vmem>>) offsets(%dma_start3A_66 : memref<128xi32, #tpu.memory_space<vmem>>) semaphore(%arg13 : memref<!tpu.dma_semaphore, #tpu.memory_space<semaphore_mem>>)
        %dma_wait3A = arith.constant 0 : i32
        %dma_wait3A_70 = tpu.memref_slice %arg7[%mul3A_61, %dma_wait3A] : memref<118x128xi32, #tpu.memory_space<vmem>> -> memref<1x128xi32, #tpu.memory_space<vmem>>
        %dma_wait3A_71 = tpu.memref_squeeze %dma_wait3A_70 : memref<1x128xi32, #tpu.memory_space<vmem>> -> memref<128xi32, #tpu.memory_space<vmem>>
        %dma_wait3A_72 = arith.constant 0 : i32
        %dma_wait3A_73 = arith.constant 0 : i32
        %dma_wait3A_74 = tpu.memref_slice %arg2[%dma_wait3A_72, %dma_wait3A_73] : memref<10240x64xf32, #tpu.memory_space<hbm>> -> memref<10240x64xf32, #tpu.memory_space<hbm>>
        tpu.wait_indirect_dma semaphore(%arg12 : memref<!tpu.dma_semaphore, #tpu.memory_space<semaphore_mem>>) src(%dma_wait3A_74 : memref<10240x64xf32, #tpu.memory_space<hbm>>) dst(%arg9 : memref<128x64xf32, #tpu.memory_space<vmem>>)
        "tpu.region"() ({
          %run_scoped3A = tpu.sem_alloc : memref<!tpu.dma_semaphore, #tpu.memory_space<semaphore_mem>>
          %dma_start3A_92 = arith.constant 0 : i32
          %dma_start3A_93 = tpu.memref_slice %arg8[%mul3A_61, %dma_start3A_92] : memref<118x128xi32, #tpu.memory_space<vmem>> -> memref<1x128xi32, #tpu.memory_space<vmem>>
          %dma_start3A_94 = tpu.memref_squeeze %dma_start3A_93 : memref<1x128xi32, #tpu.memory_space<vmem>> -> memref<128xi32, #tpu.memory_space<vmem>>
          %dma_start3A_95 = arith.constant 0 : i32
          %dma_start3A_96 = arith.constant 0 : i32
          %dma_start3A_97 = tpu.memref_slice %arg11[%dma_start3A_95, %dma_start3A_96] : memref<10240x64xf32, #tpu.memory_space<vmem_shared>> -> memref<10240x64xf32, #tpu.memory_space<vmem_shared>>
          tpu.enqueue_indirect_dma source(%arg9 : memref<128x64xf32, #tpu.memory_space<vmem>>) target(%dma_start3A_97 : memref<10240x64xf32, #tpu.memory_space<vmem_shared>>) offsets(%dma_start3A_94 : memref<128xi32, #tpu.memory_space<vmem>>) semaphore(%run_scoped3A : memref<!tpu.dma_semaphore, #tpu.memory_space<semaphore_mem>>) {add = true}
          %dma_wait3A_98 = arith.constant 0 : i32
          %dma_wait3A_99 = tpu.memref_slice %arg8[%mul3A_61, %dma_wait3A_98] : memref<118x128xi32, #tpu.memory_space<vmem>> -> memref<1x128xi32, #tpu.memory_space<vmem>>
          %dma_wait3A_100 = tpu.memref_squeeze %dma_wait3A_99 : memref<1x128xi32, #tpu.memory_space<vmem>> -> memref<128xi32, #tpu.memory_space<vmem>>
          %dma_wait3A_101 = arith.constant 0 : i32
          %dma_wait3A_102 = arith.constant 0 : i32
          %dma_wait3A_103 = tpu.memref_slice %arg11[%dma_wait3A_101, %dma_wait3A_102] : memref<10240x64xf32, #tpu.memory_space<vmem_shared>> -> memref<10240x64xf32, #tpu.memory_space<vmem_shared>>
          tpu.wait_indirect_dma semaphore(%run_scoped3A : memref<!tpu.dma_semaphore, #tpu.memory_space<semaphore_mem>>) src(%arg9 : memref<128x64xf32, #tpu.memory_space<vmem>>) dst(%dma_wait3A_103 : memref<10240x64xf32, #tpu.memory_space<vmem_shared>>)
          tpu.yield
        }) : () -> ()
        %add3A_75 = arith.constant 2 : i32
        %add3A_76 = arith.addi %mul3A_61, %add3A_75 : i32
        %lt3A = arith.constant 118 : i32
        %lt3A_77 = arith.cmpi slt, %add3A_76, %lt3A : i32
        %convert_element_type3A_78 = arith.extui %lt3A_77 : i1 to i32
        %cond3A_79 = arith.constant 0 : i32
        %cond3A_80 = arith.cmpi ne, %convert_element_type3A_78, %cond3A_79 : i32
        scf.if %cond3A_80 {
          %add3A_92 = arith.constant 2 : i32
          %add3A_93 = arith.addi %mul3A_61, %add3A_92 : i32
          %dma_start3A_94 = arith.constant 0 : i32
          %dma_start3A_95 = tpu.memref_slice %arg7[%add3A_93, %dma_start3A_94] : memref<118x128xi32, #tpu.memory_space<vmem>> -> memref<1x128xi32, #tpu.memory_space<vmem>>
          %dma_start3A_96 = tpu.memref_squeeze %dma_start3A_95 : memref<1x128xi32, #tpu.memory_space<vmem>> -> memref<128xi32, #tpu.memory_space<vmem>>
          %dma_start3A_97 = arith.constant 0 : i32
          %dma_start3A_98 = arith.constant 0 : i32
          %dma_start3A_99 = tpu.memref_slice %arg2[%dma_start3A_97, %dma_start3A_98] : memref<10240x64xf32, #tpu.memory_space<hbm>> -> memref<10240x64xf32, #tpu.memory_space<hbm>>
          tpu.enqueue_indirect_dma source(%dma_start3A_99 : memref<10240x64xf32, #tpu.memory_space<hbm>>) target(%arg9 : memref<128x64xf32, #tpu.memory_space<vmem>>) offsets(%dma_start3A_96 : memref<128xi32, #tpu.memory_space<vmem>>) semaphore(%arg12 : memref<!tpu.dma_semaphore, #tpu.memory_space<semaphore_mem>>)
        } else {
        }
        %add3A_81 = arith.constant 1 : i32
        %add3A_82 = arith.addi %mul3A_61, %add3A_81 : i32
        %dma_wait3A_83 = arith.constant 0 : i32
        %dma_wait3A_84 = tpu.memref_slice %arg7[%add3A_82, %dma_wait3A_83] : memref<118x128xi32, #tpu.memory_space<vmem>> -> memref<1x128xi32, #tpu.memory_space<vmem>>
        %dma_wait3A_85 = tpu.memref_squeeze %dma_wait3A_84 : memref<1x128xi32, #tpu.memory_space<vmem>> -> memref<128xi32, #tpu.memory_space<vmem>>
        %dma_wait3A_86 = arith.constant 0 : i32
        %dma_wait3A_87 = arith.constant 0 : i32
        %dma_wait3A_88 = tpu.memref_slice %arg2[%dma_wait3A_86, %dma_wait3A_87] : memref<10240x64xf32, #tpu.memory_space<hbm>> -> memref<10240x64xf32, #tpu.memory_space<hbm>>
        tpu.wait_indirect_dma semaphore(%arg13 : memref<!tpu.dma_semaphore, #tpu.memory_space<semaphore_mem>>) src(%dma_wait3A_88 : memref<10240x64xf32, #tpu.memory_space<hbm>>) dst(%arg10 : memref<128x64xf32, #tpu.memory_space<vmem>>)
        %add3A_89 = arith.constant 1 : i32
        %add3A_90 = arith.addi %mul3A_61, %add3A_89 : i32
        "tpu.region"() ({
          %run_scoped3A = tpu.sem_alloc : memref<!tpu.dma_semaphore, #tpu.memory_space<semaphore_mem>>
          %dma_start3A_92 = arith.constant 0 : i32
          %dma_start3A_93 = tpu.memref_slice %arg8[%add3A_90, %dma_start3A_92] : memref<118x128xi32, #tpu.memory_space<vmem>> -> memref<1x128xi32, #tpu.memory_space<vmem>>
          %dma_start3A_94 = tpu.memref_squeeze %dma_start3A_93 : memref<1x128xi32, #tpu.memory_space<vmem>> -> memref<128xi32, #tpu.memory_space<vmem>>
          %dma_start3A_95 = arith.constant 0 : i32
          %dma_start3A_96 = arith.constant 0 : i32
          %dma_start3A_97 = tpu.memref_slice %arg11[%dma_start3A_95, %dma_start3A_96] : memref<10240x64xf32, #tpu.memory_space<vmem_shared>> -> memref<10240x64xf32, #tpu.memory_space<vmem_shared>>
          tpu.enqueue_indirect_dma source(%arg10 : memref<128x64xf32, #tpu.memory_space<vmem>>) target(%dma_start3A_97 : memref<10240x64xf32, #tpu.memory_space<vmem_shared>>) offsets(%dma_start3A_94 : memref<128xi32, #tpu.memory_space<vmem>>) semaphore(%run_scoped3A : memref<!tpu.dma_semaphore, #tpu.memory_space<semaphore_mem>>) {add = true}
          %dma_wait3A_98 = arith.constant 0 : i32
          %dma_wait3A_99 = tpu.memref_slice %arg8[%add3A_90, %dma_wait3A_98] : memref<118x128xi32, #tpu.memory_space<vmem>> -> memref<1x128xi32, #tpu.memory_space<vmem>>
          %dma_wait3A_100 = tpu.memref_squeeze %dma_wait3A_99 : memref<1x128xi32, #tpu.memory_space<vmem>> -> memref<128xi32, #tpu.memory_space<vmem>>
          %dma_wait3A_101 = arith.constant 0 : i32
          %dma_wait3A_102 = arith.constant 0 : i32
          %dma_wait3A_103 = tpu.memref_slice %arg11[%dma_wait3A_101, %dma_wait3A_102] : memref<10240x64xf32, #tpu.memory_space<vmem_shared>> -> memref<10240x64xf32, #tpu.memory_space<vmem_shared>>
          tpu.wait_indirect_dma semaphore(%run_scoped3A : memref<!tpu.dma_semaphore, #tpu.memory_space<semaphore_mem>>) src(%arg10 : memref<128x64xf32, #tpu.memory_space<vmem>>) dst(%dma_wait3A_103 : memref<10240x64xf32, #tpu.memory_space<vmem_shared>>)
          tpu.yield
        }) : () -> ()
        %scan3A_91 = arith.constant 0 : i32
        scf.yield %scan3A_91 : i32
      }
      %scan3A_57 = arith.constant 59 : i32
    } else {
    }
    %eq3A_27 = arith.constant 1 : i32
    %eq3A_28 = arith.cmpi eq, %arg0, %eq3A_27 : i32
    %convert_element_type3A_29 = arith.extui %eq3A_28 : i1 to i32
    %cond3A_30 = arith.constant 0 : i32
    %cond3A_31 = arith.cmpi ne, %convert_element_type3A_29, %cond3A_30 : i32
    scf.if %cond3A_31 {
      %mul3A_42 = arith.constant 42 : i32
      %mul3A_43 = arith.muli %arg1, %mul3A_42 : i32
      %add3A_44 = arith.constant 1888 : i32
      %add3A_45 = arith.addi %add3A_44, %mul3A_43 : i32
      "tpu.region"() ({
        %run_scoped3A = tpu.sem_alloc : memref<!tpu.dma_semaphore, #tpu.memory_space<semaphore_mem>>
        %dma_start3A_60 = arith.constant 0 : i32
        %dma_start3A_61 = arith.constant 0 : i32
        %dma_start3A_62 = tpu.memref_slice %arg7[%dma_start3A_60, %dma_start3A_61] : memref<118x128xi32, #tpu.memory_space<vmem>> -> memref<42x128xi32, #tpu.memory_space<vmem>>
        %dma_start3A_63 = arith.constant 0 : i32
        %dma_start3A_64 = tpu.memref_slice %arg3[%add3A_45, %dma_start3A_63] : memref<2560x128xi32, #tpu.memory_space<hbm>> -> memref<42x128xi32, #tpu.memory_space<hbm>>
        %dma_start3A_65 = arith.constant 0 : i32
        %dma_start3A_66 = arith.constant 0 : i32
        %dma_start3A_67 = tpu.memref_slice %arg7[%dma_start3A_65, %dma_start3A_66] : memref<118x128xi32, #tpu.memory_space<vmem>> -> memref<42x128xi32, #tpu.memory_space<vmem>>
        %dma_start3A_68 = arith.constant 0 : i32
        %dma_start3A_69 = tpu.memref_slice %arg3[%add3A_45, %dma_start3A_68] : memref<2560x128xi32, #tpu.memory_space<hbm>> -> memref<42x128xi32, #tpu.memory_space<hbm>>
        tpu.enqueue_dma source(%dma_start3A_69 : memref<42x128xi32, #tpu.memory_space<hbm>>) target(%dma_start3A_67 : memref<42x128xi32, #tpu.memory_space<vmem>>) target_semaphore(%run_scoped3A : memref<!tpu.dma_semaphore, #tpu.memory_space<semaphore_mem>>)
        %dma_wait3A = arith.constant 0 : i32
        %dma_wait3A_70 = arith.constant 0 : i32
        %dma_wait3A_71 = tpu.memref_slice %arg7[%dma_wait3A, %dma_wait3A_70] : memref<118x128xi32, #tpu.memory_space<vmem>> -> memref<42x128xi32, #tpu.memory_space<vmem>>
        %dma_wait3A_72 = arith.constant 0 : i32
        %dma_wait3A_73 = tpu.memref_slice %arg3[%add3A_45, %dma_wait3A_72] : memref<2560x128xi32, #tpu.memory_space<hbm>> -> memref<42x128xi32, #tpu.memory_space<hbm>>
        %dma_wait3A_74 = arith.constant 0 : i32
        %dma_wait3A_75 = arith.constant 0 : i32
        %dma_wait3A_76 = tpu.memref_slice %arg7[%dma_wait3A_74, %dma_wait3A_75] : memref<118x128xi32, #tpu.memory_space<vmem>> -> memref<42x128xi32, #tpu.memory_space<vmem>>
        %dma_wait3A_77 = arith.constant 0 : i32
        %dma_wait3A_78 = tpu.memref_slice %arg3[%add3A_45, %dma_wait3A_77] : memref<2560x128xi32, #tpu.memory_space<hbm>> -> memref<42x128xi32, #tpu.memory_space<hbm>>
        tpu.wait_dma2 semaphore(%run_scoped3A : memref<!tpu.dma_semaphore, #tpu.memory_space<semaphore_mem>>) src(%dma_wait3A_78 : memref<42x128xi32, #tpu.memory_space<hbm>>) dst(%dma_wait3A_76 : memref<42x128xi32, #tpu.memory_space<vmem>>)
        tpu.yield
      }) : () -> ()
      "tpu.region"() ({
        %run_scoped3A = tpu.sem_alloc : memref<!tpu.dma_semaphore, #tpu.memory_space<semaphore_mem>>
        %dma_start3A_60 = arith.constant 0 : i32
        %dma_start3A_61 = arith.constant 0 : i32
        %dma_start3A_62 = tpu.memref_slice %arg8[%dma_start3A_60, %dma_start3A_61] : memref<118x128xi32, #tpu.memory_space<vmem>> -> memref<42x128xi32, #tpu.memory_space<vmem>>
        %dma_start3A_63 = arith.constant 0 : i32
        %dma_start3A_64 = tpu.memref_slice %arg4[%add3A_45, %dma_start3A_63] : memref<2560x128xi32, #tpu.memory_space<hbm>> -> memref<42x128xi32, #tpu.memory_space<hbm>>
        %dma_start3A_65 = arith.constant 0 : i32
        %dma_start3A_66 = arith.constant 0 : i32
        %dma_start3A_67 = tpu.memref_slice %arg8[%dma_start3A_65, %dma_start3A_66] : memref<118x128xi32, #tpu.memory_space<vmem>> -> memref<42x128xi32, #tpu.memory_space<vmem>>
        %dma_start3A_68 = arith.constant 0 : i32
        %dma_start3A_69 = tpu.memref_slice %arg4[%add3A_45, %dma_start3A_68] : memref<2560x128xi32, #tpu.memory_space<hbm>> -> memref<42x128xi32, #tpu.memory_space<hbm>>
        tpu.enqueue_dma source(%dma_start3A_69 : memref<42x128xi32, #tpu.memory_space<hbm>>) target(%dma_start3A_67 : memref<42x128xi32, #tpu.memory_space<vmem>>) target_semaphore(%run_scoped3A : memref<!tpu.dma_semaphore, #tpu.memory_space<semaphore_mem>>)
        %dma_wait3A = arith.constant 0 : i32
        %dma_wait3A_70 = arith.constant 0 : i32
        %dma_wait3A_71 = tpu.memref_slice %arg8[%dma_wait3A, %dma_wait3A_70] : memref<118x128xi32, #tpu.memory_space<vmem>> -> memref<42x128xi32, #tpu.memory_space<vmem>>
        %dma_wait3A_72 = arith.constant 0 : i32
        %dma_wait3A_73 = tpu.memref_slice %arg4[%add3A_45, %dma_wait3A_72] : memref<2560x128xi32, #tpu.memory_space<hbm>> -> memref<42x128xi32, #tpu.memory_space<hbm>>
        %dma_wait3A_74 = arith.constant 0 : i32
        %dma_wait3A_75 = arith.constant 0 : i32
        %dma_wait3A_76 = tpu.memref_slice %arg8[%dma_wait3A_74, %dma_wait3A_75] : memref<118x128xi32, #tpu.memory_space<vmem>> -> memref<42x128xi32, #tpu.memory_space<vmem>>
        %dma_wait3A_77 = arith.constant 0 : i32
        %dma_wait3A_78 = tpu.memref_slice %arg4[%add3A_45, %dma_wait3A_77] : memref<2560x128xi32, #tpu.memory_space<hbm>> -> memref<42x128xi32, #tpu.memory_space<hbm>>
        tpu.wait_dma2 semaphore(%run_scoped3A : memref<!tpu.dma_semaphore, #tpu.memory_space<semaphore_mem>>) src(%dma_wait3A_78 : memref<42x128xi32, #tpu.memory_space<hbm>>) dst(%dma_wait3A_76 : memref<42x128xi32, #tpu.memory_space<vmem>>)
        tpu.yield
      }) : () -> ()
      %barrier3A_46 = arith.constant 0 : index
      tpu.barrier barrier_id(%barrier3A_46)
      %dma_start3A = arith.constant 0 : i32
      %dma_start3A_47 = arith.constant 0 : i32
      %dma_start3A_48 = tpu.memref_slice %arg7[%dma_start3A, %dma_start3A_47] : memref<118x128xi32, #tpu.memory_space<vmem>> -> memref<1x128xi32, #tpu.memory_space<vmem>>
      %dma_start3A_49 = tpu.memref_squeeze %dma_start3A_48 : memref<1x128xi32, #tpu.memory_space<vmem>> -> memref<128xi32, #tpu.memory_space<vmem>>
      %dma_start3A_50 = arith.constant 0 : i32
      %dma_start3A_51 = arith.constant 0 : i32
      %dma_start3A_52 = tpu.memref_slice %arg2[%dma_start3A_50, %dma_start3A_51] : memref<10240x64xf32, #tpu.memory_space<hbm>> -> memref<10240x64xf32, #tpu.memory_space<hbm>>
      tpu.enqueue_indirect_dma source(%dma_start3A_52 : memref<10240x64xf32, #tpu.memory_space<hbm>>) target(%arg9 : memref<128x64xf32, #tpu.memory_space<vmem>>) offsets(%dma_start3A_49 : memref<128xi32, #tpu.memory_space<vmem>>) semaphore(%arg12 : memref<!tpu.dma_semaphore, #tpu.memory_space<semaphore_mem>>)
      %scan3A_53 = arith.constant 0 : i32
      %scan3A_54 = arith.constant 0 : i32
      %scan3A_55 = arith.constant 21 : i32
      %scan3A_56 = arith.addi %scan3A_54, %scan3A_55 : i32
      %scan3A_57 = arith.constant 1 : i32
      %scan3A_58 = scf.for %scan3A_60 = %scan3A_54 to %scan3A_56 step %scan3A_57 iter_args(%scan3A_61 = %scan3A_53) -> (i32)  : i32 {
        %mul3A_62 = arith.constant 2 : i32
        %mul3A_63 = arith.muli %scan3A_60, %mul3A_62 : i32
        %add3A_64 = arith.constant 1 : i32
        %add3A_65 = arith.addi %mul3A_63, %add3A_64 : i32
        %dma_start3A_66 = arith.constant 0 : i32
        %dma_start3A_67 = tpu.memref_slice %arg7[%add3A_65, %dma_start3A_66] : memref<118x128xi32, #tpu.memory_space<vmem>> -> memref<1x128xi32, #tpu.memory_space<vmem>>
        %dma_start3A_68 = tpu.memref_squeeze %dma_start3A_67 : memref<1x128xi32, #tpu.memory_space<vmem>> -> memref<128xi32, #tpu.memory_space<vmem>>
        %dma_start3A_69 = arith.constant 0 : i32
        %dma_start3A_70 = arith.constant 0 : i32
        %dma_start3A_71 = tpu.memref_slice %arg2[%dma_start3A_69, %dma_start3A_70] : memref<10240x64xf32, #tpu.memory_space<hbm>> -> memref<10240x64xf32, #tpu.memory_space<hbm>>
        tpu.enqueue_indirect_dma source(%dma_start3A_71 : memref<10240x64xf32, #tpu.memory_space<hbm>>) target(%arg10 : memref<128x64xf32, #tpu.memory_space<vmem>>) offsets(%dma_start3A_68 : memref<128xi32, #tpu.memory_space<vmem>>) semaphore(%arg13 : memref<!tpu.dma_semaphore, #tpu.memory_space<semaphore_mem>>)
        %dma_wait3A = arith.constant 0 : i32
        %dma_wait3A_72 = tpu.memref_slice %arg7[%mul3A_63, %dma_wait3A] : memref<118x128xi32, #tpu.memory_space<vmem>> -> memref<1x128xi32, #tpu.memory_space<vmem>>
        %dma_wait3A_73 = tpu.memref_squeeze %dma_wait3A_72 : memref<1x128xi32, #tpu.memory_space<vmem>> -> memref<128xi32, #tpu.memory_space<vmem>>
        %dma_wait3A_74 = arith.constant 0 : i32
        %dma_wait3A_75 = arith.constant 0 : i32
        %dma_wait3A_76 = tpu.memref_slice %arg2[%dma_wait3A_74, %dma_wait3A_75] : memref<10240x64xf32, #tpu.memory_space<hbm>> -> memref<10240x64xf32, #tpu.memory_space<hbm>>
        tpu.wait_indirect_dma semaphore(%arg12 : memref<!tpu.dma_semaphore, #tpu.memory_space<semaphore_mem>>) src(%dma_wait3A_76 : memref<10240x64xf32, #tpu.memory_space<hbm>>) dst(%arg9 : memref<128x64xf32, #tpu.memory_space<vmem>>)
        "tpu.region"() ({
          %run_scoped3A = tpu.sem_alloc : memref<!tpu.dma_semaphore, #tpu.memory_space<semaphore_mem>>
          %dma_start3A_94 = arith.constant 0 : i32
          %dma_start3A_95 = tpu.memref_slice %arg8[%mul3A_63, %dma_start3A_94] : memref<118x128xi32, #tpu.memory_space<vmem>> -> memref<1x128xi32, #tpu.memory_space<vmem>>
          %dma_start3A_96 = tpu.memref_squeeze %dma_start3A_95 : memref<1x128xi32, #tpu.memory_space<vmem>> -> memref<128xi32, #tpu.memory_space<vmem>>
          %dma_start3A_97 = arith.constant 0 : i32
          %dma_start3A_98 = arith.constant 0 : i32
          %dma_start3A_99 = tpu.memref_slice %arg11[%dma_start3A_97, %dma_start3A_98] : memref<10240x64xf32, #tpu.memory_space<vmem_shared>> -> memref<10240x64xf32, #tpu.memory_space<vmem_shared>>
          tpu.enqueue_indirect_dma source(%arg9 : memref<128x64xf32, #tpu.memory_space<vmem>>) target(%dma_start3A_99 : memref<10240x64xf32, #tpu.memory_space<vmem_shared>>) offsets(%dma_start3A_96 : memref<128xi32, #tpu.memory_space<vmem>>) semaphore(%run_scoped3A : memref<!tpu.dma_semaphore, #tpu.memory_space<semaphore_mem>>) {add = true}
          %dma_wait3A_100 = arith.constant 0 : i32
          %dma_wait3A_101 = tpu.memref_slice %arg8[%mul3A_63, %dma_wait3A_100] : memref<118x128xi32, #tpu.memory_space<vmem>> -> memref<1x128xi32, #tpu.memory_space<vmem>>
          %dma_wait3A_102 = tpu.memref_squeeze %dma_wait3A_101 : memref<1x128xi32, #tpu.memory_space<vmem>> -> memref<128xi32, #tpu.memory_space<vmem>>
          %dma_wait3A_103 = arith.constant 0 : i32
          %dma_wait3A_104 = arith.constant 0 : i32
          %dma_wait3A_105 = tpu.memref_slice %arg11[%dma_wait3A_103, %dma_wait3A_104] : memref<10240x64xf32, #tpu.memory_space<vmem_shared>> -> memref<10240x64xf32, #tpu.memory_space<vmem_shared>>
          tpu.wait_indirect_dma semaphore(%run_scoped3A : memref<!tpu.dma_semaphore, #tpu.memory_space<semaphore_mem>>) src(%arg9 : memref<128x64xf32, #tpu.memory_space<vmem>>) dst(%dma_wait3A_105 : memref<10240x64xf32, #tpu.memory_space<vmem_shared>>)
          tpu.yield
        }) : () -> ()
        %add3A_77 = arith.constant 2 : i32
        %add3A_78 = arith.addi %mul3A_63, %add3A_77 : i32
        %lt3A = arith.constant 42 : i32
        %lt3A_79 = arith.cmpi slt, %add3A_78, %lt3A : i32
        %convert_element_type3A_80 = arith.extui %lt3A_79 : i1 to i32
        %cond3A_81 = arith.constant 0 : i32
        %cond3A_82 = arith.cmpi ne, %convert_element_type3A_80, %cond3A_81 : i32
        scf.if %cond3A_82 {
          %add3A_94 = arith.constant 2 : i32
          %add3A_95 = arith.addi %mul3A_63, %add3A_94 : i32
          %dma_start3A_96 = arith.constant 0 : i32
          %dma_start3A_97 = tpu.memref_slice %arg7[%add3A_95, %dma_start3A_96] : memref<118x128xi32, #tpu.memory_space<vmem>> -> memref<1x128xi32, #tpu.memory_space<vmem>>
          %dma_start3A_98 = tpu.memref_squeeze %dma_start3A_97 : memref<1x128xi32, #tpu.memory_space<vmem>> -> memref<128xi32, #tpu.memory_space<vmem>>
          %dma_start3A_99 = arith.constant 0 : i32
          %dma_start3A_100 = arith.constant 0 : i32
          %dma_start3A_101 = tpu.memref_slice %arg2[%dma_start3A_99, %dma_start3A_100] : memref<10240x64xf32, #tpu.memory_space<hbm>> -> memref<10240x64xf32, #tpu.memory_space<hbm>>
          tpu.enqueue_indirect_dma source(%dma_start3A_101 : memref<10240x64xf32, #tpu.memory_space<hbm>>) target(%arg9 : memref<128x64xf32, #tpu.memory_space<vmem>>) offsets(%dma_start3A_98 : memref<128xi32, #tpu.memory_space<vmem>>) semaphore(%arg12 : memref<!tpu.dma_semaphore, #tpu.memory_space<semaphore_mem>>)
        } else {
        }
        %add3A_83 = arith.constant 1 : i32
        %add3A_84 = arith.addi %mul3A_63, %add3A_83 : i32
        %dma_wait3A_85 = arith.constant 0 : i32
        %dma_wait3A_86 = tpu.memref_slice %arg7[%add3A_84, %dma_wait3A_85] : memref<118x128xi32, #tpu.memory_space<vmem>> -> memref<1x128xi32, #tpu.memory_space<vmem>>
        %dma_wait3A_87 = tpu.memref_squeeze %dma_wait3A_86 : memref<1x128xi32, #tpu.memory_space<vmem>> -> memref<128xi32, #tpu.memory_space<vmem>>
        %dma_wait3A_88 = arith.constant 0 : i32
        %dma_wait3A_89 = arith.constant 0 : i32
        %dma_wait3A_90 = tpu.memref_slice %arg2[%dma_wait3A_88, %dma_wait3A_89] : memref<10240x64xf32, #tpu.memory_space<hbm>> -> memref<10240x64xf32, #tpu.memory_space<hbm>>
        tpu.wait_indirect_dma semaphore(%arg13 : memref<!tpu.dma_semaphore, #tpu.memory_space<semaphore_mem>>) src(%dma_wait3A_90 : memref<10240x64xf32, #tpu.memory_space<hbm>>) dst(%arg10 : memref<128x64xf32, #tpu.memory_space<vmem>>)
        %add3A_91 = arith.constant 1 : i32
        %add3A_92 = arith.addi %mul3A_63, %add3A_91 : i32
        "tpu.region"() ({
          %run_scoped3A = tpu.sem_alloc : memref<!tpu.dma_semaphore, #tpu.memory_space<semaphore_mem>>
          %dma_start3A_94 = arith.constant 0 : i32
          %dma_start3A_95 = tpu.memref_slice %arg8[%add3A_92, %dma_start3A_94] : memref<118x128xi32, #tpu.memory_space<vmem>> -> memref<1x128xi32, #tpu.memory_space<vmem>>
          %dma_start3A_96 = tpu.memref_squeeze %dma_start3A_95 : memref<1x128xi32, #tpu.memory_space<vmem>> -> memref<128xi32, #tpu.memory_space<vmem>>
          %dma_start3A_97 = arith.constant 0 : i32
          %dma_start3A_98 = arith.constant 0 : i32
          %dma_start3A_99 = tpu.memref_slice %arg11[%dma_start3A_97, %dma_start3A_98] : memref<10240x64xf32, #tpu.memory_space<vmem_shared>> -> memref<10240x64xf32, #tpu.memory_space<vmem_shared>>
          tpu.enqueue_indirect_dma source(%arg10 : memref<128x64xf32, #tpu.memory_space<vmem>>) target(%dma_start3A_99 : memref<10240x64xf32, #tpu.memory_space<vmem_shared>>) offsets(%dma_start3A_96 : memref<128xi32, #tpu.memory_space<vmem>>) semaphore(%run_scoped3A : memref<!tpu.dma_semaphore, #tpu.memory_space<semaphore_mem>>) {add = true}
          %dma_wait3A_100 = arith.constant 0 : i32
          %dma_wait3A_101 = tpu.memref_slice %arg8[%add3A_92, %dma_wait3A_100] : memref<118x128xi32, #tpu.memory_space<vmem>> -> memref<1x128xi32, #tpu.memory_space<vmem>>
          %dma_wait3A_102 = tpu.memref_squeeze %dma_wait3A_101 : memref<1x128xi32, #tpu.memory_space<vmem>> -> memref<128xi32, #tpu.memory_space<vmem>>
          %dma_wait3A_103 = arith.constant 0 : i32
          %dma_wait3A_104 = arith.constant 0 : i32
          %dma_wait3A_105 = tpu.memref_slice %arg11[%dma_wait3A_103, %dma_wait3A_104] : memref<10240x64xf32, #tpu.memory_space<vmem_shared>> -> memref<10240x64xf32, #tpu.memory_space<vmem_shared>>
          tpu.wait_indirect_dma semaphore(%run_scoped3A : memref<!tpu.dma_semaphore, #tpu.memory_space<semaphore_mem>>) src(%arg10 : memref<128x64xf32, #tpu.memory_space<vmem>>) dst(%dma_wait3A_105 : memref<10240x64xf32, #tpu.memory_space<vmem_shared>>)
          tpu.yield
        }) : () -> ()
        %scan3A_93 = arith.constant 0 : i32
        scf.yield %scan3A_93 : i32
      }
      %scan3A_59 = arith.constant 21 : i32
    } else {
    }
    %barrier3A = arith.constant 0 : index
    tpu.barrier barrier_id(%barrier3A)
    %eq3A_32 = arith.constant 0 : i32
    %eq3A_33 = arith.cmpi eq, %arg0, %eq3A_32 : i32
    %convert_element_type3A_34 = arith.extui %eq3A_33 : i1 to i32
    %cond3A_35 = arith.constant 0 : i32
    %cond3A_36 = arith.cmpi ne, %convert_element_type3A_34, %cond3A_35 : i32
    scf.if %cond3A_36 {
      %mul3A_42 = arith.constant 640 : i32
      %mul3A_43 = arith.muli %arg1, %mul3A_42 : i32
      %add3A_44 = arith.constant 0 : i32
      %add3A_45 = arith.addi %mul3A_43, %add3A_44 : i32
      "tpu.region"() ({
        %run_scoped3A = tpu.sem_alloc : memref<!tpu.dma_semaphore, #tpu.memory_space<semaphore_mem>>
        %dma_start3A_140 = arith.constant 0 : i32
        %dma_start3A_141 = tpu.memref_slice %arg11[%add3A_45, %dma_start3A_140] : memref<10240x64xf32, #tpu.memory_space<vmem_shared>> -> memref<128x64xf32, #tpu.memory_space<vmem_shared>>
        %dma_start3A_142 = arith.constant 0 : i32
        %dma_start3A_143 = tpu.memref_slice %arg11[%add3A_45, %dma_start3A_142] : memref<10240x64xf32, #tpu.memory_space<vmem_shared>> -> memref<128x64xf32, #tpu.memory_space<vmem_shared>>
        tpu.enqueue_dma source(%dma_start3A_143 : memref<128x64xf32, #tpu.memory_space<vmem_shared>>) target(%arg9 : memref<128x64xf32, #tpu.memory_space<vmem>>) target_semaphore(%run_scoped3A : memref<!tpu.dma_semaphore, #tpu.memory_space<semaphore_mem>>)
        %dma_wait3A_144 = arith.constant 0 : i32
        %dma_wait3A_145 = tpu.memref_slice %arg11[%add3A_45, %dma_wait3A_144] : memref<10240x64xf32, #tpu.memory_space<vmem_shared>> -> memref<128x64xf32, #tpu.memory_space<vmem_shared>>
        %dma_wait3A_146 = arith.constant 0 : i32
        %dma_wait3A_147 = tpu.memref_slice %arg11[%add3A_45, %dma_wait3A_146] : memref<10240x64xf32, #tpu.memory_space<vmem_shared>> -> memref<128x64xf32, #tpu.memory_space<vmem_shared>>
        tpu.wait_dma2 semaphore(%run_scoped3A : memref<!tpu.dma_semaphore, #tpu.memory_space<semaphore_mem>>) src(%dma_wait3A_147 : memref<128x64xf32, #tpu.memory_space<vmem_shared>>) dst(%arg9 : memref<128x64xf32, #tpu.memory_space<vmem>>)
        tpu.yield
      }) : () -> ()
      %mul3A_46 = arith.constant 640 : i32
      %mul3A_47 = arith.muli %arg1, %mul3A_46 : i32
      %add3A_48 = arith.constant 0 : i32
      %add3A_49 = arith.addi %mul3A_47, %add3A_48 : i32
      %dma_start3A = arith.constant 0 : i32
      %dma_start3A_50 = tpu.memref_slice %arg5[%add3A_49, %dma_start3A] : memref<10240x64xf32, #tpu.memory_space<hbm>> -> memref<128x64xf32, #tpu.memory_space<hbm>>
      %dma_start3A_51 = arith.constant 0 : i32
      %dma_start3A_52 = tpu.memref_slice %arg5[%add3A_49, %dma_start3A_51] : memref<10240x64xf32, #tpu.memory_space<hbm>> -> memref<128x64xf32, #tpu.memory_space<hbm>>
      tpu.enqueue_dma source(%arg9 : memref<128x64xf32, #tpu.memory_space<vmem>>) target(%dma_start3A_52 : memref<128x64xf32, #tpu.memory_space<hbm>>) target_semaphore(%arg12 : memref<!tpu.dma_semaphore, #tpu.memory_space<semaphore_mem>>)
      %mul3A_53 = arith.constant 640 : i32
      %mul3A_54 = arith.muli %arg1, %mul3A_53 : i32
      %add3A_55 = arith.constant 128 : i32
      %add3A_56 = arith.addi %mul3A_54, %add3A_55 : i32
      "tpu.region"() ({
        %run_scoped3A = tpu.sem_alloc : memref<!tpu.dma_semaphore, #tpu.memory_space<semaphore_mem>>
        %dma_start3A_140 = arith.constant 0 : i32
        %dma_start3A_141 = tpu.memref_slice %arg11[%add3A_56, %dma_start3A_140] : memref<10240x64xf32, #tpu.memory_space<vmem_shared>> -> memref<128x64xf32, #tpu.memory_space<vmem_shared>>
        %dma_start3A_142 = arith.constant 0 : i32
        %dma_start3A_143 = tpu.memref_slice %arg11[%add3A_56, %dma_start3A_142] : memref<10240x64xf32, #tpu.memory_space<vmem_shared>> -> memref<128x64xf32, #tpu.memory_space<vmem_shared>>
        tpu.enqueue_dma source(%dma_start3A_143 : memref<128x64xf32, #tpu.memory_space<vmem_shared>>) target(%arg10 : memref<128x64xf32, #tpu.memory_space<vmem>>) target_semaphore(%run_scoped3A : memref<!tpu.dma_semaphore, #tpu.memory_space<semaphore_mem>>)
        %dma_wait3A_144 = arith.constant 0 : i32
        %dma_wait3A_145 = tpu.memref_slice %arg11[%add3A_56, %dma_wait3A_144] : memref<10240x64xf32, #tpu.memory_space<vmem_shared>> -> memref<128x64xf32, #tpu.memory_space<vmem_shared>>
        %dma_wait3A_146 = arith.constant 0 : i32
        %dma_wait3A_147 = tpu.memref_slice %arg11[%add3A_56, %dma_wait3A_146] : memref<10240x64xf32, #tpu.memory_space<vmem_shared>> -> memref<128x64xf32, #tpu.memory_space<vmem_shared>>
        tpu.wait_dma2 semaphore(%run_scoped3A : memref<!tpu.dma_semaphore, #tpu.memory_space<semaphore_mem>>) src(%dma_wait3A_147 : memref<128x64xf32, #tpu.memory_space<vmem_shared>>) dst(%arg10 : memref<128x64xf32, #tpu.memory_space<vmem>>)
        tpu.yield
      }) : () -> ()
      %mul3A_57 = arith.constant 640 : i32
      %mul3A_58 = arith.muli %arg1, %mul3A_57 : i32
      %add3A_59 = arith.constant 128 : i32
      %add3A_60 = arith.addi %mul3A_58, %add3A_59 : i32
      %dma_start3A_61 = arith.constant 0 : i32
      %dma_start3A_62 = tpu.memref_slice %arg5[%add3A_60, %dma_start3A_61] : memref<10240x64xf32, #tpu.memory_space<hbm>> -> memref<128x64xf32, #tpu.memory_space<hbm>>
      %dma_start3A_63 = arith.constant 0 : i32
      %dma_start3A_64 = tpu.memref_slice %arg5[%add3A_60, %dma_start3A_63] : memref<10240x64xf32, #tpu.memory_space<hbm>> -> memref<128x64xf32, #tpu.memory_space<hbm>>
      tpu.enqueue_dma source(%arg10 : memref<128x64xf32, #tpu.memory_space<vmem>>) target(%dma_start3A_64 : memref<128x64xf32, #tpu.memory_space<hbm>>) target_semaphore(%arg13 : memref<!tpu.dma_semaphore, #tpu.memory_space<semaphore_mem>>)
      %mul3A_65 = arith.constant 640 : i32
      %mul3A_66 = arith.muli %arg1, %mul3A_65 : i32
      %add3A_67 = arith.constant 0 : i32
      %add3A_68 = arith.addi %mul3A_66, %add3A_67 : i32
      %dma_wait3A = arith.constant 0 : i32
      %dma_wait3A_69 = tpu.memref_slice %arg5[%add3A_68, %dma_wait3A] : memref<10240x64xf32, #tpu.memory_space<hbm>> -> memref<128x64xf32, #tpu.memory_space<hbm>>
      %dma_wait3A_70 = arith.constant 0 : i32
      %dma_wait3A_71 = tpu.memref_slice %arg5[%add3A_68, %dma_wait3A_70] : memref<10240x64xf32, #tpu.memory_space<hbm>> -> memref<128x64xf32, #tpu.memory_space<hbm>>
      tpu.wait_dma2 semaphore(%arg12 : memref<!tpu.dma_semaphore, #tpu.memory_space<semaphore_mem>>) src(%arg9 : memref<128x64xf32, #tpu.memory_space<vmem>>) dst(%dma_wait3A_71 : memref<128x64xf32, #tpu.memory_space<hbm>>)
      %mul3A_72 = arith.constant 640 : i32
      %mul3A_73 = arith.muli %arg1, %mul3A_72 : i32
      %add3A_74 = arith.constant 256 : i32
      %add3A_75 = arith.addi %mul3A_73, %add3A_74 : i32
      "tpu.region"() ({
        %run_scoped3A = tpu.sem_alloc : memref<!tpu.dma_semaphore, #tpu.memory_space<semaphore_mem>>
        %dma_start3A_140 = arith.constant 0 : i32
        %dma_start3A_141 = tpu.memref_slice %arg11[%add3A_75, %dma_start3A_140] : memref<10240x64xf32, #tpu.memory_space<vmem_shared>> -> memref<128x64xf32, #tpu.memory_space<vmem_shared>>
        %dma_start3A_142 = arith.constant 0 : i32
        %dma_start3A_143 = tpu.memref_slice %arg11[%add3A_75, %dma_start3A_142] : memref<10240x64xf32, #tpu.memory_space<vmem_shared>> -> memref<128x64xf32, #tpu.memory_space<vmem_shared>>
        tpu.enqueue_dma source(%dma_start3A_143 : memref<128x64xf32, #tpu.memory_space<vmem_shared>>) target(%arg9 : memref<128x64xf32, #tpu.memory_space<vmem>>) target_semaphore(%run_scoped3A : memref<!tpu.dma_semaphore, #tpu.memory_space<semaphore_mem>>)
        %dma_wait3A_144 = arith.constant 0 : i32
        %dma_wait3A_145 = tpu.memref_slice %arg11[%add3A_75, %dma_wait3A_144] : memref<10240x64xf32, #tpu.memory_space<vmem_shared>> -> memref<128x64xf32, #tpu.memory_space<vmem_shared>>
        %dma_wait3A_146 = arith.constant 0 : i32
        %dma_wait3A_147 = tpu.memref_slice %arg11[%add3A_75, %dma_wait3A_146] : memref<10240x64xf32, #tpu.memory_space<vmem_shared>> -> memref<128x64xf32, #tpu.memory_space<vmem_shared>>
        tpu.wait_dma2 semaphore(%run_scoped3A : memref<!tpu.dma_semaphore, #tpu.memory_space<semaphore_mem>>) src(%dma_wait3A_147 : memref<128x64xf32, #tpu.memory_space<vmem_shared>>) dst(%arg9 : memref<128x64xf32, #tpu.memory_space<vmem>>)
        tpu.yield
      }) : () -> ()
      %mul3A_76 = arith.constant 640 : i32
      %mul3A_77 = arith.muli %arg1, %mul3A_76 : i32
      %add3A_78 = arith.constant 256 : i32
      %add3A_79 = arith.addi %mul3A_77, %add3A_78 : i32
      %dma_start3A_80 = arith.constant 0 : i32
      %dma_start3A_81 = tpu.memref_slice %arg5[%add3A_79, %dma_start3A_80] : memref<10240x64xf32, #tpu.memory_space<hbm>> -> memref<128x64xf32, #tpu.memory_space<hbm>>
      %dma_start3A_82 = arith.constant 0 : i32
      %dma_start3A_83 = tpu.memref_slice %arg5[%add3A_79, %dma_start3A_82] : memref<10240x64xf32, #tpu.memory_space<hbm>> -> memref<128x64xf32, #tpu.memory_space<hbm>>
      tpu.enqueue_dma source(%arg9 : memref<128x64xf32, #tpu.memory_space<vmem>>) target(%dma_start3A_83 : memref<128x64xf32, #tpu.memory_space<hbm>>) target_semaphore(%arg12 : memref<!tpu.dma_semaphore, #tpu.memory_space<semaphore_mem>>)
      %mul3A_84 = arith.constant 640 : i32
      %mul3A_85 = arith.muli %arg1, %mul3A_84 : i32
      %add3A_86 = arith.constant 128 : i32
      %add3A_87 = arith.addi %mul3A_85, %add3A_86 : i32
      %dma_wait3A_88 = arith.constant 0 : i32
      %dma_wait3A_89 = tpu.memref_slice %arg5[%add3A_87, %dma_wait3A_88] : memref<10240x64xf32, #tpu.memory_space<hbm>> -> memref<128x64xf32, #tpu.memory_space<hbm>>
      %dma_wait3A_90 = arith.constant 0 : i32
      %dma_wait3A_91 = tpu.memref_slice %arg5[%add3A_87, %dma_wait3A_90] : memref<10240x64xf32, #tpu.memory_space<hbm>> -> memref<128x64xf32, #tpu.memory_space<hbm>>
      tpu.wait_dma2 semaphore(%arg13 : memref<!tpu.dma_semaphore, #tpu.memory_space<semaphore_mem>>) src(%arg10 : memref<128x64xf32, #tpu.memory_space<vmem>>) dst(%dma_wait3A_91 : memref<128x64xf32, #tpu.memory_space<hbm>>)
      %mul3A_92 = arith.constant 640 : i32
      %mul3A_93 = arith.muli %arg1, %mul3A_92 : i32
      %add3A_94 = arith.constant 384 : i32
      %add3A_95 = arith.addi %mul3A_93, %add3A_94 : i32
      "tpu.region"() ({
        %run_scoped3A = tpu.sem_alloc : memref<!tpu.dma_semaphore, #tpu.memory_space<semaphore_mem>>
        %dma_start3A_140 = arith.constant 0 : i32
        %dma_start3A_141 = tpu.memref_slice %arg11[%add3A_95, %dma_start3A_140] : memref<10240x64xf32, #tpu.memory_space<vmem_shared>> -> memref<128x64xf32, #tpu.memory_space<vmem_shared>>
        %dma_start3A_142 = arith.constant 0 : i32
        %dma_start3A_143 = tpu.memref_slice %arg11[%add3A_95, %dma_start3A_142] : memref<10240x64xf32, #tpu.memory_space<vmem_shared>> -> memref<128x64xf32, #tpu.memory_space<vmem_shared>>
        tpu.enqueue_dma source(%dma_start3A_143 : memref<128x64xf32, #tpu.memory_space<vmem_shared>>) target(%arg10 : memref<128x64xf32, #tpu.memory_space<vmem>>) target_semaphore(%run_scoped3A : memref<!tpu.dma_semaphore, #tpu.memory_space<semaphore_mem>>)
        %dma_wait3A_144 = arith.constant 0 : i32
        %dma_wait3A_145 = tpu.memref_slice %arg11[%add3A_95, %dma_wait3A_144] : memref<10240x64xf32, #tpu.memory_space<vmem_shared>> -> memref<128x64xf32, #tpu.memory_space<vmem_shared>>
        %dma_wait3A_146 = arith.constant 0 : i32
        %dma_wait3A_147 = tpu.memref_slice %arg11[%add3A_95, %dma_wait3A_146] : memref<10240x64xf32, #tpu.memory_space<vmem_shared>> -> memref<128x64xf32, #tpu.memory_space<vmem_shared>>
        tpu.wait_dma2 semaphore(%run_scoped3A : memref<!tpu.dma_semaphore, #tpu.memory_space<semaphore_mem>>) src(%dma_wait3A_147 : memref<128x64xf32, #tpu.memory_space<vmem_shared>>) dst(%arg10 : memref<128x64xf32, #tpu.memory_space<vmem>>)
        tpu.yield
      }) : () -> ()
      %mul3A_96 = arith.constant 640 : i32
      %mul3A_97 = arith.muli %arg1, %mul3A_96 : i32
      %add3A_98 = arith.constant 384 : i32
      %add3A_99 = arith.addi %mul3A_97, %add3A_98 : i32
      %dma_start3A_100 = arith.constant 0 : i32
      %dma_start3A_101 = tpu.memref_slice %arg5[%add3A_99, %dma_start3A_100] : memref<10240x64xf32, #tpu.memory_space<hbm>> -> memref<128x64xf32, #tpu.memory_space<hbm>>
      %dma_start3A_102 = arith.constant 0 : i32
      %dma_start3A_103 = tpu.memref_slice %arg5[%add3A_99, %dma_start3A_102] : memref<10240x64xf32, #tpu.memory_space<hbm>> -> memref<128x64xf32, #tpu.memory_space<hbm>>
      tpu.enqueue_dma source(%arg10 : memref<128x64xf32, #tpu.memory_space<vmem>>) target(%dma_start3A_103 : memref<128x64xf32, #tpu.memory_space<hbm>>) target_semaphore(%arg13 : memref<!tpu.dma_semaphore, #tpu.memory_space<semaphore_mem>>)
      %mul3A_104 = arith.constant 640 : i32
      %mul3A_105 = arith.muli %arg1, %mul3A_104 : i32
      %add3A_106 = arith.constant 256 : i32
      %add3A_107 = arith.addi %mul3A_105, %add3A_106 : i32
      %dma_wait3A_108 = arith.constant 0 : i32
      %dma_wait3A_109 = tpu.memref_slice %arg5[%add3A_107, %dma_wait3A_108] : memref<10240x64xf32, #tpu.memory_space<hbm>> -> memref<128x64xf32, #tpu.memory_space<hbm>>
      %dma_wait3A_110 = arith.constant 0 : i32
      %dma_wait3A_111 = tpu.memref_slice %arg5[%add3A_107, %dma_wait3A_110] : memref<10240x64xf32, #tpu.memory_space<hbm>> -> memref<128x64xf32, #tpu.memory_space<hbm>>
      tpu.wait_dma2 semaphore(%arg12 : memref<!tpu.dma_semaphore, #tpu.memory_space<semaphore_mem>>) src(%arg9 : memref<128x64xf32, #tpu.memory_space<vmem>>) dst(%dma_wait3A_111 : memref<128x64xf32, #tpu.memory_space<hbm>>)
      %mul3A_112 = arith.constant 640 : i32
      %mul3A_113 = arith.muli %arg1, %mul3A_112 : i32
      %add3A_114 = arith.constant 512 : i32
      %add3A_115 = arith.addi %mul3A_113, %add3A_114 : i32
      "tpu.region"() ({
        %run_scoped3A = tpu.sem_alloc : memref<!tpu.dma_semaphore, #tpu.memory_space<semaphore_mem>>
        %dma_start3A_140 = arith.constant 0 : i32
        %dma_start3A_141 = tpu.memref_slice %arg11[%add3A_115, %dma_start3A_140] : memref<10240x64xf32, #tpu.memory_space<vmem_shared>> -> memref<128x64xf32, #tpu.memory_space<vmem_shared>>
        %dma_start3A_142 = arith.constant 0 : i32
        %dma_start3A_143 = tpu.memref_slice %arg11[%add3A_115, %dma_start3A_142] : memref<10240x64xf32, #tpu.memory_space<vmem_shared>> -> memref<128x64xf32, #tpu.memory_space<vmem_shared>>
        tpu.enqueue_dma source(%dma_start3A_143 : memref<128x64xf32, #tpu.memory_space<vmem_shared>>) target(%arg9 : memref<128x64xf32, #tpu.memory_space<vmem>>) target_semaphore(%run_scoped3A : memref<!tpu.dma_semaphore, #tpu.memory_space<semaphore_mem>>)
        %dma_wait3A_144 = arith.constant 0 : i32
        %dma_wait3A_145 = tpu.memref_slice %arg11[%add3A_115, %dma_wait3A_144] : memref<10240x64xf32, #tpu.memory_space<vmem_shared>> -> memref<128x64xf32, #tpu.memory_space<vmem_shared>>
        %dma_wait3A_146 = arith.constant 0 : i32
        %dma_wait3A_147 = tpu.memref_slice %arg11[%add3A_115, %dma_wait3A_146] : memref<10240x64xf32, #tpu.memory_space<vmem_shared>> -> memref<128x64xf32, #tpu.memory_space<vmem_shared>>
        tpu.wait_dma2 semaphore(%run_scoped3A : memref<!tpu.dma_semaphore, #tpu.memory_space<semaphore_mem>>) src(%dma_wait3A_147 : memref<128x64xf32, #tpu.memory_space<vmem_shared>>) dst(%arg9 : memref<128x64xf32, #tpu.memory_space<vmem>>)
        tpu.yield
      }) : () -> ()
      %mul3A_116 = arith.constant 640 : i32
      %mul3A_117 = arith.muli %arg1, %mul3A_116 : i32
      %add3A_118 = arith.constant 512 : i32
      %add3A_119 = arith.addi %mul3A_117, %add3A_118 : i32
      %dma_start3A_120 = arith.constant 0 : i32
      %dma_start3A_121 = tpu.memref_slice %arg5[%add3A_119, %dma_start3A_120] : memref<10240x64xf32, #tpu.memory_space<hbm>> -> memref<128x64xf32, #tpu.memory_space<hbm>>
      %dma_start3A_122 = arith.constant 0 : i32
      %dma_start3A_123 = tpu.memref_slice %arg5[%add3A_119, %dma_start3A_122] : memref<10240x64xf32, #tpu.memory_space<hbm>> -> memref<128x64xf32, #tpu.memory_space<hbm>>
      tpu.enqueue_dma source(%arg9 : memref<128x64xf32, #tpu.memory_space<vmem>>) target(%dma_start3A_123 : memref<128x64xf32, #tpu.memory_space<hbm>>) target_semaphore(%arg12 : memref<!tpu.dma_semaphore, #tpu.memory_space<semaphore_mem>>)
      %mul3A_124 = arith.constant 640 : i32
      %mul3A_125 = arith.muli %arg1, %mul3A_124 : i32
      %add3A_126 = arith.constant 384 : i32
      %add3A_127 = arith.addi %mul3A_125, %add3A_126 : i32
      %dma_wait3A_128 = arith.constant 0 : i32
      %dma_wait3A_129 = tpu.memref_slice %arg5[%add3A_127, %dma_wait3A_128] : memref<10240x64xf32, #tpu.memory_space<hbm>> -> memref<128x64xf32, #tpu.memory_space<hbm>>
      %dma_wait3A_130 = arith.constant 0 : i32
      %dma_wait3A_131 = tpu.memref_slice %arg5[%add3A_127, %dma_wait3A_130] : memref<10240x64xf32, #tpu.memory_space<hbm>> -> memref<128x64xf32, #tpu.memory_space<hbm>>
      tpu.wait_dma2 semaphore(%arg13 : memref<!tpu.dma_semaphore, #tpu.memory_space<semaphore_mem>>) src(%arg10 : memref<128x64xf32, #tpu.memory_space<vmem>>) dst(%dma_wait3A_131 : memref<128x64xf32, #tpu.memory_space<hbm>>)
      %mul3A_132 = arith.constant 640 : i32
      %mul3A_133 = arith.muli %arg1, %mul3A_132 : i32
      %add3A_134 = arith.constant 512 : i32
      %add3A_135 = arith.addi %mul3A_133, %add3A_134 : i32
      %dma_wait3A_136 = arith.constant 0 : i32
      %dma_wait3A_137 = tpu.memref_slice %arg5[%add3A_135, %dma_wait3A_136] : memref<10240x64xf32, #tpu.memory_space<hbm>> -> memref<128x64xf32, #tpu.memory_space<hbm>>
      %dma_wait3A_138 = arith.constant 0 : i32
      %dma_wait3A_139 = tpu.memref_slice %arg5[%add3A_135, %dma_wait3A_138] : memref<10240x64xf32, #tpu.memory_space<hbm>> -> memref<128x64xf32, #tpu.memory_space<hbm>>
      tpu.wait_dma2 semaphore(%arg12 : memref<!tpu.dma_semaphore, #tpu.memory_space<semaphore_mem>>) src(%arg9 : memref<128x64xf32, #tpu.memory_space<vmem>>) dst(%dma_wait3A_139 : memref<128x64xf32, #tpu.memory_space<hbm>>)
    } else {
    }
    %eq3A_37 = arith.constant 1 : i32
    %eq3A_38 = arith.cmpi eq, %arg0, %eq3A_37 : i32
    %convert_element_type3A_39 = arith.extui %eq3A_38 : i1 to i32
    %cond3A_40 = arith.constant 0 : i32
    %cond3A_41 = arith.cmpi ne, %convert_element_type3A_39, %cond3A_40 : i32
    scf.if %cond3A_41 {
      %mul3A_42 = arith.constant 640 : i32
      %mul3A_43 = arith.muli %arg1, %mul3A_42 : i32
      %add3A_44 = arith.constant 0 : i32
      %add3A_45 = arith.addi %mul3A_43, %add3A_44 : i32
      "tpu.region"() ({
        %run_scoped3A = tpu.sem_alloc : memref<!tpu.dma_semaphore, #tpu.memory_space<semaphore_mem>>
        %dma_start3A_140 = arith.constant 0 : i32
        %dma_start3A_141 = tpu.memref_slice %arg11[%add3A_45, %dma_start3A_140] : memref<10240x64xf32, #tpu.memory_space<vmem_shared>> -> memref<128x64xf32, #tpu.memory_space<vmem_shared>>
        %dma_start3A_142 = arith.constant 0 : i32
        %dma_start3A_143 = tpu.memref_slice %arg11[%add3A_45, %dma_start3A_142] : memref<10240x64xf32, #tpu.memory_space<vmem_shared>> -> memref<128x64xf32, #tpu.memory_space<vmem_shared>>
        tpu.enqueue_dma source(%dma_start3A_143 : memref<128x64xf32, #tpu.memory_space<vmem_shared>>) target(%arg9 : memref<128x64xf32, #tpu.memory_space<vmem>>) target_semaphore(%run_scoped3A : memref<!tpu.dma_semaphore, #tpu.memory_space<semaphore_mem>>)
        %dma_wait3A_144 = arith.constant 0 : i32
        %dma_wait3A_145 = tpu.memref_slice %arg11[%add3A_45, %dma_wait3A_144] : memref<10240x64xf32, #tpu.memory_space<vmem_shared>> -> memref<128x64xf32, #tpu.memory_space<vmem_shared>>
        %dma_wait3A_146 = arith.constant 0 : i32
        %dma_wait3A_147 = tpu.memref_slice %arg11[%add3A_45, %dma_wait3A_146] : memref<10240x64xf32, #tpu.memory_space<vmem_shared>> -> memref<128x64xf32, #tpu.memory_space<vmem_shared>>
        tpu.wait_dma2 semaphore(%run_scoped3A : memref<!tpu.dma_semaphore, #tpu.memory_space<semaphore_mem>>) src(%dma_wait3A_147 : memref<128x64xf32, #tpu.memory_space<vmem_shared>>) dst(%arg9 : memref<128x64xf32, #tpu.memory_space<vmem>>)
        tpu.yield
      }) : () -> ()
      %mul3A_46 = arith.constant 640 : i32
      %mul3A_47 = arith.muli %arg1, %mul3A_46 : i32
      %add3A_48 = arith.constant 0 : i32
      %add3A_49 = arith.addi %mul3A_47, %add3A_48 : i32
      %dma_start3A = arith.constant 0 : i32
      %dma_start3A_50 = tpu.memref_slice %arg6[%add3A_49, %dma_start3A] : memref<10240x64xf32, #tpu.memory_space<hbm>> -> memref<128x64xf32, #tpu.memory_space<hbm>>
      %dma_start3A_51 = arith.constant 0 : i32
      %dma_start3A_52 = tpu.memref_slice %arg6[%add3A_49, %dma_start3A_51] : memref<10240x64xf32, #tpu.memory_space<hbm>> -> memref<128x64xf32, #tpu.memory_space<hbm>>
      tpu.enqueue_dma source(%arg9 : memref<128x64xf32, #tpu.memory_space<vmem>>) target(%dma_start3A_52 : memref<128x64xf32, #tpu.memory_space<hbm>>) target_semaphore(%arg12 : memref<!tpu.dma_semaphore, #tpu.memory_space<semaphore_mem>>)
      %mul3A_53 = arith.constant 640 : i32
      %mul3A_54 = arith.muli %arg1, %mul3A_53 : i32
      %add3A_55 = arith.constant 128 : i32
      %add3A_56 = arith.addi %mul3A_54, %add3A_55 : i32
      "tpu.region"() ({
        %run_scoped3A = tpu.sem_alloc : memref<!tpu.dma_semaphore, #tpu.memory_space<semaphore_mem>>
        %dma_start3A_140 = arith.constant 0 : i32
        %dma_start3A_141 = tpu.memref_slice %arg11[%add3A_56, %dma_start3A_140] : memref<10240x64xf32, #tpu.memory_space<vmem_shared>> -> memref<128x64xf32, #tpu.memory_space<vmem_shared>>
        %dma_start3A_142 = arith.constant 0 : i32
        %dma_start3A_143 = tpu.memref_slice %arg11[%add3A_56, %dma_start3A_142] : memref<10240x64xf32, #tpu.memory_space<vmem_shared>> -> memref<128x64xf32, #tpu.memory_space<vmem_shared>>
        tpu.enqueue_dma source(%dma_start3A_143 : memref<128x64xf32, #tpu.memory_space<vmem_shared>>) target(%arg10 : memref<128x64xf32, #tpu.memory_space<vmem>>) target_semaphore(%run_scoped3A : memref<!tpu.dma_semaphore, #tpu.memory_space<semaphore_mem>>)
        %dma_wait3A_144 = arith.constant 0 : i32
        %dma_wait3A_145 = tpu.memref_slice %arg11[%add3A_56, %dma_wait3A_144] : memref<10240x64xf32, #tpu.memory_space<vmem_shared>> -> memref<128x64xf32, #tpu.memory_space<vmem_shared>>
        %dma_wait3A_146 = arith.constant 0 : i32
        %dma_wait3A_147 = tpu.memref_slice %arg11[%add3A_56, %dma_wait3A_146] : memref<10240x64xf32, #tpu.memory_space<vmem_shared>> -> memref<128x64xf32, #tpu.memory_space<vmem_shared>>
        tpu.wait_dma2 semaphore(%run_scoped3A : memref<!tpu.dma_semaphore, #tpu.memory_space<semaphore_mem>>) src(%dma_wait3A_147 : memref<128x64xf32, #tpu.memory_space<vmem_shared>>) dst(%arg10 : memref<128x64xf32, #tpu.memory_space<vmem>>)
        tpu.yield
      }) : () -> ()
      %mul3A_57 = arith.constant 640 : i32
      %mul3A_58 = arith.muli %arg1, %mul3A_57 : i32
      %add3A_59 = arith.constant 128 : i32
      %add3A_60 = arith.addi %mul3A_58, %add3A_59 : i32
      %dma_start3A_61 = arith.constant 0 : i32
      %dma_start3A_62 = tpu.memref_slice %arg6[%add3A_60, %dma_start3A_61] : memref<10240x64xf32, #tpu.memory_space<hbm>> -> memref<128x64xf32, #tpu.memory_space<hbm>>
      %dma_start3A_63 = arith.constant 0 : i32
      %dma_start3A_64 = tpu.memref_slice %arg6[%add3A_60, %dma_start3A_63] : memref<10240x64xf32, #tpu.memory_space<hbm>> -> memref<128x64xf32, #tpu.memory_space<hbm>>
      tpu.enqueue_dma source(%arg10 : memref<128x64xf32, #tpu.memory_space<vmem>>) target(%dma_start3A_64 : memref<128x64xf32, #tpu.memory_space<hbm>>) target_semaphore(%arg13 : memref<!tpu.dma_semaphore, #tpu.memory_space<semaphore_mem>>)
      %mul3A_65 = arith.constant 640 : i32
      %mul3A_66 = arith.muli %arg1, %mul3A_65 : i32
      %add3A_67 = arith.constant 0 : i32
      %add3A_68 = arith.addi %mul3A_66, %add3A_67 : i32
      %dma_wait3A = arith.constant 0 : i32
      %dma_wait3A_69 = tpu.memref_slice %arg6[%add3A_68, %dma_wait3A] : memref<10240x64xf32, #tpu.memory_space<hbm>> -> memref<128x64xf32, #tpu.memory_space<hbm>>
      %dma_wait3A_70 = arith.constant 0 : i32
      %dma_wait3A_71 = tpu.memref_slice %arg6[%add3A_68, %dma_wait3A_70] : memref<10240x64xf32, #tpu.memory_space<hbm>> -> memref<128x64xf32, #tpu.memory_space<hbm>>
      tpu.wait_dma2 semaphore(%arg12 : memref<!tpu.dma_semaphore, #tpu.memory_space<semaphore_mem>>) src(%arg9 : memref<128x64xf32, #tpu.memory_space<vmem>>) dst(%dma_wait3A_71 : memref<128x64xf32, #tpu.memory_space<hbm>>)
      %mul3A_72 = arith.constant 640 : i32
      %mul3A_73 = arith.muli %arg1, %mul3A_72 : i32
      %add3A_74 = arith.constant 256 : i32
      %add3A_75 = arith.addi %mul3A_73, %add3A_74 : i32
      "tpu.region"() ({
        %run_scoped3A = tpu.sem_alloc : memref<!tpu.dma_semaphore, #tpu.memory_space<semaphore_mem>>
        %dma_start3A_140 = arith.constant 0 : i32
        %dma_start3A_141 = tpu.memref_slice %arg11[%add3A_75, %dma_start3A_140] : memref<10240x64xf32, #tpu.memory_space<vmem_shared>> -> memref<128x64xf32, #tpu.memory_space<vmem_shared>>
        %dma_start3A_142 = arith.constant 0 : i32
        %dma_start3A_143 = tpu.memref_slice %arg11[%add3A_75, %dma_start3A_142] : memref<10240x64xf32, #tpu.memory_space<vmem_shared>> -> memref<128x64xf32, #tpu.memory_space<vmem_shared>>
        tpu.enqueue_dma source(%dma_start3A_143 : memref<128x64xf32, #tpu.memory_space<vmem_shared>>) target(%arg9 : memref<128x64xf32, #tpu.memory_space<vmem>>) target_semaphore(%run_scoped3A : memref<!tpu.dma_semaphore, #tpu.memory_space<semaphore_mem>>)
        %dma_wait3A_144 = arith.constant 0 : i32
        %dma_wait3A_145 = tpu.memref_slice %arg11[%add3A_75, %dma_wait3A_144] : memref<10240x64xf32, #tpu.memory_space<vmem_shared>> -> memref<128x64xf32, #tpu.memory_space<vmem_shared>>
        %dma_wait3A_146 = arith.constant 0 : i32
        %dma_wait3A_147 = tpu.memref_slice %arg11[%add3A_75, %dma_wait3A_146] : memref<10240x64xf32, #tpu.memory_space<vmem_shared>> -> memref<128x64xf32, #tpu.memory_space<vmem_shared>>
        tpu.wait_dma2 semaphore(%run_scoped3A : memref<!tpu.dma_semaphore, #tpu.memory_space<semaphore_mem>>) src(%dma_wait3A_147 : memref<128x64xf32, #tpu.memory_space<vmem_shared>>) dst(%arg9 : memref<128x64xf32, #tpu.memory_space<vmem>>)
        tpu.yield
      }) : () -> ()
      %mul3A_76 = arith.constant 640 : i32
      %mul3A_77 = arith.muli %arg1, %mul3A_76 : i32
      %add3A_78 = arith.constant 256 : i32
      %add3A_79 = arith.addi %mul3A_77, %add3A_78 : i32
      %dma_start3A_80 = arith.constant 0 : i32
      %dma_start3A_81 = tpu.memref_slice %arg6[%add3A_79, %dma_start3A_80] : memref<10240x64xf32, #tpu.memory_space<hbm>> -> memref<128x64xf32, #tpu.memory_space<hbm>>
      %dma_start3A_82 = arith.constant 0 : i32
      %dma_start3A_83 = tpu.memref_slice %arg6[%add3A_79, %dma_start3A_82] : memref<10240x64xf32, #tpu.memory_space<hbm>> -> memref<128x64xf32, #tpu.memory_space<hbm>>
      tpu.enqueue_dma source(%arg9 : memref<128x64xf32, #tpu.memory_space<vmem>>) target(%dma_start3A_83 : memref<128x64xf32, #tpu.memory_space<hbm>>) target_semaphore(%arg12 : memref<!tpu.dma_semaphore, #tpu.memory_space<semaphore_mem>>)
      %mul3A_84 = arith.constant 640 : i32
      %mul3A_85 = arith.muli %arg1, %mul3A_84 : i32
      %add3A_86 = arith.constant 128 : i32
      %add3A_87 = arith.addi %mul3A_85, %add3A_86 : i32
      %dma_wait3A_88 = arith.constant 0 : i32
      %dma_wait3A_89 = tpu.memref_slice %arg6[%add3A_87, %dma_wait3A_88] : memref<10240x64xf32, #tpu.memory_space<hbm>> -> memref<128x64xf32, #tpu.memory_space<hbm>>
      %dma_wait3A_90 = arith.constant 0 : i32
      %dma_wait3A_91 = tpu.memref_slice %arg6[%add3A_87, %dma_wait3A_90] : memref<10240x64xf32, #tpu.memory_space<hbm>> -> memref<128x64xf32, #tpu.memory_space<hbm>>
      tpu.wait_dma2 semaphore(%arg13 : memref<!tpu.dma_semaphore, #tpu.memory_space<semaphore_mem>>) src(%arg10 : memref<128x64xf32, #tpu.memory_space<vmem>>) dst(%dma_wait3A_91 : memref<128x64xf32, #tpu.memory_space<hbm>>)
      %mul3A_92 = arith.constant 640 : i32
      %mul3A_93 = arith.muli %arg1, %mul3A_92 : i32
      %add3A_94 = arith.constant 384 : i32
      %add3A_95 = arith.addi %mul3A_93, %add3A_94 : i32
      "tpu.region"() ({
        %run_scoped3A = tpu.sem_alloc : memref<!tpu.dma_semaphore, #tpu.memory_space<semaphore_mem>>
        %dma_start3A_140 = arith.constant 0 : i32
        %dma_start3A_141 = tpu.memref_slice %arg11[%add3A_95, %dma_start3A_140] : memref<10240x64xf32, #tpu.memory_space<vmem_shared>> -> memref<128x64xf32, #tpu.memory_space<vmem_shared>>
        %dma_start3A_142 = arith.constant 0 : i32
        %dma_start3A_143 = tpu.memref_slice %arg11[%add3A_95, %dma_start3A_142] : memref<10240x64xf32, #tpu.memory_space<vmem_shared>> -> memref<128x64xf32, #tpu.memory_space<vmem_shared>>
        tpu.enqueue_dma source(%dma_start3A_143 : memref<128x64xf32, #tpu.memory_space<vmem_shared>>) target(%arg10 : memref<128x64xf32, #tpu.memory_space<vmem>>) target_semaphore(%run_scoped3A : memref<!tpu.dma_semaphore, #tpu.memory_space<semaphore_mem>>)
        %dma_wait3A_144 = arith.constant 0 : i32
        %dma_wait3A_145 = tpu.memref_slice %arg11[%add3A_95, %dma_wait3A_144] : memref<10240x64xf32, #tpu.memory_space<vmem_shared>> -> memref<128x64xf32, #tpu.memory_space<vmem_shared>>
        %dma_wait3A_146 = arith.constant 0 : i32
        %dma_wait3A_147 = tpu.memref_slice %arg11[%add3A_95, %dma_wait3A_146] : memref<10240x64xf32, #tpu.memory_space<vmem_shared>> -> memref<128x64xf32, #tpu.memory_space<vmem_shared>>
        tpu.wait_dma2 semaphore(%run_scoped3A : memref<!tpu.dma_semaphore, #tpu.memory_space<semaphore_mem>>) src(%dma_wait3A_147 : memref<128x64xf32, #tpu.memory_space<vmem_shared>>) dst(%arg10 : memref<128x64xf32, #tpu.memory_space<vmem>>)
        tpu.yield
      }) : () -> ()
      %mul3A_96 = arith.constant 640 : i32
      %mul3A_97 = arith.muli %arg1, %mul3A_96 : i32
      %add3A_98 = arith.constant 384 : i32
      %add3A_99 = arith.addi %mul3A_97, %add3A_98 : i32
      %dma_start3A_100 = arith.constant 0 : i32
      %dma_start3A_101 = tpu.memref_slice %arg6[%add3A_99, %dma_start3A_100] : memref<10240x64xf32, #tpu.memory_space<hbm>> -> memref<128x64xf32, #tpu.memory_space<hbm>>
      %dma_start3A_102 = arith.constant 0 : i32
      %dma_start3A_103 = tpu.memref_slice %arg6[%add3A_99, %dma_start3A_102] : memref<10240x64xf32, #tpu.memory_space<hbm>> -> memref<128x64xf32, #tpu.memory_space<hbm>>
      tpu.enqueue_dma source(%arg10 : memref<128x64xf32, #tpu.memory_space<vmem>>) target(%dma_start3A_103 : memref<128x64xf32, #tpu.memory_space<hbm>>) target_semaphore(%arg13 : memref<!tpu.dma_semaphore, #tpu.memory_space<semaphore_mem>>)
      %mul3A_104 = arith.constant 640 : i32
      %mul3A_105 = arith.muli %arg1, %mul3A_104 : i32
      %add3A_106 = arith.constant 256 : i32
      %add3A_107 = arith.addi %mul3A_105, %add3A_106 : i32
      %dma_wait3A_108 = arith.constant 0 : i32
      %dma_wait3A_109 = tpu.memref_slice %arg6[%add3A_107, %dma_wait3A_108] : memref<10240x64xf32, #tpu.memory_space<hbm>> -> memref<128x64xf32, #tpu.memory_space<hbm>>
      %dma_wait3A_110 = arith.constant 0 : i32
      %dma_wait3A_111 = tpu.memref_slice %arg6[%add3A_107, %dma_wait3A_110] : memref<10240x64xf32, #tpu.memory_space<hbm>> -> memref<128x64xf32, #tpu.memory_space<hbm>>
      tpu.wait_dma2 semaphore(%arg12 : memref<!tpu.dma_semaphore, #tpu.memory_space<semaphore_mem>>) src(%arg9 : memref<128x64xf32, #tpu.memory_space<vmem>>) dst(%dma_wait3A_111 : memref<128x64xf32, #tpu.memory_space<hbm>>)
      %mul3A_112 = arith.constant 640 : i32
      %mul3A_113 = arith.muli %arg1, %mul3A_112 : i32
      %add3A_114 = arith.constant 512 : i32
      %add3A_115 = arith.addi %mul3A_113, %add3A_114 : i32
      "tpu.region"() ({
        %run_scoped3A = tpu.sem_alloc : memref<!tpu.dma_semaphore, #tpu.memory_space<semaphore_mem>>
        %dma_start3A_140 = arith.constant 0 : i32
        %dma_start3A_141 = tpu.memref_slice %arg11[%add3A_115, %dma_start3A_140] : memref<10240x64xf32, #tpu.memory_space<vmem_shared>> -> memref<128x64xf32, #tpu.memory_space<vmem_shared>>
        %dma_start3A_142 = arith.constant 0 : i32
        %dma_start3A_143 = tpu.memref_slice %arg11[%add3A_115, %dma_start3A_142] : memref<10240x64xf32, #tpu.memory_space<vmem_shared>> -> memref<128x64xf32, #tpu.memory_space<vmem_shared>>
        tpu.enqueue_dma source(%dma_start3A_143 : memref<128x64xf32, #tpu.memory_space<vmem_shared>>) target(%arg9 : memref<128x64xf32, #tpu.memory_space<vmem>>) target_semaphore(%run_scoped3A : memref<!tpu.dma_semaphore, #tpu.memory_space<semaphore_mem>>)
        %dma_wait3A_144 = arith.constant 0 : i32
        %dma_wait3A_145 = tpu.memref_slice %arg11[%add3A_115, %dma_wait3A_144] : memref<10240x64xf32, #tpu.memory_space<vmem_shared>> -> memref<128x64xf32, #tpu.memory_space<vmem_shared>>
        %dma_wait3A_146 = arith.constant 0 : i32
        %dma_wait3A_147 = tpu.memref_slice %arg11[%add3A_115, %dma_wait3A_146] : memref<10240x64xf32, #tpu.memory_space<vmem_shared>> -> memref<128x64xf32, #tpu.memory_space<vmem_shared>>
        tpu.wait_dma2 semaphore(%run_scoped3A : memref<!tpu.dma_semaphore, #tpu.memory_space<semaphore_mem>>) src(%dma_wait3A_147 : memref<128x64xf32, #tpu.memory_space<vmem_shared>>) dst(%arg9 : memref<128x64xf32, #tpu.memory_space<vmem>>)
        tpu.yield
      }) : () -> ()
      %mul3A_116 = arith.constant 640 : i32
      %mul3A_117 = arith.muli %arg1, %mul3A_116 : i32
      %add3A_118 = arith.constant 512 : i32
      %add3A_119 = arith.addi %mul3A_117, %add3A_118 : i32
      %dma_start3A_120 = arith.constant 0 : i32
      %dma_start3A_121 = tpu.memref_slice %arg6[%add3A_119, %dma_start3A_120] : memref<10240x64xf32, #tpu.memory_space<hbm>> -> memref<128x64xf32, #tpu.memory_space<hbm>>
      %dma_start3A_122 = arith.constant 0 : i32
      %dma_start3A_123 = tpu.memref_slice %arg6[%add3A_119, %dma_start3A_122] : memref<10240x64xf32, #tpu.memory_space<hbm>> -> memref<128x64xf32, #tpu.memory_space<hbm>>
      tpu.enqueue_dma source(%arg9 : memref<128x64xf32, #tpu.memory_space<vmem>>) target(%dma_start3A_123 : memref<128x64xf32, #tpu.memory_space<hbm>>) target_semaphore(%arg12 : memref<!tpu.dma_semaphore, #tpu.memory_space<semaphore_mem>>)
      %mul3A_124 = arith.constant 640 : i32
      %mul3A_125 = arith.muli %arg1, %mul3A_124 : i32
      %add3A_126 = arith.constant 384 : i32
      %add3A_127 = arith.addi %mul3A_125, %add3A_126 : i32
      %dma_wait3A_128 = arith.constant 0 : i32
      %dma_wait3A_129 = tpu.memref_slice %arg6[%add3A_127, %dma_wait3A_128] : memref<10240x64xf32, #tpu.memory_space<hbm>> -> memref<128x64xf32, #tpu.memory_space<hbm>>
      %dma_wait3A_130 = arith.constant 0 : i32
      %dma_wait3A_131 = tpu.memref_slice %arg6[%add3A_127, %dma_wait3A_130] : memref<10240x64xf32, #tpu.memory_space<hbm>> -> memref<128x64xf32, #tpu.memory_space<hbm>>
      tpu.wait_dma2 semaphore(%arg13 : memref<!tpu.dma_semaphore, #tpu.memory_space<semaphore_mem>>) src(%arg10 : memref<128x64xf32, #tpu.memory_space<vmem>>) dst(%dma_wait3A_131 : memref<128x64xf32, #tpu.memory_space<hbm>>)
      %mul3A_132 = arith.constant 640 : i32
      %mul3A_133 = arith.muli %arg1, %mul3A_132 : i32
      %add3A_134 = arith.constant 512 : i32
      %add3A_135 = arith.addi %mul3A_133, %add3A_134 : i32
      %dma_wait3A_136 = arith.constant 0 : i32
      %dma_wait3A_137 = tpu.memref_slice %arg6[%add3A_135, %dma_wait3A_136] : memref<10240x64xf32, #tpu.memory_space<hbm>> -> memref<128x64xf32, #tpu.memory_space<hbm>>
      %dma_wait3A_138 = arith.constant 0 : i32
      %dma_wait3A_139 = tpu.memref_slice %arg6[%add3A_135, %dma_wait3A_138] : memref<10240x64xf32, #tpu.memory_space<hbm>> -> memref<128x64xf32, #tpu.memory_space<hbm>>
      tpu.wait_dma2 semaphore(%arg12 : memref<!tpu.dma_semaphore, #tpu.memory_space<semaphore_mem>>) src(%arg9 : memref<128x64xf32, #tpu.memory_space<vmem>>) dst(%dma_wait3A_139 : memref<128x64xf32, #tpu.memory_space<hbm>>)
    } else {
    }
    return
  }
}

#map = affine_map<(d0, d1) -> (0, 0)>
module attributes {stable_mosaic.version = 14 : i64} {
  func.func @body(%arg0: i32, %arg1: i32, %arg2: memref<10240x112xf32, #tpu.memory_space<hbm>>, %arg3: memref<2560x128xi32, #tpu.memory_space<hbm>>, %arg4: memref<2560x128xi32, #tpu.memory_space<hbm>>, %arg5: memref<10240x112xf32, #tpu.memory_space<hbm>>, %arg6: memref<10240x112xf32, #tpu.memory_space<hbm>>, %arg7: memref<118x128xi32, #tpu.memory_space<vmem>>, %arg8: memref<118x128xi32, #tpu.memory_space<vmem>>, %arg9: memref<128x112xf32, #tpu.memory_space<vmem>>, %arg10: memref<128x112xf32, #tpu.memory_space<vmem>>, %arg11: memref<10240x112xf32, #tpu.memory_space<vmem_shared>>, %arg12: memref<!tpu.dma_semaphore, #tpu.memory_space<semaphore_mem>>, %arg13: memref<!tpu.dma_semaphore, #tpu.memory_space<semaphore_mem>>) attributes {dimension_semantics = [#tpu.dimension_semantics<core_parallel>, #tpu.dimension_semantics<subcore_parallel>], iteration_bounds = array<i64: 2, 16>, scalar_prefetch = 0 : i64, scratch_operands = 7 : i64, tpu.core_type = #tpu.core_type<sc_vector_subcore>, window_params = [{transform_indices = #map}, {transform_indices = #map}, {transform_indices = #map}, {transform_indices = #map}, {transform_indices = #map}]} {
    %broadcast_in_dim3A = arith.constant 0.000000e+00 : f32
    %broadcast_in_dim3A_0 = vector.broadcast %broadcast_in_dim3A : f32 to vector<16xf32>
    %scan3A = arith.constant 0 : i32
    %scan3A_1 = arith.constant 0 : i32
    %scan3A_2 = arith.constant 128 : i32
    %scan3A_3 = arith.addi %scan3A_1, %scan3A_2 : i32
    %scan3A_4 = arith.constant 1 : i32
    %scan3A_5 = scf.for %scan3A_42 = %scan3A_1 to %scan3A_3 step %scan3A_4 iter_args(%scan3A_43 = %scan3A) -> (i32)  : i32 {
      %swap3A = arith.index_cast %scan3A_42 : i32 to index
      %swap3A_44 = arith.constant 0 : index
      %swap3A_45 = tpu.vector_load %arg9[%swap3A, %swap3A_44] {strides = array<i32>} : memref<128x112xf32, #tpu.memory_space<vmem>>, vector<1x16xf32>,
      %swap3A_46 = vector.shape_cast %swap3A_45 : vector<1x16xf32> to vector<16xf32>
      %swap3A_47 = vector.shape_cast %broadcast_in_dim3A_0 : vector<16xf32> to vector<1x16xf32>
      tpu.vector_store %arg9[%swap3A, %swap3A_44], %swap3A_47 {strides = array<i32>} : memref<128x112xf32, #tpu.memory_space<vmem>>, vector<1x16xf32>,
      %swap3A_48 = arith.index_cast %scan3A_42 : i32 to index
      %swap3A_49 = arith.constant 16 : index
      %swap3A_50 = tpu.vector_load %arg9[%swap3A_48, %swap3A_49] {strides = array<i32>} : memref<128x112xf32, #tpu.memory_space<vmem>>, vector<1x16xf32>,
      %swap3A_51 = vector.shape_cast %swap3A_50 : vector<1x16xf32> to vector<16xf32>
      %swap3A_52 = vector.shape_cast %broadcast_in_dim3A_0 : vector<16xf32> to vector<1x16xf32>
      tpu.vector_store %arg9[%swap3A_48, %swap3A_49], %swap3A_52 {strides = array<i32>} : memref<128x112xf32, #tpu.memory_space<vmem>>, vector<1x16xf32>,
      %swap3A_53 = arith.index_cast %scan3A_42 : i32 to index
      %swap3A_54 = arith.constant 32 : index
      %swap3A_55 = tpu.vector_load %arg9[%swap3A_53, %swap3A_54] {strides = array<i32>} : memref<128x112xf32, #tpu.memory_space<vmem>>, vector<1x16xf32>,
      %swap3A_56 = vector.shape_cast %swap3A_55 : vector<1x16xf32> to vector<16xf32>
      %swap3A_57 = vector.shape_cast %broadcast_in_dim3A_0 : vector<16xf32> to vector<1x16xf32>
      tpu.vector_store %arg9[%swap3A_53, %swap3A_54], %swap3A_57 {strides = array<i32>} : memref<128x112xf32, #tpu.memory_space<vmem>>, vector<1x16xf32>,
      %swap3A_58 = arith.index_cast %scan3A_42 : i32 to index
      %swap3A_59 = arith.constant 48 : index
      %swap3A_60 = tpu.vector_load %arg9[%swap3A_58, %swap3A_59] {strides = array<i32>} : memref<128x112xf32, #tpu.memory_space<vmem>>, vector<1x16xf32>,
      %swap3A_61 = vector.shape_cast %swap3A_60 : vector<1x16xf32> to vector<16xf32>
      %swap3A_62 = vector.shape_cast %broadcast_in_dim3A_0 : vector<16xf32> to vector<1x16xf32>
      tpu.vector_store %arg9[%swap3A_58, %swap3A_59], %swap3A_62 {strides = array<i32>} : memref<128x112xf32, #tpu.memory_space<vmem>>, vector<1x16xf32>,
      %swap3A_63 = arith.index_cast %scan3A_42 : i32 to index
      %swap3A_64 = arith.constant 64 : index
      %swap3A_65 = tpu.vector_load %arg9[%swap3A_63, %swap3A_64] {strides = array<i32>} : memref<128x112xf32, #tpu.memory_space<vmem>>, vector<1x16xf32>,
      %swap3A_66 = vector.shape_cast %swap3A_65 : vector<1x16xf32> to vector<16xf32>
      %swap3A_67 = vector.shape_cast %broadcast_in_dim3A_0 : vector<16xf32> to vector<1x16xf32>
      tpu.vector_store %arg9[%swap3A_63, %swap3A_64], %swap3A_67 {strides = array<i32>} : memref<128x112xf32, #tpu.memory_space<vmem>>, vector<1x16xf32>,
      %swap3A_68 = arith.index_cast %scan3A_42 : i32 to index
      %swap3A_69 = arith.constant 80 : index
      %swap3A_70 = tpu.vector_load %arg9[%swap3A_68, %swap3A_69] {strides = array<i32>} : memref<128x112xf32, #tpu.memory_space<vmem>>, vector<1x16xf32>,
      %swap3A_71 = vector.shape_cast %swap3A_70 : vector<1x16xf32> to vector<16xf32>
      %swap3A_72 = vector.shape_cast %broadcast_in_dim3A_0 : vector<16xf32> to vector<1x16xf32>
      tpu.vector_store %arg9[%swap3A_68, %swap3A_69], %swap3A_72 {strides = array<i32>} : memref<128x112xf32, #tpu.memory_space<vmem>>, vector<1x16xf32>,
      %swap3A_73 = arith.index_cast %scan3A_42 : i32 to index
      %swap3A_74 = arith.constant 96 : index
      %swap3A_75 = tpu.vector_load %arg9[%swap3A_73, %swap3A_74] {strides = array<i32>} : memref<128x112xf32, #tpu.memory_space<vmem>>, vector<1x16xf32>,
      %swap3A_76 = vector.shape_cast %swap3A_75 : vector<1x16xf32> to vector<16xf32>
      %swap3A_77 = vector.shape_cast %broadcast_in_dim3A_0 : vector<16xf32> to vector<1x16xf32>
      tpu.vector_store %arg9[%swap3A_73, %swap3A_74], %swap3A_77 {strides = array<i32>} : memref<128x112xf32, #tpu.memory_space<vmem>>, vector<1x16xf32>,
      %scan3A_78 = arith.constant 0 : i32
      scf.yield %scan3A_78 : i32
    }
    %scan3A_6 = arith.constant 128 : i32
    %mul3A = arith.constant 640 : i32
    %mul3A_7 = arith.muli %arg1, %mul3A : i32
    %add3A = arith.constant 0 : i32
    %add3A_8 = arith.addi %mul3A_7, %add3A : i32
    "tpu.region"() ({
      %run_scoped3A = tpu.sem_alloc : memref<!tpu.dma_semaphore, #tpu.memory_space<semaphore_mem>>
      %dma_start3A = arith.constant 0 : i32
      %dma_start3A_42 = tpu.memref_slice %arg11[%add3A_8, %dma_start3A] : memref<10240x112xf32, #tpu.memory_space<vmem_shared>> -> memref<128x112xf32, #tpu.memory_space<vmem_shared>>
      %dma_start3A_43 = arith.constant 0 : i32
      %dma_start3A_44 = tpu.memref_slice %arg11[%add3A_8, %dma_start3A_43] : memref<10240x112xf32, #tpu.memory_space<vmem_shared>> -> memref<128x112xf32, #tpu.memory_space<vmem_shared>>
      tpu.enqueue_dma source(%arg9 : memref<128x112xf32, #tpu.memory_space<vmem>>) target(%dma_start3A_44 : memref<128x112xf32, #tpu.memory_space<vmem_shared>>) target_semaphore(%run_scoped3A : memref<!tpu.dma_semaphore, #tpu.memory_space<semaphore_mem>>)
      %dma_wait3A = arith.constant 0 : i32
      %dma_wait3A_45 = tpu.memref_slice %arg11[%add3A_8, %dma_wait3A] : memref<10240x112xf32, #tpu.memory_space<vmem_shared>> -> memref<128x112xf32, #tpu.memory_space<vmem_shared>>
      %dma_wait3A_46 = arith.constant 0 : i32
      %dma_wait3A_47 = tpu.memref_slice %arg11[%add3A_8, %dma_wait3A_46] : memref<10240x112xf32, #tpu.memory_space<vmem_shared>> -> memref<128x112xf32, #tpu.memory_space<vmem_shared>>
      tpu.wait_dma2 semaphore(%run_scoped3A : memref<!tpu.dma_semaphore, #tpu.memory_space<semaphore_mem>>) src(%arg9 : memref<128x112xf32, #tpu.memory_space<vmem>>) dst(%dma_wait3A_47 : memref<128x112xf32, #tpu.memory_space<vmem_shared>>)
      tpu.yield
    }) : () -> ()
    %mul3A_9 = arith.constant 640 : i32
    %mul3A_10 = arith.muli %arg1, %mul3A_9 : i32
    %add3A_11 = arith.constant 128 : i32
    %add3A_12 = arith.addi %mul3A_10, %add3A_11 : i32
    "tpu.region"() ({
      %run_scoped3A = tpu.sem_alloc : memref<!tpu.dma_semaphore, #tpu.memory_space<semaphore_mem>>
      %dma_start3A = arith.constant 0 : i32
      %dma_start3A_42 = tpu.memref_slice %arg11[%add3A_12, %dma_start3A] : memref<10240x112xf32, #tpu.memory_space<vmem_shared>> -> memref<128x112xf32, #tpu.memory_space<vmem_shared>>
      %dma_start3A_43 = arith.constant 0 : i32
      %dma_start3A_44 = tpu.memref_slice %arg11[%add3A_12, %dma_start3A_43] : memref<10240x112xf32, #tpu.memory_space<vmem_shared>> -> memref<128x112xf32, #tpu.memory_space<vmem_shared>>
      tpu.enqueue_dma source(%arg9 : memref<128x112xf32, #tpu.memory_space<vmem>>) target(%dma_start3A_44 : memref<128x112xf32, #tpu.memory_space<vmem_shared>>) target_semaphore(%run_scoped3A : memref<!tpu.dma_semaphore, #tpu.memory_space<semaphore_mem>>)
      %dma_wait3A = arith.constant 0 : i32
      %dma_wait3A_45 = tpu.memref_slice %arg11[%add3A_12, %dma_wait3A] : memref<10240x112xf32, #tpu.memory_space<vmem_shared>> -> memref<128x112xf32, #tpu.memory_space<vmem_shared>>
      %dma_wait3A_46 = arith.constant 0 : i32
      %dma_wait3A_47 = tpu.memref_slice %arg11[%add3A_12, %dma_wait3A_46] : memref<10240x112xf32, #tpu.memory_space<vmem_shared>> -> memref<128x112xf32, #tpu.memory_space<vmem_shared>>
      tpu.wait_dma2 semaphore(%run_scoped3A : memref<!tpu.dma_semaphore, #tpu.memory_space<semaphore_mem>>) src(%arg9 : memref<128x112xf32, #tpu.memory_space<vmem>>) dst(%dma_wait3A_47 : memref<128x112xf32, #tpu.memory_space<vmem_shared>>)
      tpu.yield
    }) : () -> ()
    %mul3A_13 = arith.constant 640 : i32
    %mul3A_14 = arith.muli %arg1, %mul3A_13 : i32
    %add3A_15 = arith.constant 256 : i32
    %add3A_16 = arith.addi %mul3A_14, %add3A_15 : i32
    "tpu.region"() ({
      %run_scoped3A = tpu.sem_alloc : memref<!tpu.dma_semaphore, #tpu.memory_space<semaphore_mem>>
      %dma_start3A = arith.constant 0 : i32
      %dma_start3A_42 = tpu.memref_slice %arg11[%add3A_16, %dma_start3A] : memref<10240x112xf32, #tpu.memory_space<vmem_shared>> -> memref<128x112xf32, #tpu.memory_space<vmem_shared>>
      %dma_start3A_43 = arith.constant 0 : i32
      %dma_start3A_44 = tpu.memref_slice %arg11[%add3A_16, %dma_start3A_43] : memref<10240x112xf32, #tpu.memory_space<vmem_shared>> -> memref<128x112xf32, #tpu.memory_space<vmem_shared>>
      tpu.enqueue_dma source(%arg9 : memref<128x112xf32, #tpu.memory_space<vmem>>) target(%dma_start3A_44 : memref<128x112xf32, #tpu.memory_space<vmem_shared>>) target_semaphore(%run_scoped3A : memref<!tpu.dma_semaphore, #tpu.memory_space<semaphore_mem>>)
      %dma_wait3A = arith.constant 0 : i32
      %dma_wait3A_45 = tpu.memref_slice %arg11[%add3A_16, %dma_wait3A] : memref<10240x112xf32, #tpu.memory_space<vmem_shared>> -> memref<128x112xf32, #tpu.memory_space<vmem_shared>>
      %dma_wait3A_46 = arith.constant 0 : i32
      %dma_wait3A_47 = tpu.memref_slice %arg11[%add3A_16, %dma_wait3A_46] : memref<10240x112xf32, #tpu.memory_space<vmem_shared>> -> memref<128x112xf32, #tpu.memory_space<vmem_shared>>
      tpu.wait_dma2 semaphore(%run_scoped3A : memref<!tpu.dma_semaphore, #tpu.memory_space<semaphore_mem>>) src(%arg9 : memref<128x112xf32, #tpu.memory_space<vmem>>) dst(%dma_wait3A_47 : memref<128x112xf32, #tpu.memory_space<vmem_shared>>)
      tpu.yield
    }) : () -> ()
    %mul3A_17 = arith.constant 640 : i32
    %mul3A_18 = arith.muli %arg1, %mul3A_17 : i32
    %add3A_19 = arith.constant 384 : i32
    %add3A_20 = arith.addi %mul3A_18, %add3A_19 : i32
    "tpu.region"() ({
      %run_scoped3A = tpu.sem_alloc : memref<!tpu.dma_semaphore, #tpu.memory_space<semaphore_mem>>
      %dma_start3A = arith.constant 0 : i32
      %dma_start3A_42 = tpu.memref_slice %arg11[%add3A_20, %dma_start3A] : memref<10240x112xf32, #tpu.memory_space<vmem_shared>> -> memref<128x112xf32, #tpu.memory_space<vmem_shared>>
      %dma_start3A_43 = arith.constant 0 : i32
      %dma_start3A_44 = tpu.memref_slice %arg11[%add3A_20, %dma_start3A_43] : memref<10240x112xf32, #tpu.memory_space<vmem_shared>> -> memref<128x112xf32, #tpu.memory_space<vmem_shared>>
      tpu.enqueue_dma source(%arg9 : memref<128x112xf32, #tpu.memory_space<vmem>>) target(%dma_start3A_44 : memref<128x112xf32, #tpu.memory_space<vmem_shared>>) target_semaphore(%run_scoped3A : memref<!tpu.dma_semaphore, #tpu.memory_space<semaphore_mem>>)
      %dma_wait3A = arith.constant 0 : i32
      %dma_wait3A_45 = tpu.memref_slice %arg11[%add3A_20, %dma_wait3A] : memref<10240x112xf32, #tpu.memory_space<vmem_shared>> -> memref<128x112xf32, #tpu.memory_space<vmem_shared>>
      %dma_wait3A_46 = arith.constant 0 : i32
      %dma_wait3A_47 = tpu.memref_slice %arg11[%add3A_20, %dma_wait3A_46] : memref<10240x112xf32, #tpu.memory_space<vmem_shared>> -> memref<128x112xf32, #tpu.memory_space<vmem_shared>>
      tpu.wait_dma2 semaphore(%run_scoped3A : memref<!tpu.dma_semaphore, #tpu.memory_space<semaphore_mem>>) src(%arg9 : memref<128x112xf32, #tpu.memory_space<vmem>>) dst(%dma_wait3A_47 : memref<128x112xf32, #tpu.memory_space<vmem_shared>>)
      tpu.yield
    }) : () -> ()
    %mul3A_21 = arith.constant 640 : i32
    %mul3A_22 = arith.muli %arg1, %mul3A_21 : i32
    %add3A_23 = arith.constant 512 : i32
    %add3A_24 = arith.addi %mul3A_22, %add3A_23 : i32
    "tpu.region"() ({
      %run_scoped3A = tpu.sem_alloc : memref<!tpu.dma_semaphore, #tpu.memory_space<semaphore_mem>>
      %dma_start3A = arith.constant 0 : i32
      %dma_start3A_42 = tpu.memref_slice %arg11[%add3A_24, %dma_start3A] : memref<10240x112xf32, #tpu.memory_space<vmem_shared>> -> memref<128x112xf32, #tpu.memory_space<vmem_shared>>
      %dma_start3A_43 = arith.constant 0 : i32
      %dma_start3A_44 = tpu.memref_slice %arg11[%add3A_24, %dma_start3A_43] : memref<10240x112xf32, #tpu.memory_space<vmem_shared>> -> memref<128x112xf32, #tpu.memory_space<vmem_shared>>
      tpu.enqueue_dma source(%arg9 : memref<128x112xf32, #tpu.memory_space<vmem>>) target(%dma_start3A_44 : memref<128x112xf32, #tpu.memory_space<vmem_shared>>) target_semaphore(%run_scoped3A : memref<!tpu.dma_semaphore, #tpu.memory_space<semaphore_mem>>)
      %dma_wait3A = arith.constant 0 : i32
      %dma_wait3A_45 = tpu.memref_slice %arg11[%add3A_24, %dma_wait3A] : memref<10240x112xf32, #tpu.memory_space<vmem_shared>> -> memref<128x112xf32, #tpu.memory_space<vmem_shared>>
      %dma_wait3A_46 = arith.constant 0 : i32
      %dma_wait3A_47 = tpu.memref_slice %arg11[%add3A_24, %dma_wait3A_46] : memref<10240x112xf32, #tpu.memory_space<vmem_shared>> -> memref<128x112xf32, #tpu.memory_space<vmem_shared>>
      tpu.wait_dma2 semaphore(%run_scoped3A : memref<!tpu.dma_semaphore, #tpu.memory_space<semaphore_mem>>) src(%arg9 : memref<128x112xf32, #tpu.memory_space<vmem>>) dst(%dma_wait3A_47 : memref<128x112xf32, #tpu.memory_space<vmem_shared>>)
      tpu.yield
    }) : () -> ()
    %eq3A = arith.constant 0 : i32
    %eq3A_25 = arith.cmpi eq, %arg0, %eq3A : i32
    %convert_element_type3A = arith.extui %eq3A_25 : i1 to i32
    %cond3A = arith.constant 0 : i32
    %cond3A_26 = arith.cmpi ne, %convert_element_type3A, %cond3A : i32
    scf.if %cond3A_26 {
      %mul3A_42 = arith.constant 118 : i32
      %mul3A_43 = arith.muli %arg1, %mul3A_42 : i32
      "tpu.region"() ({
        %run_scoped3A = tpu.sem_alloc : memref<!tpu.dma_semaphore, #tpu.memory_space<semaphore_mem>>
        %dma_start3A_58 = arith.constant 0 : i32
        %dma_start3A_59 = arith.constant 0 : i32
        %dma_start3A_60 = tpu.memref_slice %arg7[%dma_start3A_58, %dma_start3A_59] : memref<118x128xi32, #tpu.memory_space<vmem>> -> memref<118x128xi32, #tpu.memory_space<vmem>>
        %dma_start3A_61 = arith.constant 0 : i32
        %dma_start3A_62 = tpu.memref_slice %arg3[%mul3A_43, %dma_start3A_61] : memref<2560x128xi32, #tpu.memory_space<hbm>> -> memref<118x128xi32, #tpu.memory_space<hbm>>
        %dma_start3A_63 = arith.constant 0 : i32
        %dma_start3A_64 = arith.constant 0 : i32
        %dma_start3A_65 = tpu.memref_slice %arg7[%dma_start3A_63, %dma_start3A_64] : memref<118x128xi32, #tpu.memory_space<vmem>> -> memref<118x128xi32, #tpu.memory_space<vmem>>
        %dma_start3A_66 = arith.constant 0 : i32
        %dma_start3A_67 = tpu.memref_slice %arg3[%mul3A_43, %dma_start3A_66] : memref<2560x128xi32, #tpu.memory_space<hbm>> -> memref<118x128xi32, #tpu.memory_space<hbm>>
        tpu.enqueue_dma source(%dma_start3A_67 : memref<118x128xi32, #tpu.memory_space<hbm>>) target(%dma_start3A_65 : memref<118x128xi32, #tpu.memory_space<vmem>>) target_semaphore(%run_scoped3A : memref<!tpu.dma_semaphore, #tpu.memory_space<semaphore_mem>>)
        %dma_wait3A = arith.constant 0 : i32
        %dma_wait3A_68 = arith.constant 0 : i32
        %dma_wait3A_69 = tpu.memref_slice %arg7[%dma_wait3A, %dma_wait3A_68] : memref<118x128xi32, #tpu.memory_space<vmem>> -> memref<118x128xi32, #tpu.memory_space<vmem>>
        %dma_wait3A_70 = arith.constant 0 : i32
        %dma_wait3A_71 = tpu.memref_slice %arg3[%mul3A_43, %dma_wait3A_70] : memref<2560x128xi32, #tpu.memory_space<hbm>> -> memref<118x128xi32, #tpu.memory_space<hbm>>
        %dma_wait3A_72 = arith.constant 0 : i32
        %dma_wait3A_73 = arith.constant 0 : i32
        %dma_wait3A_74 = tpu.memref_slice %arg7[%dma_wait3A_72, %dma_wait3A_73] : memref<118x128xi32, #tpu.memory_space<vmem>> -> memref<118x128xi32, #tpu.memory_space<vmem>>
        %dma_wait3A_75 = arith.constant 0 : i32
        %dma_wait3A_76 = tpu.memref_slice %arg3[%mul3A_43, %dma_wait3A_75] : memref<2560x128xi32, #tpu.memory_space<hbm>> -> memref<118x128xi32, #tpu.memory_space<hbm>>
        tpu.wait_dma2 semaphore(%run_scoped3A : memref<!tpu.dma_semaphore, #tpu.memory_space<semaphore_mem>>) src(%dma_wait3A_76 : memref<118x128xi32, #tpu.memory_space<hbm>>) dst(%dma_wait3A_74 : memref<118x128xi32, #tpu.memory_space<vmem>>)
        tpu.yield
      }) : () -> ()
      "tpu.region"() ({
        %run_scoped3A = tpu.sem_alloc : memref<!tpu.dma_semaphore, #tpu.memory_space<semaphore_mem>>
        %dma_start3A_58 = arith.constant 0 : i32
        %dma_start3A_59 = arith.constant 0 : i32
        %dma_start3A_60 = tpu.memref_slice %arg8[%dma_start3A_58, %dma_start3A_59] : memref<118x128xi32, #tpu.memory_space<vmem>> -> memref<118x128xi32, #tpu.memory_space<vmem>>
        %dma_start3A_61 = arith.constant 0 : i32
        %dma_start3A_62 = tpu.memref_slice %arg4[%mul3A_43, %dma_start3A_61] : memref<2560x128xi32, #tpu.memory_space<hbm>> -> memref<118x128xi32, #tpu.memory_space<hbm>>
        %dma_start3A_63 = arith.constant 0 : i32
        %dma_start3A_64 = arith.constant 0 : i32
        %dma_start3A_65 = tpu.memref_slice %arg8[%dma_start3A_63, %dma_start3A_64] : memref<118x128xi32, #tpu.memory_space<vmem>> -> memref<118x128xi32, #tpu.memory_space<vmem>>
        %dma_start3A_66 = arith.constant 0 : i32
        %dma_start3A_67 = tpu.memref_slice %arg4[%mul3A_43, %dma_start3A_66] : memref<2560x128xi32, #tpu.memory_space<hbm>> -> memref<118x128xi32, #tpu.memory_space<hbm>>
        tpu.enqueue_dma source(%dma_start3A_67 : memref<118x128xi32, #tpu.memory_space<hbm>>) target(%dma_start3A_65 : memref<118x128xi32, #tpu.memory_space<vmem>>) target_semaphore(%run_scoped3A : memref<!tpu.dma_semaphore, #tpu.memory_space<semaphore_mem>>)
        %dma_wait3A = arith.constant 0 : i32
        %dma_wait3A_68 = arith.constant 0 : i32
        %dma_wait3A_69 = tpu.memref_slice %arg8[%dma_wait3A, %dma_wait3A_68] : memref<118x128xi32, #tpu.memory_space<vmem>> -> memref<118x128xi32, #tpu.memory_space<vmem>>
        %dma_wait3A_70 = arith.constant 0 : i32
        %dma_wait3A_71 = tpu.memref_slice %arg4[%mul3A_43, %dma_wait3A_70] : memref<2560x128xi32, #tpu.memory_space<hbm>> -> memref<118x128xi32, #tpu.memory_space<hbm>>
        %dma_wait3A_72 = arith.constant 0 : i32
        %dma_wait3A_73 = arith.constant 0 : i32
        %dma_wait3A_74 = tpu.memref_slice %arg8[%dma_wait3A_72, %dma_wait3A_73] : memref<118x128xi32, #tpu.memory_space<vmem>> -> memref<118x128xi32, #tpu.memory_space<vmem>>
        %dma_wait3A_75 = arith.constant 0 : i32
        %dma_wait3A_76 = tpu.memref_slice %arg4[%mul3A_43, %dma_wait3A_75] : memref<2560x128xi32, #tpu.memory_space<hbm>> -> memref<118x128xi32, #tpu.memory_space<hbm>>
        tpu.wait_dma2 semaphore(%run_scoped3A : memref<!tpu.dma_semaphore, #tpu.memory_space<semaphore_mem>>) src(%dma_wait3A_76 : memref<118x128xi32, #tpu.memory_space<hbm>>) dst(%dma_wait3A_74 : memref<118x128xi32, #tpu.memory_space<vmem>>)
        tpu.yield
      }) : () -> ()
      %barrier3A_44 = arith.constant 0 : index
      tpu.barrier barrier_id(%barrier3A_44)
      %dma_start3A = arith.constant 0 : i32
      %dma_start3A_45 = arith.constant 0 : i32
      %dma_start3A_46 = tpu.memref_slice %arg7[%dma_start3A, %dma_start3A_45] : memref<118x128xi32, #tpu.memory_space<vmem>> -> memref<1x128xi32, #tpu.memory_space<vmem>>
      %dma_start3A_47 = tpu.memref_squeeze %dma_start3A_46 : memref<1x128xi32, #tpu.memory_space<vmem>> -> memref<128xi32, #tpu.memory_space<vmem>>
      %dma_start3A_48 = arith.constant 0 : i32
      %dma_start3A_49 = arith.constant 0 : i32
      %dma_start3A_50 = tpu.memref_slice %arg2[%dma_start3A_48, %dma_start3A_49] : memref<10240x112xf32, #tpu.memory_space<hbm>> -> memref<10240x112xf32, #tpu.memory_space<hbm>>
      tpu.enqueue_indirect_dma source(%dma_start3A_50 : memref<10240x112xf32, #tpu.memory_space<hbm>>) target(%arg9 : memref<128x112xf32, #tpu.memory_space<vmem>>) offsets(%dma_start3A_47 : memref<128xi32, #tpu.memory_space<vmem>>) semaphore(%arg12 : memref<!tpu.dma_semaphore, #tpu.memory_space<semaphore_mem>>)
      %scan3A_51 = arith.constant 0 : i32
      %scan3A_52 = arith.constant 0 : i32
      %scan3A_53 = arith.constant 59 : i32
      %scan3A_54 = arith.addi %scan3A_52, %scan3A_53 : i32
      %scan3A_55 = arith.constant 1 : i32
      %scan3A_56 = scf.for %scan3A_58 = %scan3A_52 to %scan3A_54 step %scan3A_55 iter_args(%scan3A_59 = %scan3A_51) -> (i32)  : i32 {
        %mul3A_60 = arith.constant 2 : i32
        %mul3A_61 = arith.muli %scan3A_58, %mul3A_60 : i32
        %add3A_62 = arith.constant 1 : i32
        %add3A_63 = arith.addi %mul3A_61, %add3A_62 : i32
        %dma_start3A_64 = arith.constant 0 : i32
        %dma_start3A_65 = tpu.memref_slice %arg7[%add3A_63, %dma_start3A_64] : memref<118x128xi32, #tpu.memory_space<vmem>> -> memref<1x128xi32, #tpu.memory_space<vmem>>
        %dma_start3A_66 = tpu.memref_squeeze %dma_start3A_65 : memref<1x128xi32, #tpu.memory_space<vmem>> -> memref<128xi32, #tpu.memory_space<vmem>>
        %dma_start3A_67 = arith.constant 0 : i32
        %dma_start3A_68 = arith.constant 0 : i32
        %dma_start3A_69 = tpu.memref_slice %arg2[%dma_start3A_67, %dma_start3A_68] : memref<10240x112xf32, #tpu.memory_space<hbm>> -> memref<10240x112xf32, #tpu.memory_space<hbm>>
        tpu.enqueue_indirect_dma source(%dma_start3A_69 : memref<10240x112xf32, #tpu.memory_space<hbm>>) target(%arg10 : memref<128x112xf32, #tpu.memory_space<vmem>>) offsets(%dma_start3A_66 : memref<128xi32, #tpu.memory_space<vmem>>) semaphore(%arg13 : memref<!tpu.dma_semaphore, #tpu.memory_space<semaphore_mem>>)
        %dma_wait3A = arith.constant 0 : i32
        %dma_wait3A_70 = tpu.memref_slice %arg7[%mul3A_61, %dma_wait3A] : memref<118x128xi32, #tpu.memory_space<vmem>> -> memref<1x128xi32, #tpu.memory_space<vmem>>
        %dma_wait3A_71 = tpu.memref_squeeze %dma_wait3A_70 : memref<1x128xi32, #tpu.memory_space<vmem>> -> memref<128xi32, #tpu.memory_space<vmem>>
        %dma_wait3A_72 = arith.constant 0 : i32
        %dma_wait3A_73 = arith.constant 0 : i32
        %dma_wait3A_74 = tpu.memref_slice %arg2[%dma_wait3A_72, %dma_wait3A_73] : memref<10240x112xf32, #tpu.memory_space<hbm>> -> memref<10240x112xf32, #tpu.memory_space<hbm>>
        tpu.wait_indirect_dma semaphore(%arg12 : memref<!tpu.dma_semaphore, #tpu.memory_space<semaphore_mem>>) src(%dma_wait3A_74 : memref<10240x112xf32, #tpu.memory_space<hbm>>) dst(%arg9 : memref<128x112xf32, #tpu.memory_space<vmem>>)
        "tpu.region"() ({
          %run_scoped3A = tpu.sem_alloc : memref<!tpu.dma_semaphore, #tpu.memory_space<semaphore_mem>>
          %dma_start3A_92 = arith.constant 0 : i32
          %dma_start3A_93 = tpu.memref_slice %arg8[%mul3A_61, %dma_start3A_92] : memref<118x128xi32, #tpu.memory_space<vmem>> -> memref<1x128xi32, #tpu.memory_space<vmem>>
          %dma_start3A_94 = tpu.memref_squeeze %dma_start3A_93 : memref<1x128xi32, #tpu.memory_space<vmem>> -> memref<128xi32, #tpu.memory_space<vmem>>
          %dma_start3A_95 = arith.constant 0 : i32
          %dma_start3A_96 = arith.constant 0 : i32
          %dma_start3A_97 = tpu.memref_slice %arg11[%dma_start3A_95, %dma_start3A_96] : memref<10240x112xf32, #tpu.memory_space<vmem_shared>> -> memref<10240x112xf32, #tpu.memory_space<vmem_shared>>
          tpu.enqueue_indirect_dma source(%arg9 : memref<128x112xf32, #tpu.memory_space<vmem>>) target(%dma_start3A_97 : memref<10240x112xf32, #tpu.memory_space<vmem_shared>>) offsets(%dma_start3A_94 : memref<128xi32, #tpu.memory_space<vmem>>) semaphore(%run_scoped3A : memref<!tpu.dma_semaphore, #tpu.memory_space<semaphore_mem>>) {add = true}
          %dma_wait3A_98 = arith.constant 0 : i32
          %dma_wait3A_99 = tpu.memref_slice %arg8[%mul3A_61, %dma_wait3A_98] : memref<118x128xi32, #tpu.memory_space<vmem>> -> memref<1x128xi32, #tpu.memory_space<vmem>>
          %dma_wait3A_100 = tpu.memref_squeeze %dma_wait3A_99 : memref<1x128xi32, #tpu.memory_space<vmem>> -> memref<128xi32, #tpu.memory_space<vmem>>
          %dma_wait3A_101 = arith.constant 0 : i32
          %dma_wait3A_102 = arith.constant 0 : i32
          %dma_wait3A_103 = tpu.memref_slice %arg11[%dma_wait3A_101, %dma_wait3A_102] : memref<10240x112xf32, #tpu.memory_space<vmem_shared>> -> memref<10240x112xf32, #tpu.memory_space<vmem_shared>>
          tpu.wait_indirect_dma semaphore(%run_scoped3A : memref<!tpu.dma_semaphore, #tpu.memory_space<semaphore_mem>>) src(%arg9 : memref<128x112xf32, #tpu.memory_space<vmem>>) dst(%dma_wait3A_103 : memref<10240x112xf32, #tpu.memory_space<vmem_shared>>)
          tpu.yield
        }) : () -> ()
        %add3A_75 = arith.constant 2 : i32
        %add3A_76 = arith.addi %mul3A_61, %add3A_75 : i32
        %lt3A = arith.constant 118 : i32
        %lt3A_77 = arith.cmpi slt, %add3A_76, %lt3A : i32
        %convert_element_type3A_78 = arith.extui %lt3A_77 : i1 to i32
        %cond3A_79 = arith.constant 0 : i32
        %cond3A_80 = arith.cmpi ne, %convert_element_type3A_78, %cond3A_79 : i32
        scf.if %cond3A_80 {
          %add3A_92 = arith.constant 2 : i32
          %add3A_93 = arith.addi %mul3A_61, %add3A_92 : i32
          %dma_start3A_94 = arith.constant 0 : i32
          %dma_start3A_95 = tpu.memref_slice %arg7[%add3A_93, %dma_start3A_94] : memref<118x128xi32, #tpu.memory_space<vmem>> -> memref<1x128xi32, #tpu.memory_space<vmem>>
          %dma_start3A_96 = tpu.memref_squeeze %dma_start3A_95 : memref<1x128xi32, #tpu.memory_space<vmem>> -> memref<128xi32, #tpu.memory_space<vmem>>
          %dma_start3A_97 = arith.constant 0 : i32
          %dma_start3A_98 = arith.constant 0 : i32
          %dma_start3A_99 = tpu.memref_slice %arg2[%dma_start3A_97, %dma_start3A_98] : memref<10240x112xf32, #tpu.memory_space<hbm>> -> memref<10240x112xf32, #tpu.memory_space<hbm>>
          tpu.enqueue_indirect_dma source(%dma_start3A_99 : memref<10240x112xf32, #tpu.memory_space<hbm>>) target(%arg9 : memref<128x112xf32, #tpu.memory_space<vmem>>) offsets(%dma_start3A_96 : memref<128xi32, #tpu.memory_space<vmem>>) semaphore(%arg12 : memref<!tpu.dma_semaphore, #tpu.memory_space<semaphore_mem>>)
        } else {
        }
        %add3A_81 = arith.constant 1 : i32
        %add3A_82 = arith.addi %mul3A_61, %add3A_81 : i32
        %dma_wait3A_83 = arith.constant 0 : i32
        %dma_wait3A_84 = tpu.memref_slice %arg7[%add3A_82, %dma_wait3A_83] : memref<118x128xi32, #tpu.memory_space<vmem>> -> memref<1x128xi32, #tpu.memory_space<vmem>>
        %dma_wait3A_85 = tpu.memref_squeeze %dma_wait3A_84 : memref<1x128xi32, #tpu.memory_space<vmem>> -> memref<128xi32, #tpu.memory_space<vmem>>
        %dma_wait3A_86 = arith.constant 0 : i32
        %dma_wait3A_87 = arith.constant 0 : i32
        %dma_wait3A_88 = tpu.memref_slice %arg2[%dma_wait3A_86, %dma_wait3A_87] : memref<10240x112xf32, #tpu.memory_space<hbm>> -> memref<10240x112xf32, #tpu.memory_space<hbm>>
        tpu.wait_indirect_dma semaphore(%arg13 : memref<!tpu.dma_semaphore, #tpu.memory_space<semaphore_mem>>) src(%dma_wait3A_88 : memref<10240x112xf32, #tpu.memory_space<hbm>>) dst(%arg10 : memref<128x112xf32, #tpu.memory_space<vmem>>)
        %add3A_89 = arith.constant 1 : i32
        %add3A_90 = arith.addi %mul3A_61, %add3A_89 : i32
        "tpu.region"() ({
          %run_scoped3A = tpu.sem_alloc : memref<!tpu.dma_semaphore, #tpu.memory_space<semaphore_mem>>
          %dma_start3A_92 = arith.constant 0 : i32
          %dma_start3A_93 = tpu.memref_slice %arg8[%add3A_90, %dma_start3A_92] : memref<118x128xi32, #tpu.memory_space<vmem>> -> memref<1x128xi32, #tpu.memory_space<vmem>>
          %dma_start3A_94 = tpu.memref_squeeze %dma_start3A_93 : memref<1x128xi32, #tpu.memory_space<vmem>> -> memref<128xi32, #tpu.memory_space<vmem>>
          %dma_start3A_95 = arith.constant 0 : i32
          %dma_start3A_96 = arith.constant 0 : i32
          %dma_start3A_97 = tpu.memref_slice %arg11[%dma_start3A_95, %dma_start3A_96] : memref<10240x112xf32, #tpu.memory_space<vmem_shared>> -> memref<10240x112xf32, #tpu.memory_space<vmem_shared>>
          tpu.enqueue_indirect_dma source(%arg10 : memref<128x112xf32, #tpu.memory_space<vmem>>) target(%dma_start3A_97 : memref<10240x112xf32, #tpu.memory_space<vmem_shared>>) offsets(%dma_start3A_94 : memref<128xi32, #tpu.memory_space<vmem>>) semaphore(%run_scoped3A : memref<!tpu.dma_semaphore, #tpu.memory_space<semaphore_mem>>) {add = true}
          %dma_wait3A_98 = arith.constant 0 : i32
          %dma_wait3A_99 = tpu.memref_slice %arg8[%add3A_90, %dma_wait3A_98] : memref<118x128xi32, #tpu.memory_space<vmem>> -> memref<1x128xi32, #tpu.memory_space<vmem>>
          %dma_wait3A_100 = tpu.memref_squeeze %dma_wait3A_99 : memref<1x128xi32, #tpu.memory_space<vmem>> -> memref<128xi32, #tpu.memory_space<vmem>>
          %dma_wait3A_101 = arith.constant 0 : i32
          %dma_wait3A_102 = arith.constant 0 : i32
          %dma_wait3A_103 = tpu.memref_slice %arg11[%dma_wait3A_101, %dma_wait3A_102] : memref<10240x112xf32, #tpu.memory_space<vmem_shared>> -> memref<10240x112xf32, #tpu.memory_space<vmem_shared>>
          tpu.wait_indirect_dma semaphore(%run_scoped3A : memref<!tpu.dma_semaphore, #tpu.memory_space<semaphore_mem>>) src(%arg10 : memref<128x112xf32, #tpu.memory_space<vmem>>) dst(%dma_wait3A_103 : memref<10240x112xf32, #tpu.memory_space<vmem_shared>>)
          tpu.yield
        }) : () -> ()
        %scan3A_91 = arith.constant 0 : i32
        scf.yield %scan3A_91 : i32
      }
      %scan3A_57 = arith.constant 59 : i32
    } else {
    }
    %eq3A_27 = arith.constant 1 : i32
    %eq3A_28 = arith.cmpi eq, %arg0, %eq3A_27 : i32
    %convert_element_type3A_29 = arith.extui %eq3A_28 : i1 to i32
    %cond3A_30 = arith.constant 0 : i32
    %cond3A_31 = arith.cmpi ne, %convert_element_type3A_29, %cond3A_30 : i32
    scf.if %cond3A_31 {
      %mul3A_42 = arith.constant 42 : i32
      %mul3A_43 = arith.muli %arg1, %mul3A_42 : i32
      %add3A_44 = arith.constant 1888 : i32
      %add3A_45 = arith.addi %add3A_44, %mul3A_43 : i32
      "tpu.region"() ({
        %run_scoped3A = tpu.sem_alloc : memref<!tpu.dma_semaphore, #tpu.memory_space<semaphore_mem>>
        %dma_start3A_60 = arith.constant 0 : i32
        %dma_start3A_61 = arith.constant 0 : i32
        %dma_start3A_62 = tpu.memref_slice %arg7[%dma_start3A_60, %dma_start3A_61] : memref<118x128xi32, #tpu.memory_space<vmem>> -> memref<42x128xi32, #tpu.memory_space<vmem>>
        %dma_start3A_63 = arith.constant 0 : i32
        %dma_start3A_64 = tpu.memref_slice %arg3[%add3A_45, %dma_start3A_63] : memref<2560x128xi32, #tpu.memory_space<hbm>> -> memref<42x128xi32, #tpu.memory_space<hbm>>
        %dma_start3A_65 = arith.constant 0 : i32
        %dma_start3A_66 = arith.constant 0 : i32
        %dma_start3A_67 = tpu.memref_slice %arg7[%dma_start3A_65, %dma_start3A_66] : memref<118x128xi32, #tpu.memory_space<vmem>> -> memref<42x128xi32, #tpu.memory_space<vmem>>
        %dma_start3A_68 = arith.constant 0 : i32
        %dma_start3A_69 = tpu.memref_slice %arg3[%add3A_45, %dma_start3A_68] : memref<2560x128xi32, #tpu.memory_space<hbm>> -> memref<42x128xi32, #tpu.memory_space<hbm>>
        tpu.enqueue_dma source(%dma_start3A_69 : memref<42x128xi32, #tpu.memory_space<hbm>>) target(%dma_start3A_67 : memref<42x128xi32, #tpu.memory_space<vmem>>) target_semaphore(%run_scoped3A : memref<!tpu.dma_semaphore, #tpu.memory_space<semaphore_mem>>)
        %dma_wait3A = arith.constant 0 : i32
        %dma_wait3A_70 = arith.constant 0 : i32
        %dma_wait3A_71 = tpu.memref_slice %arg7[%dma_wait3A, %dma_wait3A_70] : memref<118x128xi32, #tpu.memory_space<vmem>> -> memref<42x128xi32, #tpu.memory_space<vmem>>
        %dma_wait3A_72 = arith.constant 0 : i32
        %dma_wait3A_73 = tpu.memref_slice %arg3[%add3A_45, %dma_wait3A_72] : memref<2560x128xi32, #tpu.memory_space<hbm>> -> memref<42x128xi32, #tpu.memory_space<hbm>>
        %dma_wait3A_74 = arith.constant 0 : i32
        %dma_wait3A_75 = arith.constant 0 : i32
        %dma_wait3A_76 = tpu.memref_slice %arg7[%dma_wait3A_74, %dma_wait3A_75] : memref<118x128xi32, #tpu.memory_space<vmem>> -> memref<42x128xi32, #tpu.memory_space<vmem>>
        %dma_wait3A_77 = arith.constant 0 : i32
        %dma_wait3A_78 = tpu.memref_slice %arg3[%add3A_45, %dma_wait3A_77] : memref<2560x128xi32, #tpu.memory_space<hbm>> -> memref<42x128xi32, #tpu.memory_space<hbm>>
        tpu.wait_dma2 semaphore(%run_scoped3A : memref<!tpu.dma_semaphore, #tpu.memory_space<semaphore_mem>>) src(%dma_wait3A_78 : memref<42x128xi32, #tpu.memory_space<hbm>>) dst(%dma_wait3A_76 : memref<42x128xi32, #tpu.memory_space<vmem>>)
        tpu.yield
      }) : () -> ()
      "tpu.region"() ({
        %run_scoped3A = tpu.sem_alloc : memref<!tpu.dma_semaphore, #tpu.memory_space<semaphore_mem>>
        %dma_start3A_60 = arith.constant 0 : i32
        %dma_start3A_61 = arith.constant 0 : i32
        %dma_start3A_62 = tpu.memref_slice %arg8[%dma_start3A_60, %dma_start3A_61] : memref<118x128xi32, #tpu.memory_space<vmem>> -> memref<42x128xi32, #tpu.memory_space<vmem>>
        %dma_start3A_63 = arith.constant 0 : i32
        %dma_start3A_64 = tpu.memref_slice %arg4[%add3A_45, %dma_start3A_63] : memref<2560x128xi32, #tpu.memory_space<hbm>> -> memref<42x128xi32, #tpu.memory_space<hbm>>
        %dma_start3A_65 = arith.constant 0 : i32
        %dma_start3A_66 = arith.constant 0 : i32
        %dma_start3A_67 = tpu.memref_slice %arg8[%dma_start3A_65, %dma_start3A_66] : memref<118x128xi32, #tpu.memory_space<vmem>> -> memref<42x128xi32, #tpu.memory_space<vmem>>
        %dma_start3A_68 = arith.constant 0 : i32
        %dma_start3A_69 = tpu.memref_slice %arg4[%add3A_45, %dma_start3A_68] : memref<2560x128xi32, #tpu.memory_space<hbm>> -> memref<42x128xi32, #tpu.memory_space<hbm>>
        tpu.enqueue_dma source(%dma_start3A_69 : memref<42x128xi32, #tpu.memory_space<hbm>>) target(%dma_start3A_67 : memref<42x128xi32, #tpu.memory_space<vmem>>) target_semaphore(%run_scoped3A : memref<!tpu.dma_semaphore, #tpu.memory_space<semaphore_mem>>)
        %dma_wait3A = arith.constant 0 : i32
        %dma_wait3A_70 = arith.constant 0 : i32
        %dma_wait3A_71 = tpu.memref_slice %arg8[%dma_wait3A, %dma_wait3A_70] : memref<118x128xi32, #tpu.memory_space<vmem>> -> memref<42x128xi32, #tpu.memory_space<vmem>>
        %dma_wait3A_72 = arith.constant 0 : i32
        %dma_wait3A_73 = tpu.memref_slice %arg4[%add3A_45, %dma_wait3A_72] : memref<2560x128xi32, #tpu.memory_space<hbm>> -> memref<42x128xi32, #tpu.memory_space<hbm>>
        %dma_wait3A_74 = arith.constant 0 : i32
        %dma_wait3A_75 = arith.constant 0 : i32
        %dma_wait3A_76 = tpu.memref_slice %arg8[%dma_wait3A_74, %dma_wait3A_75] : memref<118x128xi32, #tpu.memory_space<vmem>> -> memref<42x128xi32, #tpu.memory_space<vmem>>
        %dma_wait3A_77 = arith.constant 0 : i32
        %dma_wait3A_78 = tpu.memref_slice %arg4[%add3A_45, %dma_wait3A_77] : memref<2560x128xi32, #tpu.memory_space<hbm>> -> memref<42x128xi32, #tpu.memory_space<hbm>>
        tpu.wait_dma2 semaphore(%run_scoped3A : memref<!tpu.dma_semaphore, #tpu.memory_space<semaphore_mem>>) src(%dma_wait3A_78 : memref<42x128xi32, #tpu.memory_space<hbm>>) dst(%dma_wait3A_76 : memref<42x128xi32, #tpu.memory_space<vmem>>)
        tpu.yield
      }) : () -> ()
      %barrier3A_46 = arith.constant 0 : index
      tpu.barrier barrier_id(%barrier3A_46)
      %dma_start3A = arith.constant 0 : i32
      %dma_start3A_47 = arith.constant 0 : i32
      %dma_start3A_48 = tpu.memref_slice %arg7[%dma_start3A, %dma_start3A_47] : memref<118x128xi32, #tpu.memory_space<vmem>> -> memref<1x128xi32, #tpu.memory_space<vmem>>
      %dma_start3A_49 = tpu.memref_squeeze %dma_start3A_48 : memref<1x128xi32, #tpu.memory_space<vmem>> -> memref<128xi32, #tpu.memory_space<vmem>>
      %dma_start3A_50 = arith.constant 0 : i32
      %dma_start3A_51 = arith.constant 0 : i32
      %dma_start3A_52 = tpu.memref_slice %arg2[%dma_start3A_50, %dma_start3A_51] : memref<10240x112xf32, #tpu.memory_space<hbm>> -> memref<10240x112xf32, #tpu.memory_space<hbm>>
      tpu.enqueue_indirect_dma source(%dma_start3A_52 : memref<10240x112xf32, #tpu.memory_space<hbm>>) target(%arg9 : memref<128x112xf32, #tpu.memory_space<vmem>>) offsets(%dma_start3A_49 : memref<128xi32, #tpu.memory_space<vmem>>) semaphore(%arg12 : memref<!tpu.dma_semaphore, #tpu.memory_space<semaphore_mem>>)
      %scan3A_53 = arith.constant 0 : i32
      %scan3A_54 = arith.constant 0 : i32
      %scan3A_55 = arith.constant 21 : i32
      %scan3A_56 = arith.addi %scan3A_54, %scan3A_55 : i32
      %scan3A_57 = arith.constant 1 : i32
      %scan3A_58 = scf.for %scan3A_60 = %scan3A_54 to %scan3A_56 step %scan3A_57 iter_args(%scan3A_61 = %scan3A_53) -> (i32)  : i32 {
        %mul3A_62 = arith.constant 2 : i32
        %mul3A_63 = arith.muli %scan3A_60, %mul3A_62 : i32
        %add3A_64 = arith.constant 1 : i32
        %add3A_65 = arith.addi %mul3A_63, %add3A_64 : i32
        %dma_start3A_66 = arith.constant 0 : i32
        %dma_start3A_67 = tpu.memref_slice %arg7[%add3A_65, %dma_start3A_66] : memref<118x128xi32, #tpu.memory_space<vmem>> -> memref<1x128xi32, #tpu.memory_space<vmem>>
        %dma_start3A_68 = tpu.memref_squeeze %dma_start3A_67 : memref<1x128xi32, #tpu.memory_space<vmem>> -> memref<128xi32, #tpu.memory_space<vmem>>
        %dma_start3A_69 = arith.constant 0 : i32
        %dma_start3A_70 = arith.constant 0 : i32
        %dma_start3A_71 = tpu.memref_slice %arg2[%dma_start3A_69, %dma_start3A_70] : memref<10240x112xf32, #tpu.memory_space<hbm>> -> memref<10240x112xf32, #tpu.memory_space<hbm>>
        tpu.enqueue_indirect_dma source(%dma_start3A_71 : memref<10240x112xf32, #tpu.memory_space<hbm>>) target(%arg10 : memref<128x112xf32, #tpu.memory_space<vmem>>) offsets(%dma_start3A_68 : memref<128xi32, #tpu.memory_space<vmem>>) semaphore(%arg13 : memref<!tpu.dma_semaphore, #tpu.memory_space<semaphore_mem>>)
        %dma_wait3A = arith.constant 0 : i32
        %dma_wait3A_72 = tpu.memref_slice %arg7[%mul3A_63, %dma_wait3A] : memref<118x128xi32, #tpu.memory_space<vmem>> -> memref<1x128xi32, #tpu.memory_space<vmem>>
        %dma_wait3A_73 = tpu.memref_squeeze %dma_wait3A_72 : memref<1x128xi32, #tpu.memory_space<vmem>> -> memref<128xi32, #tpu.memory_space<vmem>>
        %dma_wait3A_74 = arith.constant 0 : i32
        %dma_wait3A_75 = arith.constant 0 : i32
        %dma_wait3A_76 = tpu.memref_slice %arg2[%dma_wait3A_74, %dma_wait3A_75] : memref<10240x112xf32, #tpu.memory_space<hbm>> -> memref<10240x112xf32, #tpu.memory_space<hbm>>
        tpu.wait_indirect_dma semaphore(%arg12 : memref<!tpu.dma_semaphore, #tpu.memory_space<semaphore_mem>>) src(%dma_wait3A_76 : memref<10240x112xf32, #tpu.memory_space<hbm>>) dst(%arg9 : memref<128x112xf32, #tpu.memory_space<vmem>>)
        "tpu.region"() ({
          %run_scoped3A = tpu.sem_alloc : memref<!tpu.dma_semaphore, #tpu.memory_space<semaphore_mem>>
          %dma_start3A_94 = arith.constant 0 : i32
          %dma_start3A_95 = tpu.memref_slice %arg8[%mul3A_63, %dma_start3A_94] : memref<118x128xi32, #tpu.memory_space<vmem>> -> memref<1x128xi32, #tpu.memory_space<vmem>>
          %dma_start3A_96 = tpu.memref_squeeze %dma_start3A_95 : memref<1x128xi32, #tpu.memory_space<vmem>> -> memref<128xi32, #tpu.memory_space<vmem>>
          %dma_start3A_97 = arith.constant 0 : i32
          %dma_start3A_98 = arith.constant 0 : i32
          %dma_start3A_99 = tpu.memref_slice %arg11[%dma_start3A_97, %dma_start3A_98] : memref<10240x112xf32, #tpu.memory_space<vmem_shared>> -> memref<10240x112xf32, #tpu.memory_space<vmem_shared>>
          tpu.enqueue_indirect_dma source(%arg9 : memref<128x112xf32, #tpu.memory_space<vmem>>) target(%dma_start3A_99 : memref<10240x112xf32, #tpu.memory_space<vmem_shared>>) offsets(%dma_start3A_96 : memref<128xi32, #tpu.memory_space<vmem>>) semaphore(%run_scoped3A : memref<!tpu.dma_semaphore, #tpu.memory_space<semaphore_mem>>) {add = true}
          %dma_wait3A_100 = arith.constant 0 : i32
          %dma_wait3A_101 = tpu.memref_slice %arg8[%mul3A_63, %dma_wait3A_100] : memref<118x128xi32, #tpu.memory_space<vmem>> -> memref<1x128xi32, #tpu.memory_space<vmem>>
          %dma_wait3A_102 = tpu.memref_squeeze %dma_wait3A_101 : memref<1x128xi32, #tpu.memory_space<vmem>> -> memref<128xi32, #tpu.memory_space<vmem>>
          %dma_wait3A_103 = arith.constant 0 : i32
          %dma_wait3A_104 = arith.constant 0 : i32
          %dma_wait3A_105 = tpu.memref_slice %arg11[%dma_wait3A_103, %dma_wait3A_104] : memref<10240x112xf32, #tpu.memory_space<vmem_shared>> -> memref<10240x112xf32, #tpu.memory_space<vmem_shared>>
          tpu.wait_indirect_dma semaphore(%run_scoped3A : memref<!tpu.dma_semaphore, #tpu.memory_space<semaphore_mem>>) src(%arg9 : memref<128x112xf32, #tpu.memory_space<vmem>>) dst(%dma_wait3A_105 : memref<10240x112xf32, #tpu.memory_space<vmem_shared>>)
          tpu.yield
        }) : () -> ()
        %add3A_77 = arith.constant 2 : i32
        %add3A_78 = arith.addi %mul3A_63, %add3A_77 : i32
        %lt3A = arith.constant 42 : i32
        %lt3A_79 = arith.cmpi slt, %add3A_78, %lt3A : i32
        %convert_element_type3A_80 = arith.extui %lt3A_79 : i1 to i32
        %cond3A_81 = arith.constant 0 : i32
        %cond3A_82 = arith.cmpi ne, %convert_element_type3A_80, %cond3A_81 : i32
        scf.if %cond3A_82 {
          %add3A_94 = arith.constant 2 : i32
          %add3A_95 = arith.addi %mul3A_63, %add3A_94 : i32
          %dma_start3A_96 = arith.constant 0 : i32
          %dma_start3A_97 = tpu.memref_slice %arg7[%add3A_95, %dma_start3A_96] : memref<118x128xi32, #tpu.memory_space<vmem>> -> memref<1x128xi32, #tpu.memory_space<vmem>>
          %dma_start3A_98 = tpu.memref_squeeze %dma_start3A_97 : memref<1x128xi32, #tpu.memory_space<vmem>> -> memref<128xi32, #tpu.memory_space<vmem>>
          %dma_start3A_99 = arith.constant 0 : i32
          %dma_start3A_100 = arith.constant 0 : i32
          %dma_start3A_101 = tpu.memref_slice %arg2[%dma_start3A_99, %dma_start3A_100] : memref<10240x112xf32, #tpu.memory_space<hbm>> -> memref<10240x112xf32, #tpu.memory_space<hbm>>
          tpu.enqueue_indirect_dma source(%dma_start3A_101 : memref<10240x112xf32, #tpu.memory_space<hbm>>) target(%arg9 : memref<128x112xf32, #tpu.memory_space<vmem>>) offsets(%dma_start3A_98 : memref<128xi32, #tpu.memory_space<vmem>>) semaphore(%arg12 : memref<!tpu.dma_semaphore, #tpu.memory_space<semaphore_mem>>)
        } else {
        }
        %add3A_83 = arith.constant 1 : i32
        %add3A_84 = arith.addi %mul3A_63, %add3A_83 : i32
        %dma_wait3A_85 = arith.constant 0 : i32
        %dma_wait3A_86 = tpu.memref_slice %arg7[%add3A_84, %dma_wait3A_85] : memref<118x128xi32, #tpu.memory_space<vmem>> -> memref<1x128xi32, #tpu.memory_space<vmem>>
        %dma_wait3A_87 = tpu.memref_squeeze %dma_wait3A_86 : memref<1x128xi32, #tpu.memory_space<vmem>> -> memref<128xi32, #tpu.memory_space<vmem>>
        %dma_wait3A_88 = arith.constant 0 : i32
        %dma_wait3A_89 = arith.constant 0 : i32
        %dma_wait3A_90 = tpu.memref_slice %arg2[%dma_wait3A_88, %dma_wait3A_89] : memref<10240x112xf32, #tpu.memory_space<hbm>> -> memref<10240x112xf32, #tpu.memory_space<hbm>>
        tpu.wait_indirect_dma semaphore(%arg13 : memref<!tpu.dma_semaphore, #tpu.memory_space<semaphore_mem>>) src(%dma_wait3A_90 : memref<10240x112xf32, #tpu.memory_space<hbm>>) dst(%arg10 : memref<128x112xf32, #tpu.memory_space<vmem>>)
        %add3A_91 = arith.constant 1 : i32
        %add3A_92 = arith.addi %mul3A_63, %add3A_91 : i32
        "tpu.region"() ({
          %run_scoped3A = tpu.sem_alloc : memref<!tpu.dma_semaphore, #tpu.memory_space<semaphore_mem>>
          %dma_start3A_94 = arith.constant 0 : i32
          %dma_start3A_95 = tpu.memref_slice %arg8[%add3A_92, %dma_start3A_94] : memref<118x128xi32, #tpu.memory_space<vmem>> -> memref<1x128xi32, #tpu.memory_space<vmem>>
          %dma_start3A_96 = tpu.memref_squeeze %dma_start3A_95 : memref<1x128xi32, #tpu.memory_space<vmem>> -> memref<128xi32, #tpu.memory_space<vmem>>
          %dma_start3A_97 = arith.constant 0 : i32
          %dma_start3A_98 = arith.constant 0 : i32
          %dma_start3A_99 = tpu.memref_slice %arg11[%dma_start3A_97, %dma_start3A_98] : memref<10240x112xf32, #tpu.memory_space<vmem_shared>> -> memref<10240x112xf32, #tpu.memory_space<vmem_shared>>
          tpu.enqueue_indirect_dma source(%arg10 : memref<128x112xf32, #tpu.memory_space<vmem>>) target(%dma_start3A_99 : memref<10240x112xf32, #tpu.memory_space<vmem_shared>>) offsets(%dma_start3A_96 : memref<128xi32, #tpu.memory_space<vmem>>) semaphore(%run_scoped3A : memref<!tpu.dma_semaphore, #tpu.memory_space<semaphore_mem>>) {add = true}
          %dma_wait3A_100 = arith.constant 0 : i32
          %dma_wait3A_101 = tpu.memref_slice %arg8[%add3A_92, %dma_wait3A_100] : memref<118x128xi32, #tpu.memory_space<vmem>> -> memref<1x128xi32, #tpu.memory_space<vmem>>
          %dma_wait3A_102 = tpu.memref_squeeze %dma_wait3A_101 : memref<1x128xi32, #tpu.memory_space<vmem>> -> memref<128xi32, #tpu.memory_space<vmem>>
          %dma_wait3A_103 = arith.constant 0 : i32
          %dma_wait3A_104 = arith.constant 0 : i32
          %dma_wait3A_105 = tpu.memref_slice %arg11[%dma_wait3A_103, %dma_wait3A_104] : memref<10240x112xf32, #tpu.memory_space<vmem_shared>> -> memref<10240x112xf32, #tpu.memory_space<vmem_shared>>
          tpu.wait_indirect_dma semaphore(%run_scoped3A : memref<!tpu.dma_semaphore, #tpu.memory_space<semaphore_mem>>) src(%arg10 : memref<128x112xf32, #tpu.memory_space<vmem>>) dst(%dma_wait3A_105 : memref<10240x112xf32, #tpu.memory_space<vmem_shared>>)
          tpu.yield
        }) : () -> ()
        %scan3A_93 = arith.constant 0 : i32
        scf.yield %scan3A_93 : i32
      }
      %scan3A_59 = arith.constant 21 : i32
    } else {
    }
    %barrier3A = arith.constant 0 : index
    tpu.barrier barrier_id(%barrier3A)
    %eq3A_32 = arith.constant 0 : i32
    %eq3A_33 = arith.cmpi eq, %arg0, %eq3A_32 : i32
    %convert_element_type3A_34 = arith.extui %eq3A_33 : i1 to i32
    %cond3A_35 = arith.constant 0 : i32
    %cond3A_36 = arith.cmpi ne, %convert_element_type3A_34, %cond3A_35 : i32
    scf.if %cond3A_36 {
      %mul3A_42 = arith.constant 640 : i32
      %mul3A_43 = arith.muli %arg1, %mul3A_42 : i32
      %add3A_44 = arith.constant 0 : i32
      %add3A_45 = arith.addi %mul3A_43, %add3A_44 : i32
      "tpu.region"() ({
        %run_scoped3A = tpu.sem_alloc : memref<!tpu.dma_semaphore, #tpu.memory_space<semaphore_mem>>
        %dma_start3A_140 = arith.constant 0 : i32
        %dma_start3A_141 = tpu.memref_slice %arg11[%add3A_45, %dma_start3A_140] : memref<10240x112xf32, #tpu.memory_space<vmem_shared>> -> memref<128x112xf32, #tpu.memory_space<vmem_shared>>
        %dma_start3A_142 = arith.constant 0 : i32
        %dma_start3A_143 = tpu.memref_slice %arg11[%add3A_45, %dma_start3A_142] : memref<10240x112xf32, #tpu.memory_space<vmem_shared>> -> memref<128x112xf32, #tpu.memory_space<vmem_shared>>
        tpu.enqueue_dma source(%dma_start3A_143 : memref<128x112xf32, #tpu.memory_space<vmem_shared>>) target(%arg9 : memref<128x112xf32, #tpu.memory_space<vmem>>) target_semaphore(%run_scoped3A : memref<!tpu.dma_semaphore, #tpu.memory_space<semaphore_mem>>)
        %dma_wait3A_144 = arith.constant 0 : i32
        %dma_wait3A_145 = tpu.memref_slice %arg11[%add3A_45, %dma_wait3A_144] : memref<10240x112xf32, #tpu.memory_space<vmem_shared>> -> memref<128x112xf32, #tpu.memory_space<vmem_shared>>
        %dma_wait3A_146 = arith.constant 0 : i32
        %dma_wait3A_147 = tpu.memref_slice %arg11[%add3A_45, %dma_wait3A_146] : memref<10240x112xf32, #tpu.memory_space<vmem_shared>> -> memref<128x112xf32, #tpu.memory_space<vmem_shared>>
        tpu.wait_dma2 semaphore(%run_scoped3A : memref<!tpu.dma_semaphore, #tpu.memory_space<semaphore_mem>>) src(%dma_wait3A_147 : memref<128x112xf32, #tpu.memory_space<vmem_shared>>) dst(%arg9 : memref<128x112xf32, #tpu.memory_space<vmem>>)
        tpu.yield
      }) : () -> ()
      %mul3A_46 = arith.constant 640 : i32
      %mul3A_47 = arith.muli %arg1, %mul3A_46 : i32
      %add3A_48 = arith.constant 0 : i32
      %add3A_49 = arith.addi %mul3A_47, %add3A_48 : i32
      %dma_start3A = arith.constant 0 : i32
      %dma_start3A_50 = tpu.memref_slice %arg5[%add3A_49, %dma_start3A] : memref<10240x112xf32, #tpu.memory_space<hbm>> -> memref<128x112xf32, #tpu.memory_space<hbm>>
      %dma_start3A_51 = arith.constant 0 : i32
      %dma_start3A_52 = tpu.memref_slice %arg5[%add3A_49, %dma_start3A_51] : memref<10240x112xf32, #tpu.memory_space<hbm>> -> memref<128x112xf32, #tpu.memory_space<hbm>>
      tpu.enqueue_dma source(%arg9 : memref<128x112xf32, #tpu.memory_space<vmem>>) target(%dma_start3A_52 : memref<128x112xf32, #tpu.memory_space<hbm>>) target_semaphore(%arg12 : memref<!tpu.dma_semaphore, #tpu.memory_space<semaphore_mem>>)
      %mul3A_53 = arith.constant 640 : i32
      %mul3A_54 = arith.muli %arg1, %mul3A_53 : i32
      %add3A_55 = arith.constant 128 : i32
      %add3A_56 = arith.addi %mul3A_54, %add3A_55 : i32
      "tpu.region"() ({
        %run_scoped3A = tpu.sem_alloc : memref<!tpu.dma_semaphore, #tpu.memory_space<semaphore_mem>>
        %dma_start3A_140 = arith.constant 0 : i32
        %dma_start3A_141 = tpu.memref_slice %arg11[%add3A_56, %dma_start3A_140] : memref<10240x112xf32, #tpu.memory_space<vmem_shared>> -> memref<128x112xf32, #tpu.memory_space<vmem_shared>>
        %dma_start3A_142 = arith.constant 0 : i32
        %dma_start3A_143 = tpu.memref_slice %arg11[%add3A_56, %dma_start3A_142] : memref<10240x112xf32, #tpu.memory_space<vmem_shared>> -> memref<128x112xf32, #tpu.memory_space<vmem_shared>>
        tpu.enqueue_dma source(%dma_start3A_143 : memref<128x112xf32, #tpu.memory_space<vmem_shared>>) target(%arg10 : memref<128x112xf32, #tpu.memory_space<vmem>>) target_semaphore(%run_scoped3A : memref<!tpu.dma_semaphore, #tpu.memory_space<semaphore_mem>>)
        %dma_wait3A_144 = arith.constant 0 : i32
        %dma_wait3A_145 = tpu.memref_slice %arg11[%add3A_56, %dma_wait3A_144] : memref<10240x112xf32, #tpu.memory_space<vmem_shared>> -> memref<128x112xf32, #tpu.memory_space<vmem_shared>>
        %dma_wait3A_146 = arith.constant 0 : i32
        %dma_wait3A_147 = tpu.memref_slice %arg11[%add3A_56, %dma_wait3A_146] : memref<10240x112xf32, #tpu.memory_space<vmem_shared>> -> memref<128x112xf32, #tpu.memory_space<vmem_shared>>
        tpu.wait_dma2 semaphore(%run_scoped3A : memref<!tpu.dma_semaphore, #tpu.memory_space<semaphore_mem>>) src(%dma_wait3A_147 : memref<128x112xf32, #tpu.memory_space<vmem_shared>>) dst(%arg10 : memref<128x112xf32, #tpu.memory_space<vmem>>)
        tpu.yield
      }) : () -> ()
      %mul3A_57 = arith.constant 640 : i32
      %mul3A_58 = arith.muli %arg1, %mul3A_57 : i32
      %add3A_59 = arith.constant 128 : i32
      %add3A_60 = arith.addi %mul3A_58, %add3A_59 : i32
      %dma_start3A_61 = arith.constant 0 : i32
      %dma_start3A_62 = tpu.memref_slice %arg5[%add3A_60, %dma_start3A_61] : memref<10240x112xf32, #tpu.memory_space<hbm>> -> memref<128x112xf32, #tpu.memory_space<hbm>>
      %dma_start3A_63 = arith.constant 0 : i32
      %dma_start3A_64 = tpu.memref_slice %arg5[%add3A_60, %dma_start3A_63] : memref<10240x112xf32, #tpu.memory_space<hbm>> -> memref<128x112xf32, #tpu.memory_space<hbm>>
      tpu.enqueue_dma source(%arg10 : memref<128x112xf32, #tpu.memory_space<vmem>>) target(%dma_start3A_64 : memref<128x112xf32, #tpu.memory_space<hbm>>) target_semaphore(%arg13 : memref<!tpu.dma_semaphore, #tpu.memory_space<semaphore_mem>>)
      %mul3A_65 = arith.constant 640 : i32
      %mul3A_66 = arith.muli %arg1, %mul3A_65 : i32
      %add3A_67 = arith.constant 0 : i32
      %add3A_68 = arith.addi %mul3A_66, %add3A_67 : i32
      %dma_wait3A = arith.constant 0 : i32
      %dma_wait3A_69 = tpu.memref_slice %arg5[%add3A_68, %dma_wait3A] : memref<10240x112xf32, #tpu.memory_space<hbm>> -> memref<128x112xf32, #tpu.memory_space<hbm>>
      %dma_wait3A_70 = arith.constant 0 : i32
      %dma_wait3A_71 = tpu.memref_slice %arg5[%add3A_68, %dma_wait3A_70] : memref<10240x112xf32, #tpu.memory_space<hbm>> -> memref<128x112xf32, #tpu.memory_space<hbm>>
      tpu.wait_dma2 semaphore(%arg12 : memref<!tpu.dma_semaphore, #tpu.memory_space<semaphore_mem>>) src(%arg9 : memref<128x112xf32, #tpu.memory_space<vmem>>) dst(%dma_wait3A_71 : memref<128x112xf32, #tpu.memory_space<hbm>>)
      %mul3A_72 = arith.constant 640 : i32
      %mul3A_73 = arith.muli %arg1, %mul3A_72 : i32
      %add3A_74 = arith.constant 256 : i32
      %add3A_75 = arith.addi %mul3A_73, %add3A_74 : i32
      "tpu.region"() ({
        %run_scoped3A = tpu.sem_alloc : memref<!tpu.dma_semaphore, #tpu.memory_space<semaphore_mem>>
        %dma_start3A_140 = arith.constant 0 : i32
        %dma_start3A_141 = tpu.memref_slice %arg11[%add3A_75, %dma_start3A_140] : memref<10240x112xf32, #tpu.memory_space<vmem_shared>> -> memref<128x112xf32, #tpu.memory_space<vmem_shared>>
        %dma_start3A_142 = arith.constant 0 : i32
        %dma_start3A_143 = tpu.memref_slice %arg11[%add3A_75, %dma_start3A_142] : memref<10240x112xf32, #tpu.memory_space<vmem_shared>> -> memref<128x112xf32, #tpu.memory_space<vmem_shared>>
        tpu.enqueue_dma source(%dma_start3A_143 : memref<128x112xf32, #tpu.memory_space<vmem_shared>>) target(%arg9 : memref<128x112xf32, #tpu.memory_space<vmem>>) target_semaphore(%run_scoped3A : memref<!tpu.dma_semaphore, #tpu.memory_space<semaphore_mem>>)
        %dma_wait3A_144 = arith.constant 0 : i32
        %dma_wait3A_145 = tpu.memref_slice %arg11[%add3A_75, %dma_wait3A_144] : memref<10240x112xf32, #tpu.memory_space<vmem_shared>> -> memref<128x112xf32, #tpu.memory_space<vmem_shared>>
        %dma_wait3A_146 = arith.constant 0 : i32
        %dma_wait3A_147 = tpu.memref_slice %arg11[%add3A_75, %dma_wait3A_146] : memref<10240x112xf32, #tpu.memory_space<vmem_shared>> -> memref<128x112xf32, #tpu.memory_space<vmem_shared>>
        tpu.wait_dma2 semaphore(%run_scoped3A : memref<!tpu.dma_semaphore, #tpu.memory_space<semaphore_mem>>) src(%dma_wait3A_147 : memref<128x112xf32, #tpu.memory_space<vmem_shared>>) dst(%arg9 : memref<128x112xf32, #tpu.memory_space<vmem>>)
        tpu.yield
      }) : () -> ()
      %mul3A_76 = arith.constant 640 : i32
      %mul3A_77 = arith.muli %arg1, %mul3A_76 : i32
      %add3A_78 = arith.constant 256 : i32
      %add3A_79 = arith.addi %mul3A_77, %add3A_78 : i32
      %dma_start3A_80 = arith.constant 0 : i32
      %dma_start3A_81 = tpu.memref_slice %arg5[%add3A_79, %dma_start3A_80] : memref<10240x112xf32, #tpu.memory_space<hbm>> -> memref<128x112xf32, #tpu.memory_space<hbm>>
      %dma_start3A_82 = arith.constant 0 : i32
      %dma_start3A_83 = tpu.memref_slice %arg5[%add3A_79, %dma_start3A_82] : memref<10240x112xf32, #tpu.memory_space<hbm>> -> memref<128x112xf32, #tpu.memory_space<hbm>>
      tpu.enqueue_dma source(%arg9 : memref<128x112xf32, #tpu.memory_space<vmem>>) target(%dma_start3A_83 : memref<128x112xf32, #tpu.memory_space<hbm>>) target_semaphore(%arg12 : memref<!tpu.dma_semaphore, #tpu.memory_space<semaphore_mem>>)
      %mul3A_84 = arith.constant 640 : i32
      %mul3A_85 = arith.muli %arg1, %mul3A_84 : i32
      %add3A_86 = arith.constant 128 : i32
      %add3A_87 = arith.addi %mul3A_85, %add3A_86 : i32
      %dma_wait3A_88 = arith.constant 0 : i32
      %dma_wait3A_89 = tpu.memref_slice %arg5[%add3A_87, %dma_wait3A_88] : memref<10240x112xf32, #tpu.memory_space<hbm>> -> memref<128x112xf32, #tpu.memory_space<hbm>>
      %dma_wait3A_90 = arith.constant 0 : i32
      %dma_wait3A_91 = tpu.memref_slice %arg5[%add3A_87, %dma_wait3A_90] : memref<10240x112xf32, #tpu.memory_space<hbm>> -> memref<128x112xf32, #tpu.memory_space<hbm>>
      tpu.wait_dma2 semaphore(%arg13 : memref<!tpu.dma_semaphore, #tpu.memory_space<semaphore_mem>>) src(%arg10 : memref<128x112xf32, #tpu.memory_space<vmem>>) dst(%dma_wait3A_91 : memref<128x112xf32, #tpu.memory_space<hbm>>)
      %mul3A_92 = arith.constant 640 : i32
      %mul3A_93 = arith.muli %arg1, %mul3A_92 : i32
      %add3A_94 = arith.constant 384 : i32
      %add3A_95 = arith.addi %mul3A_93, %add3A_94 : i32
      "tpu.region"() ({
        %run_scoped3A = tpu.sem_alloc : memref<!tpu.dma_semaphore, #tpu.memory_space<semaphore_mem>>
        %dma_start3A_140 = arith.constant 0 : i32
        %dma_start3A_141 = tpu.memref_slice %arg11[%add3A_95, %dma_start3A_140] : memref<10240x112xf32, #tpu.memory_space<vmem_shared>> -> memref<128x112xf32, #tpu.memory_space<vmem_shared>>
        %dma_start3A_142 = arith.constant 0 : i32
        %dma_start3A_143 = tpu.memref_slice %arg11[%add3A_95, %dma_start3A_142] : memref<10240x112xf32, #tpu.memory_space<vmem_shared>> -> memref<128x112xf32, #tpu.memory_space<vmem_shared>>
        tpu.enqueue_dma source(%dma_start3A_143 : memref<128x112xf32, #tpu.memory_space<vmem_shared>>) target(%arg10 : memref<128x112xf32, #tpu.memory_space<vmem>>) target_semaphore(%run_scoped3A : memref<!tpu.dma_semaphore, #tpu.memory_space<semaphore_mem>>)
        %dma_wait3A_144 = arith.constant 0 : i32
        %dma_wait3A_145 = tpu.memref_slice %arg11[%add3A_95, %dma_wait3A_144] : memref<10240x112xf32, #tpu.memory_space<vmem_shared>> -> memref<128x112xf32, #tpu.memory_space<vmem_shared>>
        %dma_wait3A_146 = arith.constant 0 : i32
        %dma_wait3A_147 = tpu.memref_slice %arg11[%add3A_95, %dma_wait3A_146] : memref<10240x112xf32, #tpu.memory_space<vmem_shared>> -> memref<128x112xf32, #tpu.memory_space<vmem_shared>>
        tpu.wait_dma2 semaphore(%run_scoped3A : memref<!tpu.dma_semaphore, #tpu.memory_space<semaphore_mem>>) src(%dma_wait3A_147 : memref<128x112xf32, #tpu.memory_space<vmem_shared>>) dst(%arg10 : memref<128x112xf32, #tpu.memory_space<vmem>>)
        tpu.yield
      }) : () -> ()
      %mul3A_96 = arith.constant 640 : i32
      %mul3A_97 = arith.muli %arg1, %mul3A_96 : i32
      %add3A_98 = arith.constant 384 : i32
      %add3A_99 = arith.addi %mul3A_97, %add3A_98 : i32
      %dma_start3A_100 = arith.constant 0 : i32
      %dma_start3A_101 = tpu.memref_slice %arg5[%add3A_99, %dma_start3A_100] : memref<10240x112xf32, #tpu.memory_space<hbm>> -> memref<128x112xf32, #tpu.memory_space<hbm>>
      %dma_start3A_102 = arith.constant 0 : i32
      %dma_start3A_103 = tpu.memref_slice %arg5[%add3A_99, %dma_start3A_102] : memref<10240x112xf32, #tpu.memory_space<hbm>> -> memref<128x112xf32, #tpu.memory_space<hbm>>
      tpu.enqueue_dma source(%arg10 : memref<128x112xf32, #tpu.memory_space<vmem>>) target(%dma_start3A_103 : memref<128x112xf32, #tpu.memory_space<hbm>>) target_semaphore(%arg13 : memref<!tpu.dma_semaphore, #tpu.memory_space<semaphore_mem>>)
      %mul3A_104 = arith.constant 640 : i32
      %mul3A_105 = arith.muli %arg1, %mul3A_104 : i32
      %add3A_106 = arith.constant 256 : i32
      %add3A_107 = arith.addi %mul3A_105, %add3A_106 : i32
      %dma_wait3A_108 = arith.constant 0 : i32
      %dma_wait3A_109 = tpu.memref_slice %arg5[%add3A_107, %dma_wait3A_108] : memref<10240x112xf32, #tpu.memory_space<hbm>> -> memref<128x112xf32, #tpu.memory_space<hbm>>
      %dma_wait3A_110 = arith.constant 0 : i32
      %dma_wait3A_111 = tpu.memref_slice %arg5[%add3A_107, %dma_wait3A_110] : memref<10240x112xf32, #tpu.memory_space<hbm>> -> memref<128x112xf32, #tpu.memory_space<hbm>>
      tpu.wait_dma2 semaphore(%arg12 : memref<!tpu.dma_semaphore, #tpu.memory_space<semaphore_mem>>) src(%arg9 : memref<128x112xf32, #tpu.memory_space<vmem>>) dst(%dma_wait3A_111 : memref<128x112xf32, #tpu.memory_space<hbm>>)
      %mul3A_112 = arith.constant 640 : i32
      %mul3A_113 = arith.muli %arg1, %mul3A_112 : i32
      %add3A_114 = arith.constant 512 : i32
      %add3A_115 = arith.addi %mul3A_113, %add3A_114 : i32
      "tpu.region"() ({
        %run_scoped3A = tpu.sem_alloc : memref<!tpu.dma_semaphore, #tpu.memory_space<semaphore_mem>>
        %dma_start3A_140 = arith.constant 0 : i32
        %dma_start3A_141 = tpu.memref_slice %arg11[%add3A_115, %dma_start3A_140] : memref<10240x112xf32, #tpu.memory_space<vmem_shared>> -> memref<128x112xf32, #tpu.memory_space<vmem_shared>>
        %dma_start3A_142 = arith.constant 0 : i32
        %dma_start3A_143 = tpu.memref_slice %arg11[%add3A_115, %dma_start3A_142] : memref<10240x112xf32, #tpu.memory_space<vmem_shared>> -> memref<128x112xf32, #tpu.memory_space<vmem_shared>>
        tpu.enqueue_dma source(%dma_start3A_143 : memref<128x112xf32, #tpu.memory_space<vmem_shared>>) target(%arg9 : memref<128x112xf32, #tpu.memory_space<vmem>>) target_semaphore(%run_scoped3A : memref<!tpu.dma_semaphore, #tpu.memory_space<semaphore_mem>>)
        %dma_wait3A_144 = arith.constant 0 : i32
        %dma_wait3A_145 = tpu.memref_slice %arg11[%add3A_115, %dma_wait3A_144] : memref<10240x112xf32, #tpu.memory_space<vmem_shared>> -> memref<128x112xf32, #tpu.memory_space<vmem_shared>>
        %dma_wait3A_146 = arith.constant 0 : i32
        %dma_wait3A_147 = tpu.memref_slice %arg11[%add3A_115, %dma_wait3A_146] : memref<10240x112xf32, #tpu.memory_space<vmem_shared>> -> memref<128x112xf32, #tpu.memory_space<vmem_shared>>
        tpu.wait_dma2 semaphore(%run_scoped3A : memref<!tpu.dma_semaphore, #tpu.memory_space<semaphore_mem>>) src(%dma_wait3A_147 : memref<128x112xf32, #tpu.memory_space<vmem_shared>>) dst(%arg9 : memref<128x112xf32, #tpu.memory_space<vmem>>)
        tpu.yield
      }) : () -> ()
      %mul3A_116 = arith.constant 640 : i32
      %mul3A_117 = arith.muli %arg1, %mul3A_116 : i32
      %add3A_118 = arith.constant 512 : i32
      %add3A_119 = arith.addi %mul3A_117, %add3A_118 : i32
      %dma_start3A_120 = arith.constant 0 : i32
      %dma_start3A_121 = tpu.memref_slice %arg5[%add3A_119, %dma_start3A_120] : memref<10240x112xf32, #tpu.memory_space<hbm>> -> memref<128x112xf32, #tpu.memory_space<hbm>>
      %dma_start3A_122 = arith.constant 0 : i32
      %dma_start3A_123 = tpu.memref_slice %arg5[%add3A_119, %dma_start3A_122] : memref<10240x112xf32, #tpu.memory_space<hbm>> -> memref<128x112xf32, #tpu.memory_space<hbm>>
      tpu.enqueue_dma source(%arg9 : memref<128x112xf32, #tpu.memory_space<vmem>>) target(%dma_start3A_123 : memref<128x112xf32, #tpu.memory_space<hbm>>) target_semaphore(%arg12 : memref<!tpu.dma_semaphore, #tpu.memory_space<semaphore_mem>>)
      %mul3A_124 = arith.constant 640 : i32
      %mul3A_125 = arith.muli %arg1, %mul3A_124 : i32
      %add3A_126 = arith.constant 384 : i32
      %add3A_127 = arith.addi %mul3A_125, %add3A_126 : i32
      %dma_wait3A_128 = arith.constant 0 : i32
      %dma_wait3A_129 = tpu.memref_slice %arg5[%add3A_127, %dma_wait3A_128] : memref<10240x112xf32, #tpu.memory_space<hbm>> -> memref<128x112xf32, #tpu.memory_space<hbm>>
      %dma_wait3A_130 = arith.constant 0 : i32
      %dma_wait3A_131 = tpu.memref_slice %arg5[%add3A_127, %dma_wait3A_130] : memref<10240x112xf32, #tpu.memory_space<hbm>> -> memref<128x112xf32, #tpu.memory_space<hbm>>
      tpu.wait_dma2 semaphore(%arg13 : memref<!tpu.dma_semaphore, #tpu.memory_space<semaphore_mem>>) src(%arg10 : memref<128x112xf32, #tpu.memory_space<vmem>>) dst(%dma_wait3A_131 : memref<128x112xf32, #tpu.memory_space<hbm>>)
      %mul3A_132 = arith.constant 640 : i32
      %mul3A_133 = arith.muli %arg1, %mul3A_132 : i32
      %add3A_134 = arith.constant 512 : i32
      %add3A_135 = arith.addi %mul3A_133, %add3A_134 : i32
      %dma_wait3A_136 = arith.constant 0 : i32
      %dma_wait3A_137 = tpu.memref_slice %arg5[%add3A_135, %dma_wait3A_136] : memref<10240x112xf32, #tpu.memory_space<hbm>> -> memref<128x112xf32, #tpu.memory_space<hbm>>
      %dma_wait3A_138 = arith.constant 0 : i32
      %dma_wait3A_139 = tpu.memref_slice %arg5[%add3A_135, %dma_wait3A_138] : memref<10240x112xf32, #tpu.memory_space<hbm>> -> memref<128x112xf32, #tpu.memory_space<hbm>>
      tpu.wait_dma2 semaphore(%arg12 : memref<!tpu.dma_semaphore, #tpu.memory_space<semaphore_mem>>) src(%arg9 : memref<128x112xf32, #tpu.memory_space<vmem>>) dst(%dma_wait3A_139 : memref<128x112xf32, #tpu.memory_space<hbm>>)
    } else {
    }
    %eq3A_37 = arith.constant 1 : i32
    %eq3A_38 = arith.cmpi eq, %arg0, %eq3A_37 : i32
    %convert_element_type3A_39 = arith.extui %eq3A_38 : i1 to i32
    %cond3A_40 = arith.constant 0 : i32
    %cond3A_41 = arith.cmpi ne, %convert_element_type3A_39, %cond3A_40 : i32
    scf.if %cond3A_41 {
      %mul3A_42 = arith.constant 640 : i32
      %mul3A_43 = arith.muli %arg1, %mul3A_42 : i32
      %add3A_44 = arith.constant 0 : i32
      %add3A_45 = arith.addi %mul3A_43, %add3A_44 : i32
      "tpu.region"() ({
        %run_scoped3A = tpu.sem_alloc : memref<!tpu.dma_semaphore, #tpu.memory_space<semaphore_mem>>
        %dma_start3A_140 = arith.constant 0 : i32
        %dma_start3A_141 = tpu.memref_slice %arg11[%add3A_45, %dma_start3A_140] : memref<10240x112xf32, #tpu.memory_space<vmem_shared>> -> memref<128x112xf32, #tpu.memory_space<vmem_shared>>
        %dma_start3A_142 = arith.constant 0 : i32
        %dma_start3A_143 = tpu.memref_slice %arg11[%add3A_45, %dma_start3A_142] : memref<10240x112xf32, #tpu.memory_space<vmem_shared>> -> memref<128x112xf32, #tpu.memory_space<vmem_shared>>
        tpu.enqueue_dma source(%dma_start3A_143 : memref<128x112xf32, #tpu.memory_space<vmem_shared>>) target(%arg9 : memref<128x112xf32, #tpu.memory_space<vmem>>) target_semaphore(%run_scoped3A : memref<!tpu.dma_semaphore, #tpu.memory_space<semaphore_mem>>)
        %dma_wait3A_144 = arith.constant 0 : i32
        %dma_wait3A_145 = tpu.memref_slice %arg11[%add3A_45, %dma_wait3A_144] : memref<10240x112xf32, #tpu.memory_space<vmem_shared>> -> memref<128x112xf32, #tpu.memory_space<vmem_shared>>
        %dma_wait3A_146 = arith.constant 0 : i32
        %dma_wait3A_147 = tpu.memref_slice %arg11[%add3A_45, %dma_wait3A_146] : memref<10240x112xf32, #tpu.memory_space<vmem_shared>> -> memref<128x112xf32, #tpu.memory_space<vmem_shared>>
        tpu.wait_dma2 semaphore(%run_scoped3A : memref<!tpu.dma_semaphore, #tpu.memory_space<semaphore_mem>>) src(%dma_wait3A_147 : memref<128x112xf32, #tpu.memory_space<vmem_shared>>) dst(%arg9 : memref<128x112xf32, #tpu.memory_space<vmem>>)
        tpu.yield
      }) : () -> ()
      %mul3A_46 = arith.constant 640 : i32
      %mul3A_47 = arith.muli %arg1, %mul3A_46 : i32
      %add3A_48 = arith.constant 0 : i32
      %add3A_49 = arith.addi %mul3A_47, %add3A_48 : i32
      %dma_start3A = arith.constant 0 : i32
      %dma_start3A_50 = tpu.memref_slice %arg6[%add3A_49, %dma_start3A] : memref<10240x112xf32, #tpu.memory_space<hbm>> -> memref<128x112xf32, #tpu.memory_space<hbm>>
      %dma_start3A_51 = arith.constant 0 : i32
      %dma_start3A_52 = tpu.memref_slice %arg6[%add3A_49, %dma_start3A_51] : memref<10240x112xf32, #tpu.memory_space<hbm>> -> memref<128x112xf32, #tpu.memory_space<hbm>>
      tpu.enqueue_dma source(%arg9 : memref<128x112xf32, #tpu.memory_space<vmem>>) target(%dma_start3A_52 : memref<128x112xf32, #tpu.memory_space<hbm>>) target_semaphore(%arg12 : memref<!tpu.dma_semaphore, #tpu.memory_space<semaphore_mem>>)
      %mul3A_53 = arith.constant 640 : i32
      %mul3A_54 = arith.muli %arg1, %mul3A_53 : i32
      %add3A_55 = arith.constant 128 : i32
      %add3A_56 = arith.addi %mul3A_54, %add3A_55 : i32
      "tpu.region"() ({
        %run_scoped3A = tpu.sem_alloc : memref<!tpu.dma_semaphore, #tpu.memory_space<semaphore_mem>>
        %dma_start3A_140 = arith.constant 0 : i32
        %dma_start3A_141 = tpu.memref_slice %arg11[%add3A_56, %dma_start3A_140] : memref<10240x112xf32, #tpu.memory_space<vmem_shared>> -> memref<128x112xf32, #tpu.memory_space<vmem_shared>>
        %dma_start3A_142 = arith.constant 0 : i32
        %dma_start3A_143 = tpu.memref_slice %arg11[%add3A_56, %dma_start3A_142] : memref<10240x112xf32, #tpu.memory_space<vmem_shared>> -> memref<128x112xf32, #tpu.memory_space<vmem_shared>>
        tpu.enqueue_dma source(%dma_start3A_143 : memref<128x112xf32, #tpu.memory_space<vmem_shared>>) target(%arg10 : memref<128x112xf32, #tpu.memory_space<vmem>>) target_semaphore(%run_scoped3A : memref<!tpu.dma_semaphore, #tpu.memory_space<semaphore_mem>>)
        %dma_wait3A_144 = arith.constant 0 : i32
        %dma_wait3A_145 = tpu.memref_slice %arg11[%add3A_56, %dma_wait3A_144] : memref<10240x112xf32, #tpu.memory_space<vmem_shared>> -> memref<128x112xf32, #tpu.memory_space<vmem_shared>>
        %dma_wait3A_146 = arith.constant 0 : i32
        %dma_wait3A_147 = tpu.memref_slice %arg11[%add3A_56, %dma_wait3A_146] : memref<10240x112xf32, #tpu.memory_space<vmem_shared>> -> memref<128x112xf32, #tpu.memory_space<vmem_shared>>
        tpu.wait_dma2 semaphore(%run_scoped3A : memref<!tpu.dma_semaphore, #tpu.memory_space<semaphore_mem>>) src(%dma_wait3A_147 : memref<128x112xf32, #tpu.memory_space<vmem_shared>>) dst(%arg10 : memref<128x112xf32, #tpu.memory_space<vmem>>)
        tpu.yield
      }) : () -> ()
      %mul3A_57 = arith.constant 640 : i32
      %mul3A_58 = arith.muli %arg1, %mul3A_57 : i32
      %add3A_59 = arith.constant 128 : i32
      %add3A_60 = arith.addi %mul3A_58, %add3A_59 : i32
      %dma_start3A_61 = arith.constant 0 : i32
      %dma_start3A_62 = tpu.memref_slice %arg6[%add3A_60, %dma_start3A_61] : memref<10240x112xf32, #tpu.memory_space<hbm>> -> memref<128x112xf32, #tpu.memory_space<hbm>>
      %dma_start3A_63 = arith.constant 0 : i32
      %dma_start3A_64 = tpu.memref_slice %arg6[%add3A_60, %dma_start3A_63] : memref<10240x112xf32, #tpu.memory_space<hbm>> -> memref<128x112xf32, #tpu.memory_space<hbm>>
      tpu.enqueue_dma source(%arg10 : memref<128x112xf32, #tpu.memory_space<vmem>>) target(%dma_start3A_64 : memref<128x112xf32, #tpu.memory_space<hbm>>) target_semaphore(%arg13 : memref<!tpu.dma_semaphore, #tpu.memory_space<semaphore_mem>>)
      %mul3A_65 = arith.constant 640 : i32
      %mul3A_66 = arith.muli %arg1, %mul3A_65 : i32
      %add3A_67 = arith.constant 0 : i32
      %add3A_68 = arith.addi %mul3A_66, %add3A_67 : i32
      %dma_wait3A = arith.constant 0 : i32
      %dma_wait3A_69 = tpu.memref_slice %arg6[%add3A_68, %dma_wait3A] : memref<10240x112xf32, #tpu.memory_space<hbm>> -> memref<128x112xf32, #tpu.memory_space<hbm>>
      %dma_wait3A_70 = arith.constant 0 : i32
      %dma_wait3A_71 = tpu.memref_slice %arg6[%add3A_68, %dma_wait3A_70] : memref<10240x112xf32, #tpu.memory_space<hbm>> -> memref<128x112xf32, #tpu.memory_space<hbm>>
      tpu.wait_dma2 semaphore(%arg12 : memref<!tpu.dma_semaphore, #tpu.memory_space<semaphore_mem>>) src(%arg9 : memref<128x112xf32, #tpu.memory_space<vmem>>) dst(%dma_wait3A_71 : memref<128x112xf32, #tpu.memory_space<hbm>>)
      %mul3A_72 = arith.constant 640 : i32
      %mul3A_73 = arith.muli %arg1, %mul3A_72 : i32
      %add3A_74 = arith.constant 256 : i32
      %add3A_75 = arith.addi %mul3A_73, %add3A_74 : i32
      "tpu.region"() ({
        %run_scoped3A = tpu.sem_alloc : memref<!tpu.dma_semaphore, #tpu.memory_space<semaphore_mem>>
        %dma_start3A_140 = arith.constant 0 : i32
        %dma_start3A_141 = tpu.memref_slice %arg11[%add3A_75, %dma_start3A_140] : memref<10240x112xf32, #tpu.memory_space<vmem_shared>> -> memref<128x112xf32, #tpu.memory_space<vmem_shared>>
        %dma_start3A_142 = arith.constant 0 : i32
        %dma_start3A_143 = tpu.memref_slice %arg11[%add3A_75, %dma_start3A_142] : memref<10240x112xf32, #tpu.memory_space<vmem_shared>> -> memref<128x112xf32, #tpu.memory_space<vmem_shared>>
        tpu.enqueue_dma source(%dma_start3A_143 : memref<128x112xf32, #tpu.memory_space<vmem_shared>>) target(%arg9 : memref<128x112xf32, #tpu.memory_space<vmem>>) target_semaphore(%run_scoped3A : memref<!tpu.dma_semaphore, #tpu.memory_space<semaphore_mem>>)
        %dma_wait3A_144 = arith.constant 0 : i32
        %dma_wait3A_145 = tpu.memref_slice %arg11[%add3A_75, %dma_wait3A_144] : memref<10240x112xf32, #tpu.memory_space<vmem_shared>> -> memref<128x112xf32, #tpu.memory_space<vmem_shared>>
        %dma_wait3A_146 = arith.constant 0 : i32
        %dma_wait3A_147 = tpu.memref_slice %arg11[%add3A_75, %dma_wait3A_146] : memref<10240x112xf32, #tpu.memory_space<vmem_shared>> -> memref<128x112xf32, #tpu.memory_space<vmem_shared>>
        tpu.wait_dma2 semaphore(%run_scoped3A : memref<!tpu.dma_semaphore, #tpu.memory_space<semaphore_mem>>) src(%dma_wait3A_147 : memref<128x112xf32, #tpu.memory_space<vmem_shared>>) dst(%arg9 : memref<128x112xf32, #tpu.memory_space<vmem>>)
        tpu.yield
      }) : () -> ()
      %mul3A_76 = arith.constant 640 : i32
      %mul3A_77 = arith.muli %arg1, %mul3A_76 : i32
      %add3A_78 = arith.constant 256 : i32
      %add3A_79 = arith.addi %mul3A_77, %add3A_78 : i32
      %dma_start3A_80 = arith.constant 0 : i32
      %dma_start3A_81 = tpu.memref_slice %arg6[%add3A_79, %dma_start3A_80] : memref<10240x112xf32, #tpu.memory_space<hbm>> -> memref<128x112xf32, #tpu.memory_space<hbm>>
      %dma_start3A_82 = arith.constant 0 : i32
      %dma_start3A_83 = tpu.memref_slice %arg6[%add3A_79, %dma_start3A_82] : memref<10240x112xf32, #tpu.memory_space<hbm>> -> memref<128x112xf32, #tpu.memory_space<hbm>>
      tpu.enqueue_dma source(%arg9 : memref<128x112xf32, #tpu.memory_space<vmem>>) target(%dma_start3A_83 : memref<128x112xf32, #tpu.memory_space<hbm>>) target_semaphore(%arg12 : memref<!tpu.dma_semaphore, #tpu.memory_space<semaphore_mem>>)
      %mul3A_84 = arith.constant 640 : i32
      %mul3A_85 = arith.muli %arg1, %mul3A_84 : i32
      %add3A_86 = arith.constant 128 : i32
      %add3A_87 = arith.addi %mul3A_85, %add3A_86 : i32
      %dma_wait3A_88 = arith.constant 0 : i32
      %dma_wait3A_89 = tpu.memref_slice %arg6[%add3A_87, %dma_wait3A_88] : memref<10240x112xf32, #tpu.memory_space<hbm>> -> memref<128x112xf32, #tpu.memory_space<hbm>>
      %dma_wait3A_90 = arith.constant 0 : i32
      %dma_wait3A_91 = tpu.memref_slice %arg6[%add3A_87, %dma_wait3A_90] : memref<10240x112xf32, #tpu.memory_space<hbm>> -> memref<128x112xf32, #tpu.memory_space<hbm>>
      tpu.wait_dma2 semaphore(%arg13 : memref<!tpu.dma_semaphore, #tpu.memory_space<semaphore_mem>>) src(%arg10 : memref<128x112xf32, #tpu.memory_space<vmem>>) dst(%dma_wait3A_91 : memref<128x112xf32, #tpu.memory_space<hbm>>)
      %mul3A_92 = arith.constant 640 : i32
      %mul3A_93 = arith.muli %arg1, %mul3A_92 : i32
      %add3A_94 = arith.constant 384 : i32
      %add3A_95 = arith.addi %mul3A_93, %add3A_94 : i32
      "tpu.region"() ({
        %run_scoped3A = tpu.sem_alloc : memref<!tpu.dma_semaphore, #tpu.memory_space<semaphore_mem>>
        %dma_start3A_140 = arith.constant 0 : i32
        %dma_start3A_141 = tpu.memref_slice %arg11[%add3A_95, %dma_start3A_140] : memref<10240x112xf32, #tpu.memory_space<vmem_shared>> -> memref<128x112xf32, #tpu.memory_space<vmem_shared>>
        %dma_start3A_142 = arith.constant 0 : i32
        %dma_start3A_143 = tpu.memref_slice %arg11[%add3A_95, %dma_start3A_142] : memref<10240x112xf32, #tpu.memory_space<vmem_shared>> -> memref<128x112xf32, #tpu.memory_space<vmem_shared>>
        tpu.enqueue_dma source(%dma_start3A_143 : memref<128x112xf32, #tpu.memory_space<vmem_shared>>) target(%arg10 : memref<128x112xf32, #tpu.memory_space<vmem>>) target_semaphore(%run_scoped3A : memref<!tpu.dma_semaphore, #tpu.memory_space<semaphore_mem>>)
        %dma_wait3A_144 = arith.constant 0 : i32
        %dma_wait3A_145 = tpu.memref_slice %arg11[%add3A_95, %dma_wait3A_144] : memref<10240x112xf32, #tpu.memory_space<vmem_shared>> -> memref<128x112xf32, #tpu.memory_space<vmem_shared>>
        %dma_wait3A_146 = arith.constant 0 : i32
        %dma_wait3A_147 = tpu.memref_slice %arg11[%add3A_95, %dma_wait3A_146] : memref<10240x112xf32, #tpu.memory_space<vmem_shared>> -> memref<128x112xf32, #tpu.memory_space<vmem_shared>>
        tpu.wait_dma2 semaphore(%run_scoped3A : memref<!tpu.dma_semaphore, #tpu.memory_space<semaphore_mem>>) src(%dma_wait3A_147 : memref<128x112xf32, #tpu.memory_space<vmem_shared>>) dst(%arg10 : memref<128x112xf32, #tpu.memory_space<vmem>>)
        tpu.yield
      }) : () -> ()
      %mul3A_96 = arith.constant 640 : i32
      %mul3A_97 = arith.muli %arg1, %mul3A_96 : i32
      %add3A_98 = arith.constant 384 : i32
      %add3A_99 = arith.addi %mul3A_97, %add3A_98 : i32
      %dma_start3A_100 = arith.constant 0 : i32
      %dma_start3A_101 = tpu.memref_slice %arg6[%add3A_99, %dma_start3A_100] : memref<10240x112xf32, #tpu.memory_space<hbm>> -> memref<128x112xf32, #tpu.memory_space<hbm>>
      %dma_start3A_102 = arith.constant 0 : i32
      %dma_start3A_103 = tpu.memref_slice %arg6[%add3A_99, %dma_start3A_102] : memref<10240x112xf32, #tpu.memory_space<hbm>> -> memref<128x112xf32, #tpu.memory_space<hbm>>
      tpu.enqueue_dma source(%arg10 : memref<128x112xf32, #tpu.memory_space<vmem>>) target(%dma_start3A_103 : memref<128x112xf32, #tpu.memory_space<hbm>>) target_semaphore(%arg13 : memref<!tpu.dma_semaphore, #tpu.memory_space<semaphore_mem>>)
      %mul3A_104 = arith.constant 640 : i32
      %mul3A_105 = arith.muli %arg1, %mul3A_104 : i32
      %add3A_106 = arith.constant 256 : i32
      %add3A_107 = arith.addi %mul3A_105, %add3A_106 : i32
      %dma_wait3A_108 = arith.constant 0 : i32
      %dma_wait3A_109 = tpu.memref_slice %arg6[%add3A_107, %dma_wait3A_108] : memref<10240x112xf32, #tpu.memory_space<hbm>> -> memref<128x112xf32, #tpu.memory_space<hbm>>
      %dma_wait3A_110 = arith.constant 0 : i32
      %dma_wait3A_111 = tpu.memref_slice %arg6[%add3A_107, %dma_wait3A_110] : memref<10240x112xf32, #tpu.memory_space<hbm>> -> memref<128x112xf32, #tpu.memory_space<hbm>>
      tpu.wait_dma2 semaphore(%arg12 : memref<!tpu.dma_semaphore, #tpu.memory_space<semaphore_mem>>) src(%arg9 : memref<128x112xf32, #tpu.memory_space<vmem>>) dst(%dma_wait3A_111 : memref<128x112xf32, #tpu.memory_space<hbm>>)
      %mul3A_112 = arith.constant 640 : i32
      %mul3A_113 = arith.muli %arg1, %mul3A_112 : i32
      %add3A_114 = arith.constant 512 : i32
      %add3A_115 = arith.addi %mul3A_113, %add3A_114 : i32
      "tpu.region"() ({
        %run_scoped3A = tpu.sem_alloc : memref<!tpu.dma_semaphore, #tpu.memory_space<semaphore_mem>>
        %dma_start3A_140 = arith.constant 0 : i32
        %dma_start3A_141 = tpu.memref_slice %arg11[%add3A_115, %dma_start3A_140] : memref<10240x112xf32, #tpu.memory_space<vmem_shared>> -> memref<128x112xf32, #tpu.memory_space<vmem_shared>>
        %dma_start3A_142 = arith.constant 0 : i32
        %dma_start3A_143 = tpu.memref_slice %arg11[%add3A_115, %dma_start3A_142] : memref<10240x112xf32, #tpu.memory_space<vmem_shared>> -> memref<128x112xf32, #tpu.memory_space<vmem_shared>>
        tpu.enqueue_dma source(%dma_start3A_143 : memref<128x112xf32, #tpu.memory_space<vmem_shared>>) target(%arg9 : memref<128x112xf32, #tpu.memory_space<vmem>>) target_semaphore(%run_scoped3A : memref<!tpu.dma_semaphore, #tpu.memory_space<semaphore_mem>>)
        %dma_wait3A_144 = arith.constant 0 : i32
        %dma_wait3A_145 = tpu.memref_slice %arg11[%add3A_115, %dma_wait3A_144] : memref<10240x112xf32, #tpu.memory_space<vmem_shared>> -> memref<128x112xf32, #tpu.memory_space<vmem_shared>>
        %dma_wait3A_146 = arith.constant 0 : i32
        %dma_wait3A_147 = tpu.memref_slice %arg11[%add3A_115, %dma_wait3A_146] : memref<10240x112xf32, #tpu.memory_space<vmem_shared>> -> memref<128x112xf32, #tpu.memory_space<vmem_shared>>
        tpu.wait_dma2 semaphore(%run_scoped3A : memref<!tpu.dma_semaphore, #tpu.memory_space<semaphore_mem>>) src(%dma_wait3A_147 : memref<128x112xf32, #tpu.memory_space<vmem_shared>>) dst(%arg9 : memref<128x112xf32, #tpu.memory_space<vmem>>)
        tpu.yield
      }) : () -> ()
      %mul3A_116 = arith.constant 640 : i32
      %mul3A_117 = arith.muli %arg1, %mul3A_116 : i32
      %add3A_118 = arith.constant 512 : i32
      %add3A_119 = arith.addi %mul3A_117, %add3A_118 : i32
      %dma_start3A_120 = arith.constant 0 : i32
      %dma_start3A_121 = tpu.memref_slice %arg6[%add3A_119, %dma_start3A_120] : memref<10240x112xf32, #tpu.memory_space<hbm>> -> memref<128x112xf32, #tpu.memory_space<hbm>>
      %dma_start3A_122 = arith.constant 0 : i32
      %dma_start3A_123 = tpu.memref_slice %arg6[%add3A_119, %dma_start3A_122] : memref<10240x112xf32, #tpu.memory_space<hbm>> -> memref<128x112xf32, #tpu.memory_space<hbm>>
      tpu.enqueue_dma source(%arg9 : memref<128x112xf32, #tpu.memory_space<vmem>>) target(%dma_start3A_123 : memref<128x112xf32, #tpu.memory_space<hbm>>) target_semaphore(%arg12 : memref<!tpu.dma_semaphore, #tpu.memory_space<semaphore_mem>>)
      %mul3A_124 = arith.constant 640 : i32
      %mul3A_125 = arith.muli %arg1, %mul3A_124 : i32
      %add3A_126 = arith.constant 384 : i32
      %add3A_127 = arith.addi %mul3A_125, %add3A_126 : i32
      %dma_wait3A_128 = arith.constant 0 : i32
      %dma_wait3A_129 = tpu.memref_slice %arg6[%add3A_127, %dma_wait3A_128] : memref<10240x112xf32, #tpu.memory_space<hbm>> -> memref<128x112xf32, #tpu.memory_space<hbm>>
      %dma_wait3A_130 = arith.constant 0 : i32
      %dma_wait3A_131 = tpu.memref_slice %arg6[%add3A_127, %dma_wait3A_130] : memref<10240x112xf32, #tpu.memory_space<hbm>> -> memref<128x112xf32, #tpu.memory_space<hbm>>
      tpu.wait_dma2 semaphore(%arg13 : memref<!tpu.dma_semaphore, #tpu.memory_space<semaphore_mem>>) src(%arg10 : memref<128x112xf32, #tpu.memory_space<vmem>>) dst(%dma_wait3A_131 : memref<128x112xf32, #tpu.memory_space<hbm>>)
      %mul3A_132 = arith.constant 640 : i32
      %mul3A_133 = arith.muli %arg1, %mul3A_132 : i32
      %add3A_134 = arith.constant 512 : i32
      %add3A_135 = arith.addi %mul3A_133, %add3A_134 : i32
      %dma_wait3A_136 = arith.constant 0 : i32
      %dma_wait3A_137 = tpu.memref_slice %arg6[%add3A_135, %dma_wait3A_136] : memref<10240x112xf32, #tpu.memory_space<hbm>> -> memref<128x112xf32, #tpu.memory_space<hbm>>
      %dma_wait3A_138 = arith.constant 0 : i32
      %dma_wait3A_139 = tpu.memref_slice %arg6[%add3A_135, %dma_wait3A_138] : memref<10240x112xf32, #tpu.memory_space<hbm>> -> memref<128x112xf32, #tpu.memory_space<hbm>>
      tpu.wait_dma2 semaphore(%arg12 : memref<!tpu.dma_semaphore, #tpu.memory_space<semaphore_mem>>) src(%arg9 : memref<128x112xf32, #tpu.memory_space<vmem>>) dst(%dma_wait3A_139 : memref<128x112xf32, #tpu.memory_space<hbm>>)
    } else {
    }
    return
  }
}

module attributes {stable_mosaic.version = 14 : i64} {
  func.func @_tc_first_body(%arg0: i32, %arg1: memref<32x512xf32, #tpu.memory_space<vmem>>, %arg2: memref<512x128xf32, #tpu.memory_space<vmem>>, %arg3: memref<128x112xf32, #tpu.memory_space<vmem>>, %arg4: memref<512x112xf32, #tpu.memory_space<vmem>>) attributes {dimension_semantics = [#tpu.dimension_semantics<arbitrary>], iteration_bounds = array<i64: 20>, scalar_prefetch = 0 : i64, scratch_operands = 0 : i64, tpu.core_type = #tpu.core_type<tc>, window_params = [{transform_indices = @transform_0, window_bounds = array<i64: 32, 512>}, {transform_indices = @transform_1, window_bounds = array<i64: 512, 128>}, {pipeline_mode = #tpu.pipeline_mode<synchronous>, transform_indices = @transform_2, window_bounds = array<i64: 128, 112>}, {transform_indices = @transform_3, window_bounds = array<i64: 512, 112>}]} {
    %get3A = arith.constant 0 : index
    %get3A_0 = arith.constant 0 : index
    %get3A_1 = vector.load %arg1[%get3A, %get3A_0] : memref<32x512xf32, #tpu.memory_space<vmem>>, vector<32x512xf32>
    %reduce_sum3A = arith.constant dense<0.000000e+00> : vector<512xf32>
    %reduce_sum3A_2 = vector.multi_reduction <add>, %get3A_1, %reduce_sum3A [0] : vector<32x512xf32> to vector<512xf32>
    %add3A = arith.constant 1.000000e+00 : f32
    %add3A_3 = vector.broadcast %add3A : f32 to vector<512xf32>
    %add3A_4 = arith.addf %reduce_sum3A_2, %add3A_3 : vector<512xf32>
    %rsqrt3A = math.rsqrt %add3A_4 : vector<512xf32>
    %get3A_5 = arith.constant 0 : index
    %get3A_6 = arith.constant 0 : index
    %get3A_7 = vector.load %arg2[%get3A_5, %get3A_6] : memref<512x128xf32, #tpu.memory_space<vmem>>, vector<512x128xf32>
    %get3A_8 = arith.constant 0 : index
    %get3A_9 = arith.constant 0 : index
    %get3A_10 = vector.load %arg3[%get3A_8, %get3A_9] : memref<128x112xf32, #tpu.memory_space<vmem>>, vector<128x112xf32>
    %dot_general3A = arith.constant dense<0.000000e+00> : vector<512x112xf32>
    %dot_general3A_11 = tpu.matmul %get3A_7, %get3A_10, %dot_general3A {dimension_numbers = #tpu.dot_dimension_numbers<[1], [0], [0], [1], [0, 0, 1, 1], [], []>, precision = #tpu.contract_precision<fp32>, transpose_lhs_hint = false} : vector<512x128xf32>, vector<128x112xf32>, vector<512x112xf32> -> vector<512x112xf32>
    %broadcast_in_dim3A = vector.shape_cast %rsqrt3A : vector<512xf32> to vector<512x1xf32>
    %mul3A = vector.broadcast %broadcast_in_dim3A : vector<512x1xf32> to vector<512x112xf32>
    %mul3A_12 = arith.mulf %dot_general3A_11, %mul3A : vector<512x112xf32>
    %swap3A = arith.constant 0 : index
    %swap3A_13 = arith.constant 0 : index
    %swap3A_14 = vector.load %arg4[%swap3A, %swap3A_13] : memref<512x112xf32, #tpu.memory_space<vmem>>, vector<512x112xf32>
    tpu.vector_store %arg4[%swap3A, %swap3A_13], %mul3A_12 {strides = array<i32>} : memref<512x112xf32, #tpu.memory_space<vmem>>, vector<512x112xf32>,
    return
  }
  func.func @transform_0(%arg0: i32) -> (i32, i32) {
    %c0_i32 = arith.constant 0 : i32
    %c0_i32_0 = arith.constant 0 : i32
    return %c0_i32, %arg0 : i32, i32
  }
  func.func @transform_1(%arg0: i32) -> (i32, i32) {
    %c0_i32 = arith.constant 0 : i32
    %c0_i32_0 = arith.constant 0 : i32
    return %arg0, %c0_i32 : i32, i32
  }
  func.func @transform_2(%arg0: i32) -> (i32, i32) {
    %c0_i32 = arith.constant 0 : i32
    %c0_i32_0 = arith.constant 0 : i32
    %c0_i32_1 = arith.constant 0 : i32
    return %c0_i32, %c0_i32_0 : i32, i32
  }
  func.func @transform_3(%arg0: i32) -> (i32, i32) {
    %c0_i32 = arith.constant 0 : i32
    %c0_i32_0 = arith.constant 0 : i32
    return %arg0, %c0_i32 : i32, i32
  }
}

module attributes {stable_mosaic.version = 14 : i64} {
  func.func @_tc_mid_body(%arg0: i32, %arg1: memref<32x512xf32, #tpu.memory_space<vmem>>, %arg2: memref<512x112xf32, #tpu.memory_space<vmem>>, %arg3: memref<512x112xf32, #tpu.memory_space<vmem>>, %arg4: memref<512x112xf32, #tpu.memory_space<vmem>>, %arg5: memref<1x112xf32, #tpu.memory_space<vmem>>, %arg6: memref<112x80xf32, #tpu.memory_space<vmem>>, %arg7: memref<512x80xf32, #tpu.memory_space<vmem>>) attributes {dimension_semantics = [#tpu.dimension_semantics<arbitrary>], iteration_bounds = array<i64: 20>, scalar_prefetch = 0 : i64, scratch_operands = 0 : i64, tpu.core_type = #tpu.core_type<tc>, window_params = [{transform_indices = @transform_0, window_bounds = array<i64: 32, 512>}, {transform_indices = @transform_1, window_bounds = array<i64: 512, 112>}, {transform_indices = @transform_2, window_bounds = array<i64: 512, 112>}, {transform_indices = @transform_3, window_bounds = array<i64: 512, 112>}, {pipeline_mode = #tpu.pipeline_mode<synchronous>, transform_indices = @transform_4, window_bounds = array<i64: 1, 112>}, {pipeline_mode = #tpu.pipeline_mode<synchronous>, transform_indices = @transform_5, window_bounds = array<i64: 112, 80>}, {transform_indices = @transform_6, window_bounds = array<i64: 512, 80>}]} {
    %get3A = arith.constant 0 : index
    %get3A_0 = arith.constant 0 : index
    %get3A_1 = vector.load %arg1[%get3A, %get3A_0] : memref<32x512xf32, #tpu.memory_space<vmem>>, vector<32x512xf32>
    %reduce_sum3A = arith.constant dense<0.000000e+00> : vector<512xf32>
    %reduce_sum3A_2 = vector.multi_reduction <add>, %get3A_1, %reduce_sum3A [0] : vector<32x512xf32> to vector<512xf32>
    %add3A = arith.constant 1.000000e+00 : f32
    %add3A_3 = vector.broadcast %add3A : f32 to vector<512xf32>
    %add3A_4 = arith.addf %reduce_sum3A_2, %add3A_3 : vector<512xf32>
    %rsqrt3A = math.rsqrt %add3A_4 : vector<512xf32>
    %get3A_5 = arith.constant 0 : index
    %get3A_6 = arith.constant 0 : index
    %get3A_7 = vector.load %arg2[%get3A_5, %get3A_6] : memref<512x112xf32, #tpu.memory_space<vmem>>, vector<512x112xf32>
    %get3A_8 = arith.constant 0 : index
    %get3A_9 = arith.constant 0 : index
    %get3A_10 = vector.load %arg3[%get3A_8, %get3A_9] : memref<512x112xf32, #tpu.memory_space<vmem>>, vector<512x112xf32>
    %add3A_11 = arith.addf %get3A_7, %get3A_10 : vector<512x112xf32>
    %get3A_12 = arith.constant 0 : index
    %get3A_13 = arith.constant 0 : index
    %get3A_14 = vector.load %arg4[%get3A_12, %get3A_13] : memref<512x112xf32, #tpu.memory_space<vmem>>, vector<512x112xf32>
    %add3A_15 = arith.addf %add3A_11, %get3A_14 : vector<512x112xf32>
    %broadcast_in_dim3A = vector.shape_cast %rsqrt3A : vector<512xf32> to vector<512x1xf32>
    %mul3A = vector.broadcast %broadcast_in_dim3A : vector<512x1xf32> to vector<512x112xf32>
    %mul3A_16 = arith.mulf %mul3A, %add3A_15 : vector<512x112xf32>
    %get3A_17 = arith.constant 0 : index
    %get3A_18 = arith.constant 0 : index
    %get3A_19 = vector.load %arg5[%get3A_17, %get3A_18] : memref<1x112xf32, #tpu.memory_space<vmem>>, vector<1x112xf32>
    %add3A_20 = vector.broadcast %get3A_19 : vector<1x112xf32> to vector<512x112xf32>
    %add3A_21 = arith.addf %mul3A_16, %add3A_20 : vector<512x112xf32>
    %max3A = arith.constant 0.000000e+00 : f32
    %max3A_22 = vector.broadcast %max3A : f32 to vector<512x112xf32>
    %max3A_23 = arith.maximumf %add3A_21, %max3A_22 : vector<512x112xf32>
    %get3A_24 = arith.constant 0 : index
    %get3A_25 = arith.constant 0 : index
    %get3A_26 = vector.load %arg6[%get3A_24, %get3A_25] : memref<112x80xf32, #tpu.memory_space<vmem>>, vector<112x80xf32>
    %dot_general3A = arith.constant dense<0.000000e+00> : vector<512x80xf32>
    %dot_general3A_27 = tpu.matmul %max3A_23, %get3A_26, %dot_general3A {dimension_numbers = #tpu.dot_dimension_numbers<[1], [0], [0], [1], [0, 0, 1, 1], [], []>, precision = #tpu.contract_precision<fp32>, transpose_lhs_hint = false} : vector<512x112xf32>, vector<112x80xf32>, vector<512x80xf32> -> vector<512x80xf32>
    %broadcast_in_dim3A_28 = vector.shape_cast %rsqrt3A : vector<512xf32> to vector<512x1xf32>
    %mul3A_29 = vector.broadcast %broadcast_in_dim3A_28 : vector<512x1xf32> to vector<512x80xf32>
    %mul3A_30 = arith.mulf %dot_general3A_27, %mul3A_29 : vector<512x80xf32>
    %swap3A = arith.constant 0 : index
    %swap3A_31 = arith.constant 0 : index
    %swap3A_32 = vector.load %arg7[%swap3A, %swap3A_31] : memref<512x80xf32, #tpu.memory_space<vmem>>, vector<512x80xf32>
    tpu.vector_store %arg7[%swap3A, %swap3A_31], %mul3A_30 {strides = array<i32>} : memref<512x80xf32, #tpu.memory_space<vmem>>, vector<512x80xf32>,
    return
  }
  func.func @transform_0(%arg0: i32) -> (i32, i32) {
    %c0_i32 = arith.constant 0 : i32
    %c0_i32_0 = arith.constant 0 : i32
    return %c0_i32, %arg0 : i32, i32
  }
  func.func @transform_1(%arg0: i32) -> (i32, i32) {
    %c0_i32 = arith.constant 0 : i32
    %c0_i32_0 = arith.constant 0 : i32
    return %arg0, %c0_i32 : i32, i32
  }
  func.func @transform_2(%arg0: i32) -> (i32, i32) {
    %c0_i32 = arith.constant 0 : i32
    %c0_i32_0 = arith.constant 0 : i32
    return %arg0, %c0_i32 : i32, i32
  }
  func.func @transform_3(%arg0: i32) -> (i32, i32) {
    %c0_i32 = arith.constant 0 : i32
    %c0_i32_0 = arith.constant 0 : i32
    return %arg0, %c0_i32 : i32, i32
  }
  func.func @transform_4(%arg0: i32) -> (i32, i32) {
    %c0_i32 = arith.constant 0 : i32
    %c0_i32_0 = arith.constant 0 : i32
    %c0_i32_1 = arith.constant 0 : i32
    return %c0_i32, %c0_i32_0 : i32, i32
  }
  func.func @transform_5(%arg0: i32) -> (i32, i32) {
    %c0_i32 = arith.constant 0 : i32
    %c0_i32_0 = arith.constant 0 : i32
    %c0_i32_1 = arith.constant 0 : i32
    return %c0_i32, %c0_i32_0 : i32, i32
  }
  func.func @transform_6(%arg0: i32) -> (i32, i32) {
    %c0_i32 = arith.constant 0 : i32
    %c0_i32_0 = arith.constant 0 : i32
    return %arg0, %c0_i32 : i32, i32
  }
}

module attributes {stable_mosaic.version = 14 : i64} {
  func.func @_tc_mid_body(%arg0: i32, %arg1: memref<32x512xf32, #tpu.memory_space<vmem>>, %arg2: memref<512x80xf32, #tpu.memory_space<vmem>>, %arg3: memref<512x80xf32, #tpu.memory_space<vmem>>, %arg4: memref<512x80xf32, #tpu.memory_space<vmem>>, %arg5: memref<1x80xf32, #tpu.memory_space<vmem>>, %arg6: memref<80x64xf32, #tpu.memory_space<vmem>>, %arg7: memref<512x64xf32, #tpu.memory_space<vmem>>) attributes {dimension_semantics = [#tpu.dimension_semantics<arbitrary>], iteration_bounds = array<i64: 20>, scalar_prefetch = 0 : i64, scratch_operands = 0 : i64, tpu.core_type = #tpu.core_type<tc>, window_params = [{transform_indices = @transform_0, window_bounds = array<i64: 32, 512>}, {transform_indices = @transform_1, window_bounds = array<i64: 512, 80>}, {transform_indices = @transform_2, window_bounds = array<i64: 512, 80>}, {transform_indices = @transform_3, window_bounds = array<i64: 512, 80>}, {pipeline_mode = #tpu.pipeline_mode<synchronous>, transform_indices = @transform_4, window_bounds = array<i64: 1, 80>}, {pipeline_mode = #tpu.pipeline_mode<synchronous>, transform_indices = @transform_5, window_bounds = array<i64: 80, 64>}, {transform_indices = @transform_6, window_bounds = array<i64: 512, 64>}]} {
    %get3A = arith.constant 0 : index
    %get3A_0 = arith.constant 0 : index
    %get3A_1 = vector.load %arg1[%get3A, %get3A_0] : memref<32x512xf32, #tpu.memory_space<vmem>>, vector<32x512xf32>
    %reduce_sum3A = arith.constant dense<0.000000e+00> : vector<512xf32>
    %reduce_sum3A_2 = vector.multi_reduction <add>, %get3A_1, %reduce_sum3A [0] : vector<32x512xf32> to vector<512xf32>
    %add3A = arith.constant 1.000000e+00 : f32
    %add3A_3 = vector.broadcast %add3A : f32 to vector<512xf32>
    %add3A_4 = arith.addf %reduce_sum3A_2, %add3A_3 : vector<512xf32>
    %rsqrt3A = math.rsqrt %add3A_4 : vector<512xf32>
    %get3A_5 = arith.constant 0 : index
    %get3A_6 = arith.constant 0 : index
    %get3A_7 = vector.load %arg2[%get3A_5, %get3A_6] : memref<512x80xf32, #tpu.memory_space<vmem>>, vector<512x80xf32>
    %get3A_8 = arith.constant 0 : index
    %get3A_9 = arith.constant 0 : index
    %get3A_10 = vector.load %arg3[%get3A_8, %get3A_9] : memref<512x80xf32, #tpu.memory_space<vmem>>, vector<512x80xf32>
    %add3A_11 = arith.addf %get3A_7, %get3A_10 : vector<512x80xf32>
    %get3A_12 = arith.constant 0 : index
    %get3A_13 = arith.constant 0 : index
    %get3A_14 = vector.load %arg4[%get3A_12, %get3A_13] : memref<512x80xf32, #tpu.memory_space<vmem>>, vector<512x80xf32>
    %add3A_15 = arith.addf %add3A_11, %get3A_14 : vector<512x80xf32>
    %broadcast_in_dim3A = vector.shape_cast %rsqrt3A : vector<512xf32> to vector<512x1xf32>
    %mul3A = vector.broadcast %broadcast_in_dim3A : vector<512x1xf32> to vector<512x80xf32>
    %mul3A_16 = arith.mulf %mul3A, %add3A_15 : vector<512x80xf32>
    %get3A_17 = arith.constant 0 : index
    %get3A_18 = arith.constant 0 : index
    %get3A_19 = vector.load %arg5[%get3A_17, %get3A_18] : memref<1x80xf32, #tpu.memory_space<vmem>>, vector<1x80xf32>
    %add3A_20 = vector.broadcast %get3A_19 : vector<1x80xf32> to vector<512x80xf32>
    %add3A_21 = arith.addf %mul3A_16, %add3A_20 : vector<512x80xf32>
    %max3A = arith.constant 0.000000e+00 : f32
    %max3A_22 = vector.broadcast %max3A : f32 to vector<512x80xf32>
    %max3A_23 = arith.maximumf %add3A_21, %max3A_22 : vector<512x80xf32>
    %get3A_24 = arith.constant 0 : index
    %get3A_25 = arith.constant 0 : index
    %get3A_26 = vector.load %arg6[%get3A_24, %get3A_25] : memref<80x64xf32, #tpu.memory_space<vmem>>, vector<80x64xf32>
    %dot_general3A = arith.constant dense<0.000000e+00> : vector<512x64xf32>
    %dot_general3A_27 = tpu.matmul %max3A_23, %get3A_26, %dot_general3A {dimension_numbers = #tpu.dot_dimension_numbers<[1], [0], [0], [1], [0, 0, 1, 1], [], []>, precision = #tpu.contract_precision<fp32>, transpose_lhs_hint = false} : vector<512x80xf32>, vector<80x64xf32>, vector<512x64xf32> -> vector<512x64xf32>
    %broadcast_in_dim3A_28 = vector.shape_cast %rsqrt3A : vector<512xf32> to vector<512x1xf32>
    %mul3A_29 = vector.broadcast %broadcast_in_dim3A_28 : vector<512x1xf32> to vector<512x64xf32>
    %mul3A_30 = arith.mulf %dot_general3A_27, %mul3A_29 : vector<512x64xf32>
    %swap3A = arith.constant 0 : index
    %swap3A_31 = arith.constant 0 : index
    %swap3A_32 = vector.load %arg7[%swap3A, %swap3A_31] : memref<512x64xf32, #tpu.memory_space<vmem>>, vector<512x64xf32>
    tpu.vector_store %arg7[%swap3A, %swap3A_31], %mul3A_30 {strides = array<i32>} : memref<512x64xf32, #tpu.memory_space<vmem>>, vector<512x64xf32>,
    return
  }
  func.func @transform_0(%arg0: i32) -> (i32, i32) {
    %c0_i32 = arith.constant 0 : i32
    %c0_i32_0 = arith.constant 0 : i32
    return %c0_i32, %arg0 : i32, i32
  }
  func.func @transform_1(%arg0: i32) -> (i32, i32) {
    %c0_i32 = arith.constant 0 : i32
    %c0_i32_0 = arith.constant 0 : i32
    return %arg0, %c0_i32 : i32, i32
  }
  func.func @transform_2(%arg0: i32) -> (i32, i32) {
    %c0_i32 = arith.constant 0 : i32
    %c0_i32_0 = arith.constant 0 : i32
    return %arg0, %c0_i32 : i32, i32
  }
  func.func @transform_3(%arg0: i32) -> (i32, i32) {
    %c0_i32 = arith.constant 0 : i32
    %c0_i32_0 = arith.constant 0 : i32
    return %arg0, %c0_i32 : i32, i32
  }
  func.func @transform_4(%arg0: i32) -> (i32, i32) {
    %c0_i32 = arith.constant 0 : i32
    %c0_i32_0 = arith.constant 0 : i32
    %c0_i32_1 = arith.constant 0 : i32
    return %c0_i32, %c0_i32_0 : i32, i32
  }
  func.func @transform_5(%arg0: i32) -> (i32, i32) {
    %c0_i32 = arith.constant 0 : i32
    %c0_i32_0 = arith.constant 0 : i32
    %c0_i32_1 = arith.constant 0 : i32
    return %c0_i32, %c0_i32_0 : i32, i32
  }
  func.func @transform_6(%arg0: i32) -> (i32, i32) {
    %c0_i32 = arith.constant 0 : i32
    %c0_i32_0 = arith.constant 0 : i32
    return %arg0, %c0_i32 : i32, i32
  }
}

module attributes {stable_mosaic.version = 14 : i64} {
  func.func @_tc_final_body(%arg0: i32, %arg1: memref<32x512xf32, #tpu.memory_space<vmem>>, %arg2: memref<512x64xf32, #tpu.memory_space<vmem>>, %arg3: memref<512x64xf32, #tpu.memory_space<vmem>>, %arg4: memref<512x64xf32, #tpu.memory_space<vmem>>, %arg5: memref<1x64xf32, #tpu.memory_space<vmem>>, %arg6: memref<512x64xf32, #tpu.memory_space<vmem>>) attributes {dimension_semantics = [#tpu.dimension_semantics<arbitrary>], iteration_bounds = array<i64: 20>, scalar_prefetch = 0 : i64, scratch_operands = 0 : i64, tpu.core_type = #tpu.core_type<tc>, window_params = [{transform_indices = @transform_0, window_bounds = array<i64: 32, 512>}, {transform_indices = @transform_1, window_bounds = array<i64: 512, 64>}, {transform_indices = @transform_2, window_bounds = array<i64: 512, 64>}, {transform_indices = @transform_3, window_bounds = array<i64: 512, 64>}, {pipeline_mode = #tpu.pipeline_mode<synchronous>, transform_indices = @transform_4, window_bounds = array<i64: 1, 64>}, {transform_indices = @transform_5, window_bounds = array<i64: 512, 64>}]} {
    %get3A = arith.constant 0 : index
    %get3A_0 = arith.constant 0 : index
    %get3A_1 = vector.load %arg1[%get3A, %get3A_0] : memref<32x512xf32, #tpu.memory_space<vmem>>, vector<32x512xf32>
    %reduce_sum3A = arith.constant dense<0.000000e+00> : vector<512xf32>
    %reduce_sum3A_2 = vector.multi_reduction <add>, %get3A_1, %reduce_sum3A [0] : vector<32x512xf32> to vector<512xf32>
    %add3A = arith.constant 1.000000e+00 : f32
    %add3A_3 = vector.broadcast %add3A : f32 to vector<512xf32>
    %add3A_4 = arith.addf %reduce_sum3A_2, %add3A_3 : vector<512xf32>
    %rsqrt3A = math.rsqrt %add3A_4 : vector<512xf32>
    %get3A_5 = arith.constant 0 : index
    %get3A_6 = arith.constant 0 : index
    %get3A_7 = vector.load %arg2[%get3A_5, %get3A_6] : memref<512x64xf32, #tpu.memory_space<vmem>>, vector<512x64xf32>
    %get3A_8 = arith.constant 0 : index
    %get3A_9 = arith.constant 0 : index
    %get3A_10 = vector.load %arg3[%get3A_8, %get3A_9] : memref<512x64xf32, #tpu.memory_space<vmem>>, vector<512x64xf32>
    %add3A_11 = arith.addf %get3A_7, %get3A_10 : vector<512x64xf32>
    %get3A_12 = arith.constant 0 : index
    %get3A_13 = arith.constant 0 : index
    %get3A_14 = vector.load %arg4[%get3A_12, %get3A_13] : memref<512x64xf32, #tpu.memory_space<vmem>>, vector<512x64xf32>
    %add3A_15 = arith.addf %add3A_11, %get3A_14 : vector<512x64xf32>
    %broadcast_in_dim3A = vector.shape_cast %rsqrt3A : vector<512xf32> to vector<512x1xf32>
    %mul3A = vector.broadcast %broadcast_in_dim3A : vector<512x1xf32> to vector<512x64xf32>
    %mul3A_16 = arith.mulf %mul3A, %add3A_15 : vector<512x64xf32>
    %get3A_17 = arith.constant 0 : index
    %get3A_18 = arith.constant 0 : index
    %get3A_19 = vector.load %arg5[%get3A_17, %get3A_18] : memref<1x64xf32, #tpu.memory_space<vmem>>, vector<1x64xf32>
    %add3A_20 = vector.broadcast %get3A_19 : vector<1x64xf32> to vector<512x64xf32>
    %add3A_21 = arith.addf %mul3A_16, %add3A_20 : vector<512x64xf32>
    %swap3A = arith.constant 0 : index
    %swap3A_22 = arith.constant 0 : index
    %swap3A_23 = vector.load %arg6[%swap3A, %swap3A_22] : memref<512x64xf32, #tpu.memory_space<vmem>>, vector<512x64xf32>
    tpu.vector_store %arg6[%swap3A, %swap3A_22], %add3A_21 {strides = array<i32>} : memref<512x64xf32, #tpu.memory_space<vmem>>, vector<512x64xf32>,
    return
  }
  func.func @transform_0(%arg0: i32) -> (i32, i32) {
    %c0_i32 = arith.constant 0 : i32
    %c0_i32_0 = arith.constant 0 : i32
    return %c0_i32, %arg0 : i32, i32
  }
  func.func @transform_1(%arg0: i32) -> (i32, i32) {
    %c0_i32 = arith.constant 0 : i32
    %c0_i32_0 = arith.constant 0 : i32
    return %arg0, %c0_i32 : i32, i32
  }
  func.func @transform_2(%arg0: i32) -> (i32, i32) {
    %c0_i32 = arith.constant 0 : i32
    %c0_i32_0 = arith.constant 0 : i32
    return %arg0, %c0_i32 : i32, i32
  }
  func.func @transform_3(%arg0: i32) -> (i32, i32) {
    %c0_i32 = arith.constant 0 : i32
    %c0_i32_0 = arith.constant 0 : i32
    return %arg0, %c0_i32 : i32, i32
  }
  func.func @transform_4(%arg0: i32) -> (i32, i32) {
    %c0_i32 = arith.constant 0 : i32
    %c0_i32_0 = arith.constant 0 : i32
    %c0_i32_1 = arith.constant 0 : i32
    return %c0_i32, %c0_i32_0 : i32, i32
  }
  func.func @transform_5(%arg0: i32) -> (i32, i32) {
    %c0_i32 = arith.constant 0 : i32
    %c0_i32_0 = arith.constant 0 : i32
    return %arg0, %c0_i32 : i32, i32
  }
}

</mosaic_0001>

<sc_bundles>
// kernel: kernel.10.cloned.1.call-start
scs
__scs_entry_jumppad:
0x0: {  	(pc) =	sbr.rel $0x88, $3  }
0x1: {  	(tag) =	ssettag $0x0;
	lr =	simm.s32 $0x1  }
0x2: {  	[smem:$0x3F99] =	sst lr;
	_ =	strace $0xD0000000  }
0x3: {  	_ = 	snop  }
0x4: {  	_ = 	snop  }
0x5: {  	_ = 	snop  }
0x6: {  	_ = 	snop  }
0x7: {  	_ = 	snop  }
__scs_overlays_trampoline_lowered:
0x8: {  	[smem:$0x3FA8] =	sst s0  }
0x9: {  	[smem:$0x3FA9] =	sst s1  }
0xa: {  	[smem:$0x3FAA] =	sst s2  }
0xb: {  	[smem:$0x3FAB] =	sst s3  }
0xc: {  	[smem:$0x3FAC] =	sst s4  }
0xd: {  	[smem:$0x3FAD] =	sst s5  }
0xe: {  	[smem:$0x3FAE] =	sst s6  }
0xf: {  	[smem:$0x3FAF] =	sst s7  }
0x10: {  	[smem:$0x3FB0] =	sst s8  }
0x11: {  	[smem:$0x3FB1] =	sst s9;
	s0 =	simm.s32 @!p0 $0x0  }
0x12: {  	s1 =	sld [smem:$0x3F97];
	s0 =	simm.s32 @p0 $0x1  }
0x13: {  	[smem:$0x3FB2] =	sst s0;
	s0 =	simm.s32 @!p1 $0x0  }
0x14: {  	s2 =	sld [smem:$0x3F96];
	s0 =	simm.s32 @p1 $0x1  }
0x15: {  	[smem:$0x3FB3] =	sst s0;
	s0 =	simm.s32 @!p2 $0x0  }
0x16: {  	s3 =	sld [smem:$0x3FDB];
	s0 =	simm.s32 @p2 $0x1  }
0x17: {  	s4 =	simm.s32 $0x1BF5;
	[smem:$0x3FB5] =	sst s0  }
0x18: {  	s0 =	sld [smem:$0x3F98];
	_ =	swait.ge [sflag:s4], $0x0  }
0x19: {  	s7 =	sld [smem:$0x3F99]  }
0x1a: {  	s8 =	sadd.s32 $0xFFFFE003, lr  }
0x1b: {  	s9 =	sadd.s32 $0xFFFFFEF7, lr;
	s5 =	simm.s32 $0xFFFFFFFF;
	p2 =	slt.u32 s8, $0xFFFFF086  }
0x1c: {  	p1 =	slt.u32 s9, $0xF7A;
	s5 =	simm.s32 @!p2 $0x0  }
0x1d: {  	s5 =	simm.s32 @p1 $0x1;
	p0 =	seq.s32 s7, s2  }
0x1e: {  	s7 =	smul.u32 @!p0 $0xF7A, s2;
	p2 =	seq.s32 @!p0 s5, $0x0  }
0x1f: {  	s9 =	smul.u32 $0xF7A, s1;
	s8 =	simm.s32 @!p0 $0x1BF5;
	p2 =	por !p2, p0  }
0x20: {  	[sflag:s8] =	ssyncset.s32 @!p0 $0xFFFFF086;
	s6 =	sadd.s32 @!p0 s3, s7;
	s7 =	simm.s32 @!p0 $0x108  }
0x21: {  	s3 =	sadd.s32 s3, s9;
	s6 =	sadd.s32 @!p0 $0x88, s6;
	s7 =	simm.s32 @p2 $0x1082  }
0x22: {  	[simem:s7], [sflag:s8] =	dma.local @!p0 [hbm:s6], $0xF7A  }
0x23: {  	s9 =	sor.u32 $0xD0000000, s2;
	s6 =	simm.s32 $0x108;
	_ =	swait.ge @!p0 [sflag:s8], $0x0  }
0x24: {  	s3 =	sadd.s32 $0x88, s3;
	s6 =	simm.s32 @!p1 $0x1082;
	[sflag:s4] =	ssyncset.s32 $0xFFFFF086  }
0x25: {  	[simem:s6], [sflag:s4] =	dma.local [hbm:s3], $0xF7A  }
0x26: {  	[smem:$0x3F99] =	sst s1;
	(tag) =	ssettag s2;
	_ =	strace s9  }
0x27: {  	s1 =	sld [smem:$0x3FA9]  }
0x28: {  	s2 =	sld [smem:$0x3FAA]  }
0x29: {  	s4 =	sld [smem:$0x3FAC]  }
0x2a: {  	p0 =	seq.s32 s5, $0x0;
	s5 =	sld [smem:$0x3FAD]  }
0x2b: {  	s6 =	sld [smem:$0x3FAE]  }
0x2c: {  	s7 =	sld [smem:$0x3FAF]  }
0x2d: {  	s3 =	simm.s32 $0x108;
	s8 =	sld [smem:$0x3FB0]  }
0x2e: {  	s3 =	simm.s32 @!p0 $0x1082;
	s9 =	sld [smem:$0x3FB1]  }
0x2f: {  	lr =	sadd.s32 s0, s3;
	s0 =	sld [smem:$0x3FA8]  }
0x30: {  	s3 =	sld [smem:$0x3FAB]  }
0x31: {  	[smem:$0x3FB4] =	sst s10  }
0x32: {  	s10 =	sld [smem:$0x3FB2];
	_ =	sdelay $0x3  }
0x33: {  	p0 =	seq.s32 s10, $0x1;
	s10 =	sld [smem:$0x3FB4];
	_ =	sdelay $0x3  }
0x34: {  	[smem:$0x3FB4] =	sst s10  }
0x35: {  	s10 =	sld [smem:$0x3FB3];
	_ =	sdelay $0x3  }
0x36: {  	p1 =	seq.s32 s10, $0x1;
	s10 =	sld [smem:$0x3FB4];
	_ =	sdelay $0x3  }
0x37: {  	[smem:$0x3FB4] =	sst s10  }
0x38: {  	s10 =	sld [smem:$0x3FB5]  }
0x39: {  	_ = 	snop;
	(pc) =	sbr.ind lr, $3  }
0x3a: {  	_ = 	snop  }
0x3b: {  	_ = 	snop  }
0x3c: {  	p2 =	seq.s32 s10, $0x1;
	s10 =	sld [smem:$0x3FB4]  }
0x3d: {  	_ =	shalt  }
0x3e: {  	_ =	shalt  }
0x3f: {  	_ =	shalt  }
0x40: {  	_ =	shalt  }
0x41: {  	_ =	shalt  }
0x42: {  	_ =	shalt  }
0x43: {  	_ =	shalt  }
0x44: {  	_ =	shalt  }
0x45: {  	_ =	shalt  }
0x46: {  	_ =	shalt  }
0x47: {  	_ =	shalt  }
0x48: {  	_ =	shalt  }
0x49: {  	_ =	shalt  }
0x4a: {  	_ =	shalt  }
0x4b: {  	_ =	shalt  }
0x4c: {  	_ =	shalt  }
0x4d: {  	_ =	shalt  }
0x4e: {  	_ =	shalt  }
0x4f: {  	_ =	shalt  }
0x50: {  	_ =	shalt  }
0x51: {  	_ =	shalt  }
0x52: {  	_ =	shalt  }
0x53: {  	_ =	shalt  }
0x54: {  	_ =	shalt  }
0x55: {  	_ =	shalt  }
0x56: {  	_ =	shalt  }
0x57: {  	_ =	shalt  }
0x58: {  	_ =	shalt  }
0x59: {  	_ =	shalt  }
0x5a: {  	_ =	shalt  }
0x5b: {  	_ =	shalt  }
0x5c: {  	_ =	shalt  }
0x5d: {  	_ =	shalt  }
0x5e: {  	_ =	shalt  }
0x5f: {  	_ =	shalt  }
0x60: {  	_ =	shalt  }
0x61: {  	_ =	shalt  }
0x62: {  	_ =	shalt  }
0x63: {  	_ =	shalt  }
0x64: {  	_ =	shalt  }
0x65: {  	_ =	shalt  }
0x66: {  	_ =	shalt  }
0x67: {  	_ =	shalt  }
0x68: {  	_ =	shalt  }
0x69: {  	_ =	shalt  }
0x6a: {  	_ =	shalt  }
0x6b: {  	_ =	shalt  }
0x6c: {  	_ =	shalt  }
0x6d: {  	_ =	shalt  }
0x6e: {  	_ =	shalt  }
0x6f: {  	_ =	shalt  }
0x70: {  	_ =	shalt  }
0x71: {  	_ =	shalt  }
0x72: {  	_ =	shalt  }
0x73: {  	_ =	shalt  }
0x74: {  	_ =	shalt  }
0x75: {  	_ =	shalt  }
0x76: {  	_ =	shalt  }
0x77: {  	_ =	shalt  }
0x78: {  	_ =	shalt  }
0x79: {  	_ =	shalt  }
0x7a: {  	_ =	shalt  }
0x7b: {  	_ =	shalt  }
0x7c: {  	_ =	shalt  }
0x7d: {  	_ =	shalt  }
0x7e: {  	_ =	shalt  }
0x7f: {  	_ =	shalt  }
0x80: {  	_ =	shalt  }
0x81: {  	_ =	shalt  }
0x82: {  	_ =	shalt  }
0x83: {  	_ =	shalt  }
0x84: {  	_ =	shalt  }
0x85: {  	_ =	shalt  }
0x86: {  	_ =	shalt  }
0x87: {  	_ =	shalt  }
.Lfunc_end0:
.L_simem_size_0:
called_computation_lowered:
.L_overlay_start_0:
0x88: {  	s2 =	sld [smem:$0x3FD9]  }
0x89: {  	s3 =	sld [smem:$0x3FFE];
	_ =	sdelay $0x1  }
0x8a: {  	s1 =	srdreg.scid  }
0x8b: {  	s0 =	sand.u32 $0x1, s1  }
0x8c: {  	s17 =	sshll.u32 s0, $0xA;
	s2 =	sadd.s32 s3, s2  }
0x8d: {  	s2 =	sadd.s32 s2, s17  }
0x8e: {  	[smem:$0x3FC0] =	sst s2  }
0x8f: {  	_ = 	snop  }
0x90: {  	s2 =	sld [smem:$0x3FD0];
	(tm) =	ssettm $0x1  }
0x91: {  	s18 =	sld [smem:$0x3FFB];
	_ =	sdelay $0x3  }
0x92: {  	_ =	strace s18  }
0x93: {  	s3 =	sld [smem:$0x3FFC];
	_ =	sdelay $0x3  }
0x94: {  	_ =	strace s3  }
0x95: {  	s3 =	sld [smem:$0x3FFD];
	_ =	sdelay $0x3  }
0x96: {  	_ =	strace s3  }
0x97: {  	_ =	strace $0x8FFFFFFF  }
0x98: {  	s19 =	sld [smem:$0x3FDB];
	_ =	sdelay $0x1  }
0x99: {  	s4 =	simm.s32 $_scs_section_size  }
0x9a: {  	s5 =	simm.s32 $_size__tile_overlayer_lowered;
	s6 =	simm.s32 $_tile_overlayer_lowered  }
0x9b: {  	s22 =	simm.s32 $0x1BFF;
	s21 =	sshll.u32 s6, $0x1;
	s3 =	sadd.s32 s4, s19  }
0x9c: {  	s7 =	simm.s32 $0x0;
	s20 =	sshll.u32 s5, $0x1;
	s5 =	sadd.s32 s21, s3  }
0x9d: {  	[timem:s7], [sflag:s22] =	dma.local [hbm:s5], s20  }
0x9e: {  	_ =	swait.ge [sflag:s22], s20  }
0x9f: {  	s4 =	ssub.s32 $0x0, s20;
	[sflag:s22] =	ssyncset.done $0x0  }
0xa0: {  	[sflag:s22] =	ssyncadd.s32 s4;
	_ =	sdelay $0x1  }
0xa1: {  	s23 =	simm.s32 $0x1B8B  }
0xa2: {  	_ =	swait.ge [sflag:s23], $0x1  }
0xa3: {  	[sflag:s23] =	ssyncset.done $0x0  }
0xa4: {  	s25 =	simm.s32 $0x1B8E;
	s24 =	sld [smem:$0x3FFE];
	[sflag:s23] =	ssyncadd.s32 $0xFFFFFFFF  }
0xa5: {  	s26 =	simm.s32 $execute0_lowered;
	[smem:$0x3FD2] =	sst s25  }
0xa6: {  	s5 =	sshll.u32 s26, $0x1;
	_ =	strace $0x80000046;
	[dreg:$0x1] =	wrdreg $0xFFFFFFFF  }
0xa7: {  	s28 =	simm.s32 $_size_execute0_lowered;
	s3 =	sadd.s32 s3, s5;
	[dreg:$0x0] =	wrdreg $0x0  }
0xa8: {  	s5 =	sshll.u32 s28, $0x1;
	[dreg:$0x2] =	wrdreg s3  }
0xa9: {  	[dreg:$0x3] =	wrdreg s5  }
0xaa: {  	[dreg:$0x4] =	wrdreg $0xC0  }
0xab: {  	_ =	task [dreg:s7], $0x5FFFF  }
0xac: {  	[dreg:$0x1] =	wrdreg $0xFFFFFFFF  }
0xad: {  	[dreg:$0x0] =	wrdreg $0x60  }
0xae: {  	[dreg:$0x2] =	wrdreg s2  }
0xaf: {  	[dreg:$0x3] =	wrdreg s24  }
0xb0: {  	[dreg:$0x4] =	wrdreg $0x9  }
0xb1: {  	_ =	task.clear_ibuf [dreg:s7], $0x5FFFF;
	_ =	strace $0x90000046  }
0xb2: {  	s29 =	simm.s32 $0x9;
	_ =	strace $0x80000048  }
0xb3: {  	_ =	swait.ge [sflag:s29], $0x1  }
0xb4: {  	[sflag:s29] =	ssyncadd.s32 $0xFFFFFFFF  }
0xb5: {  	_ =	strace $0x90000048  }
0xb6: {  	_ =	sfence  }
0xb7: {  	s30 =	sld [smem:$0x0];
	_ =	sdelay $0x2  }
0xb8: {  	s31 =	sshll.u32 s1, $0xD;
	s1 =	sshrl.u32 s1, $0x2  }
0xb9: {  	s3 =	sand.u32 $0x4000, s31;
	s1 =	sadd.s32 s1, s30  }
0xba: {  	s0 =	sor.u32 s3, s0;
	s1 =	sshll.u32 s1, $0x11  }
0xbb: {  	s0 =	sor.u32 s1, s0  }
0xbc: {  	s0 =	sadd.s32 $0x8F2B, s0  }
0xbd: {  	[sflag:s0] =	ssyncadd.remote.s32 $0x1  }
0xbe: {  	_ =	sfence.sel $0xFFFF  }
0xbf: {  	[dreg:$0x0] =	wrdreg $0xFFFFFFFF;
	(pc) =	sbr.abs _section_cstart, $3  }
0xc0: {  	[dreg:$0x1] =	wrdreg $0xFFFFFFFF  }
0xc1: {  	_ =	task.clear_ibuf [dreg:s7], $0x2FFFF;
	_ =	strace $0x9FFFFFFF  }
0xc2: {  	(tm) =	ssettm $0x7FFFFFFF  }
0xc3: {  	_ =	shalt  }
tec
execute0_lowered:
.L_overlay_start_1:
0x0: {  	(tag) =	ssettag $0x1  }
0x1: {  	s3 =	rddreg [dreg:$0x0];
	s1 =	srdreg.scid  }
0x2: {  	s0 =	stileid.u32;
	s4 =	rddreg [dreg:$0x1]  }
0x3: {  	s8 =	simm.s32 $0x0;
	s5 =	sand.u32 $0x1, s1;
	s2 =	sshll.u32 s0, $0x1  }
0x4: {  	s6 =	sor.u32 s5, s2;
	s2 =	simm.s32 $0x0;
	s5 =	ssub.s32 $0x2, s5  }
0x5: {  	s6 =	smul.u32 $0x500, s6;
	[smem:$0x7FF] =	sst s2;
	s7 =	sshrl.u32 s5, $0x1  }
0x6: {  	s1 =	rddreg [dreg:$0x2];
	_ =	strace $0x80000047;
	s5 =	ssub.s32 s5, s7  }
0x7: {  	s7 =	simm.s32 $0x2800;
	s4 =	sadd.s32 s6, s4;
	s3 =	sadd.s32 s3, s6  }
0x8: {  	v0 =	vimm.f32 $0.0e+00;
	v1 =	vimm.f32 $1.000000000e+00;
	s5 =	smax.u32 s5, $0x1;
	s6 =	simm.s32 $0x1;
	s4 =	sadd.s32 $0x3200, s4  }
.LBB2_1:
0x9: {  	[tilespmem:s2], [sflag:$0x1] =	stream.linear.gather [hbm4b:s3+s2], $0x2800, $0x38;
	[tilespmem:$0x5000] =	vst v63  }
0xa: {  	_ =	swait.ge [sflag:s6], $0x2800  }
0xb: {  	[sflag:s6] =	ssyncset.done $0x0  }
0xc: {  	s9 =	simm.s32 $0x0;
	[sflag:s6] =	ssyncadd.s32 $0xFFFFD800  }
.LBB2_2:
0xd: {  	p0 =	sne.s32 s9, $0x9FC0  }
.Ltmp0:
0xe: {  	_ = 	snop;
	(pc) =	sbr.rel @p0 .LBB2_2-.Ltmp0, $3  }
0xf: {  	_ =	sdelay $0x1  }
0x10: {  	s10 =	sshra.s32 s9, $0x2  }
0x11: {  	s9 =	sadd.s32 $0x40, s9;
	[tilespmem:s10+$0x2800] =	vst v0  }
0x12: {  	s10 =	simm.s32 $0x0;
	s9 =	simm.s32 $0x40  }
.LBB2_4:
0x13: {  	p0 =	sne.s32 s9, $0x9FC0;
	v2 =	vld [tilespmem:s10+$0x0];
	_ =	sdelay $0x3  }
.Ltmp1:
0x14: {  	(pc) =	sbr.rel @p0 .LBB2_4-.Ltmp1, $2  }
0x15: {  	_ =	sdelay $0x2  }
0x16: {  	s10 =	sshra.s32 s9, $0x2;
	s9 =	sadd.s32 $0x40, s9;
	[tilespmem:v2+s7+$0x0] =	vst.idx.add.f32.msk $0xffff, v1  }
0x17: {  	v2 =	vld [tilespmem:s10+$0x0];
	_ =	sdelay $0x5  }
0x18: {  	s8 =	sadd.s32 $0x1, s8  }
0x19: {  	p0 =	sne.s32 s8, s5  }
.Ltmp2:
0x1a: {  	[tilespmem:v2+s7+$0x0] =	vst.idx.add.f32.msk $0xffff, v1;
	(pc) =	sbr.rel @p0 .LBB2_1-.Ltmp2, $4  }
0x1b: {  	[hbm4b:s4+s2] =	stream.linear.scatter [tilespmem:s7], [sflag:$0x1], $0x2800, $0x38;
	[tilespmem:$0x5000] =	vst v63  }
0x1c: {  	_ =	swait.ge [sflag:s6], $0x2800  }
0x1d: {  	[sflag:s6] =	ssyncset.done $0x0  }
0x1e: {  	[sflag:s6] =	ssyncadd.s32 $0xFFFFD800  }
0x1f: {  	_ =	sfence.sel $0x180000  }
0x20: {  	[bflag:$0x0] =	sbarrier.arrive $0xFFFF  }
0x21: {  	p0 =	sne.s32 s0, $0x0;
	_ =	strace $0x90000047  }
0x22: {  	s0 =	sadd.s32 @!p0 $0x100000, s1;
	[bflag:$0x2] =	sbarrier.arrive $0xFFFF  }
0x23: {  	[sflag:s0] =	ssyncadd.tile.s32 @!p0 $0x1;
	_ =	shalt  }
.Lfunc_end2:
_tile_overlayer_lowered:
.L_overlay_start_2:
0x24: {  	(tag) =	ssettag $0x2  }
0x25: {  	s0 =	rddreg [dreg:$0x0];
	s2 =	stileid.u32  }
0x26: {  	s1 =	rddreg [dreg:$0x1];
	p0 =	sne.s32 s2, $0x0  }
0x27: {  	s3 =	rddreg [dreg:$0x2];
	[bflag:$0x3] =	sbarrier.arrive $0xFFFF;
	s2 =	simm.s32 @!p0 $0x1C01  }
0x28: {  	[timem:s3], [sflag:s2] =	dma.local @!p0 [hbm:s0], s1  }
0x29: {  	s0 =	simm.s32 @!p0 $0x1  }
0x2a: {  	_ =	swait.ge @!p0 [sflag:s0], s1  }
0x2b: {  	s1 =	ssub.s32 @!p0 $0x0, s1;
	[sflag:s0] =	ssyncset.done @!p0 $0x0  }
0x2c: {  	[sflag:s0] =	ssyncadd.s32 @!p0 s1  }
0x2d: {  	[bflag:$0x3] =	sbarrier.arrive $0xFFFF  }
0x2e: {  	_ =	shalt  }

// kernel: kernel.13.cloned.1.call-start
scs
__scs_entry_jumppad:
0x0: {  	(pc) =	sbr.rel $0x88, $3  }
0x1: {  	(tag) =	ssettag $0x0;
	lr =	simm.s32 $0x1  }
0x2: {  	[smem:$0x3F99] =	sst lr;
	_ =	strace $0xD0000000  }
0x3: {  	_ = 	snop  }
0x4: {  	_ = 	snop  }
0x5: {  	_ = 	snop  }
0x6: {  	_ = 	snop  }
0x7: {  	_ = 	snop  }
__scs_overlays_trampoline_lowered:
0x8: {  	[smem:$0x3FA8] =	sst s0  }
0x9: {  	[smem:$0x3FA9] =	sst s1  }
0xa: {  	[smem:$0x3FAA] =	sst s2  }
0xb: {  	[smem:$0x3FAB] =	sst s3  }
0xc: {  	[smem:$0x3FAC] =	sst s4  }
0xd: {  	[smem:$0x3FAD] =	sst s5  }
0xe: {  	[smem:$0x3FAE] =	sst s6  }
0xf: {  	[smem:$0x3FAF] =	sst s7  }
0x10: {  	[smem:$0x3FB0] =	sst s8  }
0x11: {  	[smem:$0x3FB1] =	sst s9;
	s0 =	simm.s32 @!p0 $0x0  }
0x12: {  	s1 =	sld [smem:$0x3F97];
	s0 =	simm.s32 @p0 $0x1  }
0x13: {  	[smem:$0x3FB2] =	sst s0;
	s0 =	simm.s32 @!p1 $0x0  }
0x14: {  	s2 =	sld [smem:$0x3F96];
	s0 =	simm.s32 @p1 $0x1  }
0x15: {  	[smem:$0x3FB3] =	sst s0;
	s0 =	simm.s32 @!p2 $0x0  }
0x16: {  	s3 =	sld [smem:$0x3FDB];
	s0 =	simm.s32 @p2 $0x1  }
0x17: {  	s4 =	simm.s32 $0x1BF5;
	[smem:$0x3FB5] =	sst s0  }
0x18: {  	s0 =	sld [smem:$0x3F98];
	_ =	swait.ge [sflag:s4], $0x0  }
0x19: {  	s7 =	sld [smem:$0x3F99]  }
0x1a: {  	s8 =	sadd.s32 $0xFFFFE003, lr  }
0x1b: {  	s9 =	sadd.s32 $0xFFFFFEF7, lr;
	s5 =	simm.s32 $0xFFFFFFFF;
	p2 =	slt.u32 s8, $0xFFFFF086  }
0x1c: {  	p1 =	slt.u32 s9, $0xF7A;
	s5 =	simm.s32 @!p2 $0x0  }
0x1d: {  	s5 =	simm.s32 @p1 $0x1;
	p0 =	seq.s32 s7, s2  }
0x1e: {  	s7 =	smul.u32 @!p0 $0xF7A, s2;
	p2 =	seq.s32 @!p0 s5, $0x0  }
0x1f: {  	s9 =	smul.u32 $0xF7A, s1;
	s8 =	simm.s32 @!p0 $0x1BF5;
	p2 =	por !p2, p0  }
0x20: {  	[sflag:s8] =	ssyncset.s32 @!p0 $0xFFFFF086;
	s6 =	sadd.s32 @!p0 s3, s7;
	s7 =	simm.s32 @!p0 $0x108  }
0x21: {  	s3 =	sadd.s32 s3, s9;
	s6 =	sadd.s32 @!p0 $0x88, s6;
	s7 =	simm.s32 @p2 $0x1082  }
0x22: {  	[simem:s7], [sflag:s8] =	dma.local @!p0 [hbm:s6], $0xF7A  }
0x23: {  	s9 =	sor.u32 $0xD0000000, s2;
	s6 =	simm.s32 $0x108;
	_ =	swait.ge @!p0 [sflag:s8], $0x0  }
0x24: {  	s3 =	sadd.s32 $0x88, s3;
	s6 =	simm.s32 @!p1 $0x1082;
	[sflag:s4] =	ssyncset.s32 $0xFFFFF086  }
0x25: {  	[simem:s6], [sflag:s4] =	dma.local [hbm:s3], $0xF7A  }
0x26: {  	[smem:$0x3F99] =	sst s1;
	(tag) =	ssettag s2;
	_ =	strace s9  }
0x27: {  	s1 =	sld [smem:$0x3FA9]  }
0x28: {  	s2 =	sld [smem:$0x3FAA]  }
0x29: {  	s4 =	sld [smem:$0x3FAC]  }
0x2a: {  	p0 =	seq.s32 s5, $0x0;
	s5 =	sld [smem:$0x3FAD]  }
0x2b: {  	s6 =	sld [smem:$0x3FAE]  }
0x2c: {  	s7 =	sld [smem:$0x3FAF]  }
0x2d: {  	s3 =	simm.s32 $0x108;
	s8 =	sld [smem:$0x3FB0]  }
0x2e: {  	s3 =	simm.s32 @!p0 $0x1082;
	s9 =	sld [smem:$0x3FB1]  }
0x2f: {  	lr =	sadd.s32 s0, s3;
	s0 =	sld [smem:$0x3FA8]  }
0x30: {  	s3 =	sld [smem:$0x3FAB]  }
0x31: {  	[smem:$0x3FB4] =	sst s10  }
0x32: {  	s10 =	sld [smem:$0x3FB2];
	_ =	sdelay $0x3  }
0x33: {  	p0 =	seq.s32 s10, $0x1;
	s10 =	sld [smem:$0x3FB4];
	_ =	sdelay $0x3  }
0x34: {  	[smem:$0x3FB4] =	sst s10  }
0x35: {  	s10 =	sld [smem:$0x3FB3];
	_ =	sdelay $0x3  }
0x36: {  	p1 =	seq.s32 s10, $0x1;
	s10 =	sld [smem:$0x3FB4];
	_ =	sdelay $0x3  }
0x37: {  	[smem:$0x3FB4] =	sst s10  }
0x38: {  	s10 =	sld [smem:$0x3FB5]  }
0x39: {  	_ = 	snop;
	(pc) =	sbr.ind lr, $3  }
0x3a: {  	_ = 	snop  }
0x3b: {  	_ = 	snop  }
0x3c: {  	p2 =	seq.s32 s10, $0x1;
	s10 =	sld [smem:$0x3FB4]  }
0x3d: {  	_ =	shalt  }
0x3e: {  	_ =	shalt  }
0x3f: {  	_ =	shalt  }
0x40: {  	_ =	shalt  }
0x41: {  	_ =	shalt  }
0x42: {  	_ =	shalt  }
0x43: {  	_ =	shalt  }
0x44: {  	_ =	shalt  }
0x45: {  	_ =	shalt  }
0x46: {  	_ =	shalt  }
0x47: {  	_ =	shalt  }
0x48: {  	_ =	shalt  }
0x49: {  	_ =	shalt  }
0x4a: {  	_ =	shalt  }
0x4b: {  	_ =	shalt  }
0x4c: {  	_ =	shalt  }
0x4d: {  	_ =	shalt  }
0x4e: {  	_ =	shalt  }
0x4f: {  	_ =	shalt  }
0x50: {  	_ =	shalt  }
0x51: {  	_ =	shalt  }
0x52: {  	_ =	shalt  }
0x53: {  	_ =	shalt  }
0x54: {  	_ =	shalt  }
0x55: {  	_ =	shalt  }
0x56: {  	_ =	shalt  }
0x57: {  	_ =	shalt  }
0x58: {  	_ =	shalt  }
0x59: {  	_ =	shalt  }
0x5a: {  	_ =	shalt  }
0x5b: {  	_ =	shalt  }
0x5c: {  	_ =	shalt  }
0x5d: {  	_ =	shalt  }
0x5e: {  	_ =	shalt  }
0x5f: {  	_ =	shalt  }
0x60: {  	_ =	shalt  }
0x61: {  	_ =	shalt  }
0x62: {  	_ =	shalt  }
0x63: {  	_ =	shalt  }
0x64: {  	_ =	shalt  }
0x65: {  	_ =	shalt  }
0x66: {  	_ =	shalt  }
0x67: {  	_ =	shalt  }
0x68: {  	_ =	shalt  }
0x69: {  	_ =	shalt  }
0x6a: {  	_ =	shalt  }
0x6b: {  	_ =	shalt  }
0x6c: {  	_ =	shalt  }
0x6d: {  	_ =	shalt  }
0x6e: {  	_ =	shalt  }
0x6f: {  	_ =	shalt  }
0x70: {  	_ =	shalt  }
0x71: {  	_ =	shalt  }
0x72: {  	_ =	shalt  }
0x73: {  	_ =	shalt  }
0x74: {  	_ =	shalt  }
0x75: {  	_ =	shalt  }
0x76: {  	_ =	shalt  }
0x77: {  	_ =	shalt  }
0x78: {  	_ =	shalt  }
0x79: {  	_ =	shalt  }
0x7a: {  	_ =	shalt  }
0x7b: {  	_ =	shalt  }
0x7c: {  	_ =	shalt  }
0x7d: {  	_ =	shalt  }
0x7e: {  	_ =	shalt  }
0x7f: {  	_ =	shalt  }
0x80: {  	_ =	shalt  }
0x81: {  	_ =	shalt  }
0x82: {  	_ =	shalt  }
0x83: {  	_ =	shalt  }
0x84: {  	_ =	shalt  }
0x85: {  	_ =	shalt  }
0x86: {  	_ =	shalt  }
0x87: {  	_ =	shalt  }
.Lfunc_end0:
.L_simem_size_0:
called_computation.1_lowered:
.L_overlay_start_0:
0x88: {  	s2 =	sld [smem:$0x3FD9]  }
0x89: {  	s3 =	sld [smem:$0x3FFE];
	_ =	sdelay $0x1  }
0x8a: {  	s1 =	srdreg.scid  }
0x8b: {  	s0 =	sand.u32 $0x1, s1  }
0x8c: {  	s17 =	sshll.u32 s0, $0xA;
	s2 =	sadd.s32 s3, s2  }
0x8d: {  	s2 =	sadd.s32 s2, s17  }
0x8e: {  	[smem:$0x3FC0] =	sst s2  }
0x8f: {  	_ = 	snop  }
0x90: {  	s2 =	sld [smem:$0x3FD0];
	(tm) =	ssettm $0x1  }
0x91: {  	s18 =	sld [smem:$0x3FFB];
	_ =	sdelay $0x3  }
0x92: {  	_ =	strace s18  }
0x93: {  	s3 =	sld [smem:$0x3FFC];
	_ =	sdelay $0x3  }
0x94: {  	_ =	strace s3  }
0x95: {  	s3 =	sld [smem:$0x3FFD];
	_ =	sdelay $0x3  }
0x96: {  	_ =	strace s3  }
0x97: {  	_ =	strace $0x8FFFFFFF  }
0x98: {  	s19 =	sld [smem:$0x3FDB];
	_ =	sdelay $0x1  }
0x99: {  	s4 =	simm.s32 $_scs_section_size  }
0x9a: {  	s5 =	simm.s32 $_size__tile_overlayer_lowered;
	s6 =	simm.s32 $_tile_overlayer_lowered  }
0x9b: {  	s22 =	simm.s32 $0x1BFF;
	s21 =	sshll.u32 s6, $0x1;
	s3 =	sadd.s32 s4, s19  }
0x9c: {  	s7 =	simm.s32 $0x0;
	s20 =	sshll.u32 s5, $0x1;
	s5 =	sadd.s32 s21, s3  }
0x9d: {  	[timem:s7], [sflag:s22] =	dma.local [hbm:s5], s20  }
0x9e: {  	_ =	swait.ge [sflag:s22], s20  }
0x9f: {  	s4 =	ssub.s32 $0x0, s20;
	[sflag:s22] =	ssyncset.done $0x0  }
0xa0: {  	[sflag:s22] =	ssyncadd.s32 s4;
	_ =	sdelay $0x1  }
0xa1: {  	s23 =	simm.s32 $0x1B8B  }
0xa2: {  	_ =	swait.ge [sflag:s23], $0x1  }
0xa3: {  	[sflag:s23] =	ssyncset.done $0x0  }
0xa4: {  	s25 =	simm.s32 $0x1B8E;
	s24 =	sld [smem:$0x3FFE];
	[sflag:s23] =	ssyncadd.s32 $0xFFFFFFFF  }
0xa5: {  	s26 =	simm.s32 $execute0_lowered;
	[smem:$0x3FD2] =	sst s25  }
0xa6: {  	s5 =	sshll.u32 s26, $0x1;
	_ =	strace $0x80000049;
	[dreg:$0x1] =	wrdreg $0xFFFFFFFF  }
0xa7: {  	s28 =	simm.s32 $_size_execute0_lowered;
	s3 =	sadd.s32 s3, s5;
	[dreg:$0x0] =	wrdreg $0x0  }
0xa8: {  	s5 =	sshll.u32 s28, $0x1;
	[dreg:$0x2] =	wrdreg s3  }
0xa9: {  	[dreg:$0x3] =	wrdreg s5  }
0xaa: {  	[dreg:$0x4] =	wrdreg $0xC0  }
0xab: {  	_ =	task [dreg:s7], $0x5FFFF  }
0xac: {  	[dreg:$0x1] =	wrdreg $0xFFFFFFFF  }
0xad: {  	[dreg:$0x0] =	wrdreg $0x60  }
0xae: {  	[dreg:$0x2] =	wrdreg s24  }
0xaf: {  	[dreg:$0x3] =	wrdreg s2  }
0xb0: {  	[dreg:$0x4] =	wrdreg $0xE6000  }
0xb1: {  	[dreg:$0x5] =	wrdreg $0x9  }
0xb2: {  	_ =	task.clear_ibuf [dreg:s7], $0x6FFFF;
	_ =	strace $0x90000049  }
0xb3: {  	s29 =	simm.s32 $0x9;
	_ =	strace $0x8000004B  }
0xb4: {  	_ =	swait.ge [sflag:s29], $0x1  }
0xb5: {  	[sflag:s29] =	ssyncadd.s32 $0xFFFFFFFF  }
0xb6: {  	_ =	strace $0x9000004B  }
0xb7: {  	_ =	sfence  }
0xb8: {  	s30 =	sld [smem:$0x0];
	_ =	sdelay $0x2  }
0xb9: {  	s31 =	sshll.u32 s1, $0xD;
	s1 =	sshrl.u32 s1, $0x2  }
0xba: {  	s3 =	sand.u32 $0x4000, s31;
	s1 =	sadd.s32 s1, s30  }
0xbb: {  	s0 =	sor.u32 s3, s0;
	s1 =	sshll.u32 s1, $0x11  }
0xbc: {  	s0 =	sor.u32 s1, s0  }
0xbd: {  	s0 =	sadd.s32 $0x8F2B, s0  }
0xbe: {  	[sflag:s0] =	ssyncadd.remote.s32 $0x1  }
0xbf: {  	_ =	sfence.sel $0xFFFF  }
0xc0: {  	[dreg:$0x0] =	wrdreg $0xFFFFFFFF;
	(pc) =	sbr.abs _section_cstart, $3  }
0xc1: {  	[dreg:$0x1] =	wrdreg $0xFFFFFFFF  }
0xc2: {  	_ =	task.clear_ibuf [dreg:s7], $0x2FFFF;
	_ =	strace $0x9FFFFFFF  }
0xc3: {  	(tm) =	ssettm $0x7FFFFFFF  }
tec
execute0_lowered:
.L_overlay_start_1:
0x0: {  	(tag) =	ssettag $0x1  }
0x1: {  	s0 =	rddreg [dreg:$0x0]  }
0x2: {  	s3 =	rddreg [dreg:$0x1]  }
0x3: {  	s1 =	rddreg [dreg:$0x2];
	s2 =	simm.s32 $0x0  }
0x4: {  	s5 =	srdreg.scid;
	s6 =	stileid.u32;
	s22 =	simm.s32 $0x7600  }
0x5: {  	s23 =	simm.s32 $0x3;
	s24 =	simm.s32 $0x3B00;
	s25 =	simm.s32 $0x80  }
0x6: {  	s26 =	simm.s32 $0xAE00;
	s28 =	simm.s32 $0x1;
	s29 =	simm.s32 $0x2  }
0x7: {  	s30 =	simm.s32 $0x0;
	[smem:$0x7FF] =	sst s2;
	s4 =	sadd.s32 $0x17200, s0  }
0x8: {  	s5 =	sand.u32 $0x1, s5;
	s19 =	sadd.s32 $0xD200, s0;
	s14 =	smul.u32 $0x11800, s6  }
0x9: {  	s8 =	sadd.s32 $0x5D200, s0;
	s0 =	sadd.s32 $0x3A200, s0;
	s10 =	smul.u32 $0x1500, s6  }
0xa: {  	s20 =	smul.u32 $0x760, s6;
	_ =	strace $0x8000004A;
	[dreg:$0x4] =	wrdreg s8  }
0xb: {  	s7 =	ssub.s32 $0x2, s5;
	[dreg:$0x5] =	wrdreg s0;
	p0 =	sne.s32 s5, $0x0  }
0xc: {  	s31 =	sshrl.u32 s7, $0x1;
	s15 =	sadd.s32 $0x3800, s14;
	s16 =	sadd.s32 $0x7000, s14  }
0xd: {  	s17 =	sadd.s32 $0xA800, s14;
	s11 =	sshrl.u32 s10, $0x3;
	s18 =	sadd.s32 $0xE000, s14  }
0xe: {  	s0 =	ssub.s32 s7, s31;
	s7 =	sadd.s32 s14, s1;
	s8 =	sadd.s32 s15, s1  }
.Ltmp0:
0xf: {  	s9 =	sadd.s32 s16, s1;
	s10 =	sadd.s32 s17, s1;
	(pc) =	sbr.rel .LBB2_1-.Ltmp0, $4  }
0x10: {  	s13 =	sadd.s32 $0x7600, s11;
	s11 =	sadd.s32 s18, s1;
	s14 =	sshrl.u32 s14, $0x3  }
0x11: {  	s15 =	sshrl.u32 s15, $0x3;
	s16 =	sshrl.u32 s16, $0x3;
	s17 =	sshrl.u32 s17, $0x3  }
0x12: {  	s18 =	sshrl.u32 s18, $0x3;
	s12 =	sadd.s32 s19, s13;
	s13 =	sadd.s32 s3, s13  }
0x13: {  	v0 =	vimm.f32 $0.0e+00;
	s19 =	sadd.s32 s19, s20;
	s20 =	sadd.s32 s3, s20;
	s21 =	smax.u32 s0, $0x1  }
.LBB2_7:
0x14: {  	s0 =	sadd.s32 $0x80, s31;
	[sflag:s23] =	ssyncadd.s32 @p1 $0xFFFFC800  }
0x15: {  	[tilespmem:s26], [sflag:$0x2] =	stream.indirect.gather [hbm4b:s4+s25], $0x70, s0, s25, $0xb8;
	[tilespmem:$0x1FE00] =	vst v63  }
0x16: {  	_ =	swait.ge [sflag:s28], $0x3800  }
0x17: {  	[sflag:s28] =	ssyncset.done $0x0  }
0x18: {  	s3 =	sadd.s32 $0x3B00, s31;
	[sflag:s28] =	ssyncadd.s32 $0xFFFFC800  }
0x19: {  	[spmem:s1] =	stream.indirect.scatter.add.f32 [tilespmem:s22], [sflag:$0x3], $0x70, s3, s25, $0xb8;
	[tilespmem:$0x1FE00] =	vst v63  }
0x1a: {  	_ =	swait.ge [sflag:s23], $0x3800  }
0x1b: {  	[sflag:s23] =	ssyncset.done $0x0  }
0x1c: {  	s5 =	sadd.s32 $0x100, s31;
	[sflag:s23] =	ssyncadd.s32 $0xFFFFC800  }
0x1d: {  	[tilespmem:s22], [sflag:$0x1] =	stream.indirect.gather [hbm4b:s4+s25], $0x70, s5, s25, $0xb8;
	[tilespmem:$0x1FE00] =	vst v63  }
0x1e: {  	_ =	swait.ge [sflag:s29], $0x3800  }
0x1f: {  	[sflag:s29] =	ssyncset.done $0x0  }
0x20: {  	s6 =	sadd.s32 $0x3B80, s31;
	[sflag:s29] =	ssyncadd.s32 $0xFFFFC800  }
0x21: {  	[spmem:s1] =	stream.indirect.scatter.add.f32 [tilespmem:s26], [sflag:$0x3], $0x70, s6, s25, $0xb8;
	[tilespmem:$0x1FE00] =	vst v63  }
0x22: {  	_ =	swait.ge [sflag:s23], $0x3800  }
0x23: {  	s0 =	simm.s32 $0x7580;
	s3 =	simm.s32 $0x7500;
	[sflag:s23] =	ssyncset.done $0x0  }
0x24: {  	s5 =	simm.s32 $0x3A80;
	s31 =	rddreg [dreg:$0x4];
	[sflag:s23] =	ssyncadd.s32 $0xFFFFC800  }
.LBB2_11:
0x25: {  	[tilespmem:s26], [sflag:$0x2] =	stream.indirect.gather [hbm4b:s4+s25], $0x70, s5, s25, $0xb8;
	[tilespmem:$0x1FE00] =	vst v63  }
0x26: {  	_ =	swait.ge [sflag:s28], $0x3800  }
0x27: {  	[sflag:s28] =	ssyncset.done $0x0  }
0x28: {  	[sflag:s28] =	ssyncadd.s32 $0xFFFFC800  }
0x29: {  	[spmem:s1] =	stream.indirect.scatter.add.f32 [tilespmem:s22], [sflag:$0x3], $0x70, s3, s25, $0xb8;
	[tilespmem:$0x1FE00] =	vst v63  }
0x2a: {  	_ =	swait.ge [sflag:s23], $0x3800  }
0x2b: {  	[sflag:s23] =	ssyncset.done $0x0  }
0x2c: {  	[sflag:s23] =	ssyncadd.s32 $0xFFFFC800  }
0x2d: {  	_ =	swait.ge [sflag:s29], $0x3800  }
0x2e: {  	[sflag:s29] =	ssyncset.done $0x0  }
0x2f: {  	[sflag:s29] =	ssyncadd.s32 $0xFFFFC800  }
0x30: {  	[spmem:s1] =	stream.indirect.scatter.add.f32 [tilespmem:s26], [sflag:$0x3], $0x70, s0, s25, $0xb8;
	[tilespmem:$0x1FE00] =	vst v63  }
0x31: {  	_ =	swait.ge [sflag:s23], $0x3800  }
0x32: {  	[sflag:s23] =	ssyncset.done $0x0  }
0x33: {  	[sflag:s23] =	ssyncadd.s32 $0xFFFFC800  }
0x34: {  	[bflag:$0x0] =	sbarrier.arrive $0xFFFF  }
0x35: {  	[tilespmem:s22], [sflag:$0x3] =	stream.linear.gather [spmem:s7], $0x3800, $0x38;
	[tilespmem:$0x1FE00] =	vst v63  }
0x36: {  	_ =	swait.ge [sflag:s23], $0x3800  }
0x37: {  	[sflag:s23] =	ssyncset.done $0x0  }
0x38: {  	s6 =	sadd.s32 s31, s14;
	[sflag:s23] =	ssyncadd.s32 $0xFFFFC800  }
0x39: {  	[hbm4b:s6+s2] =	stream.linear.scatter [tilespmem:s22], [sflag:$0x1], $0x3800, $0x38;
	[tilespmem:$0x1FE00] =	vst v63  }
0x3a: {  	_ = 	snop  }
0x3b: {  	[tilespmem:s26], [sflag:$0x3] =	stream.linear.gather [spmem:s8], $0x3800, $0x38;
	[tilespmem:$0x1FE00] =	vst v63  }
0x3c: {  	_ =	swait.ge [sflag:s23], $0x3800  }
0x3d: {  	[sflag:s23] =	ssyncset.done $0x0  }
0x3e: {  	s3 =	sadd.s32 s31, s15;
	[sflag:s23] =	ssyncadd.s32 $0xFFFFC800  }
0x3f: {  	[hbm4b:s3+s2] =	stream.linear.scatter [tilespmem:s26], [sflag:$0x2], $0x3800, $0x38;
	[tilespmem:$0x1FE00] =	vst v63  }
0x40: {  	_ =	swait.ge [sflag:s28], $0x3800  }
0x41: {  	[sflag:s28] =	ssyncset.done $0x0  }
0x42: {  	[sflag:s28] =	ssyncadd.s32 $0xFFFFC800  }
0x43: {  	[tilespmem:s22], [sflag:$0x3] =	stream.linear.gather [spmem:s9], $0x3800, $0x38;
	[tilespmem:$0x1FE00] =	vst v63  }
0x44: {  	_ =	swait.ge [sflag:s23], $0x3800  }
0x45: {  	[sflag:s23] =	ssyncset.done $0x0  }
0x46: {  	s5 =	sadd.s32 s31, s16;
	[sflag:s23] =	ssyncadd.s32 $0xFFFFC800  }
0x47: {  	[hbm4b:s5+s2] =	stream.linear.scatter [tilespmem:s22], [sflag:$0x1], $0x3800, $0x38;
	[tilespmem:$0x1FE00] =	vst v63  }
0x48: {  	_ =	swait.ge [sflag:s29], $0x3800  }
0x49: {  	[sflag:s29] =	ssyncset.done $0x0  }
0x4a: {  	[sflag:s29] =	ssyncadd.s32 $0xFFFFC800  }
0x4b: {  	[tilespmem:s26], [sflag:$0x3] =	stream.linear.gather [spmem:s10], $0x3800, $0x38;
	[tilespmem:$0x1FE00] =	vst v63  }
0x4c: {  	_ =	swait.ge [sflag:s23], $0x3800  }
0x4d: {  	[sflag:s23] =	ssyncset.done $0x0  }
0x4e: {  	s6 =	sadd.s32 s31, s17;
	[sflag:s23] =	ssyncadd.s32 $0xFFFFC800  }
0x4f: {  	[hbm4b:s6+s2] =	stream.linear.scatter [tilespmem:s26], [sflag:$0x2], $0x3800, $0x38;
	[tilespmem:$0x1FE00] =	vst v63  }
0x50: {  	_ =	swait.ge [sflag:s28], $0x3800  }
0x51: {  	[sflag:s28] =	ssyncset.done $0x0  }
0x52: {  	[sflag:s28] =	ssyncadd.s32 $0xFFFFC800  }
0x53: {  	[tilespmem:s22], [sflag:$0x3] =	stream.linear.gather [spmem:s11], $0x3800, $0x38;
	[tilespmem:$0x1FE00] =	vst v63  }
0x54: {  	_ =	swait.ge [sflag:s23], $0x3800  }
0x55: {  	[sflag:s23] =	ssyncset.done $0x0  }
0x56: {  	s30 =	sadd.s32 $0x1, s30;
	s31 =	sadd.s32 s31, s18;
	[sflag:s23] =	ssyncadd.s32 $0xFFFFC800  }
0x57: {  	[hbm4b:s31+s2] =	stream.linear.scatter [tilespmem:s22], [sflag:$0x1], $0x3800, $0x38;
	[tilespmem:$0x1FE00] =	vst v63  }
0x58: {  	p1 =	sne.s32 s30, s21;
	_ =	swait.ge [sflag:s29], $0x3800  }
.Ltmp1:
0x59: {  	[sflag:s29] =	ssyncset.done $0x0;
	(pc) =	sbr.rel @!p1 .LBB2_12-.Ltmp1, $4  }
0x5a: {  	[sflag:s29] =	ssyncadd.s32 $0xFFFFC800  }
0x5b: {  	_ =	swait.ge [sflag:s28], $0x3800  }
0x5c: {  	[sflag:s28] =	ssyncset.done $0x0  }
0x5d: {  	[sflag:s28] =	ssyncadd.s32 $0xFFFFC800  }
.LBB2_1:
0x5e: {  	s31 =	simm.s32 $0x0;
	s0 =	simm.s32 $0x1C0  }
.LBB2_2:
0x5f: {  	p1 =	sne.s32 s0, $0xDE40;
	[tilespmem:s31+$0x7660] =	vst v0  }
0x60: {  	[tilespmem:s31+$0x7600] =	vst v0  }
.Ltmp2:
0x61: {  	[tilespmem:s31+$0x7610] =	vst v0;
	(pc) =	sbr.rel @p1 .LBB2_2-.Ltmp2, $4  }
0x62: {  	[tilespmem:s31+$0x7620] =	vst v0  }
0x63: {  	[tilespmem:s31+$0x7630] =	vst v0  }
0x64: {  	[tilespmem:s31+$0x7640] =	vst v0  }
0x65: {  	[tilespmem:s31+$0x7650] =	vst v0;
	s31 =	sshra.s32 s0, $0x2;
	s0 =	sadd.s32 $0x1C0, s0  }
0x66: {  	[tilespmem:s31+$0x7660] =	vst v0  }
0x67: {  	[tilespmem:s31+$0x7600] =	vst v0  }
0x68: {  	[tilespmem:s31+$0x7610] =	vst v0  }
0x69: {  	[tilespmem:s31+$0x7620] =	vst v0  }
0x6a: {  	[tilespmem:s31+$0x7630] =	vst v0  }
0x6b: {  	[tilespmem:s31+$0x7640] =	vst v0  }
0x6c: {  	[tilespmem:s31+$0x7650] =	vst v0  }
0x6d: {  	[spmem:s7] =	stream.linear.scatter [tilespmem:s22], [sflag:$0x3], $0x3800, $0x38;
	[tilespmem:$0x1FE00] =	vst v63  }
0x6e: {  	_ =	swait.ge [sflag:s23], $0x3800  }
0x6f: {  	[sflag:s23] =	ssyncset.done $0x0  }
0x70: {  	[sflag:s23] =	ssyncadd.s32 $0xFFFFC800  }
0x71: {  	[spmem:s8] =	stream.linear.scatter [tilespmem:s22], [sflag:$0x3], $0x3800, $0x38;
	[tilespmem:$0x1FE00] =	vst v63  }
0x72: {  	_ =	swait.ge [sflag:s23], $0x3800  }
0x73: {  	[sflag:s23] =	ssyncset.done $0x0  }
0x74: {  	[sflag:s23] =	ssyncadd.s32 $0xFFFFC800  }
0x75: {  	[spmem:s9] =	stream.linear.scatter [tilespmem:s22], [sflag:$0x3], $0x3800, $0x38;
	[tilespmem:$0x1FE00] =	vst v63  }
0x76: {  	_ =	swait.ge [sflag:s23], $0x3800  }
0x77: {  	[sflag:s23] =	ssyncset.done $0x0  }
0x78: {  	[sflag:s23] =	ssyncadd.s32 $0xFFFFC800  }
0x79: {  	[spmem:s10] =	stream.linear.scatter [tilespmem:s22], [sflag:$0x3], $0x3800, $0x38;
	[tilespmem:$0x1FE00] =	vst v63  }
0x7a: {  	_ =	swait.ge [sflag:s23], $0x3800  }
0x7b: {  	[sflag:s23] =	ssyncset.done $0x0  }
.Ltmp3:
0x7c: {  	[sflag:s23] =	ssyncadd.s32 $0xFFFFC800;
	(pc) =	sbr.rel @p0 .LBB2_8-.Ltmp3, $4  }
0x7d: {  	[spmem:s11] =	stream.linear.scatter [tilespmem:s22], [sflag:$0x3], $0x3800, $0x38;
	[tilespmem:$0x1FE00] =	vst v63  }
0x7e: {  	_ =	swait.ge [sflag:s23], $0x3800  }
0x7f: {  	[sflag:s23] =	ssyncset.done $0x0  }
0x80: {  	s0 =	simm.s32 $0x0;
	[sflag:s23] =	ssyncadd.s32 $0xFFFFC800  }
0x81: {  	[tilespmem:s0], [sflag:$0x3] =	stream.linear.gather [hbm4b:s19+s0], $0x3B00, $0x38;
	[tilespmem:$0x1FE00] =	vst v63  }
0x82: {  	_ =	swait.ge [sflag:s23], $0x3B00  }
0x83: {  	[sflag:s23] =	ssyncset.done $0x0  }
0x84: {  	p2 =	por $0x0, $0x0;
	[sflag:s23] =	ssyncadd.s32 $0xFFFFC500  }
0x85: {  	[tilespmem:s24], [sflag:$0x3] =	stream.linear.gather [hbm4b:s20+s0], $0x3B00, $0x38;
	[tilespmem:$0x1FE00] =	vst v63  }
.Ltmp4:
0x86: {  	_ =	swait.ge [sflag:s23], $0x3B00;
	(pc) =	sbr.rel @p2 .LBB2_7-.Ltmp4, $4  }
0x87: {  	[sflag:s23] =	ssyncset.done $0x0  }
0x88: {  	[sflag:s23] =	ssyncadd.s32 $0xFFFFC500  }
0x89: {  	s31 =	simm.s32 $0x0;
	p1 =	por $0x0, $0x0;
	[bflag:$0x0] =	sbarrier.arrive $0xFFFF  }
0x8a: {  	[tilespmem:s22], [sflag:$0x1] =	stream.indirect.gather [hbm4b:s4+s25], $0x70, s0, s25, $0xb8;
	[tilespmem:$0x1FE00] =	vst v63  }
0x8b: {  	s0 =	simm.s32 $0x80  }
0x8c: {  	[tilespmem:s26], [sflag:$0x2] =	stream.indirect.gather [hbm4b:s4+s25], $0x70, s0, s25, $0xb8;
	[tilespmem:$0x1FE00] =	vst v63  }
0x8d: {  	_ =	swait.ge [sflag:s28], $0x3800  }
0x8e: {  	[sflag:s28] =	ssyncset.done $0x0  }
0x8f: {  	s3 =	simm.s32 $0x3B00;
	[sflag:s28] =	ssyncadd.s32 $0xFFFFC800  }
0x90: {  	[spmem:s1] =	stream.indirect.scatter.add.f32 [tilespmem:s22], [sflag:$0x3], $0x70, s3, s25, $0xb8;
	[tilespmem:$0x1FE00] =	vst v63  }
0x91: {  	_ =	swait.ge [sflag:s23], $0x3800  }
0x92: {  	[sflag:s23] =	ssyncset.done $0x0  }
0x93: {  	s5 =	simm.s32 $0x100;
	[sflag:s23] =	ssyncadd.s32 $0xFFFFC800  }
0x94: {  	[tilespmem:s22], [sflag:$0x1] =	stream.indirect.gather [hbm4b:s4+s25], $0x70, s5, s25, $0xb8;
	[tilespmem:$0x1FE00] =	vst v63  }
0x95: {  	p2 =	por $0x0, $0x0;
	_ =	swait.ge [sflag:s29], $0x3800  }
.Ltmp5:
0x96: {  	[sflag:s29] =	ssyncset.done $0x0;
	(pc) =	sbr.rel @p2 .LBB2_7-.Ltmp5, $4  }
0x97: {  	s6 =	simm.s32 $0x3B80;
	[sflag:s29] =	ssyncadd.s32 $0xFFFFC800  }
0x98: {  	[spmem:s1] =	stream.indirect.scatter.add.f32 [tilespmem:s26], [sflag:$0x3], $0x70, s6, s25, $0xb8;
	[tilespmem:$0x1FE00] =	vst v63  }
0x99: {  	s31 =	simm.s32 $0x100;
	_ =	swait.ge [sflag:s23], $0x3800  }
0x9a: {  	p1 =	por $0x1, $0x1;
	s0 =	simm.s32 $0x800;
	[sflag:s23] =	ssyncset.done $0x0  }
.LBB2_6:
0x9b: {  	s3 =	sadd.s32 $0x80, s31  }
0x9c: {  	[sflag:s23] =	ssyncadd.s32 $0xFFFFC800;
	s5 =	smov.u32 s0;
	s6 =	sadd.s32 $0x400, s0  }
0x9d: {  	[tilespmem:s26], [sflag:$0x2] =	stream.indirect.gather [hbm4b:s4+s25], $0x70, s3, s25, $0xb8;
	[tilespmem:$0x1FE00] =	vst v63  }
0x9e: {  	p2 =	seq.s32 s0, $0xE400;
	_ =	swait.ge [sflag:s28], $0x3800  }
0x9f: {  	[sflag:s28] =	ssyncset.done $0x0  }
0xa0: {  	s0 =	sadd.s32 $0x3B00, s31;
	[sflag:s28] =	ssyncadd.s32 $0xFFFFC800  }
0xa1: {  	[spmem:s1] =	stream.indirect.scatter.add.f32 [tilespmem:s22], [sflag:$0x3], $0x70, s0, s25, $0xb8;
	[tilespmem:$0x1FE00] =	vst v63  }
0xa2: {  	_ =	swait.ge [sflag:s23], $0x3800  }
0xa3: {  	[sflag:s23] =	ssyncset.done $0x0  }
0xa4: {  	s0 =	sadd.s32 $0x100, s31;
	[sflag:s23] =	ssyncadd.s32 $0xFFFFC800  }
0xa5: {  	[tilespmem:s22], [sflag:$0x1] =	stream.indirect.gather [hbm4b:s4+s25], $0x70, s0, s25, $0xb8;
	[tilespmem:$0x1FE00] =	vst v63  }
0xa6: {  	_ =	swait.ge [sflag:s29], $0x3800  }
.Ltmp6:
0xa7: {  	[sflag:s29] =	ssyncset.done $0x0;
	(pc) =	sbr.rel @!p2 .LBB2_6-.Ltmp6, $4  }
0xa8: {  	s0 =	sadd.s32 $0x3B80, s31;
	[sflag:s29] =	ssyncadd.s32 $0xFFFFC800  }
0xa9: {  	[spmem:s1] =	stream.indirect.scatter.add.f32 [tilespmem:s26], [sflag:$0x3], $0x70, s0, s25, $0xb8;
	[tilespmem:$0x1FE00] =	vst v63  }
0xaa: {  	_ =	swait.ge [sflag:s23], $0x3800  }
0xab: {  	s31 =	sshra.s32 s5, $0x2;
	s0 =	smov.u32 s6;
	[sflag:s23] =	ssyncset.done $0x0  }
.Ltmp7:
0xac: {  	_ = 	snop;
	(pc) =	sbr.rel .LBB2_7-.Ltmp7, $1  }
0xad: {  	_ =	sdelay $0x3  }
.LBB2_8:
0xae: {  	[tilespmem:s0], [sflag:$0x3] =	stream.linear.gather [hbm4b:s12+s0], $0x1500, $0x38;
	[tilespmem:$0x1FE00] =	vst v63  }
0xaf: {  	_ =	swait.ge [sflag:s23], $0x1500  }
0xb0: {  	[sflag:s23] =	ssyncset.done $0x0  }
0xb1: {  	[sflag:s23] =	ssyncadd.s32 $0xFFFFEB00  }
0xb2: {  	[tilespmem:s24], [sflag:$0x3] =	stream.linear.gather [hbm4b:s13+s0], $0x1500, $0x38;
	[tilespmem:$0x1FE00] =	vst v63  }
0xb3: {  	_ =	swait.ge [sflag:s23], $0x1500  }
0xb4: {  	[sflag:s23] =	ssyncset.done $0x0  }
0xb5: {  	[sflag:s23] =	ssyncadd.s32 $0xFFFFEB00  }
0xb6: {  	[bflag:$0x0] =	sbarrier.arrive $0xFFFF  }
0xb7: {  	[tilespmem:s22], [sflag:$0x1] =	stream.indirect.gather [hbm4b:s4+s25], $0x70, s0, s25, $0xb8;
	[tilespmem:$0x1FE00] =	vst v63  }
0xb8: {  	s6 =	simm.s32 $0x80  }
0xb9: {  	[tilespmem:s26], [sflag:$0x2] =	stream.indirect.gather [hbm4b:s4+s25], $0x70, s6, s25, $0xb8;
	[tilespmem:$0x1FE00] =	vst v63  }
0xba: {  	_ =	swait.ge [sflag:s28], $0x3800  }
0xbb: {  	[sflag:s28] =	ssyncset.done $0x0  }
0xbc: {  	s3 =	simm.s32 $0x3B00;
	[sflag:s28] =	ssyncadd.s32 $0xFFFFC800  }
0xbd: {  	[spmem:s1] =	stream.indirect.scatter.add.f32 [tilespmem:s22], [sflag:$0x3], $0x70, s3, s25, $0xb8;
	[tilespmem:$0x1FE00] =	vst v63  }
0xbe: {  	_ =	swait.ge [sflag:s23], $0x3800  }
0xbf: {  	[sflag:s23] =	ssyncset.done $0x0  }
0xc0: {  	s5 =	simm.s32 $0x100;
	[sflag:s23] =	ssyncadd.s32 $0xFFFFC800  }
0xc1: {  	[tilespmem:s22], [sflag:$0x1] =	stream.indirect.gather [hbm4b:s4+s25], $0x70, s5, s25, $0xb8;
	[tilespmem:$0x1FE00] =	vst v63  }
0xc2: {  	_ =	swait.ge [sflag:s29], $0x3800  }
0xc3: {  	[sflag:s29] =	ssyncset.done $0x0  }
0xc4: {  	s6 =	simm.s32 $0x3B80;
	[sflag:s29] =	ssyncadd.s32 $0xFFFFC800  }
0xc5: {  	[spmem:s1] =	stream.indirect.scatter.add.f32 [tilespmem:s26], [sflag:$0x3], $0x70, s6, s25, $0xb8;
	[tilespmem:$0x1FE00] =	vst v63  }
0xc6: {  	_ =	swait.ge [sflag:s23], $0x3800  }
0xc7: {  	s31 =	simm.s32 $0x100;
	s0 =	simm.s32 $0x800;
	[sflag:s23] =	ssyncset.done $0x0  }
.LBB2_9:
0xc8: {  	s3 =	sadd.s32 $0x80, s31  }
0xc9: {  	[sflag:s23] =	ssyncadd.s32 $0xFFFFC800;
	s5 =	smov.u32 s0;
	s6 =	sadd.s32 $0x400, s0  }
0xca: {  	[tilespmem:s26], [sflag:$0x2] =	stream.indirect.gather [hbm4b:s4+s25], $0x70, s3, s25, $0xb8;
	[tilespmem:$0x1FE00] =	vst v63  }
0xcb: {  	p1 =	sne.s32 s0, $0x4C00;
	_ =	swait.ge [sflag:s28], $0x3800  }
0xcc: {  	[sflag:s28] =	ssyncset.done $0x0  }
0xcd: {  	s0 =	sadd.s32 $0x3B00, s31;
	[sflag:s28] =	ssyncadd.s32 $0xFFFFC800  }
0xce: {  	[spmem:s1] =	stream.indirect.scatter.add.f32 [tilespmem:s22], [sflag:$0x3], $0x70, s0, s25, $0xb8;
	[tilespmem:$0x1FE00] =	vst v63  }
0xcf: {  	_ =	swait.ge [sflag:s23], $0x3800  }
0xd0: {  	[sflag:s23] =	ssyncset.done $0x0  }
0xd1: {  	s0 =	sadd.s32 $0x100, s31;
	[sflag:s23] =	ssyncadd.s32 $0xFFFFC800  }
0xd2: {  	[tilespmem:s22], [sflag:$0x1] =	stream.indirect.gather [hbm4b:s4+s25], $0x70, s0, s25, $0xb8;
	[tilespmem:$0x1FE00] =	vst v63  }
0xd3: {  	_ =	swait.ge [sflag:s29], $0x3800  }
.Ltmp8:
0xd4: {  	[sflag:s29] =	ssyncset.done $0x0;
	(pc) =	sbr.rel @p1 .LBB2_9-.Ltmp8, $4  }
0xd5: {  	s0 =	sadd.s32 $0x3B80, s31;
	[sflag:s29] =	ssyncadd.s32 $0xFFFFC800  }
0xd6: {  	[spmem:s1] =	stream.indirect.scatter.add.f32 [tilespmem:s26], [sflag:$0x3], $0x70, s0, s25, $0xb8;
	[tilespmem:$0x1FE00] =	vst v63  }
0xd7: {  	_ =	swait.ge [sflag:s23], $0x3800  }
0xd8: {  	s31 =	sshra.s32 s5, $0x2;
	s0 =	smov.u32 s6;
	[sflag:s23] =	ssyncset.done $0x0  }
0xd9: {  	s0 =	sadd.s32 $0x80, s31;
	[sflag:s23] =	ssyncadd.s32 $0xFFFFC800  }
0xda: {  	[tilespmem:s26], [sflag:$0x2] =	stream.indirect.gather [hbm4b:s4+s25], $0x70, s0, s25, $0xb8;
	[tilespmem:$0x1FE00] =	vst v63  }
0xdb: {  	_ =	swait.ge [sflag:s28], $0x3800  }
0xdc: {  	[sflag:s28] =	ssyncset.done $0x0  }
0xdd: {  	s3 =	sadd.s32 $0x3B00, s31;
	[sflag:s28] =	ssyncadd.s32 $0xFFFFC800  }
0xde: {  	[spmem:s1] =	stream.indirect.scatter.add.f32 [tilespmem:s22], [sflag:$0x3], $0x70, s3, s25, $0xb8;
	[tilespmem:$0x1FE00] =	vst v63  }
0xdf: {  	_ =	swait.ge [sflag:s23], $0x3800  }
0xe0: {  	[sflag:s23] =	ssyncset.done $0x0  }
0xe1: {  	s5 =	sadd.s32 $0x100, s31;
	[sflag:s23] =	ssyncadd.s32 $0xFFFFC800  }
0xe2: {  	[tilespmem:s22], [sflag:$0x1] =	stream.indirect.gather [hbm4b:s4+s25], $0x70, s5, s25, $0xb8;
	[tilespmem:$0x1FE00] =	vst v63  }
0xe3: {  	_ =	swait.ge [sflag:s29], $0x3800  }
0xe4: {  	[sflag:s29] =	ssyncset.done $0x0  }
.Ltmp9:
0xe5: {  	s6 =	sadd.s32 $0x3B80, s31;
	[sflag:s29] =	ssyncadd.s32 $0xFFFFC800;
	(pc) =	sbr.rel .LBB2_11-.Ltmp9, $4  }
0xe6: {  	[spmem:s1] =	stream.indirect.scatter.add.f32 [tilespmem:s26], [sflag:$0x3], $0x70, s6, s25, $0xb8;
	[tilespmem:$0x1FE00] =	vst v63  }
0xe7: {  	_ =	swait.ge [sflag:s23], $0x3800  }
0xe8: {  	s0 =	simm.s32 $0x4F80;
	s3 =	simm.s32 $0x4F00;
	[sflag:s23] =	ssyncset.done $0x0  }
0xe9: {  	s5 =	simm.s32 $0x1480;
	s31 =	rddreg [dreg:$0x5];
	[sflag:s23] =	ssyncadd.s32 $0xFFFFC800  }
.LBB2_12:
0xea: {  	_ =	sfence.sel $0x180000  }
0xeb: {  	[bflag:$0x0] =	sbarrier.arrive $0xFFFF  }
0xec: {  	_ =	strace $0x9000004A  }
0xed: {  	s0 =	stileid.u32;
	[bflag:$0x2] =	sbarrier.arrive $0xFFFF  }
0xee: {  	p0 =	sne.s32 s0, $0x0;
	s0 =	rddreg [dreg:$0x3]  }
0xef: {  	s0 =	sadd.s32 @!p0 $0x100000, s0  }
0xf0: {  	[sflag:s0] =	ssyncadd.tile.s32 @!p0 $0x1;
	_ =	shalt  }
.Lfunc_end2:
_tile_overlayer_lowered:
.L_overlay_start_2:
0xf1: {  	(tag) =	ssettag $0x2  }
0xf2: {  	s0 =	rddreg [dreg:$0x0];
	s2 =	stileid.u32  }
0xf3: {  	s1 =	rddreg [dreg:$0x1];
	p0 =	sne.s32 s2, $0x0  }
0xf4: {  	s3 =	rddreg [dreg:$0x2];
	[bflag:$0x3] =	sbarrier.arrive $0xFFFF;
	s2 =	simm.s32 @!p0 $0x1C03  }
0xf5: {  	[timem:s3], [sflag:s2] =	dma.local @!p0 [hbm:s0], s1  }
0xf6: {  	s0 =	simm.s32 @!p0 $0x3  }
0xf7: {  	_ =	swait.ge @!p0 [sflag:s0], s1  }
0xf8: {  	s1 =	ssub.s32 @!p0 $0x0, s1;
	[sflag:s0] =	ssyncset.done @!p0 $0x0  }
0xf9: {  	[sflag:s0] =	ssyncadd.s32 @!p0 s1  }
0xfa: {  	[bflag:$0x3] =	sbarrier.arrive $0xFFFF  }
0xfb: {  	_ =	shalt  }

// kernel: kernel.16.cloned.1.call-start
scs
__scs_entry_jumppad:
0x0: {  	(pc) =	sbr.rel $0x88, $3  }
0x1: {  	(tag) =	ssettag $0x0;
	lr =	simm.s32 $0x1  }
0x2: {  	[smem:$0x3F99] =	sst lr;
	_ =	strace $0xD0000000  }
0x3: {  	_ = 	snop  }
0x4: {  	_ = 	snop  }
0x5: {  	_ = 	snop  }
0x6: {  	_ = 	snop  }
0x7: {  	_ = 	snop  }
__scs_overlays_trampoline_lowered:
0x8: {  	[smem:$0x3FA8] =	sst s0  }
0x9: {  	[smem:$0x3FA9] =	sst s1  }
0xa: {  	[smem:$0x3FAA] =	sst s2  }
0xb: {  	[smem:$0x3FAB] =	sst s3  }
0xc: {  	[smem:$0x3FAC] =	sst s4  }
0xd: {  	[smem:$0x3FAD] =	sst s5  }
0xe: {  	[smem:$0x3FAE] =	sst s6  }
0xf: {  	[smem:$0x3FAF] =	sst s7  }
0x10: {  	[smem:$0x3FB0] =	sst s8  }
0x11: {  	[smem:$0x3FB1] =	sst s9;
	s0 =	simm.s32 @!p0 $0x0  }
0x12: {  	s1 =	sld [smem:$0x3F97];
	s0 =	simm.s32 @p0 $0x1  }
0x13: {  	[smem:$0x3FB2] =	sst s0;
	s0 =	simm.s32 @!p1 $0x0  }
0x14: {  	s2 =	sld [smem:$0x3F96];
	s0 =	simm.s32 @p1 $0x1  }
0x15: {  	[smem:$0x3FB3] =	sst s0;
	s0 =	simm.s32 @!p2 $0x0  }
0x16: {  	s3 =	sld [smem:$0x3FDB];
	s0 =	simm.s32 @p2 $0x1  }
0x17: {  	s4 =	simm.s32 $0x1BF5;
	[smem:$0x3FB5] =	sst s0  }
0x18: {  	s0 =	sld [smem:$0x3F98];
	_ =	swait.ge [sflag:s4], $0x0  }
0x19: {  	s7 =	sld [smem:$0x3F99]  }
0x1a: {  	s8 =	sadd.s32 $0xFFFFE003, lr  }
0x1b: {  	s9 =	sadd.s32 $0xFFFFFEF7, lr;
	s5 =	simm.s32 $0xFFFFFFFF;
	p2 =	slt.u32 s8, $0xFFFFF086  }
0x1c: {  	p1 =	slt.u32 s9, $0xF7A;
	s5 =	simm.s32 @!p2 $0x0  }
0x1d: {  	s5 =	simm.s32 @p1 $0x1;
	p0 =	seq.s32 s7, s2  }
0x1e: {  	s7 =	smul.u32 @!p0 $0xF7A, s2;
	p2 =	seq.s32 @!p0 s5, $0x0  }
0x1f: {  	s9 =	smul.u32 $0xF7A, s1;
	s8 =	simm.s32 @!p0 $0x1BF5;
	p2 =	por !p2, p0  }
0x20: {  	[sflag:s8] =	ssyncset.s32 @!p0 $0xFFFFF086;
	s6 =	sadd.s32 @!p0 s3, s7;
	s7 =	simm.s32 @!p0 $0x108  }
0x21: {  	s3 =	sadd.s32 s3, s9;
	s6 =	sadd.s32 @!p0 $0x88, s6;
	s7 =	simm.s32 @p2 $0x1082  }
0x22: {  	[simem:s7], [sflag:s8] =	dma.local @!p0 [hbm:s6], $0xF7A  }
0x23: {  	s9 =	sor.u32 $0xD0000000, s2;
	s6 =	simm.s32 $0x108;
	_ =	swait.ge @!p0 [sflag:s8], $0x0  }
0x24: {  	s3 =	sadd.s32 $0x88, s3;
	s6 =	simm.s32 @!p1 $0x1082;
	[sflag:s4] =	ssyncset.s32 $0xFFFFF086  }
0x25: {  	[simem:s6], [sflag:s4] =	dma.local [hbm:s3], $0xF7A  }
0x26: {  	[smem:$0x3F99] =	sst s1;
	(tag) =	ssettag s2;
	_ =	strace s9  }
0x27: {  	s1 =	sld [smem:$0x3FA9]  }
0x28: {  	s2 =	sld [smem:$0x3FAA]  }
0x29: {  	s4 =	sld [smem:$0x3FAC]  }
0x2a: {  	p0 =	seq.s32 s5, $0x0;
	s5 =	sld [smem:$0x3FAD]  }
0x2b: {  	s6 =	sld [smem:$0x3FAE]  }
0x2c: {  	s7 =	sld [smem:$0x3FAF]  }
0x2d: {  	s3 =	simm.s32 $0x108;
	s8 =	sld [smem:$0x3FB0]  }
0x2e: {  	s3 =	simm.s32 @!p0 $0x1082;
	s9 =	sld [smem:$0x3FB1]  }
0x2f: {  	lr =	sadd.s32 s0, s3;
	s0 =	sld [smem:$0x3FA8]  }
0x30: {  	s3 =	sld [smem:$0x3FAB]  }
0x31: {  	[smem:$0x3FB4] =	sst s10  }
0x32: {  	s10 =	sld [smem:$0x3FB2];
	_ =	sdelay $0x3  }
0x33: {  	p0 =	seq.s32 s10, $0x1;
	s10 =	sld [smem:$0x3FB4];
	_ =	sdelay $0x3  }
0x34: {  	[smem:$0x3FB4] =	sst s10  }
0x35: {  	s10 =	sld [smem:$0x3FB3];
	_ =	sdelay $0x3  }
0x36: {  	p1 =	seq.s32 s10, $0x1;
	s10 =	sld [smem:$0x3FB4];
	_ =	sdelay $0x3  }
0x37: {  	[smem:$0x3FB4] =	sst s10  }
0x38: {  	s10 =	sld [smem:$0x3FB5]  }
0x39: {  	_ = 	snop;
	(pc) =	sbr.ind lr, $3  }
0x3a: {  	_ = 	snop  }
0x3b: {  	_ = 	snop  }
0x3c: {  	p2 =	seq.s32 s10, $0x1;
	s10 =	sld [smem:$0x3FB4]  }
0x3d: {  	_ =	shalt  }
0x3e: {  	_ =	shalt  }
0x3f: {  	_ =	shalt  }
0x40: {  	_ =	shalt  }
0x41: {  	_ =	shalt  }
0x42: {  	_ =	shalt  }
0x43: {  	_ =	shalt  }
0x44: {  	_ =	shalt  }
0x45: {  	_ =	shalt  }
0x46: {  	_ =	shalt  }
0x47: {  	_ =	shalt  }
0x48: {  	_ =	shalt  }
0x49: {  	_ =	shalt  }
0x4a: {  	_ =	shalt  }
0x4b: {  	_ =	shalt  }
0x4c: {  	_ =	shalt  }
0x4d: {  	_ =	shalt  }
0x4e: {  	_ =	shalt  }
0x4f: {  	_ =	shalt  }
0x50: {  	_ =	shalt  }
0x51: {  	_ =	shalt  }
0x52: {  	_ =	shalt  }
0x53: {  	_ =	shalt  }
0x54: {  	_ =	shalt  }
0x55: {  	_ =	shalt  }
0x56: {  	_ =	shalt  }
0x57: {  	_ =	shalt  }
0x58: {  	_ =	shalt  }
0x59: {  	_ =	shalt  }
0x5a: {  	_ =	shalt  }
0x5b: {  	_ =	shalt  }
0x5c: {  	_ =	shalt  }
0x5d: {  	_ =	shalt  }
0x5e: {  	_ =	shalt  }
0x5f: {  	_ =	shalt  }
0x60: {  	_ =	shalt  }
0x61: {  	_ =	shalt  }
0x62: {  	_ =	shalt  }
0x63: {  	_ =	shalt  }
0x64: {  	_ =	shalt  }
0x65: {  	_ =	shalt  }
0x66: {  	_ =	shalt  }
0x67: {  	_ =	shalt  }
0x68: {  	_ =	shalt  }
0x69: {  	_ =	shalt  }
0x6a: {  	_ =	shalt  }
0x6b: {  	_ =	shalt  }
0x6c: {  	_ =	shalt  }
0x6d: {  	_ =	shalt  }
0x6e: {  	_ =	shalt  }
0x6f: {  	_ =	shalt  }
0x70: {  	_ =	shalt  }
0x71: {  	_ =	shalt  }
0x72: {  	_ =	shalt  }
0x73: {  	_ =	shalt  }
0x74: {  	_ =	shalt  }
0x75: {  	_ =	shalt  }
0x76: {  	_ =	shalt  }
0x77: {  	_ =	shalt  }
0x78: {  	_ =	shalt  }
0x79: {  	_ =	shalt  }
0x7a: {  	_ =	shalt  }
0x7b: {  	_ =	shalt  }
0x7c: {  	_ =	shalt  }
0x7d: {  	_ =	shalt  }
0x7e: {  	_ =	shalt  }
0x7f: {  	_ =	shalt  }
0x80: {  	_ =	shalt  }
0x81: {  	_ =	shalt  }
0x82: {  	_ =	shalt  }
0x83: {  	_ =	shalt  }
0x84: {  	_ =	shalt  }
0x85: {  	_ =	shalt  }
0x86: {  	_ =	shalt  }
0x87: {  	_ =	shalt  }
.Lfunc_end0:
.L_simem_size_0:
called_computation.2_lowered:
.L_overlay_start_0:
0x88: {  	s2 =	sld [smem:$0x3FD9]  }
0x89: {  	s3 =	sld [smem:$0x3FFE];
	_ =	sdelay $0x1  }
0x8a: {  	s1 =	srdreg.scid  }
0x8b: {  	s0 =	sand.u32 $0x1, s1  }
0x8c: {  	s17 =	sshll.u32 s0, $0xA;
	s2 =	sadd.s32 s3, s2  }
0x8d: {  	s2 =	sadd.s32 s2, s17  }
0x8e: {  	[smem:$0x3FC0] =	sst s2  }
0x8f: {  	_ = 	snop  }
0x90: {  	s2 =	sld [smem:$0x3FD0];
	(tm) =	ssettm $0x1  }
0x91: {  	s18 =	sld [smem:$0x3FFB];
	_ =	sdelay $0x3  }
0x92: {  	_ =	strace s18  }
0x93: {  	s3 =	sld [smem:$0x3FFC];
	_ =	sdelay $0x3  }
0x94: {  	_ =	strace s3  }
0x95: {  	s3 =	sld [smem:$0x3FFD];
	_ =	sdelay $0x3  }
0x96: {  	_ =	strace s3  }
0x97: {  	_ =	strace $0x8FFFFFFF  }
0x98: {  	s19 =	sld [smem:$0x3FDB];
	_ =	sdelay $0x1  }
0x99: {  	s4 =	simm.s32 $_scs_section_size  }
0x9a: {  	s5 =	simm.s32 $_size__tile_overlayer_lowered;
	s6 =	simm.s32 $_tile_overlayer_lowered  }
0x9b: {  	s22 =	simm.s32 $0x1BFF;
	s21 =	sshll.u32 s6, $0x1;
	s3 =	sadd.s32 s4, s19  }
0x9c: {  	s7 =	simm.s32 $0x0;
	s20 =	sshll.u32 s5, $0x1;
	s5 =	sadd.s32 s21, s3  }
0x9d: {  	[timem:s7], [sflag:s22] =	dma.local [hbm:s5], s20  }
0x9e: {  	_ =	swait.ge [sflag:s22], s20  }
0x9f: {  	s4 =	ssub.s32 $0x0, s20;
	[sflag:s22] =	ssyncset.done $0x0  }
0xa0: {  	[sflag:s22] =	ssyncadd.s32 s4;
	_ =	sdelay $0x1  }
0xa1: {  	s23 =	simm.s32 $0x1B8B  }
0xa2: {  	_ =	swait.ge [sflag:s23], $0x1  }
0xa3: {  	[sflag:s23] =	ssyncset.done $0x0  }
0xa4: {  	s25 =	simm.s32 $0x1B8E;
	s24 =	sld [smem:$0x3FFE];
	[sflag:s23] =	ssyncadd.s32 $0xFFFFFFFF  }
0xa5: {  	s26 =	simm.s32 $execute0_lowered;
	[smem:$0x3FD2] =	sst s25  }
0xa6: {  	s5 =	sshll.u32 s26, $0x1;
	_ =	strace $0x8000004C;
	[dreg:$0x1] =	wrdreg $0xFFFFFFFF  }
0xa7: {  	s28 =	simm.s32 $_size_execute0_lowered;
	s3 =	sadd.s32 s3, s5;
	[dreg:$0x0] =	wrdreg $0x0  }
0xa8: {  	s5 =	sshll.u32 s28, $0x1;
	[dreg:$0x2] =	wrdreg s3  }
0xa9: {  	[dreg:$0x3] =	wrdreg s5  }
0xaa: {  	[dreg:$0x4] =	wrdreg $0xC0  }
0xab: {  	_ =	task [dreg:s7], $0x5FFFF  }
0xac: {  	[dreg:$0x1] =	wrdreg $0xFFFFFFFF  }
0xad: {  	[dreg:$0x0] =	wrdreg $0x60  }
0xae: {  	[dreg:$0x2] =	wrdreg s24  }
0xaf: {  	[dreg:$0x3] =	wrdreg s2  }
0xb0: {  	[dreg:$0x4] =	wrdreg $0xD4000  }
0xb1: {  	[dreg:$0x5] =	wrdreg $0x9  }
0xb2: {  	_ =	task.clear_ibuf [dreg:s7], $0x6FFFF;
	_ =	strace $0x9000004C  }
0xb3: {  	s29 =	simm.s32 $0x9;
	_ =	strace $0x8000004E  }
0xb4: {  	_ =	swait.ge [sflag:s29], $0x1  }
0xb5: {  	[sflag:s29] =	ssyncadd.s32 $0xFFFFFFFF  }
0xb6: {  	_ =	strace $0x9000004E  }
0xb7: {  	_ =	sfence  }
0xb8: {  	s30 =	sld [smem:$0x0];
	_ =	sdelay $0x2  }
0xb9: {  	s31 =	sshll.u32 s1, $0xD;
	s1 =	sshrl.u32 s1, $0x2  }
0xba: {  	s3 =	sand.u32 $0x4000, s31;
	s1 =	sadd.s32 s1, s30  }
0xbb: {  	s0 =	sor.u32 s3, s0;
	s1 =	sshll.u32 s1, $0x11  }
0xbc: {  	s0 =	sor.u32 s1, s0  }
0xbd: {  	s0 =	sadd.s32 $0x8F2B, s0  }
0xbe: {  	[sflag:s0] =	ssyncadd.remote.s32 $0x1  }
0xbf: {  	_ =	sfence.sel $0xFFFF  }
0xc0: {  	[dreg:$0x0] =	wrdreg $0xFFFFFFFF;
	(pc) =	sbr.abs _section_cstart, $3  }
0xc1: {  	[dreg:$0x1] =	wrdreg $0xFFFFFFFF  }
0xc2: {  	_ =	task.clear_ibuf [dreg:s7], $0x2FFFF;
	_ =	strace $0x9FFFFFFF  }
0xc3: {  	(tm) =	ssettm $0x7FFFFFFF  }
tec
execute0_lowered:
.L_overlay_start_1:
0x0: {  	(tag) =	ssettag $0x1  }
0x1: {  	s0 =	rddreg [dreg:$0x0]  }
0x2: {  	s3 =	rddreg [dreg:$0x1]  }
0x3: {  	s1 =	rddreg [dreg:$0x2];
	s2 =	simm.s32 $0x0  }
0x4: {  	s5 =	srdreg.scid;
	s6 =	stileid.u32;
	s22 =	simm.s32 $0x8400  }
0x5: {  	s23 =	simm.s32 $0x3;
	s24 =	simm.s32 $0x4200;
	s25 =	simm.s32 $0x80  }
0x6: {  	s26 =	simm.s32 $0xAC00;
	s28 =	simm.s32 $0x1;
	s29 =	simm.s32 $0x2  }
0x7: {  	s30 =	simm.s32 $0x0;
	[smem:$0x7FF] =	sst s2;
	s4 =	sadd.s32 $0x17200, s0  }
0x8: {  	s5 =	sand.u32 $0x1, s5;
	s19 =	sadd.s32 $0xD200, s0;
	s14 =	smul.u32 $0xC800, s6  }
0x9: {  	s8 =	sadd.s32 $0x49200, s0;
	s0 =	sadd.s32 $0x30200, s0;
	s10 =	smul.u32 $0xE00, s6  }
0xa: {  	s20 =	smul.u32 $0x840, s6;
	_ =	strace $0x8000004D;
	[dreg:$0x4] =	wrdreg s8  }
0xb: {  	s7 =	ssub.s32 $0x2, s5;
	[dreg:$0x5] =	wrdreg s0;
	p0 =	sne.s32 s5, $0x0  }
0xc: {  	s31 =	sshrl.u32 s7, $0x1;
	s15 =	sadd.s32 $0x2800, s14;
	s16 =	sadd.s32 $0x5000, s14  }
0xd: {  	s17 =	sadd.s32 $0x7800, s14;
	s11 =	sshrl.u32 s10, $0x3;
	s18 =	sadd.s32 $0xA000, s14  }
0xe: {  	s0 =	ssub.s32 s7, s31;
	s7 =	sadd.s32 s14, s1;
	s8 =	sadd.s32 s15, s1  }
.Ltmp0:
0xf: {  	s9 =	sadd.s32 s16, s1;
	s10 =	sadd.s32 s17, s1;
	(pc) =	sbr.rel .LBB2_1-.Ltmp0, $4  }
0x10: {  	s13 =	sadd.s32 $0x8400, s11;
	s11 =	sadd.s32 s18, s1;
	s14 =	sshrl.u32 s14, $0x3  }
0x11: {  	s15 =	sshrl.u32 s15, $0x3;
	s16 =	sshrl.u32 s16, $0x3;
	s17 =	sshrl.u32 s17, $0x3  }
0x12: {  	s18 =	sshrl.u32 s18, $0x3;
	s12 =	sadd.s32 s19, s13;
	s13 =	sadd.s32 s3, s13  }
0x13: {  	v0 =	vimm.f32 $0.0e+00;
	s19 =	sadd.s32 s19, s20;
	s20 =	sadd.s32 s3, s20;
	s21 =	smax.u32 s0, $0x1  }
.LBB2_7:
0x14: {  	s0 =	sadd.s32 $0x80, s31;
	[sflag:s23] =	ssyncadd.s32 @p1 $0xFFFFD800  }
0x15: {  	[tilespmem:s26], [sflag:$0x2] =	stream.indirect.gather [hbm4b:s4+s25], $0x50, s0, s25, $0xb8;
	[tilespmem:$0x19C00] =	vst v63  }
0x16: {  	_ =	swait.ge [sflag:s28], $0x2800  }
0x17: {  	[sflag:s28] =	ssyncset.done $0x0  }
0x18: {  	s3 =	sadd.s32 $0x4200, s31;
	[sflag:s28] =	ssyncadd.s32 $0xFFFFD800  }
0x19: {  	[spmem:s1] =	stream.indirect.scatter.add.f32 [tilespmem:s22], [sflag:$0x3], $0x50, s3, s25, $0xb8;
	[tilespmem:$0x19C00] =	vst v63  }
0x1a: {  	_ =	swait.ge [sflag:s23], $0x2800  }
0x1b: {  	[sflag:s23] =	ssyncset.done $0x0  }
0x1c: {  	s5 =	sadd.s32 $0x100, s31;
	[sflag:s23] =	ssyncadd.s32 $0xFFFFD800  }
0x1d: {  	[tilespmem:s22], [sflag:$0x1] =	stream.indirect.gather [hbm4b:s4+s25], $0x50, s5, s25, $0xb8;
	[tilespmem:$0x19C00] =	vst v63  }
0x1e: {  	_ =	swait.ge [sflag:s29], $0x2800  }
0x1f: {  	[sflag:s29] =	ssyncset.done $0x0  }
0x20: {  	s6 =	sadd.s32 $0x4280, s31;
	[sflag:s29] =	ssyncadd.s32 $0xFFFFD800  }
0x21: {  	[spmem:s1] =	stream.indirect.scatter.add.f32 [tilespmem:s26], [sflag:$0x3], $0x50, s6, s25, $0xb8;
	[tilespmem:$0x19C00] =	vst v63  }
0x22: {  	_ =	swait.ge [sflag:s23], $0x2800  }
0x23: {  	s0 =	simm.s32 $0x8380;
	s3 =	simm.s32 $0x8300;
	[sflag:s23] =	ssyncset.done $0x0  }
0x24: {  	s5 =	simm.s32 $0x4180;
	s31 =	rddreg [dreg:$0x4];
	[sflag:s23] =	ssyncadd.s32 $0xFFFFD800  }
.LBB2_11:
0x25: {  	[tilespmem:s26], [sflag:$0x2] =	stream.indirect.gather [hbm4b:s4+s25], $0x50, s5, s25, $0xb8;
	[tilespmem:$0x19C00] =	vst v63  }
0x26: {  	_ =	swait.ge [sflag:s28], $0x2800  }
0x27: {  	[sflag:s28] =	ssyncset.done $0x0  }
0x28: {  	[sflag:s28] =	ssyncadd.s32 $0xFFFFD800  }
0x29: {  	[spmem:s1] =	stream.indirect.scatter.add.f32 [tilespmem:s22], [sflag:$0x3], $0x50, s3, s25, $0xb8;
	[tilespmem:$0x19C00] =	vst v63  }
0x2a: {  	_ =	swait.ge [sflag:s23], $0x2800  }
0x2b: {  	[sflag:s23] =	ssyncset.done $0x0  }
0x2c: {  	[sflag:s23] =	ssyncadd.s32 $0xFFFFD800  }
0x2d: {  	_ =	swait.ge [sflag:s29], $0x2800  }
0x2e: {  	[sflag:s29] =	ssyncset.done $0x0  }
0x2f: {  	[sflag:s29] =	ssyncadd.s32 $0xFFFFD800  }
0x30: {  	[spmem:s1] =	stream.indirect.scatter.add.f32 [tilespmem:s26], [sflag:$0x3], $0x50, s0, s25, $0xb8;
	[tilespmem:$0x19C00] =	vst v63  }
0x31: {  	_ =	swait.ge [sflag:s23], $0x2800  }
0x32: {  	[sflag:s23] =	ssyncset.done $0x0  }
0x33: {  	[sflag:s23] =	ssyncadd.s32 $0xFFFFD800  }
0x34: {  	[bflag:$0x0] =	sbarrier.arrive $0xFFFF  }
0x35: {  	[tilespmem:s22], [sflag:$0x3] =	stream.linear.gather [spmem:s7], $0x2800, $0x38;
	[tilespmem:$0x19C00] =	vst v63  }
0x36: {  	_ =	swait.ge [sflag:s23], $0x2800  }
0x37: {  	[sflag:s23] =	ssyncset.done $0x0  }
0x38: {  	s6 =	sadd.s32 s31, s14;
	[sflag:s23] =	ssyncadd.s32 $0xFFFFD800  }
0x39: {  	[hbm4b:s6+s2] =	stream.linear.scatter [tilespmem:s22], [sflag:$0x1], $0x2800, $0x38;
	[tilespmem:$0x19C00] =	vst v63  }
0x3a: {  	_ = 	snop  }
0x3b: {  	[tilespmem:s26], [sflag:$0x3] =	stream.linear.gather [spmem:s8], $0x2800, $0x38;
	[tilespmem:$0x19C00] =	vst v63  }
0x3c: {  	_ =	swait.ge [sflag:s23], $0x2800  }
0x3d: {  	[sflag:s23] =	ssyncset.done $0x0  }
0x3e: {  	s3 =	sadd.s32 s31, s15;
	[sflag:s23] =	ssyncadd.s32 $0xFFFFD800  }
0x3f: {  	[hbm4b:s3+s2] =	stream.linear.scatter [tilespmem:s26], [sflag:$0x2], $0x2800, $0x38;
	[tilespmem:$0x19C00] =	vst v63  }
0x40: {  	_ =	swait.ge [sflag:s28], $0x2800  }
0x41: {  	[sflag:s28] =	ssyncset.done $0x0  }
0x42: {  	[sflag:s28] =	ssyncadd.s32 $0xFFFFD800  }
0x43: {  	[tilespmem:s22], [sflag:$0x3] =	stream.linear.gather [spmem:s9], $0x2800, $0x38;
	[tilespmem:$0x19C00] =	vst v63  }
0x44: {  	_ =	swait.ge [sflag:s23], $0x2800  }
0x45: {  	[sflag:s23] =	ssyncset.done $0x0  }
0x46: {  	s5 =	sadd.s32 s31, s16;
	[sflag:s23] =	ssyncadd.s32 $0xFFFFD800  }
0x47: {  	[hbm4b:s5+s2] =	stream.linear.scatter [tilespmem:s22], [sflag:$0x1], $0x2800, $0x38;
	[tilespmem:$0x19C00] =	vst v63  }
0x48: {  	_ =	swait.ge [sflag:s29], $0x2800  }
0x49: {  	[sflag:s29] =	ssyncset.done $0x0  }
0x4a: {  	[sflag:s29] =	ssyncadd.s32 $0xFFFFD800  }
0x4b: {  	[tilespmem:s26], [sflag:$0x3] =	stream.linear.gather [spmem:s10], $0x2800, $0x38;
	[tilespmem:$0x19C00] =	vst v63  }
0x4c: {  	_ =	swait.ge [sflag:s23], $0x2800  }
0x4d: {  	[sflag:s23] =	ssyncset.done $0x0  }
0x4e: {  	s6 =	sadd.s32 s31, s17;
	[sflag:s23] =	ssyncadd.s32 $0xFFFFD800  }
0x4f: {  	[hbm4b:s6+s2] =	stream.linear.scatter [tilespmem:s26], [sflag:$0x2], $0x2800, $0x38;
	[tilespmem:$0x19C00] =	vst v63  }
0x50: {  	_ =	swait.ge [sflag:s28], $0x2800  }
0x51: {  	[sflag:s28] =	ssyncset.done $0x0  }
0x52: {  	[sflag:s28] =	ssyncadd.s32 $0xFFFFD800  }
0x53: {  	[tilespmem:s22], [sflag:$0x3] =	stream.linear.gather [spmem:s11], $0x2800, $0x38;
	[tilespmem:$0x19C00] =	vst v63  }
0x54: {  	_ =	swait.ge [sflag:s23], $0x2800  }
0x55: {  	[sflag:s23] =	ssyncset.done $0x0  }
0x56: {  	s30 =	sadd.s32 $0x1, s30;
	s31 =	sadd.s32 s31, s18;
	[sflag:s23] =	ssyncadd.s32 $0xFFFFD800  }
0x57: {  	[hbm4b:s31+s2] =	stream.linear.scatter [tilespmem:s22], [sflag:$0x1], $0x2800, $0x38;
	[tilespmem:$0x19C00] =	vst v63  }
0x58: {  	p1 =	sne.s32 s30, s21;
	_ =	swait.ge [sflag:s29], $0x2800  }
.Ltmp1:
0x59: {  	[sflag:s29] =	ssyncset.done $0x0;
	(pc) =	sbr.rel @!p1 .LBB2_12-.Ltmp1, $4  }
0x5a: {  	[sflag:s29] =	ssyncadd.s32 $0xFFFFD800  }
0x5b: {  	_ =	swait.ge [sflag:s28], $0x2800  }
0x5c: {  	[sflag:s28] =	ssyncset.done $0x0  }
0x5d: {  	[sflag:s28] =	ssyncadd.s32 $0xFFFFD800  }
.LBB2_1:
0x5e: {  	s0 =	simm.s32 $0x140;
	s31 =	simm.s32 $0x0  }
.LBB2_2:
0x5f: {  	p1 =	sne.s32 s0, $0x9EC0;
	[tilespmem:s31+$0x8440] =	vst v0;
	s3 =	smov.u32 s0;
	s0 =	sadd.s32 $0x140, s0  }
.Ltmp2:
0x60: {  	[tilespmem:s31+$0x8430] =	vst v0;
	(pc) =	sbr.rel @p1 .LBB2_2-.Ltmp2, $4  }
0x61: {  	[tilespmem:s31+$0x8420] =	vst v0  }
0x62: {  	[tilespmem:s31+$0x8400] =	vst v0  }
0x63: {  	[tilespmem:s31+$0x8410] =	vst v0  }
0x64: {  	s31 =	sshra.s32 s3, $0x2  }
0x65: {  	[tilespmem:s31+$0x8440] =	vst v0  }
0x66: {  	[tilespmem:s31+$0x8430] =	vst v0  }
0x67: {  	[tilespmem:s31+$0x8420] =	vst v0  }
0x68: {  	[tilespmem:s31+$0x8400] =	vst v0  }
0x69: {  	[tilespmem:s31+$0x8410] =	vst v0  }
0x6a: {  	[spmem:s7] =	stream.linear.scatter [tilespmem:s22], [sflag:$0x3], $0x2800, $0x38;
	[tilespmem:$0x19C00] =	vst v63  }
0x6b: {  	_ =	swait.ge [sflag:s23], $0x2800  }
0x6c: {  	[sflag:s23] =	ssyncset.done $0x0  }
0x6d: {  	[sflag:s23] =	ssyncadd.s32 $0xFFFFD800  }
0x6e: {  	[spmem:s8] =	stream.linear.scatter [tilespmem:s22], [sflag:$0x3], $0x2800, $0x38;
	[tilespmem:$0x19C00] =	vst v63  }
0x6f: {  	_ =	swait.ge [sflag:s23], $0x2800  }
0x70: {  	[sflag:s23] =	ssyncset.done $0x0  }
0x71: {  	[sflag:s23] =	ssyncadd.s32 $0xFFFFD800  }
0x72: {  	[spmem:s9] =	stream.linear.scatter [tilespmem:s22], [sflag:$0x3], $0x2800, $0x38;
	[tilespmem:$0x19C00] =	vst v63  }
0x73: {  	_ =	swait.ge [sflag:s23], $0x2800  }
0x74: {  	[sflag:s23] =	ssyncset.done $0x0  }
0x75: {  	[sflag:s23] =	ssyncadd.s32 $0xFFFFD800  }
0x76: {  	[spmem:s10] =	stream.linear.scatter [tilespmem:s22], [sflag:$0x3], $0x2800, $0x38;
	[tilespmem:$0x19C00] =	vst v63  }
0x77: {  	_ =	swait.ge [sflag:s23], $0x2800  }
0x78: {  	[sflag:s23] =	ssyncset.done $0x0  }
.Ltmp3:
0x79: {  	[sflag:s23] =	ssyncadd.s32 $0xFFFFD800;
	(pc) =	sbr.rel @p0 .LBB2_8-.Ltmp3, $4  }
0x7a: {  	[spmem:s11] =	stream.linear.scatter [tilespmem:s22], [sflag:$0x3], $0x2800, $0x38;
	[tilespmem:$0x19C00] =	vst v63  }
0x7b: {  	_ =	swait.ge [sflag:s23], $0x2800  }
0x7c: {  	[sflag:s23] =	ssyncset.done $0x0  }
0x7d: {  	s0 =	simm.s32 $0x0;
	[sflag:s23] =	ssyncadd.s32 $0xFFFFD800  }
0x7e: {  	[tilespmem:s0], [sflag:$0x3] =	stream.linear.gather [hbm4b:s19+s0], $0x4200, $0x38;
	[tilespmem:$0x19C00] =	vst v63  }
0x7f: {  	_ =	swait.ge [sflag:s23], $0x4200  }
0x80: {  	[sflag:s23] =	ssyncset.done $0x0  }
0x81: {  	p2 =	por $0x0, $0x0;
	[sflag:s23] =	ssyncadd.s32 $0xFFFFBE00  }
0x82: {  	[tilespmem:s24], [sflag:$0x3] =	stream.linear.gather [hbm4b:s20+s0], $0x4200, $0x38;
	[tilespmem:$0x19C00] =	vst v63  }
.Ltmp4:
0x83: {  	_ =	swait.ge [sflag:s23], $0x4200;
	(pc) =	sbr.rel @p2 .LBB2_7-.Ltmp4, $4  }
0x84: {  	[sflag:s23] =	ssyncset.done $0x0  }
0x85: {  	[sflag:s23] =	ssyncadd.s32 $0xFFFFBE00  }
0x86: {  	s31 =	simm.s32 $0x0;
	p1 =	por $0x0, $0x0;
	[bflag:$0x0] =	sbarrier.arrive $0xFFFF  }
0x87: {  	[tilespmem:s22], [sflag:$0x1] =	stream.indirect.gather [hbm4b:s4+s25], $0x50, s0, s25, $0xb8;
	[tilespmem:$0x19C00] =	vst v63  }
0x88: {  	s0 =	simm.s32 $0x80  }
0x89: {  	[tilespmem:s26], [sflag:$0x2] =	stream.indirect.gather [hbm4b:s4+s25], $0x50, s0, s25, $0xb8;
	[tilespmem:$0x19C00] =	vst v63  }
0x8a: {  	_ =	swait.ge [sflag:s28], $0x2800  }
0x8b: {  	[sflag:s28] =	ssyncset.done $0x0  }
0x8c: {  	s3 =	simm.s32 $0x4200;
	[sflag:s28] =	ssyncadd.s32 $0xFFFFD800  }
0x8d: {  	[spmem:s1] =	stream.indirect.scatter.add.f32 [tilespmem:s22], [sflag:$0x3], $0x50, s3, s25, $0xb8;
	[tilespmem:$0x19C00] =	vst v63  }
0x8e: {  	_ =	swait.ge [sflag:s23], $0x2800  }
0x8f: {  	[sflag:s23] =	ssyncset.done $0x0  }
0x90: {  	s5 =	simm.s32 $0x100;
	[sflag:s23] =	ssyncadd.s32 $0xFFFFD800  }
0x91: {  	[tilespmem:s22], [sflag:$0x1] =	stream.indirect.gather [hbm4b:s4+s25], $0x50, s5, s25, $0xb8;
	[tilespmem:$0x19C00] =	vst v63  }
0x92: {  	p2 =	por $0x0, $0x0;
	_ =	swait.ge [sflag:s29], $0x2800  }
.Ltmp5:
0x93: {  	[sflag:s29] =	ssyncset.done $0x0;
	(pc) =	sbr.rel @p2 .LBB2_7-.Ltmp5, $4  }
0x94: {  	s6 =	simm.s32 $0x4280;
	[sflag:s29] =	ssyncadd.s32 $0xFFFFD800  }
0x95: {  	[spmem:s1] =	stream.indirect.scatter.add.f32 [tilespmem:s26], [sflag:$0x3], $0x50, s6, s25, $0xb8;
	[tilespmem:$0x19C00] =	vst v63  }
0x96: {  	s31 =	simm.s32 $0x100;
	_ =	swait.ge [sflag:s23], $0x2800  }
0x97: {  	p1 =	por $0x1, $0x1;
	s0 =	simm.s32 $0x800;
	[sflag:s23] =	ssyncset.done $0x0  }
.LBB2_6:
0x98: {  	s3 =	sadd.s32 $0x80, s31  }
0x99: {  	[sflag:s23] =	ssyncadd.s32 $0xFFFFD800;
	s5 =	smov.u32 s0;
	s6 =	sadd.s32 $0x400, s0  }
0x9a: {  	[tilespmem:s26], [sflag:$0x2] =	stream.indirect.gather [hbm4b:s4+s25], $0x50, s3, s25, $0xb8;
	[tilespmem:$0x19C00] =	vst v63  }
0x9b: {  	p2 =	seq.s32 s0, $0x10000;
	_ =	swait.ge [sflag:s28], $0x2800  }
0x9c: {  	[sflag:s28] =	ssyncset.done $0x0  }
0x9d: {  	s0 =	sadd.s32 $0x4200, s31;
	[sflag:s28] =	ssyncadd.s32 $0xFFFFD800  }
0x9e: {  	[spmem:s1] =	stream.indirect.scatter.add.f32 [tilespmem:s22], [sflag:$0x3], $0x50, s0, s25, $0xb8;
	[tilespmem:$0x19C00] =	vst v63  }
0x9f: {  	_ =	swait.ge [sflag:s23], $0x2800  }
0xa0: {  	[sflag:s23] =	ssyncset.done $0x0  }
0xa1: {  	s0 =	sadd.s32 $0x100, s31;
	[sflag:s23] =	ssyncadd.s32 $0xFFFFD800  }
0xa2: {  	[tilespmem:s22], [sflag:$0x1] =	stream.indirect.gather [hbm4b:s4+s25], $0x50, s0, s25, $0xb8;
	[tilespmem:$0x19C00] =	vst v63  }
0xa3: {  	_ =	swait.ge [sflag:s29], $0x2800  }
.Ltmp6:
0xa4: {  	[sflag:s29] =	ssyncset.done $0x0;
	(pc) =	sbr.rel @!p2 .LBB2_6-.Ltmp6, $4  }
0xa5: {  	s0 =	sadd.s32 $0x4280, s31;
	[sflag:s29] =	ssyncadd.s32 $0xFFFFD800  }
0xa6: {  	[spmem:s1] =	stream.indirect.scatter.add.f32 [tilespmem:s26], [sflag:$0x3], $0x50, s0, s25, $0xb8;
	[tilespmem:$0x19C00] =	vst v63  }
0xa7: {  	_ =	swait.ge [sflag:s23], $0x2800  }
0xa8: {  	s31 =	sshra.s32 s5, $0x2;
	s0 =	smov.u32 s6;
	[sflag:s23] =	ssyncset.done $0x0  }
.Ltmp7:
0xa9: {  	_ = 	snop;
	(pc) =	sbr.rel .LBB2_7-.Ltmp7, $1  }
0xaa: {  	_ =	sdelay $0x3  }
.LBB2_8:
0xab: {  	[tilespmem:s0], [sflag:$0x3] =	stream.linear.gather [hbm4b:s12+s0], $0xE00, $0x38;
	[tilespmem:$0x19C00] =	vst v63  }
0xac: {  	_ =	swait.ge [sflag:s23], $0xE00  }
0xad: {  	[sflag:s23] =	ssyncset.done $0x0  }
0xae: {  	[sflag:s23] =	ssyncadd.s32 $0xFFFFF200  }
0xaf: {  	[tilespmem:s24], [sflag:$0x3] =	stream.linear.gather [hbm4b:s13+s0], $0xE00, $0x38;
	[tilespmem:$0x19C00] =	vst v63  }
0xb0: {  	_ =	swait.ge [sflag:s23], $0xE00  }
0xb1: {  	[sflag:s23] =	ssyncset.done $0x0  }
0xb2: {  	[sflag:s23] =	ssyncadd.s32 $0xFFFFF200  }
0xb3: {  	[bflag:$0x0] =	sbarrier.arrive $0xFFFF  }
0xb4: {  	[tilespmem:s22], [sflag:$0x1] =	stream.indirect.gather [hbm4b:s4+s25], $0x50, s0, s25, $0xb8;
	[tilespmem:$0x19C00] =	vst v63  }
0xb5: {  	s6 =	simm.s32 $0x80  }
0xb6: {  	[tilespmem:s26], [sflag:$0x2] =	stream.indirect.gather [hbm4b:s4+s25], $0x50, s6, s25, $0xb8;
	[tilespmem:$0x19C00] =	vst v63  }
0xb7: {  	_ =	swait.ge [sflag:s28], $0x2800  }
0xb8: {  	[sflag:s28] =	ssyncset.done $0x0  }
0xb9: {  	s3 =	simm.s32 $0x4200;
	[sflag:s28] =	ssyncadd.s32 $0xFFFFD800  }
0xba: {  	[spmem:s1] =	stream.indirect.scatter.add.f32 [tilespmem:s22], [sflag:$0x3], $0x50, s3, s25, $0xb8;
	[tilespmem:$0x19C00] =	vst v63  }
0xbb: {  	_ =	swait.ge [sflag:s23], $0x2800  }
0xbc: {  	[sflag:s23] =	ssyncset.done $0x0  }
0xbd: {  	s5 =	simm.s32 $0x100;
	[sflag:s23] =	ssyncadd.s32 $0xFFFFD800  }
0xbe: {  	[tilespmem:s22], [sflag:$0x1] =	stream.indirect.gather [hbm4b:s4+s25], $0x50, s5, s25, $0xb8;
	[tilespmem:$0x19C00] =	vst v63  }
0xbf: {  	_ =	swait.ge [sflag:s29], $0x2800  }
0xc0: {  	[sflag:s29] =	ssyncset.done $0x0  }
0xc1: {  	s6 =	simm.s32 $0x4280;
	[sflag:s29] =	ssyncadd.s32 $0xFFFFD800  }
0xc2: {  	[spmem:s1] =	stream.indirect.scatter.add.f32 [tilespmem:s26], [sflag:$0x3], $0x50, s6, s25, $0xb8;
	[tilespmem:$0x19C00] =	vst v63  }
0xc3: {  	_ =	swait.ge [sflag:s23], $0x2800  }
0xc4: {  	s31 =	simm.s32 $0x100;
	s0 =	simm.s32 $0x800;
	[sflag:s23] =	ssyncset.done $0x0  }
.LBB2_9:
0xc5: {  	s3 =	sadd.s32 $0x80, s31  }
0xc6: {  	[sflag:s23] =	ssyncadd.s32 $0xFFFFD800;
	s5 =	smov.u32 s0;
	s6 =	sadd.s32 $0x400, s0  }
0xc7: {  	[tilespmem:s26], [sflag:$0x2] =	stream.indirect.gather [hbm4b:s4+s25], $0x50, s3, s25, $0xb8;
	[tilespmem:$0x19C00] =	vst v63  }
0xc8: {  	p1 =	sne.s32 s0, $0x3000;
	_ =	swait.ge [sflag:s28], $0x2800  }
0xc9: {  	[sflag:s28] =	ssyncset.done $0x0  }
0xca: {  	s0 =	sadd.s32 $0x4200, s31;
	[sflag:s28] =	ssyncadd.s32 $0xFFFFD800  }
0xcb: {  	[spmem:s1] =	stream.indirect.scatter.add.f32 [tilespmem:s22], [sflag:$0x3], $0x50, s0, s25, $0xb8;
	[tilespmem:$0x19C00] =	vst v63  }
0xcc: {  	_ =	swait.ge [sflag:s23], $0x2800  }
0xcd: {  	[sflag:s23] =	ssyncset.done $0x0  }
0xce: {  	s0 =	sadd.s32 $0x100, s31;
	[sflag:s23] =	ssyncadd.s32 $0xFFFFD800  }
0xcf: {  	[tilespmem:s22], [sflag:$0x1] =	stream.indirect.gather [hbm4b:s4+s25], $0x50, s0, s25, $0xb8;
	[tilespmem:$0x19C00] =	vst v63  }
0xd0: {  	_ =	swait.ge [sflag:s29], $0x2800  }
.Ltmp8:
0xd1: {  	[sflag:s29] =	ssyncset.done $0x0;
	(pc) =	sbr.rel @p1 .LBB2_9-.Ltmp8, $4  }
0xd2: {  	s0 =	sadd.s32 $0x4280, s31;
	[sflag:s29] =	ssyncadd.s32 $0xFFFFD800  }
0xd3: {  	[spmem:s1] =	stream.indirect.scatter.add.f32 [tilespmem:s26], [sflag:$0x3], $0x50, s0, s25, $0xb8;
	[tilespmem:$0x19C00] =	vst v63  }
0xd4: {  	_ =	swait.ge [sflag:s23], $0x2800  }
0xd5: {  	s31 =	sshra.s32 s5, $0x2;
	s0 =	smov.u32 s6;
	[sflag:s23] =	ssyncset.done $0x0  }
0xd6: {  	s0 =	sadd.s32 $0x80, s31;
	[sflag:s23] =	ssyncadd.s32 $0xFFFFD800  }
0xd7: {  	[tilespmem:s26], [sflag:$0x2] =	stream.indirect.gather [hbm4b:s4+s25], $0x50, s0, s25, $0xb8;
	[tilespmem:$0x19C00] =	vst v63  }
0xd8: {  	_ =	swait.ge [sflag:s28], $0x2800  }
0xd9: {  	[sflag:s28] =	ssyncset.done $0x0  }
0xda: {  	s3 =	sadd.s32 $0x4200, s31;
	[sflag:s28] =	ssyncadd.s32 $0xFFFFD800  }
0xdb: {  	[spmem:s1] =	stream.indirect.scatter.add.f32 [tilespmem:s22], [sflag:$0x3], $0x50, s3, s25, $0xb8;
	[tilespmem:$0x19C00] =	vst v63  }
0xdc: {  	_ =	swait.ge [sflag:s23], $0x2800  }
0xdd: {  	[sflag:s23] =	ssyncset.done $0x0  }
0xde: {  	s5 =	sadd.s32 $0x100, s31;
	[sflag:s23] =	ssyncadd.s32 $0xFFFFD800  }
0xdf: {  	[tilespmem:s22], [sflag:$0x1] =	stream.indirect.gather [hbm4b:s4+s25], $0x50, s5, s25, $0xb8;
	[tilespmem:$0x19C00] =	vst v63  }
0xe0: {  	_ =	swait.ge [sflag:s29], $0x2800  }
0xe1: {  	[sflag:s29] =	ssyncset.done $0x0  }
.Ltmp9:
0xe2: {  	s6 =	sadd.s32 $0x4280, s31;
	[sflag:s29] =	ssyncadd.s32 $0xFFFFD800;
	(pc) =	sbr.rel .LBB2_11-.Ltmp9, $4  }
0xe3: {  	[spmem:s1] =	stream.indirect.scatter.add.f32 [tilespmem:s26], [sflag:$0x3], $0x50, s6, s25, $0xb8;
	[tilespmem:$0x19C00] =	vst v63  }
0xe4: {  	_ =	swait.ge [sflag:s23], $0x2800  }
0xe5: {  	s0 =	simm.s32 $0x4F80;
	s3 =	simm.s32 $0x4F00;
	[sflag:s23] =	ssyncset.done $0x0  }
0xe6: {  	s5 =	simm.s32 $0xD80;
	s31 =	rddreg [dreg:$0x5];
	[sflag:s23] =	ssyncadd.s32 $0xFFFFD800  }
.LBB2_12:
0xe7: {  	_ =	sfence.sel $0x180000  }
0xe8: {  	[bflag:$0x0] =	sbarrier.arrive $0xFFFF  }
0xe9: {  	_ =	strace $0x9000004D  }
0xea: {  	s0 =	stileid.u32;
	[bflag:$0x2] =	sbarrier.arrive $0xFFFF  }
0xeb: {  	p0 =	sne.s32 s0, $0x0;
	s0 =	rddreg [dreg:$0x3]  }
0xec: {  	s0 =	sadd.s32 @!p0 $0x100000, s0  }
0xed: {  	[sflag:s0] =	ssyncadd.tile.s32 @!p0 $0x1;
	_ =	shalt  }
.Lfunc_end2:
_tile_overlayer_lowered:
.L_overlay_start_2:
0xee: {  	(tag) =	ssettag $0x2  }
0xef: {  	s0 =	rddreg [dreg:$0x0];
	s2 =	stileid.u32  }
0xf0: {  	s1 =	rddreg [dreg:$0x1];
	p0 =	sne.s32 s2, $0x0  }
0xf1: {  	s3 =	rddreg [dreg:$0x2];
	[bflag:$0x3] =	sbarrier.arrive $0xFFFF;
	s2 =	simm.s32 @!p0 $0x1C03  }
0xf2: {  	[timem:s3], [sflag:s2] =	dma.local @!p0 [hbm:s0], s1  }
0xf3: {  	s0 =	simm.s32 @!p0 $0x3  }
0xf4: {  	_ =	swait.ge @!p0 [sflag:s0], s1  }
0xf5: {  	s1 =	ssub.s32 @!p0 $0x0, s1;
	[sflag:s0] =	ssyncset.done @!p0 $0x0  }
0xf6: {  	[sflag:s0] =	ssyncadd.s32 @!p0 s1  }
0xf7: {  	[bflag:$0x3] =	sbarrier.arrive $0xFFFF  }
0xf8: {  	_ =	shalt  }

// kernel: kernel.19.cloned.1.call-start
scs
__scs_entry_jumppad:
0x0: {  	(pc) =	sbr.rel $0x88, $3  }
0x1: {  	(tag) =	ssettag $0x0;
	lr =	simm.s32 $0x1  }
0x2: {  	[smem:$0x3F99] =	sst lr;
	_ =	strace $0xD0000000  }
0x3: {  	_ = 	snop  }
0x4: {  	_ = 	snop  }
0x5: {  	_ = 	snop  }
0x6: {  	_ = 	snop  }
0x7: {  	_ = 	snop  }
__scs_overlays_trampoline_lowered:
0x8: {  	[smem:$0x3FA8] =	sst s0  }
0x9: {  	[smem:$0x3FA9] =	sst s1  }
0xa: {  	[smem:$0x3FAA] =	sst s2  }
0xb: {  	[smem:$0x3FAB] =	sst s3  }
0xc: {  	[smem:$0x3FAC] =	sst s4  }
0xd: {  	[smem:$0x3FAD] =	sst s5  }
0xe: {  	[smem:$0x3FAE] =	sst s6  }
0xf: {  	[smem:$0x3FAF] =	sst s7  }
0x10: {  	[smem:$0x3FB0] =	sst s8  }
0x11: {  	[smem:$0x3FB1] =	sst s9;
	s0 =	simm.s32 @!p0 $0x0  }
0x12: {  	s1 =	sld [smem:$0x3F97];
	s0 =	simm.s32 @p0 $0x1  }
0x13: {  	[smem:$0x3FB2] =	sst s0;
	s0 =	simm.s32 @!p1 $0x0  }
0x14: {  	s2 =	sld [smem:$0x3F96];
	s0 =	simm.s32 @p1 $0x1  }
0x15: {  	[smem:$0x3FB3] =	sst s0;
	s0 =	simm.s32 @!p2 $0x0  }
0x16: {  	s3 =	sld [smem:$0x3FDB];
	s0 =	simm.s32 @p2 $0x1  }
0x17: {  	s4 =	simm.s32 $0x1BF5;
	[smem:$0x3FB5] =	sst s0  }
0x18: {  	s0 =	sld [smem:$0x3F98];
	_ =	swait.ge [sflag:s4], $0x0  }
0x19: {  	s7 =	sld [smem:$0x3F99]  }
0x1a: {  	s8 =	sadd.s32 $0xFFFFE003, lr  }
0x1b: {  	s9 =	sadd.s32 $0xFFFFFEF7, lr;
	s5 =	simm.s32 $0xFFFFFFFF;
	p2 =	slt.u32 s8, $0xFFFFF086  }
0x1c: {  	p1 =	slt.u32 s9, $0xF7A;
	s5 =	simm.s32 @!p2 $0x0  }
0x1d: {  	s5 =	simm.s32 @p1 $0x1;
	p0 =	seq.s32 s7, s2  }
0x1e: {  	s7 =	smul.u32 @!p0 $0xF7A, s2;
	p2 =	seq.s32 @!p0 s5, $0x0  }
0x1f: {  	s9 =	smul.u32 $0xF7A, s1;
	s8 =	simm.s32 @!p0 $0x1BF5;
	p2 =	por !p2, p0  }
0x20: {  	[sflag:s8] =	ssyncset.s32 @!p0 $0xFFFFF086;
	s6 =	sadd.s32 @!p0 s3, s7;
	s7 =	simm.s32 @!p0 $0x108  }
0x21: {  	s3 =	sadd.s32 s3, s9;
	s6 =	sadd.s32 @!p0 $0x88, s6;
	s7 =	simm.s32 @p2 $0x1082  }
0x22: {  	[simem:s7], [sflag:s8] =	dma.local @!p0 [hbm:s6], $0xF7A  }
0x23: {  	s9 =	sor.u32 $0xD0000000, s2;
	s6 =	simm.s32 $0x108;
	_ =	swait.ge @!p0 [sflag:s8], $0x0  }
0x24: {  	s3 =	sadd.s32 $0x88, s3;
	s6 =	simm.s32 @!p1 $0x1082;
	[sflag:s4] =	ssyncset.s32 $0xFFFFF086  }
0x25: {  	[simem:s6], [sflag:s4] =	dma.local [hbm:s3], $0xF7A  }
0x26: {  	[smem:$0x3F99] =	sst s1;
	(tag) =	ssettag s2;
	_ =	strace s9  }
0x27: {  	s1 =	sld [smem:$0x3FA9]  }
0x28: {  	s2 =	sld [smem:$0x3FAA]  }
0x29: {  	s4 =	sld [smem:$0x3FAC]  }
0x2a: {  	p0 =	seq.s32 s5, $0x0;
	s5 =	sld [smem:$0x3FAD]  }
0x2b: {  	s6 =	sld [smem:$0x3FAE]  }
0x2c: {  	s7 =	sld [smem:$0x3FAF]  }
0x2d: {  	s3 =	simm.s32 $0x108;
	s8 =	sld [smem:$0x3FB0]  }
0x2e: {  	s3 =	simm.s32 @!p0 $0x1082;
	s9 =	sld [smem:$0x3FB1]  }
0x2f: {  	lr =	sadd.s32 s0, s3;
	s0 =	sld [smem:$0x3FA8]  }
0x30: {  	s3 =	sld [smem:$0x3FAB]  }
0x31: {  	[smem:$0x3FB4] =	sst s10  }
0x32: {  	s10 =	sld [smem:$0x3FB2];
	_ =	sdelay $0x3  }
0x33: {  	p0 =	seq.s32 s10, $0x1;
	s10 =	sld [smem:$0x3FB4];
	_ =	sdelay $0x3  }
0x34: {  	[smem:$0x3FB4] =	sst s10  }
0x35: {  	s10 =	sld [smem:$0x3FB3];
	_ =	sdelay $0x3  }
0x36: {  	p1 =	seq.s32 s10, $0x1;
	s10 =	sld [smem:$0x3FB4];
	_ =	sdelay $0x3  }
0x37: {  	[smem:$0x3FB4] =	sst s10  }
0x38: {  	s10 =	sld [smem:$0x3FB5]  }
0x39: {  	_ = 	snop;
	(pc) =	sbr.ind lr, $3  }
0x3a: {  	_ = 	snop  }
0x3b: {  	_ = 	snop  }
0x3c: {  	p2 =	seq.s32 s10, $0x1;
	s10 =	sld [smem:$0x3FB4]  }
0x3d: {  	_ =	shalt  }
0x3e: {  	_ =	shalt  }
0x3f: {  	_ =	shalt  }
0x40: {  	_ =	shalt  }
0x41: {  	_ =	shalt  }
0x42: {  	_ =	shalt  }
0x43: {  	_ =	shalt  }
0x44: {  	_ =	shalt  }
0x45: {  	_ =	shalt  }
0x46: {  	_ =	shalt  }
0x47: {  	_ =	shalt  }
0x48: {  	_ =	shalt  }
0x49: {  	_ =	shalt  }
0x4a: {  	_ =	shalt  }
0x4b: {  	_ =	shalt  }
0x4c: {  	_ =	shalt  }
0x4d: {  	_ =	shalt  }
0x4e: {  	_ =	shalt  }
0x4f: {  	_ =	shalt  }
0x50: {  	_ =	shalt  }
0x51: {  	_ =	shalt  }
0x52: {  	_ =	shalt  }
0x53: {  	_ =	shalt  }
0x54: {  	_ =	shalt  }
0x55: {  	_ =	shalt  }
0x56: {  	_ =	shalt  }
0x57: {  	_ =	shalt  }
0x58: {  	_ =	shalt  }
0x59: {  	_ =	shalt  }
0x5a: {  	_ =	shalt  }
0x5b: {  	_ =	shalt  }
0x5c: {  	_ =	shalt  }
0x5d: {  	_ =	shalt  }
0x5e: {  	_ =	shalt  }
0x5f: {  	_ =	shalt  }
0x60: {  	_ =	shalt  }
0x61: {  	_ =	shalt  }
0x62: {  	_ =	shalt  }
0x63: {  	_ =	shalt  }
0x64: {  	_ =	shalt  }
0x65: {  	_ =	shalt  }
0x66: {  	_ =	shalt  }
0x67: {  	_ =	shalt  }
0x68: {  	_ =	shalt  }
0x69: {  	_ =	shalt  }
0x6a: {  	_ =	shalt  }
0x6b: {  	_ =	shalt  }
0x6c: {  	_ =	shalt  }
0x6d: {  	_ =	shalt  }
0x6e: {  	_ =	shalt  }
0x6f: {  	_ =	shalt  }
0x70: {  	_ =	shalt  }
0x71: {  	_ =	shalt  }
0x72: {  	_ =	shalt  }
0x73: {  	_ =	shalt  }
0x74: {  	_ =	shalt  }
0x75: {  	_ =	shalt  }
0x76: {  	_ =	shalt  }
0x77: {  	_ =	shalt  }
0x78: {  	_ =	shalt  }
0x79: {  	_ =	shalt  }
0x7a: {  	_ =	shalt  }
0x7b: {  	_ =	shalt  }
0x7c: {  	_ =	shalt  }
0x7d: {  	_ =	shalt  }
0x7e: {  	_ =	shalt  }
0x7f: {  	_ =	shalt  }
0x80: {  	_ =	shalt  }
0x81: {  	_ =	shalt  }
0x82: {  	_ =	shalt  }
0x83: {  	_ =	shalt  }
0x84: {  	_ =	shalt  }
0x85: {  	_ =	shalt  }
0x86: {  	_ =	shalt  }
0x87: {  	_ =	shalt  }
.Lfunc_end0:
.L_simem_size_0:
called_computation.3_lowered:
.L_overlay_start_0:
0x88: {  	s2 =	sld [smem:$0x3FD9]  }
0x89: {  	s3 =	sld [smem:$0x3FFE];
	_ =	sdelay $0x1  }
0x8a: {  	s1 =	srdreg.scid  }
0x8b: {  	s0 =	sand.u32 $0x1, s1  }
0x8c: {  	s17 =	sshll.u32 s0, $0xA;
	s2 =	sadd.s32 s3, s2  }
0x8d: {  	s2 =	sadd.s32 s2, s17  }
0x8e: {  	[smem:$0x3FC0] =	sst s2  }
0x8f: {  	_ = 	snop  }
0x90: {  	s2 =	sld [smem:$0x3FD0];
	(tm) =	ssettm $0x1  }
0x91: {  	s18 =	sld [smem:$0x3FFB];
	_ =	sdelay $0x3  }
0x92: {  	_ =	strace s18  }
0x93: {  	s3 =	sld [smem:$0x3FFC];
	_ =	sdelay $0x3  }
0x94: {  	_ =	strace s3  }
0x95: {  	s3 =	sld [smem:$0x3FFD];
	_ =	sdelay $0x3  }
0x96: {  	_ =	strace s3  }
0x97: {  	_ =	strace $0x8FFFFFFF  }
0x98: {  	s19 =	sld [smem:$0x3FDB];
	_ =	sdelay $0x1  }
0x99: {  	s4 =	simm.s32 $_scs_section_size  }
0x9a: {  	s5 =	simm.s32 $_size__tile_overlayer_lowered;
	s6 =	simm.s32 $_tile_overlayer_lowered  }
0x9b: {  	s22 =	simm.s32 $0x1BFF;
	s21 =	sshll.u32 s6, $0x1;
	s3 =	sadd.s32 s4, s19  }
0x9c: {  	s7 =	simm.s32 $0x0;
	s20 =	sshll.u32 s5, $0x1;
	s5 =	sadd.s32 s21, s3  }
0x9d: {  	[timem:s7], [sflag:s22] =	dma.local [hbm:s5], s20  }
0x9e: {  	_ =	swait.ge [sflag:s22], s20  }
0x9f: {  	s4 =	ssub.s32 $0x0, s20;
	[sflag:s22] =	ssyncset.done $0x0  }
0xa0: {  	[sflag:s22] =	ssyncadd.s32 s4;
	_ =	sdelay $0x1  }
0xa1: {  	s23 =	simm.s32 $0x1B8B  }
0xa2: {  	_ =	swait.ge [sflag:s23], $0x1  }
0xa3: {  	[sflag:s23] =	ssyncset.done $0x0  }
0xa4: {  	s25 =	simm.s32 $0x1B8E;
	s24 =	sld [smem:$0x3FFE];
	[sflag:s23] =	ssyncadd.s32 $0xFFFFFFFF  }
0xa5: {  	s26 =	simm.s32 $execute0_lowered;
	[smem:$0x3FD2] =	sst s25  }
0xa6: {  	s5 =	sshll.u32 s26, $0x1;
	_ =	strace $0x8000004F;
	[dreg:$0x1] =	wrdreg $0xFFFFFFFF  }
0xa7: {  	s28 =	simm.s32 $_size_execute0_lowered;
	s3 =	sadd.s32 s3, s5;
	[dreg:$0x0] =	wrdreg $0x0  }
0xa8: {  	s5 =	sshll.u32 s28, $0x1;
	[dreg:$0x2] =	wrdreg s3  }
0xa9: {  	[dreg:$0x3] =	wrdreg s5  }
0xaa: {  	[dreg:$0x4] =	wrdreg $0xC0  }
0xab: {  	_ =	task [dreg:s7], $0x5FFFF  }
0xac: {  	[dreg:$0x1] =	wrdreg $0xFFFFFFFF  }
0xad: {  	[dreg:$0x0] =	wrdreg $0x60  }
0xae: {  	[dreg:$0x2] =	wrdreg s24  }
0xaf: {  	[dreg:$0x3] =	wrdreg s2  }
0xb0: {  	[dreg:$0x4] =	wrdreg $0xB6000  }
0xb1: {  	[dreg:$0x5] =	wrdreg $0x9  }
0xb2: {  	_ =	task.clear_ibuf [dreg:s7], $0x6FFFF;
	_ =	strace $0x9000004F  }
0xb3: {  	s29 =	simm.s32 $0x9;
	_ =	strace $0x80000051  }
0xb4: {  	_ =	swait.ge [sflag:s29], $0x1  }
0xb5: {  	[sflag:s29] =	ssyncadd.s32 $0xFFFFFFFF  }
0xb6: {  	_ =	strace $0x90000051  }
0xb7: {  	_ =	sfence  }
0xb8: {  	s30 =	sld [smem:$0x0];
	_ =	sdelay $0x2  }
0xb9: {  	s31 =	sshll.u32 s1, $0xD;
	s1 =	sshrl.u32 s1, $0x2  }
0xba: {  	s3 =	sand.u32 $0x4000, s31;
	s1 =	sadd.s32 s1, s30  }
0xbb: {  	s0 =	sor.u32 s3, s0;
	s1 =	sshll.u32 s1, $0x11  }
0xbc: {  	s0 =	sor.u32 s1, s0  }
0xbd: {  	s0 =	sadd.s32 $0x8F2B, s0  }
0xbe: {  	[sflag:s0] =	ssyncadd.remote.s32 $0x1  }
0xbf: {  	_ =	sfence.sel $0xFFFF  }
0xc0: {  	[dreg:$0x0] =	wrdreg $0xFFFFFFFF;
	(pc) =	sbr.abs _section_cstart, $3  }
0xc1: {  	[dreg:$0x1] =	wrdreg $0xFFFFFFFF  }
0xc2: {  	_ =	task.clear_ibuf [dreg:s7], $0x2FFFF;
	_ =	strace $0x9FFFFFFF  }
0xc3: {  	(tm) =	ssettm $0x7FFFFFFF  }
tec
execute0_lowered:
.L_overlay_start_1:
0x0: {  	(tag) =	ssettag $0x1  }
0x1: {  	s0 =	rddreg [dreg:$0x0]  }
0x2: {  	s3 =	rddreg [dreg:$0x1]  }
0x3: {  	s1 =	rddreg [dreg:$0x2];
	s2 =	simm.s32 $0x0  }
0x4: {  	s5 =	srdreg.scid;
	s6 =	stileid.u32;
	s22 =	simm.s32 $0x7600  }
0x5: {  	s23 =	simm.s32 $0x3;
	s24 =	simm.s32 $0x3B00;
	s25 =	simm.s32 $0x80  }
0x6: {  	s26 =	simm.s32 $0x9600;
	s28 =	simm.s32 $0x1;
	s29 =	simm.s32 $0x2  }
0x7: {  	s30 =	simm.s32 $0x0;
	[smem:$0x7FF] =	sst s2;
	s4 =	sadd.s32 $0x17200, s0  }
0x8: {  	s5 =	sand.u32 $0x1, s5;
	s19 =	sadd.s32 $0xD200, s0;
	s14 =	smul.u32 $0xA000, s6  }
0x9: {  	s8 =	sadd.s32 $0x3F200, s0;
	s0 =	sadd.s32 $0x2B200, s0;
	s10 =	smul.u32 $0x1500, s6  }
0xa: {  	s20 =	smul.u32 $0x760, s6;
	_ =	strace $0x80000050;
	[dreg:$0x4] =	wrdreg s8  }
0xb: {  	s7 =	ssub.s32 $0x2, s5;
	[dreg:$0x5] =	wrdreg s0;
	p0 =	sne.s32 s5, $0x0  }
0xc: {  	s31 =	sshrl.u32 s7, $0x1;
	s15 =	sadd.s32 $0x2000, s14;
	s16 =	sadd.s32 $0x4000, s14  }
0xd: {  	s17 =	sadd.s32 $0x6000, s14;
	s11 =	sshrl.u32 s10, $0x3;
	s18 =	sadd.s32 $0x8000, s14  }
0xe: {  	s0 =	ssub.s32 s7, s31;
	s7 =	sadd.s32 s14, s1;
	s8 =	sadd.s32 s15, s1  }
.Ltmp0:
0xf: {  	s9 =	sadd.s32 s16, s1;
	s10 =	sadd.s32 s17, s1;
	(pc) =	sbr.rel .LBB2_1-.Ltmp0, $4  }
0x10: {  	s13 =	sadd.s32 $0x7600, s11;
	s11 =	sadd.s32 s18, s1;
	s14 =	sshrl.u32 s14, $0x3  }
0x11: {  	s15 =	sshrl.u32 s15, $0x3;
	s16 =	sshrl.u32 s16, $0x3;
	s17 =	sshrl.u32 s17, $0x3  }
0x12: {  	s18 =	sshrl.u32 s18, $0x3;
	s12 =	sadd.s32 s19, s13;
	s13 =	sadd.s32 s3, s13  }
0x13: {  	v0 =	vimm.f32 $0.0e+00;
	s19 =	sadd.s32 s19, s20;
	s20 =	sadd.s32 s3, s20;
	s21 =	smax.u32 s0, $0x1  }
.LBB2_7:
0x14: {  	s0 =	sadd.s32 $0x80, s31;
	[sflag:s23] =	ssyncadd.s32 @p1 $0xFFFFE000  }
0x15: {  	[tilespmem:s26], [sflag:$0x2] =	stream.indirect.gather [hbm4b:s4+s25], $0x40, s0, s25, $0xb8;
	[tilespmem:$0x15600] =	vst v63  }
0x16: {  	_ =	swait.ge [sflag:s28], $0x2000  }
0x17: {  	[sflag:s28] =	ssyncset.done $0x0  }
0x18: {  	s3 =	sadd.s32 $0x3B00, s31;
	[sflag:s28] =	ssyncadd.s32 $0xFFFFE000  }
0x19: {  	[spmem:s1] =	stream.indirect.scatter.add.f32 [tilespmem:s22], [sflag:$0x3], $0x40, s3, s25, $0xb8;
	[tilespmem:$0x15600] =	vst v63  }
0x1a: {  	_ =	swait.ge [sflag:s23], $0x2000  }
0x1b: {  	[sflag:s23] =	ssyncset.done $0x0  }
0x1c: {  	s5 =	sadd.s32 $0x100, s31;
	[sflag:s23] =	ssyncadd.s32 $0xFFFFE000  }
0x1d: {  	[tilespmem:s22], [sflag:$0x1] =	stream.indirect.gather [hbm4b:s4+s25], $0x40, s5, s25, $0xb8;
	[tilespmem:$0x15600] =	vst v63  }
0x1e: {  	_ =	swait.ge [sflag:s29], $0x2000  }
0x1f: {  	[sflag:s29] =	ssyncset.done $0x0  }
0x20: {  	s6 =	sadd.s32 $0x3B80, s31;
	[sflag:s29] =	ssyncadd.s32 $0xFFFFE000  }
0x21: {  	[spmem:s1] =	stream.indirect.scatter.add.f32 [tilespmem:s26], [sflag:$0x3], $0x40, s6, s25, $0xb8;
	[tilespmem:$0x15600] =	vst v63  }
0x22: {  	_ =	swait.ge [sflag:s23], $0x2000  }
0x23: {  	s0 =	simm.s32 $0x7580;
	s3 =	simm.s32 $0x7500;
	[sflag:s23] =	ssyncset.done $0x0  }
0x24: {  	s5 =	simm.s32 $0x3A80;
	s31 =	rddreg [dreg:$0x4];
	[sflag:s23] =	ssyncadd.s32 $0xFFFFE000  }
.LBB2_11:
0x25: {  	[tilespmem:s26], [sflag:$0x2] =	stream.indirect.gather [hbm4b:s4+s25], $0x40, s5, s25, $0xb8;
	[tilespmem:$0x15600] =	vst v63  }
0x26: {  	_ =	swait.ge [sflag:s28], $0x2000  }
0x27: {  	[sflag:s28] =	ssyncset.done $0x0  }
0x28: {  	[sflag:s28] =	ssyncadd.s32 $0xFFFFE000  }
0x29: {  	[spmem:s1] =	stream.indirect.scatter.add.f32 [tilespmem:s22], [sflag:$0x3], $0x40, s3, s25, $0xb8;
	[tilespmem:$0x15600] =	vst v63  }
0x2a: {  	_ =	swait.ge [sflag:s23], $0x2000  }
0x2b: {  	[sflag:s23] =	ssyncset.done $0x0  }
0x2c: {  	[sflag:s23] =	ssyncadd.s32 $0xFFFFE000  }
0x2d: {  	_ =	swait.ge [sflag:s29], $0x2000  }
0x2e: {  	[sflag:s29] =	ssyncset.done $0x0  }
0x2f: {  	[sflag:s29] =	ssyncadd.s32 $0xFFFFE000  }
0x30: {  	[spmem:s1] =	stream.indirect.scatter.add.f32 [tilespmem:s26], [sflag:$0x3], $0x40, s0, s25, $0xb8;
	[tilespmem:$0x15600] =	vst v63  }
0x31: {  	_ =	swait.ge [sflag:s23], $0x2000  }
0x32: {  	[sflag:s23] =	ssyncset.done $0x0  }
0x33: {  	[sflag:s23] =	ssyncadd.s32 $0xFFFFE000  }
0x34: {  	[bflag:$0x0] =	sbarrier.arrive $0xFFFF  }
0x35: {  	[tilespmem:s22], [sflag:$0x3] =	stream.linear.gather [spmem:s7], $0x2000, $0x38;
	[tilespmem:$0x15600] =	vst v63  }
0x36: {  	_ =	swait.ge [sflag:s23], $0x2000  }
0x37: {  	[sflag:s23] =	ssyncset.done $0x0  }
0x38: {  	s6 =	sadd.s32 s31, s14;
	[sflag:s23] =	ssyncadd.s32 $0xFFFFE000  }
0x39: {  	[hbm4b:s6+s2] =	stream.linear.scatter [tilespmem:s22], [sflag:$0x1], $0x2000, $0x38;
	[tilespmem:$0x15600] =	vst v63  }
0x3a: {  	_ = 	snop  }
0x3b: {  	[tilespmem:s26], [sflag:$0x3] =	stream.linear.gather [spmem:s8], $0x2000, $0x38;
	[tilespmem:$0x15600] =	vst v63  }
0x3c: {  	_ =	swait.ge [sflag:s23], $0x2000  }
0x3d: {  	[sflag:s23] =	ssyncset.done $0x0  }
0x3e: {  	s3 =	sadd.s32 s31, s15;
	[sflag:s23] =	ssyncadd.s32 $0xFFFFE000  }
0x3f: {  	[hbm4b:s3+s2] =	stream.linear.scatter [tilespmem:s26], [sflag:$0x2], $0x2000, $0x38;
	[tilespmem:$0x15600] =	vst v63  }
0x40: {  	_ =	swait.ge [sflag:s28], $0x2000  }
0x41: {  	[sflag:s28] =	ssyncset.done $0x0  }
0x42: {  	[sflag:s28] =	ssyncadd.s32 $0xFFFFE000  }
0x43: {  	[tilespmem:s22], [sflag:$0x3] =	stream.linear.gather [spmem:s9], $0x2000, $0x38;
	[tilespmem:$0x15600] =	vst v63  }
0x44: {  	_ =	swait.ge [sflag:s23], $0x2000  }
0x45: {  	[sflag:s23] =	ssyncset.done $0x0  }
0x46: {  	s5 =	sadd.s32 s31, s16;
	[sflag:s23] =	ssyncadd.s32 $0xFFFFE000  }
0x47: {  	[hbm4b:s5+s2] =	stream.linear.scatter [tilespmem:s22], [sflag:$0x1], $0x2000, $0x38;
	[tilespmem:$0x15600] =	vst v63  }
0x48: {  	_ =	swait.ge [sflag:s29], $0x2000  }
0x49: {  	[sflag:s29] =	ssyncset.done $0x0  }
0x4a: {  	[sflag:s29] =	ssyncadd.s32 $0xFFFFE000  }
0x4b: {  	[tilespmem:s26], [sflag:$0x3] =	stream.linear.gather [spmem:s10], $0x2000, $0x38;
	[tilespmem:$0x15600] =	vst v63  }
0x4c: {  	_ =	swait.ge [sflag:s23], $0x2000  }
0x4d: {  	[sflag:s23] =	ssyncset.done $0x0  }
0x4e: {  	s6 =	sadd.s32 s31, s17;
	[sflag:s23] =	ssyncadd.s32 $0xFFFFE000  }
0x4f: {  	[hbm4b:s6+s2] =	stream.linear.scatter [tilespmem:s26], [sflag:$0x2], $0x2000, $0x38;
	[tilespmem:$0x15600] =	vst v63  }
0x50: {  	_ =	swait.ge [sflag:s28], $0x2000  }
0x51: {  	[sflag:s28] =	ssyncset.done $0x0  }
0x52: {  	[sflag:s28] =	ssyncadd.s32 $0xFFFFE000  }
0x53: {  	[tilespmem:s22], [sflag:$0x3] =	stream.linear.gather [spmem:s11], $0x2000, $0x38;
	[tilespmem:$0x15600] =	vst v63  }
0x54: {  	_ =	swait.ge [sflag:s23], $0x2000  }
0x55: {  	[sflag:s23] =	ssyncset.done $0x0  }
0x56: {  	s30 =	sadd.s32 $0x1, s30;
	s31 =	sadd.s32 s31, s18;
	[sflag:s23] =	ssyncadd.s32 $0xFFFFE000  }
0x57: {  	[hbm4b:s31+s2] =	stream.linear.scatter [tilespmem:s22], [sflag:$0x1], $0x2000, $0x38;
	[tilespmem:$0x15600] =	vst v63  }
0x58: {  	p1 =	sne.s32 s30, s21;
	_ =	swait.ge [sflag:s29], $0x2000  }
.Ltmp1:
0x59: {  	[sflag:s29] =	ssyncset.done $0x0;
	(pc) =	sbr.rel @!p1 .LBB2_12-.Ltmp1, $4  }
0x5a: {  	[sflag:s29] =	ssyncadd.s32 $0xFFFFE000  }
0x5b: {  	_ =	swait.ge [sflag:s28], $0x2000  }
0x5c: {  	[sflag:s28] =	ssyncset.done $0x0  }
0x5d: {  	[sflag:s28] =	ssyncadd.s32 $0xFFFFE000  }
.LBB2_1:
0x5e: {  	s31 =	simm.s32 $0x100;
	s0 =	simm.s32 $0x0  }
.LBB2_2:
0x5f: {  	p1 =	sne.s32 s31, $0x7F00;
	[tilespmem:s0+$0x7630] =	vst v0;
	s3 =	smov.u32 s31;
	s31 =	sadd.s32 $0x100, s31  }
.Ltmp2:
0x60: {  	[tilespmem:s0+$0x7620] =	vst v0;
	(pc) =	sbr.rel @p1 .LBB2_2-.Ltmp2, $3  }
0x61: {  	[tilespmem:s0+$0x7600] =	vst v0  }
0x62: {  	[tilespmem:s0+$0x7610] =	vst v0;
	_ =	sdelay $0x1  }
0x63: {  	s0 =	sshra.s32 s3, $0x2  }
0x64: {  	[tilespmem:s0+$0x7630] =	vst v0  }
0x65: {  	[tilespmem:s0+$0x7620] =	vst v0  }
0x66: {  	[tilespmem:s0+$0x7600] =	vst v0  }
0x67: {  	[tilespmem:s0+$0x7610] =	vst v0  }
0x68: {  	[spmem:s7] =	stream.linear.scatter [tilespmem:s22], [sflag:$0x3], $0x2000, $0x38;
	[tilespmem:$0x15600] =	vst v63  }
0x69: {  	_ =	swait.ge [sflag:s23], $0x2000  }
0x6a: {  	[sflag:s23] =	ssyncset.done $0x0  }
0x6b: {  	[sflag:s23] =	ssyncadd.s32 $0xFFFFE000  }
0x6c: {  	[spmem:s8] =	stream.linear.scatter [tilespmem:s22], [sflag:$0x3], $0x2000, $0x38;
	[tilespmem:$0x15600] =	vst v63  }
0x6d: {  	_ =	swait.ge [sflag:s23], $0x2000  }
0x6e: {  	[sflag:s23] =	ssyncset.done $0x0  }
0x6f: {  	[sflag:s23] =	ssyncadd.s32 $0xFFFFE000  }
0x70: {  	[spmem:s9] =	stream.linear.scatter [tilespmem:s22], [sflag:$0x3], $0x2000, $0x38;
	[tilespmem:$0x15600] =	vst v63  }
0x71: {  	_ =	swait.ge [sflag:s23], $0x2000  }
0x72: {  	[sflag:s23] =	ssyncset.done $0x0  }
0x73: {  	[sflag:s23] =	ssyncadd.s32 $0xFFFFE000  }
0x74: {  	[spmem:s10] =	stream.linear.scatter [tilespmem:s22], [sflag:$0x3], $0x2000, $0x38;
	[tilespmem:$0x15600] =	vst v63  }
0x75: {  	_ =	swait.ge [sflag:s23], $0x2000  }
0x76: {  	[sflag:s23] =	ssyncset.done $0x0  }
.Ltmp3:
0x77: {  	[sflag:s23] =	ssyncadd.s32 $0xFFFFE000;
	(pc) =	sbr.rel @p0 .LBB2_8-.Ltmp3, $4  }
0x78: {  	[spmem:s11] =	stream.linear.scatter [tilespmem:s22], [sflag:$0x3], $0x2000, $0x38;
	[tilespmem:$0x15600] =	vst v63  }
0x79: {  	_ =	swait.ge [sflag:s23], $0x2000  }
0x7a: {  	[sflag:s23] =	ssyncset.done $0x0  }
0x7b: {  	s0 =	simm.s32 $0x0;
	[sflag:s23] =	ssyncadd.s32 $0xFFFFE000  }
0x7c: {  	[tilespmem:s0], [sflag:$0x3] =	stream.linear.gather [hbm4b:s19+s0], $0x3B00, $0x38;
	[tilespmem:$0x15600] =	vst v63  }
0x7d: {  	_ =	swait.ge [sflag:s23], $0x3B00  }
0x7e: {  	[sflag:s23] =	ssyncset.done $0x0  }
0x7f: {  	p2 =	por $0x0, $0x0;
	[sflag:s23] =	ssyncadd.s32 $0xFFFFC500  }
0x80: {  	[tilespmem:s24], [sflag:$0x3] =	stream.linear.gather [hbm4b:s20+s0], $0x3B00, $0x38;
	[tilespmem:$0x15600] =	vst v63  }
.Ltmp4:
0x81: {  	_ =	swait.ge [sflag:s23], $0x3B00;
	(pc) =	sbr.rel @p2 .LBB2_7-.Ltmp4, $4  }
0x82: {  	[sflag:s23] =	ssyncset.done $0x0  }
0x83: {  	[sflag:s23] =	ssyncadd.s32 $0xFFFFC500  }
0x84: {  	s31 =	simm.s32 $0x0;
	p1 =	por $0x0, $0x0;
	[bflag:$0x0] =	sbarrier.arrive $0xFFFF  }
0x85: {  	[tilespmem:s22], [sflag:$0x1] =	stream.indirect.gather [hbm4b:s4+s25], $0x40, s0, s25, $0xb8;
	[tilespmem:$0x15600] =	vst v63  }
0x86: {  	s0 =	simm.s32 $0x80  }
0x87: {  	[tilespmem:s26], [sflag:$0x2] =	stream.indirect.gather [hbm4b:s4+s25], $0x40, s0, s25, $0xb8;
	[tilespmem:$0x15600] =	vst v63  }
0x88: {  	_ =	swait.ge [sflag:s28], $0x2000  }
0x89: {  	[sflag:s28] =	ssyncset.done $0x0  }
0x8a: {  	s3 =	simm.s32 $0x3B00;
	[sflag:s28] =	ssyncadd.s32 $0xFFFFE000  }
0x8b: {  	[spmem:s1] =	stream.indirect.scatter.add.f32 [tilespmem:s22], [sflag:$0x3], $0x40, s3, s25, $0xb8;
	[tilespmem:$0x15600] =	vst v63  }
0x8c: {  	_ =	swait.ge [sflag:s23], $0x2000  }
0x8d: {  	[sflag:s23] =	ssyncset.done $0x0  }
0x8e: {  	s5 =	simm.s32 $0x100;
	[sflag:s23] =	ssyncadd.s32 $0xFFFFE000  }
0x8f: {  	[tilespmem:s22], [sflag:$0x1] =	stream.indirect.gather [hbm4b:s4+s25], $0x40, s5, s25, $0xb8;
	[tilespmem:$0x15600] =	vst v63  }
0x90: {  	p2 =	por $0x0, $0x0;
	_ =	swait.ge [sflag:s29], $0x2000  }
.Ltmp5:
0x91: {  	[sflag:s29] =	ssyncset.done $0x0;
	(pc) =	sbr.rel @p2 .LBB2_7-.Ltmp5, $4  }
0x92: {  	s6 =	simm.s32 $0x3B80;
	[sflag:s29] =	ssyncadd.s32 $0xFFFFE000  }
0x93: {  	[spmem:s1] =	stream.indirect.scatter.add.f32 [tilespmem:s26], [sflag:$0x3], $0x40, s6, s25, $0xb8;
	[tilespmem:$0x15600] =	vst v63  }
0x94: {  	s31 =	simm.s32 $0x100;
	_ =	swait.ge [sflag:s23], $0x2000  }
0x95: {  	p1 =	por $0x1, $0x1;
	s0 =	simm.s32 $0x800;
	[sflag:s23] =	ssyncset.done $0x0  }
.LBB2_6:
0x96: {  	s3 =	sadd.s32 $0x80, s31  }
0x97: {  	[sflag:s23] =	ssyncadd.s32 $0xFFFFE000;
	s5 =	smov.u32 s0;
	s6 =	sadd.s32 $0x400, s0  }
0x98: {  	[tilespmem:s26], [sflag:$0x2] =	stream.indirect.gather [hbm4b:s4+s25], $0x40, s3, s25, $0xb8;
	[tilespmem:$0x15600] =	vst v63  }
0x99: {  	p2 =	seq.s32 s0, $0xE400;
	_ =	swait.ge [sflag:s28], $0x2000  }
0x9a: {  	[sflag:s28] =	ssyncset.done $0x0  }
0x9b: {  	s0 =	sadd.s32 $0x3B00, s31;
	[sflag:s28] =	ssyncadd.s32 $0xFFFFE000  }
0x9c: {  	[spmem:s1] =	stream.indirect.scatter.add.f32 [tilespmem:s22], [sflag:$0x3], $0x40, s0, s25, $0xb8;
	[tilespmem:$0x15600] =	vst v63  }
0x9d: {  	_ =	swait.ge [sflag:s23], $0x2000  }
0x9e: {  	[sflag:s23] =	ssyncset.done $0x0  }
0x9f: {  	s0 =	sadd.s32 $0x100, s31;
	[sflag:s23] =	ssyncadd.s32 $0xFFFFE000  }
0xa0: {  	[tilespmem:s22], [sflag:$0x1] =	stream.indirect.gather [hbm4b:s4+s25], $0x40, s0, s25, $0xb8;
	[tilespmem:$0x15600] =	vst v63  }
0xa1: {  	_ =	swait.ge [sflag:s29], $0x2000  }
.Ltmp6:
0xa2: {  	[sflag:s29] =	ssyncset.done $0x0;
	(pc) =	sbr.rel @!p2 .LBB2_6-.Ltmp6, $4  }
0xa3: {  	s0 =	sadd.s32 $0x3B80, s31;
	[sflag:s29] =	ssyncadd.s32 $0xFFFFE000  }
0xa4: {  	[spmem:s1] =	stream.indirect.scatter.add.f32 [tilespmem:s26], [sflag:$0x3], $0x40, s0, s25, $0xb8;
	[tilespmem:$0x15600] =	vst v63  }
0xa5: {  	_ =	swait.ge [sflag:s23], $0x2000  }
0xa6: {  	s31 =	sshra.s32 s5, $0x2;
	s0 =	smov.u32 s6;
	[sflag:s23] =	ssyncset.done $0x0  }
.Ltmp7:
0xa7: {  	_ = 	snop;
	(pc) =	sbr.rel .LBB2_7-.Ltmp7, $1  }
0xa8: {  	_ =	sdelay $0x3  }
.LBB2_8:
0xa9: {  	[tilespmem:s0], [sflag:$0x3] =	stream.linear.gather [hbm4b:s12+s0], $0x1500, $0x38;
	[tilespmem:$0x15600] =	vst v63  }
0xaa: {  	_ =	swait.ge [sflag:s23], $0x1500  }
0xab: {  	[sflag:s23] =	ssyncset.done $0x0  }
0xac: {  	[sflag:s23] =	ssyncadd.s32 $0xFFFFEB00  }
0xad: {  	[tilespmem:s24], [sflag:$0x3] =	stream.linear.gather [hbm4b:s13+s0], $0x1500, $0x38;
	[tilespmem:$0x15600] =	vst v63  }
0xae: {  	_ =	swait.ge [sflag:s23], $0x1500  }
0xaf: {  	[sflag:s23] =	ssyncset.done $0x0  }
0xb0: {  	[sflag:s23] =	ssyncadd.s32 $0xFFFFEB00  }
0xb1: {  	[bflag:$0x0] =	sbarrier.arrive $0xFFFF  }
0xb2: {  	[tilespmem:s22], [sflag:$0x1] =	stream.indirect.gather [hbm4b:s4+s25], $0x40, s0, s25, $0xb8;
	[tilespmem:$0x15600] =	vst v63  }
0xb3: {  	s6 =	simm.s32 $0x80  }
0xb4: {  	[tilespmem:s26], [sflag:$0x2] =	stream.indirect.gather [hbm4b:s4+s25], $0x40, s6, s25, $0xb8;
	[tilespmem:$0x15600] =	vst v63  }
0xb5: {  	_ =	swait.ge [sflag:s28], $0x2000  }
0xb6: {  	[sflag:s28] =	ssyncset.done $0x0  }
0xb7: {  	s3 =	simm.s32 $0x3B00;
	[sflag:s28] =	ssyncadd.s32 $0xFFFFE000  }
0xb8: {  	[spmem:s1] =	stream.indirect.scatter.add.f32 [tilespmem:s22], [sflag:$0x3], $0x40, s3, s25, $0xb8;
	[tilespmem:$0x15600] =	vst v63  }
0xb9: {  	_ =	swait.ge [sflag:s23], $0x2000  }
0xba: {  	[sflag:s23] =	ssyncset.done $0x0  }
0xbb: {  	s5 =	simm.s32 $0x100;
	[sflag:s23] =	ssyncadd.s32 $0xFFFFE000  }
0xbc: {  	[tilespmem:s22], [sflag:$0x1] =	stream.indirect.gather [hbm4b:s4+s25], $0x40, s5, s25, $0xb8;
	[tilespmem:$0x15600] =	vst v63  }
0xbd: {  	_ =	swait.ge [sflag:s29], $0x2000  }
0xbe: {  	[sflag:s29] =	ssyncset.done $0x0  }
0xbf: {  	s6 =	simm.s32 $0x3B80;
	[sflag:s29] =	ssyncadd.s32 $0xFFFFE000  }
0xc0: {  	[spmem:s1] =	stream.indirect.scatter.add.f32 [tilespmem:s26], [sflag:$0x3], $0x40, s6, s25, $0xb8;
	[tilespmem:$0x15600] =	vst v63  }
0xc1: {  	_ =	swait.ge [sflag:s23], $0x2000  }
0xc2: {  	s31 =	simm.s32 $0x100;
	s0 =	simm.s32 $0x800;
	[sflag:s23] =	ssyncset.done $0x0  }
.LBB2_9:
0xc3: {  	s3 =	sadd.s32 $0x80, s31  }
0xc4: {  	[sflag:s23] =	ssyncadd.s32 $0xFFFFE000;
	s5 =	smov.u32 s0;
	s6 =	sadd.s32 $0x400, s0  }
0xc5: {  	[tilespmem:s26], [sflag:$0x2] =	stream.indirect.gather [hbm4b:s4+s25], $0x40, s3, s25, $0xb8;
	[tilespmem:$0x15600] =	vst v63  }
0xc6: {  	p1 =	sne.s32 s0, $0x4C00;
	_ =	swait.ge [sflag:s28], $0x2000  }
0xc7: {  	[sflag:s28] =	ssyncset.done $0x0  }
0xc8: {  	s0 =	sadd.s32 $0x3B00, s31;
	[sflag:s28] =	ssyncadd.s32 $0xFFFFE000  }
0xc9: {  	[spmem:s1] =	stream.indirect.scatter.add.f32 [tilespmem:s22], [sflag:$0x3], $0x40, s0, s25, $0xb8;
	[tilespmem:$0x15600] =	vst v63  }
0xca: {  	_ =	swait.ge [sflag:s23], $0x2000  }
0xcb: {  	[sflag:s23] =	ssyncset.done $0x0  }
0xcc: {  	s0 =	sadd.s32 $0x100, s31;
	[sflag:s23] =	ssyncadd.s32 $0xFFFFE000  }
0xcd: {  	[tilespmem:s22], [sflag:$0x1] =	stream.indirect.gather [hbm4b:s4+s25], $0x40, s0, s25, $0xb8;
	[tilespmem:$0x15600] =	vst v63  }
0xce: {  	_ =	swait.ge [sflag:s29], $0x2000  }
.Ltmp8:
0xcf: {  	[sflag:s29] =	ssyncset.done $0x0;
	(pc) =	sbr.rel @p1 .LBB2_9-.Ltmp8, $4  }
0xd0: {  	s0 =	sadd.s32 $0x3B80, s31;
	[sflag:s29] =	ssyncadd.s32 $0xFFFFE000  }
0xd1: {  	[spmem:s1] =	stream.indirect.scatter.add.f32 [tilespmem:s26], [sflag:$0x3], $0x40, s0, s25, $0xb8;
	[tilespmem:$0x15600] =	vst v63  }
0xd2: {  	_ =	swait.ge [sflag:s23], $0x2000  }
0xd3: {  	s31 =	sshra.s32 s5, $0x2;
	s0 =	smov.u32 s6;
	[sflag:s23] =	ssyncset.done $0x0  }
0xd4: {  	s0 =	sadd.s32 $0x80, s31;
	[sflag:s23] =	ssyncadd.s32 $0xFFFFE000  }
0xd5: {  	[tilespmem:s26], [sflag:$0x2] =	stream.indirect.gather [hbm4b:s4+s25], $0x40, s0, s25, $0xb8;
	[tilespmem:$0x15600] =	vst v63  }
0xd6: {  	_ =	swait.ge [sflag:s28], $0x2000  }
0xd7: {  	[sflag:s28] =	ssyncset.done $0x0  }
0xd8: {  	s3 =	sadd.s32 $0x3B00, s31;
	[sflag:s28] =	ssyncadd.s32 $0xFFFFE000  }
0xd9: {  	[spmem:s1] =	stream.indirect.scatter.add.f32 [tilespmem:s22], [sflag:$0x3], $0x40, s3, s25, $0xb8;
	[tilespmem:$0x15600] =	vst v63  }
0xda: {  	_ =	swait.ge [sflag:s23], $0x2000  }
0xdb: {  	[sflag:s23] =	ssyncset.done $0x0  }
0xdc: {  	s5 =	sadd.s32 $0x100, s31;
	[sflag:s23] =	ssyncadd.s32 $0xFFFFE000  }
0xdd: {  	[tilespmem:s22], [sflag:$0x1] =	stream.indirect.gather [hbm4b:s4+s25], $0x40, s5, s25, $0xb8;
	[tilespmem:$0x15600] =	vst v63  }
0xde: {  	_ =	swait.ge [sflag:s29], $0x2000  }
0xdf: {  	[sflag:s29] =	ssyncset.done $0x0  }
.Ltmp9:
0xe0: {  	s6 =	sadd.s32 $0x3B80, s31;
	[sflag:s29] =	ssyncadd.s32 $0xFFFFE000;
	(pc) =	sbr.rel .LBB2_11-.Ltmp9, $4  }
0xe1: {  	[spmem:s1] =	stream.indirect.scatter.add.f32 [tilespmem:s26], [sflag:$0x3], $0x40, s6, s25, $0xb8;
	[tilespmem:$0x15600] =	vst v63  }
0xe2: {  	_ =	swait.ge [sflag:s23], $0x2000  }
0xe3: {  	s0 =	simm.s32 $0x4F80;
	s3 =	simm.s32 $0x4F00;
	[sflag:s23] =	ssyncset.done $0x0  }
0xe4: {  	s5 =	simm.s32 $0x1480;
	s31 =	rddreg [dreg:$0x5];
	[sflag:s23] =	ssyncadd.s32 $0xFFFFE000  }
.LBB2_12:
0xe5: {  	_ =	sfence.sel $0x180000  }
0xe6: {  	[bflag:$0x0] =	sbarrier.arrive $0xFFFF  }
0xe7: {  	_ =	strace $0x90000050  }
0xe8: {  	s0 =	stileid.u32;
	[bflag:$0x2] =	sbarrier.arrive $0xFFFF  }
0xe9: {  	p0 =	sne.s32 s0, $0x0;
	s0 =	rddreg [dreg:$0x3]  }
0xea: {  	s0 =	sadd.s32 @!p0 $0x100000, s0  }
0xeb: {  	[sflag:s0] =	ssyncadd.tile.s32 @!p0 $0x1;
	_ =	shalt  }
.Lfunc_end2:
_tile_overlayer_lowered:
.L_overlay_start_2:
0xec: {  	(tag) =	ssettag $0x2  }
0xed: {  	s0 =	rddreg [dreg:$0x0];
	s2 =	stileid.u32  }
0xee: {  	s1 =	rddreg [dreg:$0x1];
	p0 =	sne.s32 s2, $0x0  }
0xef: {  	s3 =	rddreg [dreg:$0x2];
	[bflag:$0x3] =	sbarrier.arrive $0xFFFF;
	s2 =	simm.s32 @!p0 $0x1C03  }
0xf0: {  	[timem:s3], [sflag:s2] =	dma.local @!p0 [hbm:s0], s1  }
0xf1: {  	s0 =	simm.s32 @!p0 $0x3  }
0xf2: {  	_ =	swait.ge @!p0 [sflag:s0], s1  }
0xf3: {  	s1 =	ssub.s32 @!p0 $0x0, s1;
	[sflag:s0] =	ssyncset.done @!p0 $0x0  }
0xf4: {  	[sflag:s0] =	ssyncadd.s32 @!p0 s1  }
0xf5: {  	[bflag:$0x3] =	sbarrier.arrive $0xFFFF  }
0xf6: {  	_ =	shalt  }

</sc_bundles>
